<compile_context>
chip_gen: v7x
topology: tpu7x:2x2x1
jax: 0.10.2.dev20260603
libtpu: 0.0.44.dev20260713+nightly
codegen_flags: <defaults>
</compile_context>

<pallas_src>
import functools

import jax
import jax.numpy as jnp
from jax import lax
from jax.experimental import pallas as pl
from jax.experimental.pallas import tpu as pltpu
from jax.experimental.pallas import tpu_sc as plsc

ROWS = 100000
D = 128
NSEG = 512
NCLS = 10
NC = 2
NS = 16
NW = NC * NS
CHUNK = 200
QUART = 100
NQ = CHUNK // QUART
NCHUNKS = ROWS // CHUNK
SC_CHUNKS = 300
ITERS = -(-SC_CHUNKS // NW)
SEG_T = NSEG // NS
L = 16
BJ = 2000
NB = ROWS // BJ
TC_B0 = (SC_CHUNKS * CHUNK) // BJ
TC_NB = NB - TC_B0


def _sc_segment_sums(x3, b3):
  mesh = plsc.VectorSubcoreMesh(core_axis_name="c", subcore_axis_name="s")

  @functools.partial(
      pl.kernel,
      out_type=jax.ShapeDtypeStruct((NC, NSEG, D), jnp.float32),
      mesh=mesh,
      scratch_types=dict(
          xbuf0=pltpu.VMEM((CHUNK, D), jnp.float32),
          xbuf1=pltpu.VMEM((CHUNK, D), jnp.float32),
          xbuf2=pltpu.VMEM((CHUNK, D), jnp.float32),
          idx=pltpu.VMEM((ITERS, NQ, QUART), jnp.int32),
          zbuf=pltpu.VMEM((SEG_T, D), jnp.float32),
          acc=pltpu.VMEM_SHARED((NSEG, D), jnp.float32),
          sem0=pltpu.SemaphoreType.DMA,
          sem1=pltpu.SemaphoreType.DMA,
          sem2=pltpu.SemaphoreType.DMA,
          isem=pltpu.SemaphoreType.DMA,
          ssem=pltpu.SemaphoreType.DMA,
      ),
  )
  def k(x_hbm, b_hbm, sums_hbm,
        xbuf0, xbuf1, xbuf2, idx, zbuf, acc, sem0, sem1, sem2, isem, ssem):
    c = lax.axis_index("c")
    s = lax.axis_index("s")
    wid = s * NC + c
    xbufs = [xbuf0, xbuf1, xbuf2]
    sems = [sem0, sem1, sem2]
    NBUF = 3

    def chunk_of(kk):
      return wid + kk * NW

    for kk in range(ITERS):
      @pl.when(chunk_of(kk) < SC_CHUNKS)
      def _(kk=kk):
        pltpu.async_copy(b_hbm.at[chunk_of(kk)], idx.at[kk], isem)

    for kk in range(NBUF):
      pltpu.async_copy(x_hbm.at[chunk_of(kk)], xbufs[kk], sems[kk])

    zero = jnp.zeros((L,), jnp.float32)
    for i in range(SEG_T):
      for j in range(D // L):
        zbuf[i, pl.ds(j * L, L)] = zero

    pltpu.sync_copy(zbuf, acc.at[pl.ds(s * SEG_T, SEG_T)])

    for kk in range(ITERS):
      @pl.when(chunk_of(kk) < SC_CHUNKS)
      def _(kk=kk):
        pltpu.make_async_copy(b_hbm.at[chunk_of(kk)], idx.at[kk], isem).wait()

    plsc.subcore_barrier()

    for kk in range(ITERS):
      p = kk % NBUF

      @pl.when(chunk_of(kk) < SC_CHUNKS)
      def _(kk=kk, p=p):
        pltpu.make_async_copy(x_hbm.at[chunk_of(kk)], xbufs[p],
                              sems[p]).wait()
        for j in range(NQ):
          pltpu.async_copy(xbufs[p].at[pl.ds(j * QUART, QUART)],
                           acc.at[idx.at[kk, j]], ssem, add=True)
        for j in range(NQ):
          pltpu.make_async_copy(xbufs[p].at[pl.ds(j * QUART, QUART)],
                                acc.at[idx.at[kk, j]], ssem).wait()

      if kk + NBUF < ITERS:
        @pl.when(chunk_of(kk + NBUF) < SC_CHUNKS)
        def _(kk=kk, p=p):
          pltpu.async_copy(x_hbm.at[chunk_of(kk + NBUF)], xbufs[p], sems[p])

    plsc.subcore_barrier()
    pltpu.sync_copy(acc.at[pl.ds(s * SEG_T, SEG_T)], zbuf)
    pltpu.sync_copy(zbuf, sums_hbm.at[c, pl.ds(s * SEG_T, SEG_T)])

  return k(x3, b3)


def _tc_counts(b2):
  def body(b_ref, o_ref):
    cm = jnp.zeros((16, 32), jnp.float32)
    for j in range(NB):
      ids = b_ref[j, 0]
      hi = (ids >> 5)[None, :]
      lo = (ids & 31)[None, :]
      hh = (lax.broadcasted_iota(jnp.int32, (16, BJ), 0) == hi
            ).astype(jnp.bfloat16)
      ll = (lax.broadcasted_iota(jnp.int32, (32, BJ), 0) == lo
            ).astype(jnp.bfloat16)
      cm = cm + lax.dot_general(hh, ll, (((1,), (1,)), ((), ())),
                                preferred_element_type=jnp.float32)
    srow = lax.broadcasted_iota(jnp.int32, (NSEG, 16), 1)
    sidx = lax.broadcasted_iota(jnp.int32, (NSEG, 16), 0)
    hsel = (srow == (sidx >> 5)).astype(jnp.float32)
    t = lax.dot_general(hsel, cm, (((1,), (0,)), ((), ())),
                        preferred_element_type=jnp.float32)
    scol = lax.broadcasted_iota(jnp.int32, (NSEG, 32), 1)
    sidx2 = lax.broadcasted_iota(jnp.int32, (NSEG, 32), 0)
    o_ref[...] = jnp.sum(jnp.where(scol == (sidx2 & 31), t, 0.0),
                         axis=1, keepdims=True)

  return pl.pallas_call(
      body,
      out_shape=jax.ShapeDtypeStruct((NSEG, 1), jnp.float32),
  )(b2)


def _tc_segment_sums(x, b2):
  def body(b_ref, x_ref, o_ref):
    j = pl.program_id(0)
    ids = b_ref[0, 0][None, :]
    oh = (lax.broadcasted_iota(jnp.int32, (NSEG, BJ), 0) == ids
          ).astype(jnp.bfloat16)
    xf = x_ref[...]
    xhi = xf.astype(jnp.bfloat16)
    xlo = (xf - xhi.astype(jnp.float32)).astype(jnp.bfloat16)
    dn = (((1,), (0,)), ((), ()))
    contrib = (
        lax.dot_general(oh, xhi, dn, preferred_element_type=jnp.float32)
        + lax.dot_general(oh, xlo, dn, preferred_element_type=jnp.float32))

    @pl.when(j == 0)
    def _():
      o_ref[...] = contrib

    @pl.when(j > 0)
    def _():
      o_ref[...] = o_ref[...] + contrib

  return pl.pallas_call(
      body,
      grid=(TC_NB,),
      in_specs=[
          pl.BlockSpec((1, 1, BJ), lambda j: (TC_B0 + j, 0, 0)),
          pl.BlockSpec((BJ, D), lambda j: (TC_B0 + j, 0)),
      ],
      out_specs=pl.BlockSpec((NSEG, D), lambda j: (0, 0)),
      out_shape=jax.ShapeDtypeStruct((NSEG, D), jnp.float32),
  )(b2, x)


def _tc_finish(sums_sc, sums_tc, cv, w):
  def body(s_ref, t_ref, c_ref, w_ref, o_ref):
    sm = s_ref[0] + s_ref[1] + t_ref[...]
    h = sm / jnp.maximum(c_ref[...], 1.0)
    wp = jnp.concatenate(
        [w_ref[...], jnp.zeros((16 - NCLS, D), jnp.float32)], axis=0)
    logits = lax.dot_general(h, wp, (((1,), (1,)), ((), ())),
                             preferred_element_type=jnp.float32)
    col = lax.broadcasted_iota(jnp.int32, (NSEG, 16), 1)
    valid = col < NCLS
    logits = jnp.where(valid, logits, jnp.float32(-1e30))
    m = jnp.max(logits, axis=1, keepdims=True)
    ex = jnp.where(valid, jnp.exp(logits - m), jnp.float32(0.0))
    lse = jnp.log(jnp.sum(ex, axis=1, keepdims=True)) + m
    o_ref[...] = (logits - lse)[:, :NCLS]

  return pl.pallas_call(
      body,
      out_shape=jax.ShapeDtypeStruct((NSEG, NCLS), jnp.float32),
  )(sums_sc, sums_tc, cv, w)


def kernel(x, batch, W):
  batch = batch.astype(jnp.int32)
  b3 = batch.reshape(NCHUNKS, NQ, QUART)
  b2 = batch.reshape(NB, 1, BJ)
  x3 = x.reshape(NCHUNKS, CHUNK, D)
  cv = _tc_counts(b2)
  sums_tc = _tc_segment_sums(x, b2)
  sums_sc = _sc_segment_sums(x3, b3)
  return _tc_finish(sums_sc, sums_tc, cv, W)

# --- scband reference (transcript-rebuilt; emitter-appended) ---
"""Pipeline reference for scband-graph-classifer-56659208569292 (READ-ONLY COPY).

The authoritative reference and input builder live on the scoring server;
editing this copy changes nothing except your own understanding.
"""

import jax, jax.numpy as jnp
import numpy as np

NUM_SEGMENTS = 512

def setup_inputs(seed: int = 0) -> dict:
    key = jax.random.key(seed)
    k1, k2, k3 = jax.random.split(key, 3)
    x = jax.random.normal(k1, (100000, 128), dtype=jnp.float32)
    batch = jnp.sort(jax.random.randint(k2, (100000,), 0, NUM_SEGMENTS, dtype=jnp.int64))
    # nn.Linear(128, 10, bias=False): weight shape [out_features, in_features]
    W = jax.random.normal(k3, (10, 128), dtype=jnp.float32) * (1.0 / np.sqrt(128))
    return {"x": x, "batch": batch, "W": W}

def reference(x, batch, W):
    # global_mean_pool: segment mean over nodes grouped by graph id
    sums = jax.ops.segment_sum(x, batch, num_segments=NUM_SEGMENTS)
    counts = jax.ops.segment_sum(jnp.ones((x.shape[0],), dtype=x.dtype), batch, num_segments=NUM_SEGMENTS)
    h = sums / jnp.clip(counts, 1.0)[:, None]
    # single Linear layer, no bias
    h = h @ W.T
    return jax.nn.log_softmax(h, axis=-1)

if __name__ == "__main__":
    import jax
    _d = setup_inputs()
    print(jax.jit(kernel)(*tuple(_d.values())))

</pallas_src>

<mosaic_0001>
#map = affine_map<(d0, d1) -> (0, 0, 0)>
module attributes {stable_mosaic.version = 14 : i64} {
  func.func @k(%arg0: i32, %arg1: i32, %arg2: memref<500x200x128xf32, #tpu.memory_space<hbm>>, %arg3: memref<500x2x100xi32, #tpu.memory_space<hbm>>, %arg4: memref<2x512x128xf32, #tpu.memory_space<hbm>>, %arg5: memref<512x128xf32, #tpu.memory_space<vmem_shared>>, %arg6: memref<10x2x100xi32, #tpu.memory_space<vmem>>, %arg7: memref<!tpu.dma_semaphore, #tpu.memory_space<semaphore_mem>>, %arg8: memref<!tpu.dma_semaphore, #tpu.memory_space<semaphore_mem>>, %arg9: memref<!tpu.dma_semaphore, #tpu.memory_space<semaphore_mem>>, %arg10: memref<!tpu.dma_semaphore, #tpu.memory_space<semaphore_mem>>, %arg11: memref<!tpu.dma_semaphore, #tpu.memory_space<semaphore_mem>>, %arg12: memref<200x128xf32, #tpu.memory_space<vmem>>, %arg13: memref<200x128xf32, #tpu.memory_space<vmem>>, %arg14: memref<200x128xf32, #tpu.memory_space<vmem>>, %arg15: memref<32x128xf32, #tpu.memory_space<vmem>>) attributes {dimension_semantics = [#tpu.dimension_semantics<core_parallel>, #tpu.dimension_semantics<subcore_parallel>], iteration_bounds = array<i64: 2, 16>, scalar_prefetch = 0 : i64, scratch_operands = 11 : i64, tpu.core_type = #tpu.core_type<sc_vector_subcore>, window_params = [{transform_indices = #map}, {transform_indices = #map}, {transform_indices = #map}]} {
    %mul3A = arith.constant 2 : i32
    %mul3A_0 = arith.muli %arg1, %mul3A : i32
    %add3A = arith.addi %mul3A_0, %arg0 : i32
    %add3A_1 = arith.constant 0 : i32
    %add3A_2 = arith.addi %add3A, %add3A_1 : i32
    %lt3A = arith.constant 300 : i32
    %lt3A_3 = arith.cmpi slt, %add3A_2, %lt3A : i32
    %convert_element_type3A = arith.extui %lt3A_3 : i1 to i32
    %cond3A = arith.constant 0 : i32
    %cond3A_4 = arith.cmpi ne, %convert_element_type3A, %cond3A : i32
    scf.if %cond3A_4 {
      %add3A_1829 = arith.constant 0 : i32
      %add3A_1830 = arith.addi %add3A, %add3A_1829 : i32
      %dma_start3A_1831 = arith.constant 0 : i32
      %dma_start3A_1832 = arith.constant 0 : i32
      %dma_start3A_1833 = arith.constant 0 : i32
      %dma_start3A_1834 = tpu.memref_slice %arg6[%dma_start3A_1831, %dma_start3A_1832, %dma_start3A_1833] : memref<10x2x100xi32, #tpu.memory_space<vmem>> -> memref<1x2x100xi32, #tpu.memory_space<vmem>>
      %dma_start3A_1835 = tpu.memref_squeeze %dma_start3A_1834 : memref<1x2x100xi32, #tpu.memory_space<vmem>> -> memref<2x100xi32, #tpu.memory_space<vmem>>
      %dma_start3A_1836 = arith.constant 0 : i32
      %dma_start3A_1837 = arith.constant 0 : i32
      %dma_start3A_1838 = tpu.memref_slice %arg3[%add3A_1830, %dma_start3A_1836, %dma_start3A_1837] : memref<500x2x100xi32, #tpu.memory_space<hbm>> -> memref<1x2x100xi32, #tpu.memory_space<hbm>>
      %dma_start3A_1839 = tpu.memref_squeeze %dma_start3A_1838 : memref<1x2x100xi32, #tpu.memory_space<hbm>> -> memref<2x100xi32, #tpu.memory_space<hbm>>
      %dma_start3A_1840 = arith.constant 0 : i32
      %dma_start3A_1841 = arith.constant 0 : i32
      %dma_start3A_1842 = tpu.memref_slice %arg6[%dma_start3A_1831, %dma_start3A_1840, %dma_start3A_1841] : memref<10x2x100xi32, #tpu.memory_space<vmem>> -> memref<1x2x100xi32, #tpu.memory_space<vmem>>
      %dma_start3A_1843 = tpu.memref_squeeze %dma_start3A_1842 : memref<1x2x100xi32, #tpu.memory_space<vmem>> -> memref<2x100xi32, #tpu.memory_space<vmem>>
      %dma_start3A_1844 = arith.constant 0 : i32
      %dma_start3A_1845 = arith.constant 0 : i32
      %dma_start3A_1846 = tpu.memref_slice %arg3[%add3A_1830, %dma_start3A_1844, %dma_start3A_1845] : memref<500x2x100xi32, #tpu.memory_space<hbm>> -> memref<1x2x100xi32, #tpu.memory_space<hbm>>
      %dma_start3A_1847 = tpu.memref_squeeze %dma_start3A_1846 : memref<1x2x100xi32, #tpu.memory_space<hbm>> -> memref<2x100xi32, #tpu.memory_space<hbm>>
      tpu.enqueue_dma source(%dma_start3A_1847 : memref<2x100xi32, #tpu.memory_space<hbm>>) target(%dma_start3A_1843 : memref<2x100xi32, #tpu.memory_space<vmem>>) target_semaphore(%arg7 : memref<!tpu.dma_semaphore, #tpu.memory_space<semaphore_mem>>)
    } else {
    }
    %add3A_5 = arith.constant 32 : i32
    %add3A_6 = arith.addi %add3A, %add3A_5 : i32
    %lt3A_7 = arith.constant 300 : i32
    %lt3A_8 = arith.cmpi slt, %add3A_6, %lt3A_7 : i32
    %convert_element_type3A_9 = arith.extui %lt3A_8 : i1 to i32
    %cond3A_10 = arith.constant 0 : i32
    %cond3A_11 = arith.cmpi ne, %convert_element_type3A_9, %cond3A_10 : i32
    scf.if %cond3A_11 {
      %add3A_1829 = arith.constant 32 : i32
      %add3A_1830 = arith.addi %add3A, %add3A_1829 : i32
      %dma_start3A_1831 = arith.constant 1 : i32
      %dma_start3A_1832 = arith.constant 0 : i32
      %dma_start3A_1833 = arith.constant 0 : i32
      %dma_start3A_1834 = tpu.memref_slice %arg6[%dma_start3A_1831, %dma_start3A_1832, %dma_start3A_1833] : memref<10x2x100xi32, #tpu.memory_space<vmem>> -> memref<1x2x100xi32, #tpu.memory_space<vmem>>
      %dma_start3A_1835 = tpu.memref_squeeze %dma_start3A_1834 : memref<1x2x100xi32, #tpu.memory_space<vmem>> -> memref<2x100xi32, #tpu.memory_space<vmem>>
      %dma_start3A_1836 = arith.constant 0 : i32
      %dma_start3A_1837 = arith.constant 0 : i32
      %dma_start3A_1838 = tpu.memref_slice %arg3[%add3A_1830, %dma_start3A_1836, %dma_start3A_1837] : memref<500x2x100xi32, #tpu.memory_space<hbm>> -> memref<1x2x100xi32, #tpu.memory_space<hbm>>
      %dma_start3A_1839 = tpu.memref_squeeze %dma_start3A_1838 : memref<1x2x100xi32, #tpu.memory_space<hbm>> -> memref<2x100xi32, #tpu.memory_space<hbm>>
      %dma_start3A_1840 = arith.constant 0 : i32
      %dma_start3A_1841 = arith.constant 0 : i32
      %dma_start3A_1842 = tpu.memref_slice %arg6[%dma_start3A_1831, %dma_start3A_1840, %dma_start3A_1841] : memref<10x2x100xi32, #tpu.memory_space<vmem>> -> memref<1x2x100xi32, #tpu.memory_space<vmem>>
      %dma_start3A_1843 = tpu.memref_squeeze %dma_start3A_1842 : memref<1x2x100xi32, #tpu.memory_space<vmem>> -> memref<2x100xi32, #tpu.memory_space<vmem>>
      %dma_start3A_1844 = arith.constant 0 : i32
      %dma_start3A_1845 = arith.constant 0 : i32
      %dma_start3A_1846 = tpu.memref_slice %arg3[%add3A_1830, %dma_start3A_1844, %dma_start3A_1845] : memref<500x2x100xi32, #tpu.memory_space<hbm>> -> memref<1x2x100xi32, #tpu.memory_space<hbm>>
      %dma_start3A_1847 = tpu.memref_squeeze %dma_start3A_1846 : memref<1x2x100xi32, #tpu.memory_space<hbm>> -> memref<2x100xi32, #tpu.memory_space<hbm>>
      tpu.enqueue_dma source(%dma_start3A_1847 : memref<2x100xi32, #tpu.memory_space<hbm>>) target(%dma_start3A_1843 : memref<2x100xi32, #tpu.memory_space<vmem>>) target_semaphore(%arg7 : memref<!tpu.dma_semaphore, #tpu.memory_space<semaphore_mem>>)
    } else {
    }
    %add3A_12 = arith.constant 64 : i32
    %add3A_13 = arith.addi %add3A, %add3A_12 : i32
    %lt3A_14 = arith.constant 300 : i32
    %lt3A_15 = arith.cmpi slt, %add3A_13, %lt3A_14 : i32
    %convert_element_type3A_16 = arith.extui %lt3A_15 : i1 to i32
    %cond3A_17 = arith.constant 0 : i32
    %cond3A_18 = arith.cmpi ne, %convert_element_type3A_16, %cond3A_17 : i32
    scf.if %cond3A_18 {
      %add3A_1829 = arith.constant 64 : i32
      %add3A_1830 = arith.addi %add3A, %add3A_1829 : i32
      %dma_start3A_1831 = arith.constant 2 : i32
      %dma_start3A_1832 = arith.constant 0 : i32
      %dma_start3A_1833 = arith.constant 0 : i32
      %dma_start3A_1834 = tpu.memref_slice %arg6[%dma_start3A_1831, %dma_start3A_1832, %dma_start3A_1833] : memref<10x2x100xi32, #tpu.memory_space<vmem>> -> memref<1x2x100xi32, #tpu.memory_space<vmem>>
      %dma_start3A_1835 = tpu.memref_squeeze %dma_start3A_1834 : memref<1x2x100xi32, #tpu.memory_space<vmem>> -> memref<2x100xi32, #tpu.memory_space<vmem>>
      %dma_start3A_1836 = arith.constant 0 : i32
      %dma_start3A_1837 = arith.constant 0 : i32
      %dma_start3A_1838 = tpu.memref_slice %arg3[%add3A_1830, %dma_start3A_1836, %dma_start3A_1837] : memref<500x2x100xi32, #tpu.memory_space<hbm>> -> memref<1x2x100xi32, #tpu.memory_space<hbm>>
      %dma_start3A_1839 = tpu.memref_squeeze %dma_start3A_1838 : memref<1x2x100xi32, #tpu.memory_space<hbm>> -> memref<2x100xi32, #tpu.memory_space<hbm>>
      %dma_start3A_1840 = arith.constant 0 : i32
      %dma_start3A_1841 = arith.constant 0 : i32
      %dma_start3A_1842 = tpu.memref_slice %arg6[%dma_start3A_1831, %dma_start3A_1840, %dma_start3A_1841] : memref<10x2x100xi32, #tpu.memory_space<vmem>> -> memref<1x2x100xi32, #tpu.memory_space<vmem>>
      %dma_start3A_1843 = tpu.memref_squeeze %dma_start3A_1842 : memref<1x2x100xi32, #tpu.memory_space<vmem>> -> memref<2x100xi32, #tpu.memory_space<vmem>>
      %dma_start3A_1844 = arith.constant 0 : i32
      %dma_start3A_1845 = arith.constant 0 : i32
      %dma_start3A_1846 = tpu.memref_slice %arg3[%add3A_1830, %dma_start3A_1844, %dma_start3A_1845] : memref<500x2x100xi32, #tpu.memory_space<hbm>> -> memref<1x2x100xi32, #tpu.memory_space<hbm>>
      %dma_start3A_1847 = tpu.memref_squeeze %dma_start3A_1846 : memref<1x2x100xi32, #tpu.memory_space<hbm>> -> memref<2x100xi32, #tpu.memory_space<hbm>>
      tpu.enqueue_dma source(%dma_start3A_1847 : memref<2x100xi32, #tpu.memory_space<hbm>>) target(%dma_start3A_1843 : memref<2x100xi32, #tpu.memory_space<vmem>>) target_semaphore(%arg7 : memref<!tpu.dma_semaphore, #tpu.memory_space<semaphore_mem>>)
    } else {
    }
    %add3A_19 = arith.constant 96 : i32
    %add3A_20 = arith.addi %add3A, %add3A_19 : i32
    %lt3A_21 = arith.constant 300 : i32
    %lt3A_22 = arith.cmpi slt, %add3A_20, %lt3A_21 : i32
    %convert_element_type3A_23 = arith.extui %lt3A_22 : i1 to i32
    %cond3A_24 = arith.constant 0 : i32
    %cond3A_25 = arith.cmpi ne, %convert_element_type3A_23, %cond3A_24 : i32
    scf.if %cond3A_25 {
      %add3A_1829 = arith.constant 96 : i32
      %add3A_1830 = arith.addi %add3A, %add3A_1829 : i32
      %dma_start3A_1831 = arith.constant 3 : i32
      %dma_start3A_1832 = arith.constant 0 : i32
      %dma_start3A_1833 = arith.constant 0 : i32
      %dma_start3A_1834 = tpu.memref_slice %arg6[%dma_start3A_1831, %dma_start3A_1832, %dma_start3A_1833] : memref<10x2x100xi32, #tpu.memory_space<vmem>> -> memref<1x2x100xi32, #tpu.memory_space<vmem>>
      %dma_start3A_1835 = tpu.memref_squeeze %dma_start3A_1834 : memref<1x2x100xi32, #tpu.memory_space<vmem>> -> memref<2x100xi32, #tpu.memory_space<vmem>>
      %dma_start3A_1836 = arith.constant 0 : i32
      %dma_start3A_1837 = arith.constant 0 : i32
      %dma_start3A_1838 = tpu.memref_slice %arg3[%add3A_1830, %dma_start3A_1836, %dma_start3A_1837] : memref<500x2x100xi32, #tpu.memory_space<hbm>> -> memref<1x2x100xi32, #tpu.memory_space<hbm>>
      %dma_start3A_1839 = tpu.memref_squeeze %dma_start3A_1838 : memref<1x2x100xi32, #tpu.memory_space<hbm>> -> memref<2x100xi32, #tpu.memory_space<hbm>>
      %dma_start3A_1840 = arith.constant 0 : i32
      %dma_start3A_1841 = arith.constant 0 : i32
      %dma_start3A_1842 = tpu.memref_slice %arg6[%dma_start3A_1831, %dma_start3A_1840, %dma_start3A_1841] : memref<10x2x100xi32, #tpu.memory_space<vmem>> -> memref<1x2x100xi32, #tpu.memory_space<vmem>>
      %dma_start3A_1843 = tpu.memref_squeeze %dma_start3A_1842 : memref<1x2x100xi32, #tpu.memory_space<vmem>> -> memref<2x100xi32, #tpu.memory_space<vmem>>
      %dma_start3A_1844 = arith.constant 0 : i32
      %dma_start3A_1845 = arith.constant 0 : i32
      %dma_start3A_1846 = tpu.memref_slice %arg3[%add3A_1830, %dma_start3A_1844, %dma_start3A_1845] : memref<500x2x100xi32, #tpu.memory_space<hbm>> -> memref<1x2x100xi32, #tpu.memory_space<hbm>>
      %dma_start3A_1847 = tpu.memref_squeeze %dma_start3A_1846 : memref<1x2x100xi32, #tpu.memory_space<hbm>> -> memref<2x100xi32, #tpu.memory_space<hbm>>
      tpu.enqueue_dma source(%dma_start3A_1847 : memref<2x100xi32, #tpu.memory_space<hbm>>) target(%dma_start3A_1843 : memref<2x100xi32, #tpu.memory_space<vmem>>) target_semaphore(%arg7 : memref<!tpu.dma_semaphore, #tpu.memory_space<semaphore_mem>>)
    } else {
    }
    %add3A_26 = arith.constant 128 : i32
    %add3A_27 = arith.addi %add3A, %add3A_26 : i32
    %lt3A_28 = arith.constant 300 : i32
    %lt3A_29 = arith.cmpi slt, %add3A_27, %lt3A_28 : i32
    %convert_element_type3A_30 = arith.extui %lt3A_29 : i1 to i32
    %cond3A_31 = arith.constant 0 : i32
    %cond3A_32 = arith.cmpi ne, %convert_element_type3A_30, %cond3A_31 : i32
    scf.if %cond3A_32 {
      %add3A_1829 = arith.constant 128 : i32
      %add3A_1830 = arith.addi %add3A, %add3A_1829 : i32
      %dma_start3A_1831 = arith.constant 4 : i32
      %dma_start3A_1832 = arith.constant 0 : i32
      %dma_start3A_1833 = arith.constant 0 : i32
      %dma_start3A_1834 = tpu.memref_slice %arg6[%dma_start3A_1831, %dma_start3A_1832, %dma_start3A_1833] : memref<10x2x100xi32, #tpu.memory_space<vmem>> -> memref<1x2x100xi32, #tpu.memory_space<vmem>>
      %dma_start3A_1835 = tpu.memref_squeeze %dma_start3A_1834 : memref<1x2x100xi32, #tpu.memory_space<vmem>> -> memref<2x100xi32, #tpu.memory_space<vmem>>
      %dma_start3A_1836 = arith.constant 0 : i32
      %dma_start3A_1837 = arith.constant 0 : i32
      %dma_start3A_1838 = tpu.memref_slice %arg3[%add3A_1830, %dma_start3A_1836, %dma_start3A_1837] : memref<500x2x100xi32, #tpu.memory_space<hbm>> -> memref<1x2x100xi32, #tpu.memory_space<hbm>>
      %dma_start3A_1839 = tpu.memref_squeeze %dma_start3A_1838 : memref<1x2x100xi32, #tpu.memory_space<hbm>> -> memref<2x100xi32, #tpu.memory_space<hbm>>
      %dma_start3A_1840 = arith.constant 0 : i32
      %dma_start3A_1841 = arith.constant 0 : i32
      %dma_start3A_1842 = tpu.memref_slice %arg6[%dma_start3A_1831, %dma_start3A_1840, %dma_start3A_1841] : memref<10x2x100xi32, #tpu.memory_space<vmem>> -> memref<1x2x100xi32, #tpu.memory_space<vmem>>
      %dma_start3A_1843 = tpu.memref_squeeze %dma_start3A_1842 : memref<1x2x100xi32, #tpu.memory_space<vmem>> -> memref<2x100xi32, #tpu.memory_space<vmem>>
      %dma_start3A_1844 = arith.constant 0 : i32
      %dma_start3A_1845 = arith.constant 0 : i32
      %dma_start3A_1846 = tpu.memref_slice %arg3[%add3A_1830, %dma_start3A_1844, %dma_start3A_1845] : memref<500x2x100xi32, #tpu.memory_space<hbm>> -> memref<1x2x100xi32, #tpu.memory_space<hbm>>
      %dma_start3A_1847 = tpu.memref_squeeze %dma_start3A_1846 : memref<1x2x100xi32, #tpu.memory_space<hbm>> -> memref<2x100xi32, #tpu.memory_space<hbm>>
      tpu.enqueue_dma source(%dma_start3A_1847 : memref<2x100xi32, #tpu.memory_space<hbm>>) target(%dma_start3A_1843 : memref<2x100xi32, #tpu.memory_space<vmem>>) target_semaphore(%arg7 : memref<!tpu.dma_semaphore, #tpu.memory_space<semaphore_mem>>)
    } else {
    }
    %add3A_33 = arith.constant 160 : i32
    %add3A_34 = arith.addi %add3A, %add3A_33 : i32
    %lt3A_35 = arith.constant 300 : i32
    %lt3A_36 = arith.cmpi slt, %add3A_34, %lt3A_35 : i32
    %convert_element_type3A_37 = arith.extui %lt3A_36 : i1 to i32
    %cond3A_38 = arith.constant 0 : i32
    %cond3A_39 = arith.cmpi ne, %convert_element_type3A_37, %cond3A_38 : i32
    scf.if %cond3A_39 {
      %add3A_1829 = arith.constant 160 : i32
      %add3A_1830 = arith.addi %add3A, %add3A_1829 : i32
      %dma_start3A_1831 = arith.constant 5 : i32
      %dma_start3A_1832 = arith.constant 0 : i32
      %dma_start3A_1833 = arith.constant 0 : i32
      %dma_start3A_1834 = tpu.memref_slice %arg6[%dma_start3A_1831, %dma_start3A_1832, %dma_start3A_1833] : memref<10x2x100xi32, #tpu.memory_space<vmem>> -> memref<1x2x100xi32, #tpu.memory_space<vmem>>
      %dma_start3A_1835 = tpu.memref_squeeze %dma_start3A_1834 : memref<1x2x100xi32, #tpu.memory_space<vmem>> -> memref<2x100xi32, #tpu.memory_space<vmem>>
      %dma_start3A_1836 = arith.constant 0 : i32
      %dma_start3A_1837 = arith.constant 0 : i32
      %dma_start3A_1838 = tpu.memref_slice %arg3[%add3A_1830, %dma_start3A_1836, %dma_start3A_1837] : memref<500x2x100xi32, #tpu.memory_space<hbm>> -> memref<1x2x100xi32, #tpu.memory_space<hbm>>
      %dma_start3A_1839 = tpu.memref_squeeze %dma_start3A_1838 : memref<1x2x100xi32, #tpu.memory_space<hbm>> -> memref<2x100xi32, #tpu.memory_space<hbm>>
      %dma_start3A_1840 = arith.constant 0 : i32
      %dma_start3A_1841 = arith.constant 0 : i32
      %dma_start3A_1842 = tpu.memref_slice %arg6[%dma_start3A_1831, %dma_start3A_1840, %dma_start3A_1841] : memref<10x2x100xi32, #tpu.memory_space<vmem>> -> memref<1x2x100xi32, #tpu.memory_space<vmem>>
      %dma_start3A_1843 = tpu.memref_squeeze %dma_start3A_1842 : memref<1x2x100xi32, #tpu.memory_space<vmem>> -> memref<2x100xi32, #tpu.memory_space<vmem>>
      %dma_start3A_1844 = arith.constant 0 : i32
      %dma_start3A_1845 = arith.constant 0 : i32
      %dma_start3A_1846 = tpu.memref_slice %arg3[%add3A_1830, %dma_start3A_1844, %dma_start3A_1845] : memref<500x2x100xi32, #tpu.memory_space<hbm>> -> memref<1x2x100xi32, #tpu.memory_space<hbm>>
      %dma_start3A_1847 = tpu.memref_squeeze %dma_start3A_1846 : memref<1x2x100xi32, #tpu.memory_space<hbm>> -> memref<2x100xi32, #tpu.memory_space<hbm>>
      tpu.enqueue_dma source(%dma_start3A_1847 : memref<2x100xi32, #tpu.memory_space<hbm>>) target(%dma_start3A_1843 : memref<2x100xi32, #tpu.memory_space<vmem>>) target_semaphore(%arg7 : memref<!tpu.dma_semaphore, #tpu.memory_space<semaphore_mem>>)
    } else {
    }
    %add3A_40 = arith.constant 192 : i32
    %add3A_41 = arith.addi %add3A, %add3A_40 : i32
    %lt3A_42 = arith.constant 300 : i32
    %lt3A_43 = arith.cmpi slt, %add3A_41, %lt3A_42 : i32
    %convert_element_type3A_44 = arith.extui %lt3A_43 : i1 to i32
    %cond3A_45 = arith.constant 0 : i32
    %cond3A_46 = arith.cmpi ne, %convert_element_type3A_44, %cond3A_45 : i32
    scf.if %cond3A_46 {
      %add3A_1829 = arith.constant 192 : i32
      %add3A_1830 = arith.addi %add3A, %add3A_1829 : i32
      %dma_start3A_1831 = arith.constant 6 : i32
      %dma_start3A_1832 = arith.constant 0 : i32
      %dma_start3A_1833 = arith.constant 0 : i32
      %dma_start3A_1834 = tpu.memref_slice %arg6[%dma_start3A_1831, %dma_start3A_1832, %dma_start3A_1833] : memref<10x2x100xi32, #tpu.memory_space<vmem>> -> memref<1x2x100xi32, #tpu.memory_space<vmem>>
      %dma_start3A_1835 = tpu.memref_squeeze %dma_start3A_1834 : memref<1x2x100xi32, #tpu.memory_space<vmem>> -> memref<2x100xi32, #tpu.memory_space<vmem>>
      %dma_start3A_1836 = arith.constant 0 : i32
      %dma_start3A_1837 = arith.constant 0 : i32
      %dma_start3A_1838 = tpu.memref_slice %arg3[%add3A_1830, %dma_start3A_1836, %dma_start3A_1837] : memref<500x2x100xi32, #tpu.memory_space<hbm>> -> memref<1x2x100xi32, #tpu.memory_space<hbm>>
      %dma_start3A_1839 = tpu.memref_squeeze %dma_start3A_1838 : memref<1x2x100xi32, #tpu.memory_space<hbm>> -> memref<2x100xi32, #tpu.memory_space<hbm>>
      %dma_start3A_1840 = arith.constant 0 : i32
      %dma_start3A_1841 = arith.constant 0 : i32
      %dma_start3A_1842 = tpu.memref_slice %arg6[%dma_start3A_1831, %dma_start3A_1840, %dma_start3A_1841] : memref<10x2x100xi32, #tpu.memory_space<vmem>> -> memref<1x2x100xi32, #tpu.memory_space<vmem>>
      %dma_start3A_1843 = tpu.memref_squeeze %dma_start3A_1842 : memref<1x2x100xi32, #tpu.memory_space<vmem>> -> memref<2x100xi32, #tpu.memory_space<vmem>>
      %dma_start3A_1844 = arith.constant 0 : i32
      %dma_start3A_1845 = arith.constant 0 : i32
      %dma_start3A_1846 = tpu.memref_slice %arg3[%add3A_1830, %dma_start3A_1844, %dma_start3A_1845] : memref<500x2x100xi32, #tpu.memory_space<hbm>> -> memref<1x2x100xi32, #tpu.memory_space<hbm>>
      %dma_start3A_1847 = tpu.memref_squeeze %dma_start3A_1846 : memref<1x2x100xi32, #tpu.memory_space<hbm>> -> memref<2x100xi32, #tpu.memory_space<hbm>>
      tpu.enqueue_dma source(%dma_start3A_1847 : memref<2x100xi32, #tpu.memory_space<hbm>>) target(%dma_start3A_1843 : memref<2x100xi32, #tpu.memory_space<vmem>>) target_semaphore(%arg7 : memref<!tpu.dma_semaphore, #tpu.memory_space<semaphore_mem>>)
    } else {
    }
    %add3A_47 = arith.constant 224 : i32
    %add3A_48 = arith.addi %add3A, %add3A_47 : i32
    %lt3A_49 = arith.constant 300 : i32
    %lt3A_50 = arith.cmpi slt, %add3A_48, %lt3A_49 : i32
    %convert_element_type3A_51 = arith.extui %lt3A_50 : i1 to i32
    %cond3A_52 = arith.constant 0 : i32
    %cond3A_53 = arith.cmpi ne, %convert_element_type3A_51, %cond3A_52 : i32
    scf.if %cond3A_53 {
      %add3A_1829 = arith.constant 224 : i32
      %add3A_1830 = arith.addi %add3A, %add3A_1829 : i32
      %dma_start3A_1831 = arith.constant 7 : i32
      %dma_start3A_1832 = arith.constant 0 : i32
      %dma_start3A_1833 = arith.constant 0 : i32
      %dma_start3A_1834 = tpu.memref_slice %arg6[%dma_start3A_1831, %dma_start3A_1832, %dma_start3A_1833] : memref<10x2x100xi32, #tpu.memory_space<vmem>> -> memref<1x2x100xi32, #tpu.memory_space<vmem>>
      %dma_start3A_1835 = tpu.memref_squeeze %dma_start3A_1834 : memref<1x2x100xi32, #tpu.memory_space<vmem>> -> memref<2x100xi32, #tpu.memory_space<vmem>>
      %dma_start3A_1836 = arith.constant 0 : i32
      %dma_start3A_1837 = arith.constant 0 : i32
      %dma_start3A_1838 = tpu.memref_slice %arg3[%add3A_1830, %dma_start3A_1836, %dma_start3A_1837] : memref<500x2x100xi32, #tpu.memory_space<hbm>> -> memref<1x2x100xi32, #tpu.memory_space<hbm>>
      %dma_start3A_1839 = tpu.memref_squeeze %dma_start3A_1838 : memref<1x2x100xi32, #tpu.memory_space<hbm>> -> memref<2x100xi32, #tpu.memory_space<hbm>>
      %dma_start3A_1840 = arith.constant 0 : i32
      %dma_start3A_1841 = arith.constant 0 : i32
      %dma_start3A_1842 = tpu.memref_slice %arg6[%dma_start3A_1831, %dma_start3A_1840, %dma_start3A_1841] : memref<10x2x100xi32, #tpu.memory_space<vmem>> -> memref<1x2x100xi32, #tpu.memory_space<vmem>>
      %dma_start3A_1843 = tpu.memref_squeeze %dma_start3A_1842 : memref<1x2x100xi32, #tpu.memory_space<vmem>> -> memref<2x100xi32, #tpu.memory_space<vmem>>
      %dma_start3A_1844 = arith.constant 0 : i32
      %dma_start3A_1845 = arith.constant 0 : i32
      %dma_start3A_1846 = tpu.memref_slice %arg3[%add3A_1830, %dma_start3A_1844, %dma_start3A_1845] : memref<500x2x100xi32, #tpu.memory_space<hbm>> -> memref<1x2x100xi32, #tpu.memory_space<hbm>>
      %dma_start3A_1847 = tpu.memref_squeeze %dma_start3A_1846 : memref<1x2x100xi32, #tpu.memory_space<hbm>> -> memref<2x100xi32, #tpu.memory_space<hbm>>
      tpu.enqueue_dma source(%dma_start3A_1847 : memref<2x100xi32, #tpu.memory_space<hbm>>) target(%dma_start3A_1843 : memref<2x100xi32, #tpu.memory_space<vmem>>) target_semaphore(%arg7 : memref<!tpu.dma_semaphore, #tpu.memory_space<semaphore_mem>>)
    } else {
    }
    %add3A_54 = arith.constant 256 : i32
    %add3A_55 = arith.addi %add3A, %add3A_54 : i32
    %lt3A_56 = arith.constant 300 : i32
    %lt3A_57 = arith.cmpi slt, %add3A_55, %lt3A_56 : i32
    %convert_element_type3A_58 = arith.extui %lt3A_57 : i1 to i32
    %cond3A_59 = arith.constant 0 : i32
    %cond3A_60 = arith.cmpi ne, %convert_element_type3A_58, %cond3A_59 : i32
    scf.if %cond3A_60 {
      %add3A_1829 = arith.constant 256 : i32
      %add3A_1830 = arith.addi %add3A, %add3A_1829 : i32
      %dma_start3A_1831 = arith.constant 8 : i32
      %dma_start3A_1832 = arith.constant 0 : i32
      %dma_start3A_1833 = arith.constant 0 : i32
      %dma_start3A_1834 = tpu.memref_slice %arg6[%dma_start3A_1831, %dma_start3A_1832, %dma_start3A_1833] : memref<10x2x100xi32, #tpu.memory_space<vmem>> -> memref<1x2x100xi32, #tpu.memory_space<vmem>>
      %dma_start3A_1835 = tpu.memref_squeeze %dma_start3A_1834 : memref<1x2x100xi32, #tpu.memory_space<vmem>> -> memref<2x100xi32, #tpu.memory_space<vmem>>
      %dma_start3A_1836 = arith.constant 0 : i32
      %dma_start3A_1837 = arith.constant 0 : i32
      %dma_start3A_1838 = tpu.memref_slice %arg3[%add3A_1830, %dma_start3A_1836, %dma_start3A_1837] : memref<500x2x100xi32, #tpu.memory_space<hbm>> -> memref<1x2x100xi32, #tpu.memory_space<hbm>>
      %dma_start3A_1839 = tpu.memref_squeeze %dma_start3A_1838 : memref<1x2x100xi32, #tpu.memory_space<hbm>> -> memref<2x100xi32, #tpu.memory_space<hbm>>
      %dma_start3A_1840 = arith.constant 0 : i32
      %dma_start3A_1841 = arith.constant 0 : i32
      %dma_start3A_1842 = tpu.memref_slice %arg6[%dma_start3A_1831, %dma_start3A_1840, %dma_start3A_1841] : memref<10x2x100xi32, #tpu.memory_space<vmem>> -> memref<1x2x100xi32, #tpu.memory_space<vmem>>
      %dma_start3A_1843 = tpu.memref_squeeze %dma_start3A_1842 : memref<1x2x100xi32, #tpu.memory_space<vmem>> -> memref<2x100xi32, #tpu.memory_space<vmem>>
      %dma_start3A_1844 = arith.constant 0 : i32
      %dma_start3A_1845 = arith.constant 0 : i32
      %dma_start3A_1846 = tpu.memref_slice %arg3[%add3A_1830, %dma_start3A_1844, %dma_start3A_1845] : memref<500x2x100xi32, #tpu.memory_space<hbm>> -> memref<1x2x100xi32, #tpu.memory_space<hbm>>
      %dma_start3A_1847 = tpu.memref_squeeze %dma_start3A_1846 : memref<1x2x100xi32, #tpu.memory_space<hbm>> -> memref<2x100xi32, #tpu.memory_space<hbm>>
      tpu.enqueue_dma source(%dma_start3A_1847 : memref<2x100xi32, #tpu.memory_space<hbm>>) target(%dma_start3A_1843 : memref<2x100xi32, #tpu.memory_space<vmem>>) target_semaphore(%arg7 : memref<!tpu.dma_semaphore, #tpu.memory_space<semaphore_mem>>)
    } else {
    }
    %add3A_61 = arith.constant 288 : i32
    %add3A_62 = arith.addi %add3A, %add3A_61 : i32
    %lt3A_63 = arith.constant 300 : i32
    %lt3A_64 = arith.cmpi slt, %add3A_62, %lt3A_63 : i32
    %convert_element_type3A_65 = arith.extui %lt3A_64 : i1 to i32
    %cond3A_66 = arith.constant 0 : i32
    %cond3A_67 = arith.cmpi ne, %convert_element_type3A_65, %cond3A_66 : i32
    scf.if %cond3A_67 {
      %add3A_1829 = arith.constant 288 : i32
      %add3A_1830 = arith.addi %add3A, %add3A_1829 : i32
      %dma_start3A_1831 = arith.constant 9 : i32
      %dma_start3A_1832 = arith.constant 0 : i32
      %dma_start3A_1833 = arith.constant 0 : i32
      %dma_start3A_1834 = tpu.memref_slice %arg6[%dma_start3A_1831, %dma_start3A_1832, %dma_start3A_1833] : memref<10x2x100xi32, #tpu.memory_space<vmem>> -> memref<1x2x100xi32, #tpu.memory_space<vmem>>
      %dma_start3A_1835 = tpu.memref_squeeze %dma_start3A_1834 : memref<1x2x100xi32, #tpu.memory_space<vmem>> -> memref<2x100xi32, #tpu.memory_space<vmem>>
      %dma_start3A_1836 = arith.constant 0 : i32
      %dma_start3A_1837 = arith.constant 0 : i32
      %dma_start3A_1838 = tpu.memref_slice %arg3[%add3A_1830, %dma_start3A_1836, %dma_start3A_1837] : memref<500x2x100xi32, #tpu.memory_space<hbm>> -> memref<1x2x100xi32, #tpu.memory_space<hbm>>
      %dma_start3A_1839 = tpu.memref_squeeze %dma_start3A_1838 : memref<1x2x100xi32, #tpu.memory_space<hbm>> -> memref<2x100xi32, #tpu.memory_space<hbm>>
      %dma_start3A_1840 = arith.constant 0 : i32
      %dma_start3A_1841 = arith.constant 0 : i32
      %dma_start3A_1842 = tpu.memref_slice %arg6[%dma_start3A_1831, %dma_start3A_1840, %dma_start3A_1841] : memref<10x2x100xi32, #tpu.memory_space<vmem>> -> memref<1x2x100xi32, #tpu.memory_space<vmem>>
      %dma_start3A_1843 = tpu.memref_squeeze %dma_start3A_1842 : memref<1x2x100xi32, #tpu.memory_space<vmem>> -> memref<2x100xi32, #tpu.memory_space<vmem>>
      %dma_start3A_1844 = arith.constant 0 : i32
      %dma_start3A_1845 = arith.constant 0 : i32
      %dma_start3A_1846 = tpu.memref_slice %arg3[%add3A_1830, %dma_start3A_1844, %dma_start3A_1845] : memref<500x2x100xi32, #tpu.memory_space<hbm>> -> memref<1x2x100xi32, #tpu.memory_space<hbm>>
      %dma_start3A_1847 = tpu.memref_squeeze %dma_start3A_1846 : memref<1x2x100xi32, #tpu.memory_space<hbm>> -> memref<2x100xi32, #tpu.memory_space<hbm>>
      tpu.enqueue_dma source(%dma_start3A_1847 : memref<2x100xi32, #tpu.memory_space<hbm>>) target(%dma_start3A_1843 : memref<2x100xi32, #tpu.memory_space<vmem>>) target_semaphore(%arg7 : memref<!tpu.dma_semaphore, #tpu.memory_space<semaphore_mem>>)
    } else {
    }
    %add3A_68 = arith.constant 0 : i32
    %add3A_69 = arith.addi %add3A, %add3A_68 : i32
    %dma_start3A = arith.constant 0 : i32
    %dma_start3A_70 = arith.constant 0 : i32
    %dma_start3A_71 = tpu.memref_slice %arg2[%add3A_69, %dma_start3A, %dma_start3A_70] : memref<500x200x128xf32, #tpu.memory_space<hbm>> -> memref<1x200x128xf32, #tpu.memory_space<hbm>>
    %dma_start3A_72 = tpu.memref_squeeze %dma_start3A_71 : memref<1x200x128xf32, #tpu.memory_space<hbm>> -> memref<200x128xf32, #tpu.memory_space<hbm>>
    %dma_start3A_73 = arith.constant 0 : i32
    %dma_start3A_74 = arith.constant 0 : i32
    %dma_start3A_75 = tpu.memref_slice %arg2[%add3A_69, %dma_start3A_73, %dma_start3A_74] : memref<500x200x128xf32, #tpu.memory_space<hbm>> -> memref<1x200x128xf32, #tpu.memory_space<hbm>>
    %dma_start3A_76 = tpu.memref_squeeze %dma_start3A_75 : memref<1x200x128xf32, #tpu.memory_space<hbm>> -> memref<200x128xf32, #tpu.memory_space<hbm>>
    tpu.enqueue_dma source(%dma_start3A_76 : memref<200x128xf32, #tpu.memory_space<hbm>>) target(%arg12 : memref<200x128xf32, #tpu.memory_space<vmem>>) target_semaphore(%arg8 : memref<!tpu.dma_semaphore, #tpu.memory_space<semaphore_mem>>)
    %add3A_77 = arith.constant 32 : i32
    %add3A_78 = arith.addi %add3A, %add3A_77 : i32
    %dma_start3A_79 = arith.constant 0 : i32
    %dma_start3A_80 = arith.constant 0 : i32
    %dma_start3A_81 = tpu.memref_slice %arg2[%add3A_78, %dma_start3A_79, %dma_start3A_80] : memref<500x200x128xf32, #tpu.memory_space<hbm>> -> memref<1x200x128xf32, #tpu.memory_space<hbm>>
    %dma_start3A_82 = tpu.memref_squeeze %dma_start3A_81 : memref<1x200x128xf32, #tpu.memory_space<hbm>> -> memref<200x128xf32, #tpu.memory_space<hbm>>
    %dma_start3A_83 = arith.constant 0 : i32
    %dma_start3A_84 = arith.constant 0 : i32
    %dma_start3A_85 = tpu.memref_slice %arg2[%add3A_78, %dma_start3A_83, %dma_start3A_84] : memref<500x200x128xf32, #tpu.memory_space<hbm>> -> memref<1x200x128xf32, #tpu.memory_space<hbm>>
    %dma_start3A_86 = tpu.memref_squeeze %dma_start3A_85 : memref<1x200x128xf32, #tpu.memory_space<hbm>> -> memref<200x128xf32, #tpu.memory_space<hbm>>
    tpu.enqueue_dma source(%dma_start3A_86 : memref<200x128xf32, #tpu.memory_space<hbm>>) target(%arg13 : memref<200x128xf32, #tpu.memory_space<vmem>>) target_semaphore(%arg9 : memref<!tpu.dma_semaphore, #tpu.memory_space<semaphore_mem>>)
    %add3A_87 = arith.constant 64 : i32
    %add3A_88 = arith.addi %add3A, %add3A_87 : i32
    %dma_start3A_89 = arith.constant 0 : i32
    %dma_start3A_90 = arith.constant 0 : i32
    %dma_start3A_91 = tpu.memref_slice %arg2[%add3A_88, %dma_start3A_89, %dma_start3A_90] : memref<500x200x128xf32, #tpu.memory_space<hbm>> -> memref<1x200x128xf32, #tpu.memory_space<hbm>>
    %dma_start3A_92 = tpu.memref_squeeze %dma_start3A_91 : memref<1x200x128xf32, #tpu.memory_space<hbm>> -> memref<200x128xf32, #tpu.memory_space<hbm>>
    %dma_start3A_93 = arith.constant 0 : i32
    %dma_start3A_94 = arith.constant 0 : i32
    %dma_start3A_95 = tpu.memref_slice %arg2[%add3A_88, %dma_start3A_93, %dma_start3A_94] : memref<500x200x128xf32, #tpu.memory_space<hbm>> -> memref<1x200x128xf32, #tpu.memory_space<hbm>>
    %dma_start3A_96 = tpu.memref_squeeze %dma_start3A_95 : memref<1x200x128xf32, #tpu.memory_space<hbm>> -> memref<200x128xf32, #tpu.memory_space<hbm>>
    tpu.enqueue_dma source(%dma_start3A_96 : memref<200x128xf32, #tpu.memory_space<hbm>>) target(%arg14 : memref<200x128xf32, #tpu.memory_space<vmem>>) target_semaphore(%arg10 : memref<!tpu.dma_semaphore, #tpu.memory_space<semaphore_mem>>)
    %broadcast_in_dim3A = arith.constant 0.000000e+00 : f32
    %broadcast_in_dim3A_97 = vector.broadcast %broadcast_in_dim3A : f32 to vector<16xf32>
    %swap3A = arith.constant 0 : i32
    %swap3A_98 = arith.index_cast %swap3A : i32 to index
    %swap3A_99 = arith.constant 0 : index
    %swap3A_100 = tpu.vector_load %arg15[%swap3A_98, %swap3A_99] {strides = array<i32>} : memref<32x128xf32, #tpu.memory_space<vmem>>, vector<1x16xf32>,
    %swap3A_101 = vector.shape_cast %swap3A_100 : vector<1x16xf32> to vector<16xf32>
    %swap3A_102 = vector.shape_cast %broadcast_in_dim3A_97 : vector<16xf32> to vector<1x16xf32>
    tpu.vector_store %arg15[%swap3A_98, %swap3A_99], %swap3A_102 {strides = array<i32>} : memref<32x128xf32, #tpu.memory_space<vmem>>, vector<1x16xf32>,
    %swap3A_103 = arith.constant 0 : i32
    %swap3A_104 = arith.index_cast %swap3A_103 : i32 to index
    %swap3A_105 = arith.constant 16 : index
    %swap3A_106 = tpu.vector_load %arg15[%swap3A_104, %swap3A_105] {strides = array<i32>} : memref<32x128xf32, #tpu.memory_space<vmem>>, vector<1x16xf32>,
    %swap3A_107 = vector.shape_cast %swap3A_106 : vector<1x16xf32> to vector<16xf32>
    %swap3A_108 = vector.shape_cast %broadcast_in_dim3A_97 : vector<16xf32> to vector<1x16xf32>
    tpu.vector_store %arg15[%swap3A_104, %swap3A_105], %swap3A_108 {strides = array<i32>} : memref<32x128xf32, #tpu.memory_space<vmem>>, vector<1x16xf32>,
    %swap3A_109 = arith.constant 0 : i32
    %swap3A_110 = arith.index_cast %swap3A_109 : i32 to index
    %swap3A_111 = arith.constant 32 : index
    %swap3A_112 = tpu.vector_load %arg15[%swap3A_110, %swap3A_111] {strides = array<i32>} : memref<32x128xf32, #tpu.memory_space<vmem>>, vector<1x16xf32>,
    %swap3A_113 = vector.shape_cast %swap3A_112 : vector<1x16xf32> to vector<16xf32>
    %swap3A_114 = vector.shape_cast %broadcast_in_dim3A_97 : vector<16xf32> to vector<1x16xf32>
    tpu.vector_store %arg15[%swap3A_110, %swap3A_111], %swap3A_114 {strides = array<i32>} : memref<32x128xf32, #tpu.memory_space<vmem>>, vector<1x16xf32>,
    %swap3A_115 = arith.constant 0 : i32
    %swap3A_116 = arith.index_cast %swap3A_115 : i32 to index
    %swap3A_117 = arith.constant 48 : index
    %swap3A_118 = tpu.vector_load %arg15[%swap3A_116, %swap3A_117] {strides = array<i32>} : memref<32x128xf32, #tpu.memory_space<vmem>>, vector<1x16xf32>,
    %swap3A_119 = vector.shape_cast %swap3A_118 : vector<1x16xf32> to vector<16xf32>
    %swap3A_120 = vector.shape_cast %broadcast_in_dim3A_97 : vector<16xf32> to vector<1x16xf32>
    tpu.vector_store %arg15[%swap3A_116, %swap3A_117], %swap3A_120 {strides = array<i32>} : memref<32x128xf32, #tpu.memory_space<vmem>>, vector<1x16xf32>,
    %swap3A_121 = arith.constant 0 : i32
    %swap3A_122 = arith.index_cast %swap3A_121 : i32 to index
    %swap3A_123 = arith.constant 64 : index
    %swap3A_124 = tpu.vector_load %arg15[%swap3A_122, %swap3A_123] {strides = array<i32>} : memref<32x128xf32, #tpu.memory_space<vmem>>, vector<1x16xf32>,
    %swap3A_125 = vector.shape_cast %swap3A_124 : vector<1x16xf32> to vector<16xf32>
    %swap3A_126 = vector.shape_cast %broadcast_in_dim3A_97 : vector<16xf32> to vector<1x16xf32>
    tpu.vector_store %arg15[%swap3A_122, %swap3A_123], %swap3A_126 {strides = array<i32>} : memref<32x128xf32, #tpu.memory_space<vmem>>, vector<1x16xf32>,
    %swap3A_127 = arith.constant 0 : i32
    %swap3A_128 = arith.index_cast %swap3A_127 : i32 to index
    %swap3A_129 = arith.constant 80 : index
    %swap3A_130 = tpu.vector_load %arg15[%swap3A_128, %swap3A_129] {strides = array<i32>} : memref<32x128xf32, #tpu.memory_space<vmem>>, vector<1x16xf32>,
    %swap3A_131 = vector.shape_cast %swap3A_130 : vector<1x16xf32> to vector<16xf32>
    %swap3A_132 = vector.shape_cast %broadcast_in_dim3A_97 : vector<16xf32> to vector<1x16xf32>
    tpu.vector_store %arg15[%swap3A_128, %swap3A_129], %swap3A_132 {strides = array<i32>} : memref<32x128xf32, #tpu.memory_space<vmem>>, vector<1x16xf32>,
    %swap3A_133 = arith.constant 0 : i32
    %swap3A_134 = arith.index_cast %swap3A_133 : i32 to index
    %swap3A_135 = arith.constant 96 : index
    %swap3A_136 = tpu.vector_load %arg15[%swap3A_134, %swap3A_135] {strides = array<i32>} : memref<32x128xf32, #tpu.memory_space<vmem>>, vector<1x16xf32>,
    %swap3A_137 = vector.shape_cast %swap3A_136 : vector<1x16xf32> to vector<16xf32>
    %swap3A_138 = vector.shape_cast %broadcast_in_dim3A_97 : vector<16xf32> to vector<1x16xf32>
    tpu.vector_store %arg15[%swap3A_134, %swap3A_135], %swap3A_138 {strides = array<i32>} : memref<32x128xf32, #tpu.memory_space<vmem>>, vector<1x16xf32>,
    %swap3A_139 = arith.constant 0 : i32
    %swap3A_140 = arith.index_cast %swap3A_139 : i32 to index
    %swap3A_141 = arith.constant 112 : index
    %swap3A_142 = tpu.vector_load %arg15[%swap3A_140, %swap3A_141] {strides = array<i32>} : memref<32x128xf32, #tpu.memory_space<vmem>>, vector<1x16xf32>,
    %swap3A_143 = vector.shape_cast %swap3A_142 : vector<1x16xf32> to vector<16xf32>
    %swap3A_144 = vector.shape_cast %broadcast_in_dim3A_97 : vector<16xf32> to vector<1x16xf32>
    tpu.vector_store %arg15[%swap3A_140, %swap3A_141], %swap3A_144 {strides = array<i32>} : memref<32x128xf32, #tpu.memory_space<vmem>>, vector<1x16xf32>,
    %swap3A_145 = arith.constant 1 : i32
    %swap3A_146 = arith.index_cast %swap3A_145 : i32 to index
    %swap3A_147 = arith.constant 0 : index
    %swap3A_148 = tpu.vector_load %arg15[%swap3A_146, %swap3A_147] {strides = array<i32>} : memref<32x128xf32, #tpu.memory_space<vmem>>, vector<1x16xf32>,
    %swap3A_149 = vector.shape_cast %swap3A_148 : vector<1x16xf32> to vector<16xf32>
    %swap3A_150 = vector.shape_cast %broadcast_in_dim3A_97 : vector<16xf32> to vector<1x16xf32>
    tpu.vector_store %arg15[%swap3A_146, %swap3A_147], %swap3A_150 {strides = array<i32>} : memref<32x128xf32, #tpu.memory_space<vmem>>, vector<1x16xf32>,
    %swap3A_151 = arith.constant 1 : i32
    %swap3A_152 = arith.index_cast %swap3A_151 : i32 to index
    %swap3A_153 = arith.constant 16 : index
    %swap3A_154 = tpu.vector_load %arg15[%swap3A_152, %swap3A_153] {strides = array<i32>} : memref<32x128xf32, #tpu.memory_space<vmem>>, vector<1x16xf32>,
    %swap3A_155 = vector.shape_cast %swap3A_154 : vector<1x16xf32> to vector<16xf32>
    %swap3A_156 = vector.shape_cast %broadcast_in_dim3A_97 : vector<16xf32> to vector<1x16xf32>
    tpu.vector_store %arg15[%swap3A_152, %swap3A_153], %swap3A_156 {strides = array<i32>} : memref<32x128xf32, #tpu.memory_space<vmem>>, vector<1x16xf32>,
    %swap3A_157 = arith.constant 1 : i32
    %swap3A_158 = arith.index_cast %swap3A_157 : i32 to index
    %swap3A_159 = arith.constant 32 : index
    %swap3A_160 = tpu.vector_load %arg15[%swap3A_158, %swap3A_159] {strides = array<i32>} : memref<32x128xf32, #tpu.memory_space<vmem>>, vector<1x16xf32>,
    %swap3A_161 = vector.shape_cast %swap3A_160 : vector<1x16xf32> to vector<16xf32>
    %swap3A_162 = vector.shape_cast %broadcast_in_dim3A_97 : vector<16xf32> to vector<1x16xf32>
    tpu.vector_store %arg15[%swap3A_158, %swap3A_159], %swap3A_162 {strides = array<i32>} : memref<32x128xf32, #tpu.memory_space<vmem>>, vector<1x16xf32>,
    %swap3A_163 = arith.constant 1 : i32
    %swap3A_164 = arith.index_cast %swap3A_163 : i32 to index
    %swap3A_165 = arith.constant 48 : index
    %swap3A_166 = tpu.vector_load %arg15[%swap3A_164, %swap3A_165] {strides = array<i32>} : memref<32x128xf32, #tpu.memory_space<vmem>>, vector<1x16xf32>,
    %swap3A_167 = vector.shape_cast %swap3A_166 : vector<1x16xf32> to vector<16xf32>
    %swap3A_168 = vector.shape_cast %broadcast_in_dim3A_97 : vector<16xf32> to vector<1x16xf32>
    tpu.vector_store %arg15[%swap3A_164, %swap3A_165], %swap3A_168 {strides = array<i32>} : memref<32x128xf32, #tpu.memory_space<vmem>>, vector<1x16xf32>,
    %swap3A_169 = arith.constant 1 : i32
    %swap3A_170 = arith.index_cast %swap3A_169 : i32 to index
    %swap3A_171 = arith.constant 64 : index
    %swap3A_172 = tpu.vector_load %arg15[%swap3A_170, %swap3A_171] {strides = array<i32>} : memref<32x128xf32, #tpu.memory_space<vmem>>, vector<1x16xf32>,
    %swap3A_173 = vector.shape_cast %swap3A_172 : vector<1x16xf32> to vector<16xf32>
    %swap3A_174 = vector.shape_cast %broadcast_in_dim3A_97 : vector<16xf32> to vector<1x16xf32>
    tpu.vector_store %arg15[%swap3A_170, %swap3A_171], %swap3A_174 {strides = array<i32>} : memref<32x128xf32, #tpu.memory_space<vmem>>, vector<1x16xf32>,
    %swap3A_175 = arith.constant 1 : i32
    %swap3A_176 = arith.index_cast %swap3A_175 : i32 to index
    %swap3A_177 = arith.constant 80 : index
    %swap3A_178 = tpu.vector_load %arg15[%swap3A_176, %swap3A_177] {strides = array<i32>} : memref<32x128xf32, #tpu.memory_space<vmem>>, vector<1x16xf32>,
    %swap3A_179 = vector.shape_cast %swap3A_178 : vector<1x16xf32> to vector<16xf32>
    %swap3A_180 = vector.shape_cast %broadcast_in_dim3A_97 : vector<16xf32> to vector<1x16xf32>
    tpu.vector_store %arg15[%swap3A_176, %swap3A_177], %swap3A_180 {strides = array<i32>} : memref<32x128xf32, #tpu.memory_space<vmem>>, vector<1x16xf32>,
    %swap3A_181 = arith.constant 1 : i32
    %swap3A_182 = arith.index_cast %swap3A_181 : i32 to index
    %swap3A_183 = arith.constant 96 : index
    %swap3A_184 = tpu.vector_load %arg15[%swap3A_182, %swap3A_183] {strides = array<i32>} : memref<32x128xf32, #tpu.memory_space<vmem>>, vector<1x16xf32>,
    %swap3A_185 = vector.shape_cast %swap3A_184 : vector<1x16xf32> to vector<16xf32>
    %swap3A_186 = vector.shape_cast %broadcast_in_dim3A_97 : vector<16xf32> to vector<1x16xf32>
    tpu.vector_store %arg15[%swap3A_182, %swap3A_183], %swap3A_186 {strides = array<i32>} : memref<32x128xf32, #tpu.memory_space<vmem>>, vector<1x16xf32>,
    %swap3A_187 = arith.constant 1 : i32
    %swap3A_188 = arith.index_cast %swap3A_187 : i32 to index
    %swap3A_189 = arith.constant 112 : index
    %swap3A_190 = tpu.vector_load %arg15[%swap3A_188, %swap3A_189] {strides = array<i32>} : memref<32x128xf32, #tpu.memory_space<vmem>>, vector<1x16xf32>,
    %swap3A_191 = vector.shape_cast %swap3A_190 : vector<1x16xf32> to vector<16xf32>
    %swap3A_192 = vector.shape_cast %broadcast_in_dim3A_97 : vector<16xf32> to vector<1x16xf32>
    tpu.vector_store %arg15[%swap3A_188, %swap3A_189], %swap3A_192 {strides = array<i32>} : memref<32x128xf32, #tpu.memory_space<vmem>>, vector<1x16xf32>,
    %swap3A_193 = arith.constant 2 : i32
    %swap3A_194 = arith.index_cast %swap3A_193 : i32 to index
    %swap3A_195 = arith.constant 0 : index
    %swap3A_196 = tpu.vector_load %arg15[%swap3A_194, %swap3A_195] {strides = array<i32>} : memref<32x128xf32, #tpu.memory_space<vmem>>, vector<1x16xf32>,
    %swap3A_197 = vector.shape_cast %swap3A_196 : vector<1x16xf32> to vector<16xf32>
    %swap3A_198 = vector.shape_cast %broadcast_in_dim3A_97 : vector<16xf32> to vector<1x16xf32>
    tpu.vector_store %arg15[%swap3A_194, %swap3A_195], %swap3A_198 {strides = array<i32>} : memref<32x128xf32, #tpu.memory_space<vmem>>, vector<1x16xf32>,
    %swap3A_199 = arith.constant 2 : i32
    %swap3A_200 = arith.index_cast %swap3A_199 : i32 to index
    %swap3A_201 = arith.constant 16 : index
    %swap3A_202 = tpu.vector_load %arg15[%swap3A_200, %swap3A_201] {strides = array<i32>} : memref<32x128xf32, #tpu.memory_space<vmem>>, vector<1x16xf32>,
    %swap3A_203 = vector.shape_cast %swap3A_202 : vector<1x16xf32> to vector<16xf32>
    %swap3A_204 = vector.shape_cast %broadcast_in_dim3A_97 : vector<16xf32> to vector<1x16xf32>
    tpu.vector_store %arg15[%swap3A_200, %swap3A_201], %swap3A_204 {strides = array<i32>} : memref<32x128xf32, #tpu.memory_space<vmem>>, vector<1x16xf32>,
    %swap3A_205 = arith.constant 2 : i32
    %swap3A_206 = arith.index_cast %swap3A_205 : i32 to index
    %swap3A_207 = arith.constant 32 : index
    %swap3A_208 = tpu.vector_load %arg15[%swap3A_206, %swap3A_207] {strides = array<i32>} : memref<32x128xf32, #tpu.memory_space<vmem>>, vector<1x16xf32>,
    %swap3A_209 = vector.shape_cast %swap3A_208 : vector<1x16xf32> to vector<16xf32>
    %swap3A_210 = vector.shape_cast %broadcast_in_dim3A_97 : vector<16xf32> to vector<1x16xf32>
    tpu.vector_store %arg15[%swap3A_206, %swap3A_207], %swap3A_210 {strides = array<i32>} : memref<32x128xf32, #tpu.memory_space<vmem>>, vector<1x16xf32>,
    %swap3A_211 = arith.constant 2 : i32
    %swap3A_212 = arith.index_cast %swap3A_211 : i32 to index
    %swap3A_213 = arith.constant 48 : index
    %swap3A_214 = tpu.vector_load %arg15[%swap3A_212, %swap3A_213] {strides = array<i32>} : memref<32x128xf32, #tpu.memory_space<vmem>>, vector<1x16xf32>,
    %swap3A_215 = vector.shape_cast %swap3A_214 : vector<1x16xf32> to vector<16xf32>
    %swap3A_216 = vector.shape_cast %broadcast_in_dim3A_97 : vector<16xf32> to vector<1x16xf32>
    tpu.vector_store %arg15[%swap3A_212, %swap3A_213], %swap3A_216 {strides = array<i32>} : memref<32x128xf32, #tpu.memory_space<vmem>>, vector<1x16xf32>,
    %swap3A_217 = arith.constant 2 : i32
    %swap3A_218 = arith.index_cast %swap3A_217 : i32 to index
    %swap3A_219 = arith.constant 64 : index
    %swap3A_220 = tpu.vector_load %arg15[%swap3A_218, %swap3A_219] {strides = array<i32>} : memref<32x128xf32, #tpu.memory_space<vmem>>, vector<1x16xf32>,
    %swap3A_221 = vector.shape_cast %swap3A_220 : vector<1x16xf32> to vector<16xf32>
    %swap3A_222 = vector.shape_cast %broadcast_in_dim3A_97 : vector<16xf32> to vector<1x16xf32>
    tpu.vector_store %arg15[%swap3A_218, %swap3A_219], %swap3A_222 {strides = array<i32>} : memref<32x128xf32, #tpu.memory_space<vmem>>, vector<1x16xf32>,
    %swap3A_223 = arith.constant 2 : i32
    %swap3A_224 = arith.index_cast %swap3A_223 : i32 to index
    %swap3A_225 = arith.constant 80 : index
    %swap3A_226 = tpu.vector_load %arg15[%swap3A_224, %swap3A_225] {strides = array<i32>} : memref<32x128xf32, #tpu.memory_space<vmem>>, vector<1x16xf32>,
    %swap3A_227 = vector.shape_cast %swap3A_226 : vector<1x16xf32> to vector<16xf32>
    %swap3A_228 = vector.shape_cast %broadcast_in_dim3A_97 : vector<16xf32> to vector<1x16xf32>
    tpu.vector_store %arg15[%swap3A_224, %swap3A_225], %swap3A_228 {strides = array<i32>} : memref<32x128xf32, #tpu.memory_space<vmem>>, vector<1x16xf32>,
    %swap3A_229 = arith.constant 2 : i32
    %swap3A_230 = arith.index_cast %swap3A_229 : i32 to index
    %swap3A_231 = arith.constant 96 : index
    %swap3A_232 = tpu.vector_load %arg15[%swap3A_230, %swap3A_231] {strides = array<i32>} : memref<32x128xf32, #tpu.memory_space<vmem>>, vector<1x16xf32>,
    %swap3A_233 = vector.shape_cast %swap3A_232 : vector<1x16xf32> to vector<16xf32>
    %swap3A_234 = vector.shape_cast %broadcast_in_dim3A_97 : vector<16xf32> to vector<1x16xf32>
    tpu.vector_store %arg15[%swap3A_230, %swap3A_231], %swap3A_234 {strides = array<i32>} : memref<32x128xf32, #tpu.memory_space<vmem>>, vector<1x16xf32>,
    %swap3A_235 = arith.constant 2 : i32
    %swap3A_236 = arith.index_cast %swap3A_235 : i32 to index
    %swap3A_237 = arith.constant 112 : index
    %swap3A_238 = tpu.vector_load %arg15[%swap3A_236, %swap3A_237] {strides = array<i32>} : memref<32x128xf32, #tpu.memory_space<vmem>>, vector<1x16xf32>,
    %swap3A_239 = vector.shape_cast %swap3A_238 : vector<1x16xf32> to vector<16xf32>
    %swap3A_240 = vector.shape_cast %broadcast_in_dim3A_97 : vector<16xf32> to vector<1x16xf32>
    tpu.vector_store %arg15[%swap3A_236, %swap3A_237], %swap3A_240 {strides = array<i32>} : memref<32x128xf32, #tpu.memory_space<vmem>>, vector<1x16xf32>,
    %swap3A_241 = arith.constant 3 : i32
    %swap3A_242 = arith.index_cast %swap3A_241 : i32 to index
    %swap3A_243 = arith.constant 0 : index
    %swap3A_244 = tpu.vector_load %arg15[%swap3A_242, %swap3A_243] {strides = array<i32>} : memref<32x128xf32, #tpu.memory_space<vmem>>, vector<1x16xf32>,
    %swap3A_245 = vector.shape_cast %swap3A_244 : vector<1x16xf32> to vector<16xf32>
    %swap3A_246 = vector.shape_cast %broadcast_in_dim3A_97 : vector<16xf32> to vector<1x16xf32>
    tpu.vector_store %arg15[%swap3A_242, %swap3A_243], %swap3A_246 {strides = array<i32>} : memref<32x128xf32, #tpu.memory_space<vmem>>, vector<1x16xf32>,
    %swap3A_247 = arith.constant 3 : i32
    %swap3A_248 = arith.index_cast %swap3A_247 : i32 to index
    %swap3A_249 = arith.constant 16 : index
    %swap3A_250 = tpu.vector_load %arg15[%swap3A_248, %swap3A_249] {strides = array<i32>} : memref<32x128xf32, #tpu.memory_space<vmem>>, vector<1x16xf32>,
    %swap3A_251 = vector.shape_cast %swap3A_250 : vector<1x16xf32> to vector<16xf32>
    %swap3A_252 = vector.shape_cast %broadcast_in_dim3A_97 : vector<16xf32> to vector<1x16xf32>
    tpu.vector_store %arg15[%swap3A_248, %swap3A_249], %swap3A_252 {strides = array<i32>} : memref<32x128xf32, #tpu.memory_space<vmem>>, vector<1x16xf32>,
    %swap3A_253 = arith.constant 3 : i32
    %swap3A_254 = arith.index_cast %swap3A_253 : i32 to index
    %swap3A_255 = arith.constant 32 : index
    %swap3A_256 = tpu.vector_load %arg15[%swap3A_254, %swap3A_255] {strides = array<i32>} : memref<32x128xf32, #tpu.memory_space<vmem>>, vector<1x16xf32>,
    %swap3A_257 = vector.shape_cast %swap3A_256 : vector<1x16xf32> to vector<16xf32>
    %swap3A_258 = vector.shape_cast %broadcast_in_dim3A_97 : vector<16xf32> to vector<1x16xf32>
    tpu.vector_store %arg15[%swap3A_254, %swap3A_255], %swap3A_258 {strides = array<i32>} : memref<32x128xf32, #tpu.memory_space<vmem>>, vector<1x16xf32>,
    %swap3A_259 = arith.constant 3 : i32
    %swap3A_260 = arith.index_cast %swap3A_259 : i32 to index
    %swap3A_261 = arith.constant 48 : index
    %swap3A_262 = tpu.vector_load %arg15[%swap3A_260, %swap3A_261] {strides = array<i32>} : memref<32x128xf32, #tpu.memory_space<vmem>>, vector<1x16xf32>,
    %swap3A_263 = vector.shape_cast %swap3A_262 : vector<1x16xf32> to vector<16xf32>
    %swap3A_264 = vector.shape_cast %broadcast_in_dim3A_97 : vector<16xf32> to vector<1x16xf32>
    tpu.vector_store %arg15[%swap3A_260, %swap3A_261], %swap3A_264 {strides = array<i32>} : memref<32x128xf32, #tpu.memory_space<vmem>>, vector<1x16xf32>,
    %swap3A_265 = arith.constant 3 : i32
    %swap3A_266 = arith.index_cast %swap3A_265 : i32 to index
    %swap3A_267 = arith.constant 64 : index
    %swap3A_268 = tpu.vector_load %arg15[%swap3A_266, %swap3A_267] {strides = array<i32>} : memref<32x128xf32, #tpu.memory_space<vmem>>, vector<1x16xf32>,
    %swap3A_269 = vector.shape_cast %swap3A_268 : vector<1x16xf32> to vector<16xf32>
    %swap3A_270 = vector.shape_cast %broadcast_in_dim3A_97 : vector<16xf32> to vector<1x16xf32>
    tpu.vector_store %arg15[%swap3A_266, %swap3A_267], %swap3A_270 {strides = array<i32>} : memref<32x128xf32, #tpu.memory_space<vmem>>, vector<1x16xf32>,
    %swap3A_271 = arith.constant 3 : i32
    %swap3A_272 = arith.index_cast %swap3A_271 : i32 to index
    %swap3A_273 = arith.constant 80 : index
    %swap3A_274 = tpu.vector_load %arg15[%swap3A_272, %swap3A_273] {strides = array<i32>} : memref<32x128xf32, #tpu.memory_space<vmem>>, vector<1x16xf32>,
    %swap3A_275 = vector.shape_cast %swap3A_274 : vector<1x16xf32> to vector<16xf32>
    %swap3A_276 = vector.shape_cast %broadcast_in_dim3A_97 : vector<16xf32> to vector<1x16xf32>
    tpu.vector_store %arg15[%swap3A_272, %swap3A_273], %swap3A_276 {strides = array<i32>} : memref<32x128xf32, #tpu.memory_space<vmem>>, vector<1x16xf32>,
    %swap3A_277 = arith.constant 3 : i32
    %swap3A_278 = arith.index_cast %swap3A_277 : i32 to index
    %swap3A_279 = arith.constant 96 : index
    %swap3A_280 = tpu.vector_load %arg15[%swap3A_278, %swap3A_279] {strides = array<i32>} : memref<32x128xf32, #tpu.memory_space<vmem>>, vector<1x16xf32>,
    %swap3A_281 = vector.shape_cast %swap3A_280 : vector<1x16xf32> to vector<16xf32>
    %swap3A_282 = vector.shape_cast %broadcast_in_dim3A_97 : vector<16xf32> to vector<1x16xf32>
    tpu.vector_store %arg15[%swap3A_278, %swap3A_279], %swap3A_282 {strides = array<i32>} : memref<32x128xf32, #tpu.memory_space<vmem>>, vector<1x16xf32>,
    %swap3A_283 = arith.constant 3 : i32
    %swap3A_284 = arith.index_cast %swap3A_283 : i32 to index
    %swap3A_285 = arith.constant 112 : index
    %swap3A_286 = tpu.vector_load %arg15[%swap3A_284, %swap3A_285] {strides = array<i32>} : memref<32x128xf32, #tpu.memory_space<vmem>>, vector<1x16xf32>,
    %swap3A_287 = vector.shape_cast %swap3A_286 : vector<1x16xf32> to vector<16xf32>
    %swap3A_288 = vector.shape_cast %broadcast_in_dim3A_97 : vector<16xf32> to vector<1x16xf32>
    tpu.vector_store %arg15[%swap3A_284, %swap3A_285], %swap3A_288 {strides = array<i32>} : memref<32x128xf32, #tpu.memory_space<vmem>>, vector<1x16xf32>,
    %swap3A_289 = arith.constant 4 : i32
    %swap3A_290 = arith.index_cast %swap3A_289 : i32 to index
    %swap3A_291 = arith.constant 0 : index
    %swap3A_292 = tpu.vector_load %arg15[%swap3A_290, %swap3A_291] {strides = array<i32>} : memref<32x128xf32, #tpu.memory_space<vmem>>, vector<1x16xf32>,
    %swap3A_293 = vector.shape_cast %swap3A_292 : vector<1x16xf32> to vector<16xf32>
    %swap3A_294 = vector.shape_cast %broadcast_in_dim3A_97 : vector<16xf32> to vector<1x16xf32>
    tpu.vector_store %arg15[%swap3A_290, %swap3A_291], %swap3A_294 {strides = array<i32>} : memref<32x128xf32, #tpu.memory_space<vmem>>, vector<1x16xf32>,
    %swap3A_295 = arith.constant 4 : i32
    %swap3A_296 = arith.index_cast %swap3A_295 : i32 to index
    %swap3A_297 = arith.constant 16 : index
    %swap3A_298 = tpu.vector_load %arg15[%swap3A_296, %swap3A_297] {strides = array<i32>} : memref<32x128xf32, #tpu.memory_space<vmem>>, vector<1x16xf32>,
    %swap3A_299 = vector.shape_cast %swap3A_298 : vector<1x16xf32> to vector<16xf32>
    %swap3A_300 = vector.shape_cast %broadcast_in_dim3A_97 : vector<16xf32> to vector<1x16xf32>
    tpu.vector_store %arg15[%swap3A_296, %swap3A_297], %swap3A_300 {strides = array<i32>} : memref<32x128xf32, #tpu.memory_space<vmem>>, vector<1x16xf32>,
    %swap3A_301 = arith.constant 4 : i32
    %swap3A_302 = arith.index_cast %swap3A_301 : i32 to index
    %swap3A_303 = arith.constant 32 : index
    %swap3A_304 = tpu.vector_load %arg15[%swap3A_302, %swap3A_303] {strides = array<i32>} : memref<32x128xf32, #tpu.memory_space<vmem>>, vector<1x16xf32>,
    %swap3A_305 = vector.shape_cast %swap3A_304 : vector<1x16xf32> to vector<16xf32>
    %swap3A_306 = vector.shape_cast %broadcast_in_dim3A_97 : vector<16xf32> to vector<1x16xf32>
    tpu.vector_store %arg15[%swap3A_302, %swap3A_303], %swap3A_306 {strides = array<i32>} : memref<32x128xf32, #tpu.memory_space<vmem>>, vector<1x16xf32>,
    %swap3A_307 = arith.constant 4 : i32
    %swap3A_308 = arith.index_cast %swap3A_307 : i32 to index
    %swap3A_309 = arith.constant 48 : index
    %swap3A_310 = tpu.vector_load %arg15[%swap3A_308, %swap3A_309] {strides = array<i32>} : memref<32x128xf32, #tpu.memory_space<vmem>>, vector<1x16xf32>,
    %swap3A_311 = vector.shape_cast %swap3A_310 : vector<1x16xf32> to vector<16xf32>
    %swap3A_312 = vector.shape_cast %broadcast_in_dim3A_97 : vector<16xf32> to vector<1x16xf32>
    tpu.vector_store %arg15[%swap3A_308, %swap3A_309], %swap3A_312 {strides = array<i32>} : memref<32x128xf32, #tpu.memory_space<vmem>>, vector<1x16xf32>,
    %swap3A_313 = arith.constant 4 : i32
    %swap3A_314 = arith.index_cast %swap3A_313 : i32 to index
    %swap3A_315 = arith.constant 64 : index
    %swap3A_316 = tpu.vector_load %arg15[%swap3A_314, %swap3A_315] {strides = array<i32>} : memref<32x128xf32, #tpu.memory_space<vmem>>, vector<1x16xf32>,
    %swap3A_317 = vector.shape_cast %swap3A_316 : vector<1x16xf32> to vector<16xf32>
    %swap3A_318 = vector.shape_cast %broadcast_in_dim3A_97 : vector<16xf32> to vector<1x16xf32>
    tpu.vector_store %arg15[%swap3A_314, %swap3A_315], %swap3A_318 {strides = array<i32>} : memref<32x128xf32, #tpu.memory_space<vmem>>, vector<1x16xf32>,
    %swap3A_319 = arith.constant 4 : i32
    %swap3A_320 = arith.index_cast %swap3A_319 : i32 to index
    %swap3A_321 = arith.constant 80 : index
    %swap3A_322 = tpu.vector_load %arg15[%swap3A_320, %swap3A_321] {strides = array<i32>} : memref<32x128xf32, #tpu.memory_space<vmem>>, vector<1x16xf32>,
    %swap3A_323 = vector.shape_cast %swap3A_322 : vector<1x16xf32> to vector<16xf32>
    %swap3A_324 = vector.shape_cast %broadcast_in_dim3A_97 : vector<16xf32> to vector<1x16xf32>
    tpu.vector_store %arg15[%swap3A_320, %swap3A_321], %swap3A_324 {strides = array<i32>} : memref<32x128xf32, #tpu.memory_space<vmem>>, vector<1x16xf32>,
    %swap3A_325 = arith.constant 4 : i32
    %swap3A_326 = arith.index_cast %swap3A_325 : i32 to index
    %swap3A_327 = arith.constant 96 : index
    %swap3A_328 = tpu.vector_load %arg15[%swap3A_326, %swap3A_327] {strides = array<i32>} : memref<32x128xf32, #tpu.memory_space<vmem>>, vector<1x16xf32>,
    %swap3A_329 = vector.shape_cast %swap3A_328 : vector<1x16xf32> to vector<16xf32>
    %swap3A_330 = vector.shape_cast %broadcast_in_dim3A_97 : vector<16xf32> to vector<1x16xf32>
    tpu.vector_store %arg15[%swap3A_326, %swap3A_327], %swap3A_330 {strides = array<i32>} : memref<32x128xf32, #tpu.memory_space<vmem>>, vector<1x16xf32>,
    %swap3A_331 = arith.constant 4 : i32
    %swap3A_332 = arith.index_cast %swap3A_331 : i32 to index
    %swap3A_333 = arith.constant 112 : index
    %swap3A_334 = tpu.vector_load %arg15[%swap3A_332, %swap3A_333] {strides = array<i32>} : memref<32x128xf32, #tpu.memory_space<vmem>>, vector<1x16xf32>,
    %swap3A_335 = vector.shape_cast %swap3A_334 : vector<1x16xf32> to vector<16xf32>
    %swap3A_336 = vector.shape_cast %broadcast_in_dim3A_97 : vector<16xf32> to vector<1x16xf32>
    tpu.vector_store %arg15[%swap3A_332, %swap3A_333], %swap3A_336 {strides = array<i32>} : memref<32x128xf32, #tpu.memory_space<vmem>>, vector<1x16xf32>,
    %swap3A_337 = arith.constant 5 : i32
    %swap3A_338 = arith.index_cast %swap3A_337 : i32 to index
    %swap3A_339 = arith.constant 0 : index
    %swap3A_340 = tpu.vector_load %arg15[%swap3A_338, %swap3A_339] {strides = array<i32>} : memref<32x128xf32, #tpu.memory_space<vmem>>, vector<1x16xf32>,
    %swap3A_341 = vector.shape_cast %swap3A_340 : vector<1x16xf32> to vector<16xf32>
    %swap3A_342 = vector.shape_cast %broadcast_in_dim3A_97 : vector<16xf32> to vector<1x16xf32>
    tpu.vector_store %arg15[%swap3A_338, %swap3A_339], %swap3A_342 {strides = array<i32>} : memref<32x128xf32, #tpu.memory_space<vmem>>, vector<1x16xf32>,
    %swap3A_343 = arith.constant 5 : i32
    %swap3A_344 = arith.index_cast %swap3A_343 : i32 to index
    %swap3A_345 = arith.constant 16 : index
    %swap3A_346 = tpu.vector_load %arg15[%swap3A_344, %swap3A_345] {strides = array<i32>} : memref<32x128xf32, #tpu.memory_space<vmem>>, vector<1x16xf32>,
    %swap3A_347 = vector.shape_cast %swap3A_346 : vector<1x16xf32> to vector<16xf32>
    %swap3A_348 = vector.shape_cast %broadcast_in_dim3A_97 : vector<16xf32> to vector<1x16xf32>
    tpu.vector_store %arg15[%swap3A_344, %swap3A_345], %swap3A_348 {strides = array<i32>} : memref<32x128xf32, #tpu.memory_space<vmem>>, vector<1x16xf32>,
    %swap3A_349 = arith.constant 5 : i32
    %swap3A_350 = arith.index_cast %swap3A_349 : i32 to index
    %swap3A_351 = arith.constant 32 : index
    %swap3A_352 = tpu.vector_load %arg15[%swap3A_350, %swap3A_351] {strides = array<i32>} : memref<32x128xf32, #tpu.memory_space<vmem>>, vector<1x16xf32>,
    %swap3A_353 = vector.shape_cast %swap3A_352 : vector<1x16xf32> to vector<16xf32>
    %swap3A_354 = vector.shape_cast %broadcast_in_dim3A_97 : vector<16xf32> to vector<1x16xf32>
    tpu.vector_store %arg15[%swap3A_350, %swap3A_351], %swap3A_354 {strides = array<i32>} : memref<32x128xf32, #tpu.memory_space<vmem>>, vector<1x16xf32>,
    %swap3A_355 = arith.constant 5 : i32
    %swap3A_356 = arith.index_cast %swap3A_355 : i32 to index
    %swap3A_357 = arith.constant 48 : index
    %swap3A_358 = tpu.vector_load %arg15[%swap3A_356, %swap3A_357] {strides = array<i32>} : memref<32x128xf32, #tpu.memory_space<vmem>>, vector<1x16xf32>,
    %swap3A_359 = vector.shape_cast %swap3A_358 : vector<1x16xf32> to vector<16xf32>
    %swap3A_360 = vector.shape_cast %broadcast_in_dim3A_97 : vector<16xf32> to vector<1x16xf32>
    tpu.vector_store %arg15[%swap3A_356, %swap3A_357], %swap3A_360 {strides = array<i32>} : memref<32x128xf32, #tpu.memory_space<vmem>>, vector<1x16xf32>,
    %swap3A_361 = arith.constant 5 : i32
    %swap3A_362 = arith.index_cast %swap3A_361 : i32 to index
    %swap3A_363 = arith.constant 64 : index
    %swap3A_364 = tpu.vector_load %arg15[%swap3A_362, %swap3A_363] {strides = array<i32>} : memref<32x128xf32, #tpu.memory_space<vmem>>, vector<1x16xf32>,
    %swap3A_365 = vector.shape_cast %swap3A_364 : vector<1x16xf32> to vector<16xf32>
    %swap3A_366 = vector.shape_cast %broadcast_in_dim3A_97 : vector<16xf32> to vector<1x16xf32>
    tpu.vector_store %arg15[%swap3A_362, %swap3A_363], %swap3A_366 {strides = array<i32>} : memref<32x128xf32, #tpu.memory_space<vmem>>, vector<1x16xf32>,
    %swap3A_367 = arith.constant 5 : i32
    %swap3A_368 = arith.index_cast %swap3A_367 : i32 to index
    %swap3A_369 = arith.constant 80 : index
    %swap3A_370 = tpu.vector_load %arg15[%swap3A_368, %swap3A_369] {strides = array<i32>} : memref<32x128xf32, #tpu.memory_space<vmem>>, vector<1x16xf32>,
    %swap3A_371 = vector.shape_cast %swap3A_370 : vector<1x16xf32> to vector<16xf32>
    %swap3A_372 = vector.shape_cast %broadcast_in_dim3A_97 : vector<16xf32> to vector<1x16xf32>
    tpu.vector_store %arg15[%swap3A_368, %swap3A_369], %swap3A_372 {strides = array<i32>} : memref<32x128xf32, #tpu.memory_space<vmem>>, vector<1x16xf32>,
    %swap3A_373 = arith.constant 5 : i32
    %swap3A_374 = arith.index_cast %swap3A_373 : i32 to index
    %swap3A_375 = arith.constant 96 : index
    %swap3A_376 = tpu.vector_load %arg15[%swap3A_374, %swap3A_375] {strides = array<i32>} : memref<32x128xf32, #tpu.memory_space<vmem>>, vector<1x16xf32>,
    %swap3A_377 = vector.shape_cast %swap3A_376 : vector<1x16xf32> to vector<16xf32>
    %swap3A_378 = vector.shape_cast %broadcast_in_dim3A_97 : vector<16xf32> to vector<1x16xf32>
    tpu.vector_store %arg15[%swap3A_374, %swap3A_375], %swap3A_378 {strides = array<i32>} : memref<32x128xf32, #tpu.memory_space<vmem>>, vector<1x16xf32>,
    %swap3A_379 = arith.constant 5 : i32
    %swap3A_380 = arith.index_cast %swap3A_379 : i32 to index
    %swap3A_381 = arith.constant 112 : index
    %swap3A_382 = tpu.vector_load %arg15[%swap3A_380, %swap3A_381] {strides = array<i32>} : memref<32x128xf32, #tpu.memory_space<vmem>>, vector<1x16xf32>,
    %swap3A_383 = vector.shape_cast %swap3A_382 : vector<1x16xf32> to vector<16xf32>
    %swap3A_384 = vector.shape_cast %broadcast_in_dim3A_97 : vector<16xf32> to vector<1x16xf32>
    tpu.vector_store %arg15[%swap3A_380, %swap3A_381], %swap3A_384 {strides = array<i32>} : memref<32x128xf32, #tpu.memory_space<vmem>>, vector<1x16xf32>,
    %swap3A_385 = arith.constant 6 : i32
    %swap3A_386 = arith.index_cast %swap3A_385 : i32 to index
    %swap3A_387 = arith.constant 0 : index
    %swap3A_388 = tpu.vector_load %arg15[%swap3A_386, %swap3A_387] {strides = array<i32>} : memref<32x128xf32, #tpu.memory_space<vmem>>, vector<1x16xf32>,
    %swap3A_389 = vector.shape_cast %swap3A_388 : vector<1x16xf32> to vector<16xf32>
    %swap3A_390 = vector.shape_cast %broadcast_in_dim3A_97 : vector<16xf32> to vector<1x16xf32>
    tpu.vector_store %arg15[%swap3A_386, %swap3A_387], %swap3A_390 {strides = array<i32>} : memref<32x128xf32, #tpu.memory_space<vmem>>, vector<1x16xf32>,
    %swap3A_391 = arith.constant 6 : i32
    %swap3A_392 = arith.index_cast %swap3A_391 : i32 to index
    %swap3A_393 = arith.constant 16 : index
    %swap3A_394 = tpu.vector_load %arg15[%swap3A_392, %swap3A_393] {strides = array<i32>} : memref<32x128xf32, #tpu.memory_space<vmem>>, vector<1x16xf32>,
    %swap3A_395 = vector.shape_cast %swap3A_394 : vector<1x16xf32> to vector<16xf32>
    %swap3A_396 = vector.shape_cast %broadcast_in_dim3A_97 : vector<16xf32> to vector<1x16xf32>
    tpu.vector_store %arg15[%swap3A_392, %swap3A_393], %swap3A_396 {strides = array<i32>} : memref<32x128xf32, #tpu.memory_space<vmem>>, vector<1x16xf32>,
    %swap3A_397 = arith.constant 6 : i32
    %swap3A_398 = arith.index_cast %swap3A_397 : i32 to index
    %swap3A_399 = arith.constant 32 : index
    %swap3A_400 = tpu.vector_load %arg15[%swap3A_398, %swap3A_399] {strides = array<i32>} : memref<32x128xf32, #tpu.memory_space<vmem>>, vector<1x16xf32>,
    %swap3A_401 = vector.shape_cast %swap3A_400 : vector<1x16xf32> to vector<16xf32>
    %swap3A_402 = vector.shape_cast %broadcast_in_dim3A_97 : vector<16xf32> to vector<1x16xf32>
    tpu.vector_store %arg15[%swap3A_398, %swap3A_399], %swap3A_402 {strides = array<i32>} : memref<32x128xf32, #tpu.memory_space<vmem>>, vector<1x16xf32>,
    %swap3A_403 = arith.constant 6 : i32
    %swap3A_404 = arith.index_cast %swap3A_403 : i32 to index
    %swap3A_405 = arith.constant 48 : index
    %swap3A_406 = tpu.vector_load %arg15[%swap3A_404, %swap3A_405] {strides = array<i32>} : memref<32x128xf32, #tpu.memory_space<vmem>>, vector<1x16xf32>,
    %swap3A_407 = vector.shape_cast %swap3A_406 : vector<1x16xf32> to vector<16xf32>
    %swap3A_408 = vector.shape_cast %broadcast_in_dim3A_97 : vector<16xf32> to vector<1x16xf32>
    tpu.vector_store %arg15[%swap3A_404, %swap3A_405], %swap3A_408 {strides = array<i32>} : memref<32x128xf32, #tpu.memory_space<vmem>>, vector<1x16xf32>,
    %swap3A_409 = arith.constant 6 : i32
    %swap3A_410 = arith.index_cast %swap3A_409 : i32 to index
    %swap3A_411 = arith.constant 64 : index
    %swap3A_412 = tpu.vector_load %arg15[%swap3A_410, %swap3A_411] {strides = array<i32>} : memref<32x128xf32, #tpu.memory_space<vmem>>, vector<1x16xf32>,
    %swap3A_413 = vector.shape_cast %swap3A_412 : vector<1x16xf32> to vector<16xf32>
    %swap3A_414 = vector.shape_cast %broadcast_in_dim3A_97 : vector<16xf32> to vector<1x16xf32>
    tpu.vector_store %arg15[%swap3A_410, %swap3A_411], %swap3A_414 {strides = array<i32>} : memref<32x128xf32, #tpu.memory_space<vmem>>, vector<1x16xf32>,
    %swap3A_415 = arith.constant 6 : i32
    %swap3A_416 = arith.index_cast %swap3A_415 : i32 to index
    %swap3A_417 = arith.constant 80 : index
    %swap3A_418 = tpu.vector_load %arg15[%swap3A_416, %swap3A_417] {strides = array<i32>} : memref<32x128xf32, #tpu.memory_space<vmem>>, vector<1x16xf32>,
    %swap3A_419 = vector.shape_cast %swap3A_418 : vector<1x16xf32> to vector<16xf32>
    %swap3A_420 = vector.shape_cast %broadcast_in_dim3A_97 : vector<16xf32> to vector<1x16xf32>
    tpu.vector_store %arg15[%swap3A_416, %swap3A_417], %swap3A_420 {strides = array<i32>} : memref<32x128xf32, #tpu.memory_space<vmem>>, vector<1x16xf32>,
    %swap3A_421 = arith.constant 6 : i32
    %swap3A_422 = arith.index_cast %swap3A_421 : i32 to index
    %swap3A_423 = arith.constant 96 : index
    %swap3A_424 = tpu.vector_load %arg15[%swap3A_422, %swap3A_423] {strides = array<i32>} : memref<32x128xf32, #tpu.memory_space<vmem>>, vector<1x16xf32>,
    %swap3A_425 = vector.shape_cast %swap3A_424 : vector<1x16xf32> to vector<16xf32>
    %swap3A_426 = vector.shape_cast %broadcast_in_dim3A_97 : vector<16xf32> to vector<1x16xf32>
    tpu.vector_store %arg15[%swap3A_422, %swap3A_423], %swap3A_426 {strides = array<i32>} : memref<32x128xf32, #tpu.memory_space<vmem>>, vector<1x16xf32>,
    %swap3A_427 = arith.constant 6 : i32
    %swap3A_428 = arith.index_cast %swap3A_427 : i32 to index
    %swap3A_429 = arith.constant 112 : index
    %swap3A_430 = tpu.vector_load %arg15[%swap3A_428, %swap3A_429] {strides = array<i32>} : memref<32x128xf32, #tpu.memory_space<vmem>>, vector<1x16xf32>,
    %swap3A_431 = vector.shape_cast %swap3A_430 : vector<1x16xf32> to vector<16xf32>
    %swap3A_432 = vector.shape_cast %broadcast_in_dim3A_97 : vector<16xf32> to vector<1x16xf32>
    tpu.vector_store %arg15[%swap3A_428, %swap3A_429], %swap3A_432 {strides = array<i32>} : memref<32x128xf32, #tpu.memory_space<vmem>>, vector<1x16xf32>,
    %swap3A_433 = arith.constant 7 : i32
    %swap3A_434 = arith.index_cast %swap3A_433 : i32 to index
    %swap3A_435 = arith.constant 0 : index
    %swap3A_436 = tpu.vector_load %arg15[%swap3A_434, %swap3A_435] {strides = array<i32>} : memref<32x128xf32, #tpu.memory_space<vmem>>, vector<1x16xf32>,
    %swap3A_437 = vector.shape_cast %swap3A_436 : vector<1x16xf32> to vector<16xf32>
    %swap3A_438 = vector.shape_cast %broadcast_in_dim3A_97 : vector<16xf32> to vector<1x16xf32>
    tpu.vector_store %arg15[%swap3A_434, %swap3A_435], %swap3A_438 {strides = array<i32>} : memref<32x128xf32, #tpu.memory_space<vmem>>, vector<1x16xf32>,
    %swap3A_439 = arith.constant 7 : i32
    %swap3A_440 = arith.index_cast %swap3A_439 : i32 to index
    %swap3A_441 = arith.constant 16 : index
    %swap3A_442 = tpu.vector_load %arg15[%swap3A_440, %swap3A_441] {strides = array<i32>} : memref<32x128xf32, #tpu.memory_space<vmem>>, vector<1x16xf32>,
    %swap3A_443 = vector.shape_cast %swap3A_442 : vector<1x16xf32> to vector<16xf32>
    %swap3A_444 = vector.shape_cast %broadcast_in_dim3A_97 : vector<16xf32> to vector<1x16xf32>
    tpu.vector_store %arg15[%swap3A_440, %swap3A_441], %swap3A_444 {strides = array<i32>} : memref<32x128xf32, #tpu.memory_space<vmem>>, vector<1x16xf32>,
    %swap3A_445 = arith.constant 7 : i32
    %swap3A_446 = arith.index_cast %swap3A_445 : i32 to index
    %swap3A_447 = arith.constant 32 : index
    %swap3A_448 = tpu.vector_load %arg15[%swap3A_446, %swap3A_447] {strides = array<i32>} : memref<32x128xf32, #tpu.memory_space<vmem>>, vector<1x16xf32>,
    %swap3A_449 = vector.shape_cast %swap3A_448 : vector<1x16xf32> to vector<16xf32>
    %swap3A_450 = vector.shape_cast %broadcast_in_dim3A_97 : vector<16xf32> to vector<1x16xf32>
    tpu.vector_store %arg15[%swap3A_446, %swap3A_447], %swap3A_450 {strides = array<i32>} : memref<32x128xf32, #tpu.memory_space<vmem>>, vector<1x16xf32>,
    %swap3A_451 = arith.constant 7 : i32
    %swap3A_452 = arith.index_cast %swap3A_451 : i32 to index
    %swap3A_453 = arith.constant 48 : index
    %swap3A_454 = tpu.vector_load %arg15[%swap3A_452, %swap3A_453] {strides = array<i32>} : memref<32x128xf32, #tpu.memory_space<vmem>>, vector<1x16xf32>,
    %swap3A_455 = vector.shape_cast %swap3A_454 : vector<1x16xf32> to vector<16xf32>
    %swap3A_456 = vector.shape_cast %broadcast_in_dim3A_97 : vector<16xf32> to vector<1x16xf32>
    tpu.vector_store %arg15[%swap3A_452, %swap3A_453], %swap3A_456 {strides = array<i32>} : memref<32x128xf32, #tpu.memory_space<vmem>>, vector<1x16xf32>,
    %swap3A_457 = arith.constant 7 : i32
    %swap3A_458 = arith.index_cast %swap3A_457 : i32 to index
    %swap3A_459 = arith.constant 64 : index
    %swap3A_460 = tpu.vector_load %arg15[%swap3A_458, %swap3A_459] {strides = array<i32>} : memref<32x128xf32, #tpu.memory_space<vmem>>, vector<1x16xf32>,
    %swap3A_461 = vector.shape_cast %swap3A_460 : vector<1x16xf32> to vector<16xf32>
    %swap3A_462 = vector.shape_cast %broadcast_in_dim3A_97 : vector<16xf32> to vector<1x16xf32>
    tpu.vector_store %arg15[%swap3A_458, %swap3A_459], %swap3A_462 {strides = array<i32>} : memref<32x128xf32, #tpu.memory_space<vmem>>, vector<1x16xf32>,
    %swap3A_463 = arith.constant 7 : i32
    %swap3A_464 = arith.index_cast %swap3A_463 : i32 to index
    %swap3A_465 = arith.constant 80 : index
    %swap3A_466 = tpu.vector_load %arg15[%swap3A_464, %swap3A_465] {strides = array<i32>} : memref<32x128xf32, #tpu.memory_space<vmem>>, vector<1x16xf32>,
    %swap3A_467 = vector.shape_cast %swap3A_466 : vector<1x16xf32> to vector<16xf32>
    %swap3A_468 = vector.shape_cast %broadcast_in_dim3A_97 : vector<16xf32> to vector<1x16xf32>
    tpu.vector_store %arg15[%swap3A_464, %swap3A_465], %swap3A_468 {strides = array<i32>} : memref<32x128xf32, #tpu.memory_space<vmem>>, vector<1x16xf32>,
    %swap3A_469 = arith.constant 7 : i32
    %swap3A_470 = arith.index_cast %swap3A_469 : i32 to index
    %swap3A_471 = arith.constant 96 : index
    %swap3A_472 = tpu.vector_load %arg15[%swap3A_470, %swap3A_471] {strides = array<i32>} : memref<32x128xf32, #tpu.memory_space<vmem>>, vector<1x16xf32>,
    %swap3A_473 = vector.shape_cast %swap3A_472 : vector<1x16xf32> to vector<16xf32>
    %swap3A_474 = vector.shape_cast %broadcast_in_dim3A_97 : vector<16xf32> to vector<1x16xf32>
    tpu.vector_store %arg15[%swap3A_470, %swap3A_471], %swap3A_474 {strides = array<i32>} : memref<32x128xf32, #tpu.memory_space<vmem>>, vector<1x16xf32>,
    %swap3A_475 = arith.constant 7 : i32
    %swap3A_476 = arith.index_cast %swap3A_475 : i32 to index
    %swap3A_477 = arith.constant 112 : index
    %swap3A_478 = tpu.vector_load %arg15[%swap3A_476, %swap3A_477] {strides = array<i32>} : memref<32x128xf32, #tpu.memory_space<vmem>>, vector<1x16xf32>,
    %swap3A_479 = vector.shape_cast %swap3A_478 : vector<1x16xf32> to vector<16xf32>
    %swap3A_480 = vector.shape_cast %broadcast_in_dim3A_97 : vector<16xf32> to vector<1x16xf32>
    tpu.vector_store %arg15[%swap3A_476, %swap3A_477], %swap3A_480 {strides = array<i32>} : memref<32x128xf32, #tpu.memory_space<vmem>>, vector<1x16xf32>,
    %swap3A_481 = arith.constant 8 : i32
    %swap3A_482 = arith.index_cast %swap3A_481 : i32 to index
    %swap3A_483 = arith.constant 0 : index
    %swap3A_484 = tpu.vector_load %arg15[%swap3A_482, %swap3A_483] {strides = array<i32>} : memref<32x128xf32, #tpu.memory_space<vmem>>, vector<1x16xf32>,
    %swap3A_485 = vector.shape_cast %swap3A_484 : vector<1x16xf32> to vector<16xf32>
    %swap3A_486 = vector.shape_cast %broadcast_in_dim3A_97 : vector<16xf32> to vector<1x16xf32>
    tpu.vector_store %arg15[%swap3A_482, %swap3A_483], %swap3A_486 {strides = array<i32>} : memref<32x128xf32, #tpu.memory_space<vmem>>, vector<1x16xf32>,
    %swap3A_487 = arith.constant 8 : i32
    %swap3A_488 = arith.index_cast %swap3A_487 : i32 to index
    %swap3A_489 = arith.constant 16 : index
    %swap3A_490 = tpu.vector_load %arg15[%swap3A_488, %swap3A_489] {strides = array<i32>} : memref<32x128xf32, #tpu.memory_space<vmem>>, vector<1x16xf32>,
    %swap3A_491 = vector.shape_cast %swap3A_490 : vector<1x16xf32> to vector<16xf32>
    %swap3A_492 = vector.shape_cast %broadcast_in_dim3A_97 : vector<16xf32> to vector<1x16xf32>
    tpu.vector_store %arg15[%swap3A_488, %swap3A_489], %swap3A_492 {strides = array<i32>} : memref<32x128xf32, #tpu.memory_space<vmem>>, vector<1x16xf32>,
    %swap3A_493 = arith.constant 8 : i32
    %swap3A_494 = arith.index_cast %swap3A_493 : i32 to index
    %swap3A_495 = arith.constant 32 : index
    %swap3A_496 = tpu.vector_load %arg15[%swap3A_494, %swap3A_495] {strides = array<i32>} : memref<32x128xf32, #tpu.memory_space<vmem>>, vector<1x16xf32>,
    %swap3A_497 = vector.shape_cast %swap3A_496 : vector<1x16xf32> to vector<16xf32>
    %swap3A_498 = vector.shape_cast %broadcast_in_dim3A_97 : vector<16xf32> to vector<1x16xf32>
    tpu.vector_store %arg15[%swap3A_494, %swap3A_495], %swap3A_498 {strides = array<i32>} : memref<32x128xf32, #tpu.memory_space<vmem>>, vector<1x16xf32>,
    %swap3A_499 = arith.constant 8 : i32
    %swap3A_500 = arith.index_cast %swap3A_499 : i32 to index
    %swap3A_501 = arith.constant 48 : index
    %swap3A_502 = tpu.vector_load %arg15[%swap3A_500, %swap3A_501] {strides = array<i32>} : memref<32x128xf32, #tpu.memory_space<vmem>>, vector<1x16xf32>,
    %swap3A_503 = vector.shape_cast %swap3A_502 : vector<1x16xf32> to vector<16xf32>
    %swap3A_504 = vector.shape_cast %broadcast_in_dim3A_97 : vector<16xf32> to vector<1x16xf32>
    tpu.vector_store %arg15[%swap3A_500, %swap3A_501], %swap3A_504 {strides = array<i32>} : memref<32x128xf32, #tpu.memory_space<vmem>>, vector<1x16xf32>,
    %swap3A_505 = arith.constant 8 : i32
    %swap3A_506 = arith.index_cast %swap3A_505 : i32 to index
    %swap3A_507 = arith.constant 64 : index
    %swap3A_508 = tpu.vector_load %arg15[%swap3A_506, %swap3A_507] {strides = array<i32>} : memref<32x128xf32, #tpu.memory_space<vmem>>, vector<1x16xf32>,
    %swap3A_509 = vector.shape_cast %swap3A_508 : vector<1x16xf32> to vector<16xf32>
    %swap3A_510 = vector.shape_cast %broadcast_in_dim3A_97 : vector<16xf32> to vector<1x16xf32>
    tpu.vector_store %arg15[%swap3A_506, %swap3A_507], %swap3A_510 {strides = array<i32>} : memref<32x128xf32, #tpu.memory_space<vmem>>, vector<1x16xf32>,
    %swap3A_511 = arith.constant 8 : i32
    %swap3A_512 = arith.index_cast %swap3A_511 : i32 to index
    %swap3A_513 = arith.constant 80 : index
    %swap3A_514 = tpu.vector_load %arg15[%swap3A_512, %swap3A_513] {strides = array<i32>} : memref<32x128xf32, #tpu.memory_space<vmem>>, vector<1x16xf32>,
    %swap3A_515 = vector.shape_cast %swap3A_514 : vector<1x16xf32> to vector<16xf32>
    %swap3A_516 = vector.shape_cast %broadcast_in_dim3A_97 : vector<16xf32> to vector<1x16xf32>
    tpu.vector_store %arg15[%swap3A_512, %swap3A_513], %swap3A_516 {strides = array<i32>} : memref<32x128xf32, #tpu.memory_space<vmem>>, vector<1x16xf32>,
    %swap3A_517 = arith.constant 8 : i32
    %swap3A_518 = arith.index_cast %swap3A_517 : i32 to index
    %swap3A_519 = arith.constant 96 : index
    %swap3A_520 = tpu.vector_load %arg15[%swap3A_518, %swap3A_519] {strides = array<i32>} : memref<32x128xf32, #tpu.memory_space<vmem>>, vector<1x16xf32>,
    %swap3A_521 = vector.shape_cast %swap3A_520 : vector<1x16xf32> to vector<16xf32>
    %swap3A_522 = vector.shape_cast %broadcast_in_dim3A_97 : vector<16xf32> to vector<1x16xf32>
    tpu.vector_store %arg15[%swap3A_518, %swap3A_519], %swap3A_522 {strides = array<i32>} : memref<32x128xf32, #tpu.memory_space<vmem>>, vector<1x16xf32>,
    %swap3A_523 = arith.constant 8 : i32
    %swap3A_524 = arith.index_cast %swap3A_523 : i32 to index
    %swap3A_525 = arith.constant 112 : index
    %swap3A_526 = tpu.vector_load %arg15[%swap3A_524, %swap3A_525] {strides = array<i32>} : memref<32x128xf32, #tpu.memory_space<vmem>>, vector<1x16xf32>,
    %swap3A_527 = vector.shape_cast %swap3A_526 : vector<1x16xf32> to vector<16xf32>
    %swap3A_528 = vector.shape_cast %broadcast_in_dim3A_97 : vector<16xf32> to vector<1x16xf32>
    tpu.vector_store %arg15[%swap3A_524, %swap3A_525], %swap3A_528 {strides = array<i32>} : memref<32x128xf32, #tpu.memory_space<vmem>>, vector<1x16xf32>,
    %swap3A_529 = arith.constant 9 : i32
    %swap3A_530 = arith.index_cast %swap3A_529 : i32 to index
    %swap3A_531 = arith.constant 0 : index
    %swap3A_532 = tpu.vector_load %arg15[%swap3A_530, %swap3A_531] {strides = array<i32>} : memref<32x128xf32, #tpu.memory_space<vmem>>, vector<1x16xf32>,
    %swap3A_533 = vector.shape_cast %swap3A_532 : vector<1x16xf32> to vector<16xf32>
    %swap3A_534 = vector.shape_cast %broadcast_in_dim3A_97 : vector<16xf32> to vector<1x16xf32>
    tpu.vector_store %arg15[%swap3A_530, %swap3A_531], %swap3A_534 {strides = array<i32>} : memref<32x128xf32, #tpu.memory_space<vmem>>, vector<1x16xf32>,
    %swap3A_535 = arith.constant 9 : i32
    %swap3A_536 = arith.index_cast %swap3A_535 : i32 to index
    %swap3A_537 = arith.constant 16 : index
    %swap3A_538 = tpu.vector_load %arg15[%swap3A_536, %swap3A_537] {strides = array<i32>} : memref<32x128xf32, #tpu.memory_space<vmem>>, vector<1x16xf32>,
    %swap3A_539 = vector.shape_cast %swap3A_538 : vector<1x16xf32> to vector<16xf32>
    %swap3A_540 = vector.shape_cast %broadcast_in_dim3A_97 : vector<16xf32> to vector<1x16xf32>
    tpu.vector_store %arg15[%swap3A_536, %swap3A_537], %swap3A_540 {strides = array<i32>} : memref<32x128xf32, #tpu.memory_space<vmem>>, vector<1x16xf32>,
    %swap3A_541 = arith.constant 9 : i32
    %swap3A_542 = arith.index_cast %swap3A_541 : i32 to index
    %swap3A_543 = arith.constant 32 : index
    %swap3A_544 = tpu.vector_load %arg15[%swap3A_542, %swap3A_543] {strides = array<i32>} : memref<32x128xf32, #tpu.memory_space<vmem>>, vector<1x16xf32>,
    %swap3A_545 = vector.shape_cast %swap3A_544 : vector<1x16xf32> to vector<16xf32>
    %swap3A_546 = vector.shape_cast %broadcast_in_dim3A_97 : vector<16xf32> to vector<1x16xf32>
    tpu.vector_store %arg15[%swap3A_542, %swap3A_543], %swap3A_546 {strides = array<i32>} : memref<32x128xf32, #tpu.memory_space<vmem>>, vector<1x16xf32>,
    %swap3A_547 = arith.constant 9 : i32
    %swap3A_548 = arith.index_cast %swap3A_547 : i32 to index
    %swap3A_549 = arith.constant 48 : index
    %swap3A_550 = tpu.vector_load %arg15[%swap3A_548, %swap3A_549] {strides = array<i32>} : memref<32x128xf32, #tpu.memory_space<vmem>>, vector<1x16xf32>,
    %swap3A_551 = vector.shape_cast %swap3A_550 : vector<1x16xf32> to vector<16xf32>
    %swap3A_552 = vector.shape_cast %broadcast_in_dim3A_97 : vector<16xf32> to vector<1x16xf32>
    tpu.vector_store %arg15[%swap3A_548, %swap3A_549], %swap3A_552 {strides = array<i32>} : memref<32x128xf32, #tpu.memory_space<vmem>>, vector<1x16xf32>,
    %swap3A_553 = arith.constant 9 : i32
    %swap3A_554 = arith.index_cast %swap3A_553 : i32 to index
    %swap3A_555 = arith.constant 64 : index
    %swap3A_556 = tpu.vector_load %arg15[%swap3A_554, %swap3A_555] {strides = array<i32>} : memref<32x128xf32, #tpu.memory_space<vmem>>, vector<1x16xf32>,
    %swap3A_557 = vector.shape_cast %swap3A_556 : vector<1x16xf32> to vector<16xf32>
    %swap3A_558 = vector.shape_cast %broadcast_in_dim3A_97 : vector<16xf32> to vector<1x16xf32>
    tpu.vector_store %arg15[%swap3A_554, %swap3A_555], %swap3A_558 {strides = array<i32>} : memref<32x128xf32, #tpu.memory_space<vmem>>, vector<1x16xf32>,
    %swap3A_559 = arith.constant 9 : i32
    %swap3A_560 = arith.index_cast %swap3A_559 : i32 to index
    %swap3A_561 = arith.constant 80 : index
    %swap3A_562 = tpu.vector_load %arg15[%swap3A_560, %swap3A_561] {strides = array<i32>} : memref<32x128xf32, #tpu.memory_space<vmem>>, vector<1x16xf32>,
    %swap3A_563 = vector.shape_cast %swap3A_562 : vector<1x16xf32> to vector<16xf32>
    %swap3A_564 = vector.shape_cast %broadcast_in_dim3A_97 : vector<16xf32> to vector<1x16xf32>
    tpu.vector_store %arg15[%swap3A_560, %swap3A_561], %swap3A_564 {strides = array<i32>} : memref<32x128xf32, #tpu.memory_space<vmem>>, vector<1x16xf32>,
    %swap3A_565 = arith.constant 9 : i32
    %swap3A_566 = arith.index_cast %swap3A_565 : i32 to index
    %swap3A_567 = arith.constant 96 : index
    %swap3A_568 = tpu.vector_load %arg15[%swap3A_566, %swap3A_567] {strides = array<i32>} : memref<32x128xf32, #tpu.memory_space<vmem>>, vector<1x16xf32>,
    %swap3A_569 = vector.shape_cast %swap3A_568 : vector<1x16xf32> to vector<16xf32>
    %swap3A_570 = vector.shape_cast %broadcast_in_dim3A_97 : vector<16xf32> to vector<1x16xf32>
    tpu.vector_store %arg15[%swap3A_566, %swap3A_567], %swap3A_570 {strides = array<i32>} : memref<32x128xf32, #tpu.memory_space<vmem>>, vector<1x16xf32>,
    %swap3A_571 = arith.constant 9 : i32
    %swap3A_572 = arith.index_cast %swap3A_571 : i32 to index
    %swap3A_573 = arith.constant 112 : index
    %swap3A_574 = tpu.vector_load %arg15[%swap3A_572, %swap3A_573] {strides = array<i32>} : memref<32x128xf32, #tpu.memory_space<vmem>>, vector<1x16xf32>,
    %swap3A_575 = vector.shape_cast %swap3A_574 : vector<1x16xf32> to vector<16xf32>
    %swap3A_576 = vector.shape_cast %broadcast_in_dim3A_97 : vector<16xf32> to vector<1x16xf32>
    tpu.vector_store %arg15[%swap3A_572, %swap3A_573], %swap3A_576 {strides = array<i32>} : memref<32x128xf32, #tpu.memory_space<vmem>>, vector<1x16xf32>,
    %swap3A_577 = arith.constant 10 : i32
    %swap3A_578 = arith.index_cast %swap3A_577 : i32 to index
    %swap3A_579 = arith.constant 0 : index
    %swap3A_580 = tpu.vector_load %arg15[%swap3A_578, %swap3A_579] {strides = array<i32>} : memref<32x128xf32, #tpu.memory_space<vmem>>, vector<1x16xf32>,
    %swap3A_581 = vector.shape_cast %swap3A_580 : vector<1x16xf32> to vector<16xf32>
    %swap3A_582 = vector.shape_cast %broadcast_in_dim3A_97 : vector<16xf32> to vector<1x16xf32>
    tpu.vector_store %arg15[%swap3A_578, %swap3A_579], %swap3A_582 {strides = array<i32>} : memref<32x128xf32, #tpu.memory_space<vmem>>, vector<1x16xf32>,
    %swap3A_583 = arith.constant 10 : i32
    %swap3A_584 = arith.index_cast %swap3A_583 : i32 to index
    %swap3A_585 = arith.constant 16 : index
    %swap3A_586 = tpu.vector_load %arg15[%swap3A_584, %swap3A_585] {strides = array<i32>} : memref<32x128xf32, #tpu.memory_space<vmem>>, vector<1x16xf32>,
    %swap3A_587 = vector.shape_cast %swap3A_586 : vector<1x16xf32> to vector<16xf32>
    %swap3A_588 = vector.shape_cast %broadcast_in_dim3A_97 : vector<16xf32> to vector<1x16xf32>
    tpu.vector_store %arg15[%swap3A_584, %swap3A_585], %swap3A_588 {strides = array<i32>} : memref<32x128xf32, #tpu.memory_space<vmem>>, vector<1x16xf32>,
    %swap3A_589 = arith.constant 10 : i32
    %swap3A_590 = arith.index_cast %swap3A_589 : i32 to index
    %swap3A_591 = arith.constant 32 : index
    %swap3A_592 = tpu.vector_load %arg15[%swap3A_590, %swap3A_591] {strides = array<i32>} : memref<32x128xf32, #tpu.memory_space<vmem>>, vector<1x16xf32>,
    %swap3A_593 = vector.shape_cast %swap3A_592 : vector<1x16xf32> to vector<16xf32>
    %swap3A_594 = vector.shape_cast %broadcast_in_dim3A_97 : vector<16xf32> to vector<1x16xf32>
    tpu.vector_store %arg15[%swap3A_590, %swap3A_591], %swap3A_594 {strides = array<i32>} : memref<32x128xf32, #tpu.memory_space<vmem>>, vector<1x16xf32>,
    %swap3A_595 = arith.constant 10 : i32
    %swap3A_596 = arith.index_cast %swap3A_595 : i32 to index
    %swap3A_597 = arith.constant 48 : index
    %swap3A_598 = tpu.vector_load %arg15[%swap3A_596, %swap3A_597] {strides = array<i32>} : memref<32x128xf32, #tpu.memory_space<vmem>>, vector<1x16xf32>,
    %swap3A_599 = vector.shape_cast %swap3A_598 : vector<1x16xf32> to vector<16xf32>
    %swap3A_600 = vector.shape_cast %broadcast_in_dim3A_97 : vector<16xf32> to vector<1x16xf32>
    tpu.vector_store %arg15[%swap3A_596, %swap3A_597], %swap3A_600 {strides = array<i32>} : memref<32x128xf32, #tpu.memory_space<vmem>>, vector<1x16xf32>,
    %swap3A_601 = arith.constant 10 : i32
    %swap3A_602 = arith.index_cast %swap3A_601 : i32 to index
    %swap3A_603 = arith.constant 64 : index
    %swap3A_604 = tpu.vector_load %arg15[%swap3A_602, %swap3A_603] {strides = array<i32>} : memref<32x128xf32, #tpu.memory_space<vmem>>, vector<1x16xf32>,
    %swap3A_605 = vector.shape_cast %swap3A_604 : vector<1x16xf32> to vector<16xf32>
    %swap3A_606 = vector.shape_cast %broadcast_in_dim3A_97 : vector<16xf32> to vector<1x16xf32>
    tpu.vector_store %arg15[%swap3A_602, %swap3A_603], %swap3A_606 {strides = array<i32>} : memref<32x128xf32, #tpu.memory_space<vmem>>, vector<1x16xf32>,
    %swap3A_607 = arith.constant 10 : i32
    %swap3A_608 = arith.index_cast %swap3A_607 : i32 to index
    %swap3A_609 = arith.constant 80 : index
    %swap3A_610 = tpu.vector_load %arg15[%swap3A_608, %swap3A_609] {strides = array<i32>} : memref<32x128xf32, #tpu.memory_space<vmem>>, vector<1x16xf32>,
    %swap3A_611 = vector.shape_cast %swap3A_610 : vector<1x16xf32> to vector<16xf32>
    %swap3A_612 = vector.shape_cast %broadcast_in_dim3A_97 : vector<16xf32> to vector<1x16xf32>
    tpu.vector_store %arg15[%swap3A_608, %swap3A_609], %swap3A_612 {strides = array<i32>} : memref<32x128xf32, #tpu.memory_space<vmem>>, vector<1x16xf32>,
    %swap3A_613 = arith.constant 10 : i32
    %swap3A_614 = arith.index_cast %swap3A_613 : i32 to index
    %swap3A_615 = arith.constant 96 : index
    %swap3A_616 = tpu.vector_load %arg15[%swap3A_614, %swap3A_615] {strides = array<i32>} : memref<32x128xf32, #tpu.memory_space<vmem>>, vector<1x16xf32>,
    %swap3A_617 = vector.shape_cast %swap3A_616 : vector<1x16xf32> to vector<16xf32>
    %swap3A_618 = vector.shape_cast %broadcast_in_dim3A_97 : vector<16xf32> to vector<1x16xf32>
    tpu.vector_store %arg15[%swap3A_614, %swap3A_615], %swap3A_618 {strides = array<i32>} : memref<32x128xf32, #tpu.memory_space<vmem>>, vector<1x16xf32>,
    %swap3A_619 = arith.constant 10 : i32
    %swap3A_620 = arith.index_cast %swap3A_619 : i32 to index
    %swap3A_621 = arith.constant 112 : index
    %swap3A_622 = tpu.vector_load %arg15[%swap3A_620, %swap3A_621] {strides = array<i32>} : memref<32x128xf32, #tpu.memory_space<vmem>>, vector<1x16xf32>,
    %swap3A_623 = vector.shape_cast %swap3A_622 : vector<1x16xf32> to vector<16xf32>
    %swap3A_624 = vector.shape_cast %broadcast_in_dim3A_97 : vector<16xf32> to vector<1x16xf32>
    tpu.vector_store %arg15[%swap3A_620, %swap3A_621], %swap3A_624 {strides = array<i32>} : memref<32x128xf32, #tpu.memory_space<vmem>>, vector<1x16xf32>,
    %swap3A_625 = arith.constant 11 : i32
    %swap3A_626 = arith.index_cast %swap3A_625 : i32 to index
    %swap3A_627 = arith.constant 0 : index
    %swap3A_628 = tpu.vector_load %arg15[%swap3A_626, %swap3A_627] {strides = array<i32>} : memref<32x128xf32, #tpu.memory_space<vmem>>, vector<1x16xf32>,
    %swap3A_629 = vector.shape_cast %swap3A_628 : vector<1x16xf32> to vector<16xf32>
    %swap3A_630 = vector.shape_cast %broadcast_in_dim3A_97 : vector<16xf32> to vector<1x16xf32>
    tpu.vector_store %arg15[%swap3A_626, %swap3A_627], %swap3A_630 {strides = array<i32>} : memref<32x128xf32, #tpu.memory_space<vmem>>, vector<1x16xf32>,
    %swap3A_631 = arith.constant 11 : i32
    %swap3A_632 = arith.index_cast %swap3A_631 : i32 to index
    %swap3A_633 = arith.constant 16 : index
    %swap3A_634 = tpu.vector_load %arg15[%swap3A_632, %swap3A_633] {strides = array<i32>} : memref<32x128xf32, #tpu.memory_space<vmem>>, vector<1x16xf32>,
    %swap3A_635 = vector.shape_cast %swap3A_634 : vector<1x16xf32> to vector<16xf32>
    %swap3A_636 = vector.shape_cast %broadcast_in_dim3A_97 : vector<16xf32> to vector<1x16xf32>
    tpu.vector_store %arg15[%swap3A_632, %swap3A_633], %swap3A_636 {strides = array<i32>} : memref<32x128xf32, #tpu.memory_space<vmem>>, vector<1x16xf32>,
    %swap3A_637 = arith.constant 11 : i32
    %swap3A_638 = arith.index_cast %swap3A_637 : i32 to index
    %swap3A_639 = arith.constant 32 : index
    %swap3A_640 = tpu.vector_load %arg15[%swap3A_638, %swap3A_639] {strides = array<i32>} : memref<32x128xf32, #tpu.memory_space<vmem>>, vector<1x16xf32>,
    %swap3A_641 = vector.shape_cast %swap3A_640 : vector<1x16xf32> to vector<16xf32>
    %swap3A_642 = vector.shape_cast %broadcast_in_dim3A_97 : vector<16xf32> to vector<1x16xf32>
    tpu.vector_store %arg15[%swap3A_638, %swap3A_639], %swap3A_642 {strides = array<i32>} : memref<32x128xf32, #tpu.memory_space<vmem>>, vector<1x16xf32>,
    %swap3A_643 = arith.constant 11 : i32
    %swap3A_644 = arith.index_cast %swap3A_643 : i32 to index
    %swap3A_645 = arith.constant 48 : index
    %swap3A_646 = tpu.vector_load %arg15[%swap3A_644, %swap3A_645] {strides = array<i32>} : memref<32x128xf32, #tpu.memory_space<vmem>>, vector<1x16xf32>,
    %swap3A_647 = vector.shape_cast %swap3A_646 : vector<1x16xf32> to vector<16xf32>
    %swap3A_648 = vector.shape_cast %broadcast_in_dim3A_97 : vector<16xf32> to vector<1x16xf32>
    tpu.vector_store %arg15[%swap3A_644, %swap3A_645], %swap3A_648 {strides = array<i32>} : memref<32x128xf32, #tpu.memory_space<vmem>>, vector<1x16xf32>,
    %swap3A_649 = arith.constant 11 : i32
    %swap3A_650 = arith.index_cast %swap3A_649 : i32 to index
    %swap3A_651 = arith.constant 64 : index
    %swap3A_652 = tpu.vector_load %arg15[%swap3A_650, %swap3A_651] {strides = array<i32>} : memref<32x128xf32, #tpu.memory_space<vmem>>, vector<1x16xf32>,
    %swap3A_653 = vector.shape_cast %swap3A_652 : vector<1x16xf32> to vector<16xf32>
    %swap3A_654 = vector.shape_cast %broadcast_in_dim3A_97 : vector<16xf32> to vector<1x16xf32>
    tpu.vector_store %arg15[%swap3A_650, %swap3A_651], %swap3A_654 {strides = array<i32>} : memref<32x128xf32, #tpu.memory_space<vmem>>, vector<1x16xf32>,
    %swap3A_655 = arith.constant 11 : i32
    %swap3A_656 = arith.index_cast %swap3A_655 : i32 to index
    %swap3A_657 = arith.constant 80 : index
    %swap3A_658 = tpu.vector_load %arg15[%swap3A_656, %swap3A_657] {strides = array<i32>} : memref<32x128xf32, #tpu.memory_space<vmem>>, vector<1x16xf32>,
    %swap3A_659 = vector.shape_cast %swap3A_658 : vector<1x16xf32> to vector<16xf32>
    %swap3A_660 = vector.shape_cast %broadcast_in_dim3A_97 : vector<16xf32> to vector<1x16xf32>
    tpu.vector_store %arg15[%swap3A_656, %swap3A_657], %swap3A_660 {strides = array<i32>} : memref<32x128xf32, #tpu.memory_space<vmem>>, vector<1x16xf32>,
    %swap3A_661 = arith.constant 11 : i32
    %swap3A_662 = arith.index_cast %swap3A_661 : i32 to index
    %swap3A_663 = arith.constant 96 : index
    %swap3A_664 = tpu.vector_load %arg15[%swap3A_662, %swap3A_663] {strides = array<i32>} : memref<32x128xf32, #tpu.memory_space<vmem>>, vector<1x16xf32>,
    %swap3A_665 = vector.shape_cast %swap3A_664 : vector<1x16xf32> to vector<16xf32>
    %swap3A_666 = vector.shape_cast %broadcast_in_dim3A_97 : vector<16xf32> to vector<1x16xf32>
    tpu.vector_store %arg15[%swap3A_662, %swap3A_663], %swap3A_666 {strides = array<i32>} : memref<32x128xf32, #tpu.memory_space<vmem>>, vector<1x16xf32>,
    %swap3A_667 = arith.constant 11 : i32
    %swap3A_668 = arith.index_cast %swap3A_667 : i32 to index
    %swap3A_669 = arith.constant 112 : index
    %swap3A_670 = tpu.vector_load %arg15[%swap3A_668, %swap3A_669] {strides = array<i32>} : memref<32x128xf32, #tpu.memory_space<vmem>>, vector<1x16xf32>,
    %swap3A_671 = vector.shape_cast %swap3A_670 : vector<1x16xf32> to vector<16xf32>
    %swap3A_672 = vector.shape_cast %broadcast_in_dim3A_97 : vector<16xf32> to vector<1x16xf32>
    tpu.vector_store %arg15[%swap3A_668, %swap3A_669], %swap3A_672 {strides = array<i32>} : memref<32x128xf32, #tpu.memory_space<vmem>>, vector<1x16xf32>,
    %swap3A_673 = arith.constant 12 : i32
    %swap3A_674 = arith.index_cast %swap3A_673 : i32 to index
    %swap3A_675 = arith.constant 0 : index
    %swap3A_676 = tpu.vector_load %arg15[%swap3A_674, %swap3A_675] {strides = array<i32>} : memref<32x128xf32, #tpu.memory_space<vmem>>, vector<1x16xf32>,
    %swap3A_677 = vector.shape_cast %swap3A_676 : vector<1x16xf32> to vector<16xf32>
    %swap3A_678 = vector.shape_cast %broadcast_in_dim3A_97 : vector<16xf32> to vector<1x16xf32>
    tpu.vector_store %arg15[%swap3A_674, %swap3A_675], %swap3A_678 {strides = array<i32>} : memref<32x128xf32, #tpu.memory_space<vmem>>, vector<1x16xf32>,
    %swap3A_679 = arith.constant 12 : i32
    %swap3A_680 = arith.index_cast %swap3A_679 : i32 to index
    %swap3A_681 = arith.constant 16 : index
    %swap3A_682 = tpu.vector_load %arg15[%swap3A_680, %swap3A_681] {strides = array<i32>} : memref<32x128xf32, #tpu.memory_space<vmem>>, vector<1x16xf32>,
    %swap3A_683 = vector.shape_cast %swap3A_682 : vector<1x16xf32> to vector<16xf32>
    %swap3A_684 = vector.shape_cast %broadcast_in_dim3A_97 : vector<16xf32> to vector<1x16xf32>
    tpu.vector_store %arg15[%swap3A_680, %swap3A_681], %swap3A_684 {strides = array<i32>} : memref<32x128xf32, #tpu.memory_space<vmem>>, vector<1x16xf32>,
    %swap3A_685 = arith.constant 12 : i32
    %swap3A_686 = arith.index_cast %swap3A_685 : i32 to index
    %swap3A_687 = arith.constant 32 : index
    %swap3A_688 = tpu.vector_load %arg15[%swap3A_686, %swap3A_687] {strides = array<i32>} : memref<32x128xf32, #tpu.memory_space<vmem>>, vector<1x16xf32>,
    %swap3A_689 = vector.shape_cast %swap3A_688 : vector<1x16xf32> to vector<16xf32>
    %swap3A_690 = vector.shape_cast %broadcast_in_dim3A_97 : vector<16xf32> to vector<1x16xf32>
    tpu.vector_store %arg15[%swap3A_686, %swap3A_687], %swap3A_690 {strides = array<i32>} : memref<32x128xf32, #tpu.memory_space<vmem>>, vector<1x16xf32>,
    %swap3A_691 = arith.constant 12 : i32
    %swap3A_692 = arith.index_cast %swap3A_691 : i32 to index
    %swap3A_693 = arith.constant 48 : index
    %swap3A_694 = tpu.vector_load %arg15[%swap3A_692, %swap3A_693] {strides = array<i32>} : memref<32x128xf32, #tpu.memory_space<vmem>>, vector<1x16xf32>,
    %swap3A_695 = vector.shape_cast %swap3A_694 : vector<1x16xf32> to vector<16xf32>
    %swap3A_696 = vector.shape_cast %broadcast_in_dim3A_97 : vector<16xf32> to vector<1x16xf32>
    tpu.vector_store %arg15[%swap3A_692, %swap3A_693], %swap3A_696 {strides = array<i32>} : memref<32x128xf32, #tpu.memory_space<vmem>>, vector<1x16xf32>,
    %swap3A_697 = arith.constant 12 : i32
    %swap3A_698 = arith.index_cast %swap3A_697 : i32 to index
    %swap3A_699 = arith.constant 64 : index
    %swap3A_700 = tpu.vector_load %arg15[%swap3A_698, %swap3A_699] {strides = array<i32>} : memref<32x128xf32, #tpu.memory_space<vmem>>, vector<1x16xf32>,
    %swap3A_701 = vector.shape_cast %swap3A_700 : vector<1x16xf32> to vector<16xf32>
    %swap3A_702 = vector.shape_cast %broadcast_in_dim3A_97 : vector<16xf32> to vector<1x16xf32>
    tpu.vector_store %arg15[%swap3A_698, %swap3A_699], %swap3A_702 {strides = array<i32>} : memref<32x128xf32, #tpu.memory_space<vmem>>, vector<1x16xf32>,
    %swap3A_703 = arith.constant 12 : i32
    %swap3A_704 = arith.index_cast %swap3A_703 : i32 to index
    %swap3A_705 = arith.constant 80 : index
    %swap3A_706 = tpu.vector_load %arg15[%swap3A_704, %swap3A_705] {strides = array<i32>} : memref<32x128xf32, #tpu.memory_space<vmem>>, vector<1x16xf32>,
    %swap3A_707 = vector.shape_cast %swap3A_706 : vector<1x16xf32> to vector<16xf32>
    %swap3A_708 = vector.shape_cast %broadcast_in_dim3A_97 : vector<16xf32> to vector<1x16xf32>
    tpu.vector_store %arg15[%swap3A_704, %swap3A_705], %swap3A_708 {strides = array<i32>} : memref<32x128xf32, #tpu.memory_space<vmem>>, vector<1x16xf32>,
    %swap3A_709 = arith.constant 12 : i32
    %swap3A_710 = arith.index_cast %swap3A_709 : i32 to index
    %swap3A_711 = arith.constant 96 : index
    %swap3A_712 = tpu.vector_load %arg15[%swap3A_710, %swap3A_711] {strides = array<i32>} : memref<32x128xf32, #tpu.memory_space<vmem>>, vector<1x16xf32>,
    %swap3A_713 = vector.shape_cast %swap3A_712 : vector<1x16xf32> to vector<16xf32>
    %swap3A_714 = vector.shape_cast %broadcast_in_dim3A_97 : vector<16xf32> to vector<1x16xf32>
    tpu.vector_store %arg15[%swap3A_710, %swap3A_711], %swap3A_714 {strides = array<i32>} : memref<32x128xf32, #tpu.memory_space<vmem>>, vector<1x16xf32>,
    %swap3A_715 = arith.constant 12 : i32
    %swap3A_716 = arith.index_cast %swap3A_715 : i32 to index
    %swap3A_717 = arith.constant 112 : index
    %swap3A_718 = tpu.vector_load %arg15[%swap3A_716, %swap3A_717] {strides = array<i32>} : memref<32x128xf32, #tpu.memory_space<vmem>>, vector<1x16xf32>,
    %swap3A_719 = vector.shape_cast %swap3A_718 : vector<1x16xf32> to vector<16xf32>
    %swap3A_720 = vector.shape_cast %broadcast_in_dim3A_97 : vector<16xf32> to vector<1x16xf32>
    tpu.vector_store %arg15[%swap3A_716, %swap3A_717], %swap3A_720 {strides = array<i32>} : memref<32x128xf32, #tpu.memory_space<vmem>>, vector<1x16xf32>,
    %swap3A_721 = arith.constant 13 : i32
    %swap3A_722 = arith.index_cast %swap3A_721 : i32 to index
    %swap3A_723 = arith.constant 0 : index
    %swap3A_724 = tpu.vector_load %arg15[%swap3A_722, %swap3A_723] {strides = array<i32>} : memref<32x128xf32, #tpu.memory_space<vmem>>, vector<1x16xf32>,
    %swap3A_725 = vector.shape_cast %swap3A_724 : vector<1x16xf32> to vector<16xf32>
    %swap3A_726 = vector.shape_cast %broadcast_in_dim3A_97 : vector<16xf32> to vector<1x16xf32>
    tpu.vector_store %arg15[%swap3A_722, %swap3A_723], %swap3A_726 {strides = array<i32>} : memref<32x128xf32, #tpu.memory_space<vmem>>, vector<1x16xf32>,
    %swap3A_727 = arith.constant 13 : i32
    %swap3A_728 = arith.index_cast %swap3A_727 : i32 to index
    %swap3A_729 = arith.constant 16 : index
    %swap3A_730 = tpu.vector_load %arg15[%swap3A_728, %swap3A_729] {strides = array<i32>} : memref<32x128xf32, #tpu.memory_space<vmem>>, vector<1x16xf32>,
    %swap3A_731 = vector.shape_cast %swap3A_730 : vector<1x16xf32> to vector<16xf32>
    %swap3A_732 = vector.shape_cast %broadcast_in_dim3A_97 : vector<16xf32> to vector<1x16xf32>
    tpu.vector_store %arg15[%swap3A_728, %swap3A_729], %swap3A_732 {strides = array<i32>} : memref<32x128xf32, #tpu.memory_space<vmem>>, vector<1x16xf32>,
    %swap3A_733 = arith.constant 13 : i32
    %swap3A_734 = arith.index_cast %swap3A_733 : i32 to index
    %swap3A_735 = arith.constant 32 : index
    %swap3A_736 = tpu.vector_load %arg15[%swap3A_734, %swap3A_735] {strides = array<i32>} : memref<32x128xf32, #tpu.memory_space<vmem>>, vector<1x16xf32>,
    %swap3A_737 = vector.shape_cast %swap3A_736 : vector<1x16xf32> to vector<16xf32>
    %swap3A_738 = vector.shape_cast %broadcast_in_dim3A_97 : vector<16xf32> to vector<1x16xf32>
    tpu.vector_store %arg15[%swap3A_734, %swap3A_735], %swap3A_738 {strides = array<i32>} : memref<32x128xf32, #tpu.memory_space<vmem>>, vector<1x16xf32>,
    %swap3A_739 = arith.constant 13 : i32
    %swap3A_740 = arith.index_cast %swap3A_739 : i32 to index
    %swap3A_741 = arith.constant 48 : index
    %swap3A_742 = tpu.vector_load %arg15[%swap3A_740, %swap3A_741] {strides = array<i32>} : memref<32x128xf32, #tpu.memory_space<vmem>>, vector<1x16xf32>,
    %swap3A_743 = vector.shape_cast %swap3A_742 : vector<1x16xf32> to vector<16xf32>
    %swap3A_744 = vector.shape_cast %broadcast_in_dim3A_97 : vector<16xf32> to vector<1x16xf32>
    tpu.vector_store %arg15[%swap3A_740, %swap3A_741], %swap3A_744 {strides = array<i32>} : memref<32x128xf32, #tpu.memory_space<vmem>>, vector<1x16xf32>,
    %swap3A_745 = arith.constant 13 : i32
    %swap3A_746 = arith.index_cast %swap3A_745 : i32 to index
    %swap3A_747 = arith.constant 64 : index
    %swap3A_748 = tpu.vector_load %arg15[%swap3A_746, %swap3A_747] {strides = array<i32>} : memref<32x128xf32, #tpu.memory_space<vmem>>, vector<1x16xf32>,
    %swap3A_749 = vector.shape_cast %swap3A_748 : vector<1x16xf32> to vector<16xf32>
    %swap3A_750 = vector.shape_cast %broadcast_in_dim3A_97 : vector<16xf32> to vector<1x16xf32>
    tpu.vector_store %arg15[%swap3A_746, %swap3A_747], %swap3A_750 {strides = array<i32>} : memref<32x128xf32, #tpu.memory_space<vmem>>, vector<1x16xf32>,
    %swap3A_751 = arith.constant 13 : i32
    %swap3A_752 = arith.index_cast %swap3A_751 : i32 to index
    %swap3A_753 = arith.constant 80 : index
    %swap3A_754 = tpu.vector_load %arg15[%swap3A_752, %swap3A_753] {strides = array<i32>} : memref<32x128xf32, #tpu.memory_space<vmem>>, vector<1x16xf32>,
    %swap3A_755 = vector.shape_cast %swap3A_754 : vector<1x16xf32> to vector<16xf32>
    %swap3A_756 = vector.shape_cast %broadcast_in_dim3A_97 : vector<16xf32> to vector<1x16xf32>
    tpu.vector_store %arg15[%swap3A_752, %swap3A_753], %swap3A_756 {strides = array<i32>} : memref<32x128xf32, #tpu.memory_space<vmem>>, vector<1x16xf32>,
    %swap3A_757 = arith.constant 13 : i32
    %swap3A_758 = arith.index_cast %swap3A_757 : i32 to index
    %swap3A_759 = arith.constant 96 : index
    %swap3A_760 = tpu.vector_load %arg15[%swap3A_758, %swap3A_759] {strides = array<i32>} : memref<32x128xf32, #tpu.memory_space<vmem>>, vector<1x16xf32>,
    %swap3A_761 = vector.shape_cast %swap3A_760 : vector<1x16xf32> to vector<16xf32>
    %swap3A_762 = vector.shape_cast %broadcast_in_dim3A_97 : vector<16xf32> to vector<1x16xf32>
    tpu.vector_store %arg15[%swap3A_758, %swap3A_759], %swap3A_762 {strides = array<i32>} : memref<32x128xf32, #tpu.memory_space<vmem>>, vector<1x16xf32>,
    %swap3A_763 = arith.constant 13 : i32
    %swap3A_764 = arith.index_cast %swap3A_763 : i32 to index
    %swap3A_765 = arith.constant 112 : index
    %swap3A_766 = tpu.vector_load %arg15[%swap3A_764, %swap3A_765] {strides = array<i32>} : memref<32x128xf32, #tpu.memory_space<vmem>>, vector<1x16xf32>,
    %swap3A_767 = vector.shape_cast %swap3A_766 : vector<1x16xf32> to vector<16xf32>
    %swap3A_768 = vector.shape_cast %broadcast_in_dim3A_97 : vector<16xf32> to vector<1x16xf32>
    tpu.vector_store %arg15[%swap3A_764, %swap3A_765], %swap3A_768 {strides = array<i32>} : memref<32x128xf32, #tpu.memory_space<vmem>>, vector<1x16xf32>,
    %swap3A_769 = arith.constant 14 : i32
    %swap3A_770 = arith.index_cast %swap3A_769 : i32 to index
    %swap3A_771 = arith.constant 0 : index
    %swap3A_772 = tpu.vector_load %arg15[%swap3A_770, %swap3A_771] {strides = array<i32>} : memref<32x128xf32, #tpu.memory_space<vmem>>, vector<1x16xf32>,
    %swap3A_773 = vector.shape_cast %swap3A_772 : vector<1x16xf32> to vector<16xf32>
    %swap3A_774 = vector.shape_cast %broadcast_in_dim3A_97 : vector<16xf32> to vector<1x16xf32>
    tpu.vector_store %arg15[%swap3A_770, %swap3A_771], %swap3A_774 {strides = array<i32>} : memref<32x128xf32, #tpu.memory_space<vmem>>, vector<1x16xf32>,
    %swap3A_775 = arith.constant 14 : i32
    %swap3A_776 = arith.index_cast %swap3A_775 : i32 to index
    %swap3A_777 = arith.constant 16 : index
    %swap3A_778 = tpu.vector_load %arg15[%swap3A_776, %swap3A_777] {strides = array<i32>} : memref<32x128xf32, #tpu.memory_space<vmem>>, vector<1x16xf32>,
    %swap3A_779 = vector.shape_cast %swap3A_778 : vector<1x16xf32> to vector<16xf32>
    %swap3A_780 = vector.shape_cast %broadcast_in_dim3A_97 : vector<16xf32> to vector<1x16xf32>
    tpu.vector_store %arg15[%swap3A_776, %swap3A_777], %swap3A_780 {strides = array<i32>} : memref<32x128xf32, #tpu.memory_space<vmem>>, vector<1x16xf32>,
    %swap3A_781 = arith.constant 14 : i32
    %swap3A_782 = arith.index_cast %swap3A_781 : i32 to index
    %swap3A_783 = arith.constant 32 : index
    %swap3A_784 = tpu.vector_load %arg15[%swap3A_782, %swap3A_783] {strides = array<i32>} : memref<32x128xf32, #tpu.memory_space<vmem>>, vector<1x16xf32>,
    %swap3A_785 = vector.shape_cast %swap3A_784 : vector<1x16xf32> to vector<16xf32>
    %swap3A_786 = vector.shape_cast %broadcast_in_dim3A_97 : vector<16xf32> to vector<1x16xf32>
    tpu.vector_store %arg15[%swap3A_782, %swap3A_783], %swap3A_786 {strides = array<i32>} : memref<32x128xf32, #tpu.memory_space<vmem>>, vector<1x16xf32>,
    %swap3A_787 = arith.constant 14 : i32
    %swap3A_788 = arith.index_cast %swap3A_787 : i32 to index
    %swap3A_789 = arith.constant 48 : index
    %swap3A_790 = tpu.vector_load %arg15[%swap3A_788, %swap3A_789] {strides = array<i32>} : memref<32x128xf32, #tpu.memory_space<vmem>>, vector<1x16xf32>,
    %swap3A_791 = vector.shape_cast %swap3A_790 : vector<1x16xf32> to vector<16xf32>
    %swap3A_792 = vector.shape_cast %broadcast_in_dim3A_97 : vector<16xf32> to vector<1x16xf32>
    tpu.vector_store %arg15[%swap3A_788, %swap3A_789], %swap3A_792 {strides = array<i32>} : memref<32x128xf32, #tpu.memory_space<vmem>>, vector<1x16xf32>,
    %swap3A_793 = arith.constant 14 : i32
    %swap3A_794 = arith.index_cast %swap3A_793 : i32 to index
    %swap3A_795 = arith.constant 64 : index
    %swap3A_796 = tpu.vector_load %arg15[%swap3A_794, %swap3A_795] {strides = array<i32>} : memref<32x128xf32, #tpu.memory_space<vmem>>, vector<1x16xf32>,
    %swap3A_797 = vector.shape_cast %swap3A_796 : vector<1x16xf32> to vector<16xf32>
    %swap3A_798 = vector.shape_cast %broadcast_in_dim3A_97 : vector<16xf32> to vector<1x16xf32>
    tpu.vector_store %arg15[%swap3A_794, %swap3A_795], %swap3A_798 {strides = array<i32>} : memref<32x128xf32, #tpu.memory_space<vmem>>, vector<1x16xf32>,
    %swap3A_799 = arith.constant 14 : i32
    %swap3A_800 = arith.index_cast %swap3A_799 : i32 to index
    %swap3A_801 = arith.constant 80 : index
    %swap3A_802 = tpu.vector_load %arg15[%swap3A_800, %swap3A_801] {strides = array<i32>} : memref<32x128xf32, #tpu.memory_space<vmem>>, vector<1x16xf32>,
    %swap3A_803 = vector.shape_cast %swap3A_802 : vector<1x16xf32> to vector<16xf32>
    %swap3A_804 = vector.shape_cast %broadcast_in_dim3A_97 : vector<16xf32> to vector<1x16xf32>
    tpu.vector_store %arg15[%swap3A_800, %swap3A_801], %swap3A_804 {strides = array<i32>} : memref<32x128xf32, #tpu.memory_space<vmem>>, vector<1x16xf32>,
    %swap3A_805 = arith.constant 14 : i32
    %swap3A_806 = arith.index_cast %swap3A_805 : i32 to index
    %swap3A_807 = arith.constant 96 : index
    %swap3A_808 = tpu.vector_load %arg15[%swap3A_806, %swap3A_807] {strides = array<i32>} : memref<32x128xf32, #tpu.memory_space<vmem>>, vector<1x16xf32>,
    %swap3A_809 = vector.shape_cast %swap3A_808 : vector<1x16xf32> to vector<16xf32>
    %swap3A_810 = vector.shape_cast %broadcast_in_dim3A_97 : vector<16xf32> to vector<1x16xf32>
    tpu.vector_store %arg15[%swap3A_806, %swap3A_807], %swap3A_810 {strides = array<i32>} : memref<32x128xf32, #tpu.memory_space<vmem>>, vector<1x16xf32>,
    %swap3A_811 = arith.constant 14 : i32
    %swap3A_812 = arith.index_cast %swap3A_811 : i32 to index
    %swap3A_813 = arith.constant 112 : index
    %swap3A_814 = tpu.vector_load %arg15[%swap3A_812, %swap3A_813] {strides = array<i32>} : memref<32x128xf32, #tpu.memory_space<vmem>>, vector<1x16xf32>,
    %swap3A_815 = vector.shape_cast %swap3A_814 : vector<1x16xf32> to vector<16xf32>
    %swap3A_816 = vector.shape_cast %broadcast_in_dim3A_97 : vector<16xf32> to vector<1x16xf32>
    tpu.vector_store %arg15[%swap3A_812, %swap3A_813], %swap3A_816 {strides = array<i32>} : memref<32x128xf32, #tpu.memory_space<vmem>>, vector<1x16xf32>,
    %swap3A_817 = arith.constant 15 : i32
    %swap3A_818 = arith.index_cast %swap3A_817 : i32 to index
    %swap3A_819 = arith.constant 0 : index
    %swap3A_820 = tpu.vector_load %arg15[%swap3A_818, %swap3A_819] {strides = array<i32>} : memref<32x128xf32, #tpu.memory_space<vmem>>, vector<1x16xf32>,
    %swap3A_821 = vector.shape_cast %swap3A_820 : vector<1x16xf32> to vector<16xf32>
    %swap3A_822 = vector.shape_cast %broadcast_in_dim3A_97 : vector<16xf32> to vector<1x16xf32>
    tpu.vector_store %arg15[%swap3A_818, %swap3A_819], %swap3A_822 {strides = array<i32>} : memref<32x128xf32, #tpu.memory_space<vmem>>, vector<1x16xf32>,
    %swap3A_823 = arith.constant 15 : i32
    %swap3A_824 = arith.index_cast %swap3A_823 : i32 to index
    %swap3A_825 = arith.constant 16 : index
    %swap3A_826 = tpu.vector_load %arg15[%swap3A_824, %swap3A_825] {strides = array<i32>} : memref<32x128xf32, #tpu.memory_space<vmem>>, vector<1x16xf32>,
    %swap3A_827 = vector.shape_cast %swap3A_826 : vector<1x16xf32> to vector<16xf32>
    %swap3A_828 = vector.shape_cast %broadcast_in_dim3A_97 : vector<16xf32> to vector<1x16xf32>
    tpu.vector_store %arg15[%swap3A_824, %swap3A_825], %swap3A_828 {strides = array<i32>} : memref<32x128xf32, #tpu.memory_space<vmem>>, vector<1x16xf32>,
    %swap3A_829 = arith.constant 15 : i32
    %swap3A_830 = arith.index_cast %swap3A_829 : i32 to index
    %swap3A_831 = arith.constant 32 : index
    %swap3A_832 = tpu.vector_load %arg15[%swap3A_830, %swap3A_831] {strides = array<i32>} : memref<32x128xf32, #tpu.memory_space<vmem>>, vector<1x16xf32>,
    %swap3A_833 = vector.shape_cast %swap3A_832 : vector<1x16xf32> to vector<16xf32>
    %swap3A_834 = vector.shape_cast %broadcast_in_dim3A_97 : vector<16xf32> to vector<1x16xf32>
    tpu.vector_store %arg15[%swap3A_830, %swap3A_831], %swap3A_834 {strides = array<i32>} : memref<32x128xf32, #tpu.memory_space<vmem>>, vector<1x16xf32>,
    %swap3A_835 = arith.constant 15 : i32
    %swap3A_836 = arith.index_cast %swap3A_835 : i32 to index
    %swap3A_837 = arith.constant 48 : index
    %swap3A_838 = tpu.vector_load %arg15[%swap3A_836, %swap3A_837] {strides = array<i32>} : memref<32x128xf32, #tpu.memory_space<vmem>>, vector<1x16xf32>,
    %swap3A_839 = vector.shape_cast %swap3A_838 : vector<1x16xf32> to vector<16xf32>
    %swap3A_840 = vector.shape_cast %broadcast_in_dim3A_97 : vector<16xf32> to vector<1x16xf32>
    tpu.vector_store %arg15[%swap3A_836, %swap3A_837], %swap3A_840 {strides = array<i32>} : memref<32x128xf32, #tpu.memory_space<vmem>>, vector<1x16xf32>,
    %swap3A_841 = arith.constant 15 : i32
    %swap3A_842 = arith.index_cast %swap3A_841 : i32 to index
    %swap3A_843 = arith.constant 64 : index
    %swap3A_844 = tpu.vector_load %arg15[%swap3A_842, %swap3A_843] {strides = array<i32>} : memref<32x128xf32, #tpu.memory_space<vmem>>, vector<1x16xf32>,
    %swap3A_845 = vector.shape_cast %swap3A_844 : vector<1x16xf32> to vector<16xf32>
    %swap3A_846 = vector.shape_cast %broadcast_in_dim3A_97 : vector<16xf32> to vector<1x16xf32>
    tpu.vector_store %arg15[%swap3A_842, %swap3A_843], %swap3A_846 {strides = array<i32>} : memref<32x128xf32, #tpu.memory_space<vmem>>, vector<1x16xf32>,
    %swap3A_847 = arith.constant 15 : i32
    %swap3A_848 = arith.index_cast %swap3A_847 : i32 to index
    %swap3A_849 = arith.constant 80 : index
    %swap3A_850 = tpu.vector_load %arg15[%swap3A_848, %swap3A_849] {strides = array<i32>} : memref<32x128xf32, #tpu.memory_space<vmem>>, vector<1x16xf32>,
    %swap3A_851 = vector.shape_cast %swap3A_850 : vector<1x16xf32> to vector<16xf32>
    %swap3A_852 = vector.shape_cast %broadcast_in_dim3A_97 : vector<16xf32> to vector<1x16xf32>
    tpu.vector_store %arg15[%swap3A_848, %swap3A_849], %swap3A_852 {strides = array<i32>} : memref<32x128xf32, #tpu.memory_space<vmem>>, vector<1x16xf32>,
    %swap3A_853 = arith.constant 15 : i32
    %swap3A_854 = arith.index_cast %swap3A_853 : i32 to index
    %swap3A_855 = arith.constant 96 : index
    %swap3A_856 = tpu.vector_load %arg15[%swap3A_854, %swap3A_855] {strides = array<i32>} : memref<32x128xf32, #tpu.memory_space<vmem>>, vector<1x16xf32>,
    %swap3A_857 = vector.shape_cast %swap3A_856 : vector<1x16xf32> to vector<16xf32>
    %swap3A_858 = vector.shape_cast %broadcast_in_dim3A_97 : vector<16xf32> to vector<1x16xf32>
    tpu.vector_store %arg15[%swap3A_854, %swap3A_855], %swap3A_858 {strides = array<i32>} : memref<32x128xf32, #tpu.memory_space<vmem>>, vector<1x16xf32>,
    %swap3A_859 = arith.constant 15 : i32
    %swap3A_860 = arith.index_cast %swap3A_859 : i32 to index
    %swap3A_861 = arith.constant 112 : index
    %swap3A_862 = tpu.vector_load %arg15[%swap3A_860, %swap3A_861] {strides = array<i32>} : memref<32x128xf32, #tpu.memory_space<vmem>>, vector<1x16xf32>,
    %swap3A_863 = vector.shape_cast %swap3A_862 : vector<1x16xf32> to vector<16xf32>
    %swap3A_864 = vector.shape_cast %broadcast_in_dim3A_97 : vector<16xf32> to vector<1x16xf32>
    tpu.vector_store %arg15[%swap3A_860, %swap3A_861], %swap3A_864 {strides = array<i32>} : memref<32x128xf32, #tpu.memory_space<vmem>>, vector<1x16xf32>,
    %swap3A_865 = arith.constant 16 : i32
    %swap3A_866 = arith.index_cast %swap3A_865 : i32 to index
    %swap3A_867 = arith.constant 0 : index
    %swap3A_868 = tpu.vector_load %arg15[%swap3A_866, %swap3A_867] {strides = array<i32>} : memref<32x128xf32, #tpu.memory_space<vmem>>, vector<1x16xf32>,
    %swap3A_869 = vector.shape_cast %swap3A_868 : vector<1x16xf32> to vector<16xf32>
    %swap3A_870 = vector.shape_cast %broadcast_in_dim3A_97 : vector<16xf32> to vector<1x16xf32>
    tpu.vector_store %arg15[%swap3A_866, %swap3A_867], %swap3A_870 {strides = array<i32>} : memref<32x128xf32, #tpu.memory_space<vmem>>, vector<1x16xf32>,
    %swap3A_871 = arith.constant 16 : i32
    %swap3A_872 = arith.index_cast %swap3A_871 : i32 to index
    %swap3A_873 = arith.constant 16 : index
    %swap3A_874 = tpu.vector_load %arg15[%swap3A_872, %swap3A_873] {strides = array<i32>} : memref<32x128xf32, #tpu.memory_space<vmem>>, vector<1x16xf32>,
    %swap3A_875 = vector.shape_cast %swap3A_874 : vector<1x16xf32> to vector<16xf32>
    %swap3A_876 = vector.shape_cast %broadcast_in_dim3A_97 : vector<16xf32> to vector<1x16xf32>
    tpu.vector_store %arg15[%swap3A_872, %swap3A_873], %swap3A_876 {strides = array<i32>} : memref<32x128xf32, #tpu.memory_space<vmem>>, vector<1x16xf32>,
    %swap3A_877 = arith.constant 16 : i32
    %swap3A_878 = arith.index_cast %swap3A_877 : i32 to index
    %swap3A_879 = arith.constant 32 : index
    %swap3A_880 = tpu.vector_load %arg15[%swap3A_878, %swap3A_879] {strides = array<i32>} : memref<32x128xf32, #tpu.memory_space<vmem>>, vector<1x16xf32>,
    %swap3A_881 = vector.shape_cast %swap3A_880 : vector<1x16xf32> to vector<16xf32>
    %swap3A_882 = vector.shape_cast %broadcast_in_dim3A_97 : vector<16xf32> to vector<1x16xf32>
    tpu.vector_store %arg15[%swap3A_878, %swap3A_879], %swap3A_882 {strides = array<i32>} : memref<32x128xf32, #tpu.memory_space<vmem>>, vector<1x16xf32>,
    %swap3A_883 = arith.constant 16 : i32
    %swap3A_884 = arith.index_cast %swap3A_883 : i32 to index
    %swap3A_885 = arith.constant 48 : index
    %swap3A_886 = tpu.vector_load %arg15[%swap3A_884, %swap3A_885] {strides = array<i32>} : memref<32x128xf32, #tpu.memory_space<vmem>>, vector<1x16xf32>,
    %swap3A_887 = vector.shape_cast %swap3A_886 : vector<1x16xf32> to vector<16xf32>
    %swap3A_888 = vector.shape_cast %broadcast_in_dim3A_97 : vector<16xf32> to vector<1x16xf32>
    tpu.vector_store %arg15[%swap3A_884, %swap3A_885], %swap3A_888 {strides = array<i32>} : memref<32x128xf32, #tpu.memory_space<vmem>>, vector<1x16xf32>,
    %swap3A_889 = arith.constant 16 : i32
    %swap3A_890 = arith.index_cast %swap3A_889 : i32 to index
    %swap3A_891 = arith.constant 64 : index
    %swap3A_892 = tpu.vector_load %arg15[%swap3A_890, %swap3A_891] {strides = array<i32>} : memref<32x128xf32, #tpu.memory_space<vmem>>, vector<1x16xf32>,
    %swap3A_893 = vector.shape_cast %swap3A_892 : vector<1x16xf32> to vector<16xf32>
    %swap3A_894 = vector.shape_cast %broadcast_in_dim3A_97 : vector<16xf32> to vector<1x16xf32>
    tpu.vector_store %arg15[%swap3A_890, %swap3A_891], %swap3A_894 {strides = array<i32>} : memref<32x128xf32, #tpu.memory_space<vmem>>, vector<1x16xf32>,
    %swap3A_895 = arith.constant 16 : i32
    %swap3A_896 = arith.index_cast %swap3A_895 : i32 to index
    %swap3A_897 = arith.constant 80 : index
    %swap3A_898 = tpu.vector_load %arg15[%swap3A_896, %swap3A_897] {strides = array<i32>} : memref<32x128xf32, #tpu.memory_space<vmem>>, vector<1x16xf32>,
    %swap3A_899 = vector.shape_cast %swap3A_898 : vector<1x16xf32> to vector<16xf32>
    %swap3A_900 = vector.shape_cast %broadcast_in_dim3A_97 : vector<16xf32> to vector<1x16xf32>
    tpu.vector_store %arg15[%swap3A_896, %swap3A_897], %swap3A_900 {strides = array<i32>} : memref<32x128xf32, #tpu.memory_space<vmem>>, vector<1x16xf32>,
    %swap3A_901 = arith.constant 16 : i32
    %swap3A_902 = arith.index_cast %swap3A_901 : i32 to index
    %swap3A_903 = arith.constant 96 : index
    %swap3A_904 = tpu.vector_load %arg15[%swap3A_902, %swap3A_903] {strides = array<i32>} : memref<32x128xf32, #tpu.memory_space<vmem>>, vector<1x16xf32>,
    %swap3A_905 = vector.shape_cast %swap3A_904 : vector<1x16xf32> to vector<16xf32>
    %swap3A_906 = vector.shape_cast %broadcast_in_dim3A_97 : vector<16xf32> to vector<1x16xf32>
    tpu.vector_store %arg15[%swap3A_902, %swap3A_903], %swap3A_906 {strides = array<i32>} : memref<32x128xf32, #tpu.memory_space<vmem>>, vector<1x16xf32>,
    %swap3A_907 = arith.constant 16 : i32
    %swap3A_908 = arith.index_cast %swap3A_907 : i32 to index
    %swap3A_909 = arith.constant 112 : index
    %swap3A_910 = tpu.vector_load %arg15[%swap3A_908, %swap3A_909] {strides = array<i32>} : memref<32x128xf32, #tpu.memory_space<vmem>>, vector<1x16xf32>,
    %swap3A_911 = vector.shape_cast %swap3A_910 : vector<1x16xf32> to vector<16xf32>
    %swap3A_912 = vector.shape_cast %broadcast_in_dim3A_97 : vector<16xf32> to vector<1x16xf32>
    tpu.vector_store %arg15[%swap3A_908, %swap3A_909], %swap3A_912 {strides = array<i32>} : memref<32x128xf32, #tpu.memory_space<vmem>>, vector<1x16xf32>,
    %swap3A_913 = arith.constant 17 : i32
    %swap3A_914 = arith.index_cast %swap3A_913 : i32 to index
    %swap3A_915 = arith.constant 0 : index
    %swap3A_916 = tpu.vector_load %arg15[%swap3A_914, %swap3A_915] {strides = array<i32>} : memref<32x128xf32, #tpu.memory_space<vmem>>, vector<1x16xf32>,
    %swap3A_917 = vector.shape_cast %swap3A_916 : vector<1x16xf32> to vector<16xf32>
    %swap3A_918 = vector.shape_cast %broadcast_in_dim3A_97 : vector<16xf32> to vector<1x16xf32>
    tpu.vector_store %arg15[%swap3A_914, %swap3A_915], %swap3A_918 {strides = array<i32>} : memref<32x128xf32, #tpu.memory_space<vmem>>, vector<1x16xf32>,
    %swap3A_919 = arith.constant 17 : i32
    %swap3A_920 = arith.index_cast %swap3A_919 : i32 to index
    %swap3A_921 = arith.constant 16 : index
    %swap3A_922 = tpu.vector_load %arg15[%swap3A_920, %swap3A_921] {strides = array<i32>} : memref<32x128xf32, #tpu.memory_space<vmem>>, vector<1x16xf32>,
    %swap3A_923 = vector.shape_cast %swap3A_922 : vector<1x16xf32> to vector<16xf32>
    %swap3A_924 = vector.shape_cast %broadcast_in_dim3A_97 : vector<16xf32> to vector<1x16xf32>
    tpu.vector_store %arg15[%swap3A_920, %swap3A_921], %swap3A_924 {strides = array<i32>} : memref<32x128xf32, #tpu.memory_space<vmem>>, vector<1x16xf32>,
    %swap3A_925 = arith.constant 17 : i32
    %swap3A_926 = arith.index_cast %swap3A_925 : i32 to index
    %swap3A_927 = arith.constant 32 : index
    %swap3A_928 = tpu.vector_load %arg15[%swap3A_926, %swap3A_927] {strides = array<i32>} : memref<32x128xf32, #tpu.memory_space<vmem>>, vector<1x16xf32>,
    %swap3A_929 = vector.shape_cast %swap3A_928 : vector<1x16xf32> to vector<16xf32>
    %swap3A_930 = vector.shape_cast %broadcast_in_dim3A_97 : vector<16xf32> to vector<1x16xf32>
    tpu.vector_store %arg15[%swap3A_926, %swap3A_927], %swap3A_930 {strides = array<i32>} : memref<32x128xf32, #tpu.memory_space<vmem>>, vector<1x16xf32>,
    %swap3A_931 = arith.constant 17 : i32
    %swap3A_932 = arith.index_cast %swap3A_931 : i32 to index
    %swap3A_933 = arith.constant 48 : index
    %swap3A_934 = tpu.vector_load %arg15[%swap3A_932, %swap3A_933] {strides = array<i32>} : memref<32x128xf32, #tpu.memory_space<vmem>>, vector<1x16xf32>,
    %swap3A_935 = vector.shape_cast %swap3A_934 : vector<1x16xf32> to vector<16xf32>
    %swap3A_936 = vector.shape_cast %broadcast_in_dim3A_97 : vector<16xf32> to vector<1x16xf32>
    tpu.vector_store %arg15[%swap3A_932, %swap3A_933], %swap3A_936 {strides = array<i32>} : memref<32x128xf32, #tpu.memory_space<vmem>>, vector<1x16xf32>,
    %swap3A_937 = arith.constant 17 : i32
    %swap3A_938 = arith.index_cast %swap3A_937 : i32 to index
    %swap3A_939 = arith.constant 64 : index
    %swap3A_940 = tpu.vector_load %arg15[%swap3A_938, %swap3A_939] {strides = array<i32>} : memref<32x128xf32, #tpu.memory_space<vmem>>, vector<1x16xf32>,
    %swap3A_941 = vector.shape_cast %swap3A_940 : vector<1x16xf32> to vector<16xf32>
    %swap3A_942 = vector.shape_cast %broadcast_in_dim3A_97 : vector<16xf32> to vector<1x16xf32>
    tpu.vector_store %arg15[%swap3A_938, %swap3A_939], %swap3A_942 {strides = array<i32>} : memref<32x128xf32, #tpu.memory_space<vmem>>, vector<1x16xf32>,
    %swap3A_943 = arith.constant 17 : i32
    %swap3A_944 = arith.index_cast %swap3A_943 : i32 to index
    %swap3A_945 = arith.constant 80 : index
    %swap3A_946 = tpu.vector_load %arg15[%swap3A_944, %swap3A_945] {strides = array<i32>} : memref<32x128xf32, #tpu.memory_space<vmem>>, vector<1x16xf32>,
    %swap3A_947 = vector.shape_cast %swap3A_946 : vector<1x16xf32> to vector<16xf32>
    %swap3A_948 = vector.shape_cast %broadcast_in_dim3A_97 : vector<16xf32> to vector<1x16xf32>
    tpu.vector_store %arg15[%swap3A_944, %swap3A_945], %swap3A_948 {strides = array<i32>} : memref<32x128xf32, #tpu.memory_space<vmem>>, vector<1x16xf32>,
    %swap3A_949 = arith.constant 17 : i32
    %swap3A_950 = arith.index_cast %swap3A_949 : i32 to index
    %swap3A_951 = arith.constant 96 : index
    %swap3A_952 = tpu.vector_load %arg15[%swap3A_950, %swap3A_951] {strides = array<i32>} : memref<32x128xf32, #tpu.memory_space<vmem>>, vector<1x16xf32>,
    %swap3A_953 = vector.shape_cast %swap3A_952 : vector<1x16xf32> to vector<16xf32>
    %swap3A_954 = vector.shape_cast %broadcast_in_dim3A_97 : vector<16xf32> to vector<1x16xf32>
    tpu.vector_store %arg15[%swap3A_950, %swap3A_951], %swap3A_954 {strides = array<i32>} : memref<32x128xf32, #tpu.memory_space<vmem>>, vector<1x16xf32>,
    %swap3A_955 = arith.constant 17 : i32
    %swap3A_956 = arith.index_cast %swap3A_955 : i32 to index
    %swap3A_957 = arith.constant 112 : index
    %swap3A_958 = tpu.vector_load %arg15[%swap3A_956, %swap3A_957] {strides = array<i32>} : memref<32x128xf32, #tpu.memory_space<vmem>>, vector<1x16xf32>,
    %swap3A_959 = vector.shape_cast %swap3A_958 : vector<1x16xf32> to vector<16xf32>
    %swap3A_960 = vector.shape_cast %broadcast_in_dim3A_97 : vector<16xf32> to vector<1x16xf32>
    tpu.vector_store %arg15[%swap3A_956, %swap3A_957], %swap3A_960 {strides = array<i32>} : memref<32x128xf32, #tpu.memory_space<vmem>>, vector<1x16xf32>,
    %swap3A_961 = arith.constant 18 : i32
    %swap3A_962 = arith.index_cast %swap3A_961 : i32 to index
    %swap3A_963 = arith.constant 0 : index
    %swap3A_964 = tpu.vector_load %arg15[%swap3A_962, %swap3A_963] {strides = array<i32>} : memref<32x128xf32, #tpu.memory_space<vmem>>, vector<1x16xf32>,
    %swap3A_965 = vector.shape_cast %swap3A_964 : vector<1x16xf32> to vector<16xf32>
    %swap3A_966 = vector.shape_cast %broadcast_in_dim3A_97 : vector<16xf32> to vector<1x16xf32>
    tpu.vector_store %arg15[%swap3A_962, %swap3A_963], %swap3A_966 {strides = array<i32>} : memref<32x128xf32, #tpu.memory_space<vmem>>, vector<1x16xf32>,
    %swap3A_967 = arith.constant 18 : i32
    %swap3A_968 = arith.index_cast %swap3A_967 : i32 to index
    %swap3A_969 = arith.constant 16 : index
    %swap3A_970 = tpu.vector_load %arg15[%swap3A_968, %swap3A_969] {strides = array<i32>} : memref<32x128xf32, #tpu.memory_space<vmem>>, vector<1x16xf32>,
    %swap3A_971 = vector.shape_cast %swap3A_970 : vector<1x16xf32> to vector<16xf32>
    %swap3A_972 = vector.shape_cast %broadcast_in_dim3A_97 : vector<16xf32> to vector<1x16xf32>
    tpu.vector_store %arg15[%swap3A_968, %swap3A_969], %swap3A_972 {strides = array<i32>} : memref<32x128xf32, #tpu.memory_space<vmem>>, vector<1x16xf32>,
    %swap3A_973 = arith.constant 18 : i32
    %swap3A_974 = arith.index_cast %swap3A_973 : i32 to index
    %swap3A_975 = arith.constant 32 : index
    %swap3A_976 = tpu.vector_load %arg15[%swap3A_974, %swap3A_975] {strides = array<i32>} : memref<32x128xf32, #tpu.memory_space<vmem>>, vector<1x16xf32>,
    %swap3A_977 = vector.shape_cast %swap3A_976 : vector<1x16xf32> to vector<16xf32>
    %swap3A_978 = vector.shape_cast %broadcast_in_dim3A_97 : vector<16xf32> to vector<1x16xf32>
    tpu.vector_store %arg15[%swap3A_974, %swap3A_975], %swap3A_978 {strides = array<i32>} : memref<32x128xf32, #tpu.memory_space<vmem>>, vector<1x16xf32>,
    %swap3A_979 = arith.constant 18 : i32
    %swap3A_980 = arith.index_cast %swap3A_979 : i32 to index
    %swap3A_981 = arith.constant 48 : index
    %swap3A_982 = tpu.vector_load %arg15[%swap3A_980, %swap3A_981] {strides = array<i32>} : memref<32x128xf32, #tpu.memory_space<vmem>>, vector<1x16xf32>,
    %swap3A_983 = vector.shape_cast %swap3A_982 : vector<1x16xf32> to vector<16xf32>
    %swap3A_984 = vector.shape_cast %broadcast_in_dim3A_97 : vector<16xf32> to vector<1x16xf32>
    tpu.vector_store %arg15[%swap3A_980, %swap3A_981], %swap3A_984 {strides = array<i32>} : memref<32x128xf32, #tpu.memory_space<vmem>>, vector<1x16xf32>,
    %swap3A_985 = arith.constant 18 : i32
    %swap3A_986 = arith.index_cast %swap3A_985 : i32 to index
    %swap3A_987 = arith.constant 64 : index
    %swap3A_988 = tpu.vector_load %arg15[%swap3A_986, %swap3A_987] {strides = array<i32>} : memref<32x128xf32, #tpu.memory_space<vmem>>, vector<1x16xf32>,
    %swap3A_989 = vector.shape_cast %swap3A_988 : vector<1x16xf32> to vector<16xf32>
    %swap3A_990 = vector.shape_cast %broadcast_in_dim3A_97 : vector<16xf32> to vector<1x16xf32>
    tpu.vector_store %arg15[%swap3A_986, %swap3A_987], %swap3A_990 {strides = array<i32>} : memref<32x128xf32, #tpu.memory_space<vmem>>, vector<1x16xf32>,
    %swap3A_991 = arith.constant 18 : i32
    %swap3A_992 = arith.index_cast %swap3A_991 : i32 to index
    %swap3A_993 = arith.constant 80 : index
    %swap3A_994 = tpu.vector_load %arg15[%swap3A_992, %swap3A_993] {strides = array<i32>} : memref<32x128xf32, #tpu.memory_space<vmem>>, vector<1x16xf32>,
    %swap3A_995 = vector.shape_cast %swap3A_994 : vector<1x16xf32> to vector<16xf32>
    %swap3A_996 = vector.shape_cast %broadcast_in_dim3A_97 : vector<16xf32> to vector<1x16xf32>
    tpu.vector_store %arg15[%swap3A_992, %swap3A_993], %swap3A_996 {strides = array<i32>} : memref<32x128xf32, #tpu.memory_space<vmem>>, vector<1x16xf32>,
    %swap3A_997 = arith.constant 18 : i32
    %swap3A_998 = arith.index_cast %swap3A_997 : i32 to index
    %swap3A_999 = arith.constant 96 : index
    %swap3A_1000 = tpu.vector_load %arg15[%swap3A_998, %swap3A_999] {strides = array<i32>} : memref<32x128xf32, #tpu.memory_space<vmem>>, vector<1x16xf32>,
    %swap3A_1001 = vector.shape_cast %swap3A_1000 : vector<1x16xf32> to vector<16xf32>
    %swap3A_1002 = vector.shape_cast %broadcast_in_dim3A_97 : vector<16xf32> to vector<1x16xf32>
    tpu.vector_store %arg15[%swap3A_998, %swap3A_999], %swap3A_1002 {strides = array<i32>} : memref<32x128xf32, #tpu.memory_space<vmem>>, vector<1x16xf32>,
    %swap3A_1003 = arith.constant 18 : i32
    %swap3A_1004 = arith.index_cast %swap3A_1003 : i32 to index
    %swap3A_1005 = arith.constant 112 : index
    %swap3A_1006 = tpu.vector_load %arg15[%swap3A_1004, %swap3A_1005] {strides = array<i32>} : memref<32x128xf32, #tpu.memory_space<vmem>>, vector<1x16xf32>,
    %swap3A_1007 = vector.shape_cast %swap3A_1006 : vector<1x16xf32> to vector<16xf32>
    %swap3A_1008 = vector.shape_cast %broadcast_in_dim3A_97 : vector<16xf32> to vector<1x16xf32>
    tpu.vector_store %arg15[%swap3A_1004, %swap3A_1005], %swap3A_1008 {strides = array<i32>} : memref<32x128xf32, #tpu.memory_space<vmem>>, vector<1x16xf32>,
    %swap3A_1009 = arith.constant 19 : i32
    %swap3A_1010 = arith.index_cast %swap3A_1009 : i32 to index
    %swap3A_1011 = arith.constant 0 : index
    %swap3A_1012 = tpu.vector_load %arg15[%swap3A_1010, %swap3A_1011] {strides = array<i32>} : memref<32x128xf32, #tpu.memory_space<vmem>>, vector<1x16xf32>,
    %swap3A_1013 = vector.shape_cast %swap3A_1012 : vector<1x16xf32> to vector<16xf32>
    %swap3A_1014 = vector.shape_cast %broadcast_in_dim3A_97 : vector<16xf32> to vector<1x16xf32>
    tpu.vector_store %arg15[%swap3A_1010, %swap3A_1011], %swap3A_1014 {strides = array<i32>} : memref<32x128xf32, #tpu.memory_space<vmem>>, vector<1x16xf32>,
    %swap3A_1015 = arith.constant 19 : i32
    %swap3A_1016 = arith.index_cast %swap3A_1015 : i32 to index
    %swap3A_1017 = arith.constant 16 : index
    %swap3A_1018 = tpu.vector_load %arg15[%swap3A_1016, %swap3A_1017] {strides = array<i32>} : memref<32x128xf32, #tpu.memory_space<vmem>>, vector<1x16xf32>,
    %swap3A_1019 = vector.shape_cast %swap3A_1018 : vector<1x16xf32> to vector<16xf32>
    %swap3A_1020 = vector.shape_cast %broadcast_in_dim3A_97 : vector<16xf32> to vector<1x16xf32>
    tpu.vector_store %arg15[%swap3A_1016, %swap3A_1017], %swap3A_1020 {strides = array<i32>} : memref<32x128xf32, #tpu.memory_space<vmem>>, vector<1x16xf32>,
    %swap3A_1021 = arith.constant 19 : i32
    %swap3A_1022 = arith.index_cast %swap3A_1021 : i32 to index
    %swap3A_1023 = arith.constant 32 : index
    %swap3A_1024 = tpu.vector_load %arg15[%swap3A_1022, %swap3A_1023] {strides = array<i32>} : memref<32x128xf32, #tpu.memory_space<vmem>>, vector<1x16xf32>,
    %swap3A_1025 = vector.shape_cast %swap3A_1024 : vector<1x16xf32> to vector<16xf32>
    %swap3A_1026 = vector.shape_cast %broadcast_in_dim3A_97 : vector<16xf32> to vector<1x16xf32>
    tpu.vector_store %arg15[%swap3A_1022, %swap3A_1023], %swap3A_1026 {strides = array<i32>} : memref<32x128xf32, #tpu.memory_space<vmem>>, vector<1x16xf32>,
    %swap3A_1027 = arith.constant 19 : i32
    %swap3A_1028 = arith.index_cast %swap3A_1027 : i32 to index
    %swap3A_1029 = arith.constant 48 : index
    %swap3A_1030 = tpu.vector_load %arg15[%swap3A_1028, %swap3A_1029] {strides = array<i32>} : memref<32x128xf32, #tpu.memory_space<vmem>>, vector<1x16xf32>,
    %swap3A_1031 = vector.shape_cast %swap3A_1030 : vector<1x16xf32> to vector<16xf32>
    %swap3A_1032 = vector.shape_cast %broadcast_in_dim3A_97 : vector<16xf32> to vector<1x16xf32>
    tpu.vector_store %arg15[%swap3A_1028, %swap3A_1029], %swap3A_1032 {strides = array<i32>} : memref<32x128xf32, #tpu.memory_space<vmem>>, vector<1x16xf32>,
    %swap3A_1033 = arith.constant 19 : i32
    %swap3A_1034 = arith.index_cast %swap3A_1033 : i32 to index
    %swap3A_1035 = arith.constant 64 : index
    %swap3A_1036 = tpu.vector_load %arg15[%swap3A_1034, %swap3A_1035] {strides = array<i32>} : memref<32x128xf32, #tpu.memory_space<vmem>>, vector<1x16xf32>,
    %swap3A_1037 = vector.shape_cast %swap3A_1036 : vector<1x16xf32> to vector<16xf32>
    %swap3A_1038 = vector.shape_cast %broadcast_in_dim3A_97 : vector<16xf32> to vector<1x16xf32>
    tpu.vector_store %arg15[%swap3A_1034, %swap3A_1035], %swap3A_1038 {strides = array<i32>} : memref<32x128xf32, #tpu.memory_space<vmem>>, vector<1x16xf32>,
    %swap3A_1039 = arith.constant 19 : i32
    %swap3A_1040 = arith.index_cast %swap3A_1039 : i32 to index
    %swap3A_1041 = arith.constant 80 : index
    %swap3A_1042 = tpu.vector_load %arg15[%swap3A_1040, %swap3A_1041] {strides = array<i32>} : memref<32x128xf32, #tpu.memory_space<vmem>>, vector<1x16xf32>,
    %swap3A_1043 = vector.shape_cast %swap3A_1042 : vector<1x16xf32> to vector<16xf32>
    %swap3A_1044 = vector.shape_cast %broadcast_in_dim3A_97 : vector<16xf32> to vector<1x16xf32>
    tpu.vector_store %arg15[%swap3A_1040, %swap3A_1041], %swap3A_1044 {strides = array<i32>} : memref<32x128xf32, #tpu.memory_space<vmem>>, vector<1x16xf32>,
    %swap3A_1045 = arith.constant 19 : i32
    %swap3A_1046 = arith.index_cast %swap3A_1045 : i32 to index
    %swap3A_1047 = arith.constant 96 : index
    %swap3A_1048 = tpu.vector_load %arg15[%swap3A_1046, %swap3A_1047] {strides = array<i32>} : memref<32x128xf32, #tpu.memory_space<vmem>>, vector<1x16xf32>,
    %swap3A_1049 = vector.shape_cast %swap3A_1048 : vector<1x16xf32> to vector<16xf32>
    %swap3A_1050 = vector.shape_cast %broadcast_in_dim3A_97 : vector<16xf32> to vector<1x16xf32>
    tpu.vector_store %arg15[%swap3A_1046, %swap3A_1047], %swap3A_1050 {strides = array<i32>} : memref<32x128xf32, #tpu.memory_space<vmem>>, vector<1x16xf32>,
    %swap3A_1051 = arith.constant 19 : i32
    %swap3A_1052 = arith.index_cast %swap3A_1051 : i32 to index
    %swap3A_1053 = arith.constant 112 : index
    %swap3A_1054 = tpu.vector_load %arg15[%swap3A_1052, %swap3A_1053] {strides = array<i32>} : memref<32x128xf32, #tpu.memory_space<vmem>>, vector<1x16xf32>,
    %swap3A_1055 = vector.shape_cast %swap3A_1054 : vector<1x16xf32> to vector<16xf32>
    %swap3A_1056 = vector.shape_cast %broadcast_in_dim3A_97 : vector<16xf32> to vector<1x16xf32>
    tpu.vector_store %arg15[%swap3A_1052, %swap3A_1053], %swap3A_1056 {strides = array<i32>} : memref<32x128xf32, #tpu.memory_space<vmem>>, vector<1x16xf32>,
    %swap3A_1057 = arith.constant 20 : i32
    %swap3A_1058 = arith.index_cast %swap3A_1057 : i32 to index
    %swap3A_1059 = arith.constant 0 : index
    %swap3A_1060 = tpu.vector_load %arg15[%swap3A_1058, %swap3A_1059] {strides = array<i32>} : memref<32x128xf32, #tpu.memory_space<vmem>>, vector<1x16xf32>,
    %swap3A_1061 = vector.shape_cast %swap3A_1060 : vector<1x16xf32> to vector<16xf32>
    %swap3A_1062 = vector.shape_cast %broadcast_in_dim3A_97 : vector<16xf32> to vector<1x16xf32>
    tpu.vector_store %arg15[%swap3A_1058, %swap3A_1059], %swap3A_1062 {strides = array<i32>} : memref<32x128xf32, #tpu.memory_space<vmem>>, vector<1x16xf32>,
    %swap3A_1063 = arith.constant 20 : i32
    %swap3A_1064 = arith.index_cast %swap3A_1063 : i32 to index
    %swap3A_1065 = arith.constant 16 : index
    %swap3A_1066 = tpu.vector_load %arg15[%swap3A_1064, %swap3A_1065] {strides = array<i32>} : memref<32x128xf32, #tpu.memory_space<vmem>>, vector<1x16xf32>,
    %swap3A_1067 = vector.shape_cast %swap3A_1066 : vector<1x16xf32> to vector<16xf32>
    %swap3A_1068 = vector.shape_cast %broadcast_in_dim3A_97 : vector<16xf32> to vector<1x16xf32>
    tpu.vector_store %arg15[%swap3A_1064, %swap3A_1065], %swap3A_1068 {strides = array<i32>} : memref<32x128xf32, #tpu.memory_space<vmem>>, vector<1x16xf32>,
    %swap3A_1069 = arith.constant 20 : i32
    %swap3A_1070 = arith.index_cast %swap3A_1069 : i32 to index
    %swap3A_1071 = arith.constant 32 : index
    %swap3A_1072 = tpu.vector_load %arg15[%swap3A_1070, %swap3A_1071] {strides = array<i32>} : memref<32x128xf32, #tpu.memory_space<vmem>>, vector<1x16xf32>,
    %swap3A_1073 = vector.shape_cast %swap3A_1072 : vector<1x16xf32> to vector<16xf32>
    %swap3A_1074 = vector.shape_cast %broadcast_in_dim3A_97 : vector<16xf32> to vector<1x16xf32>
    tpu.vector_store %arg15[%swap3A_1070, %swap3A_1071], %swap3A_1074 {strides = array<i32>} : memref<32x128xf32, #tpu.memory_space<vmem>>, vector<1x16xf32>,
    %swap3A_1075 = arith.constant 20 : i32
    %swap3A_1076 = arith.index_cast %swap3A_1075 : i32 to index
    %swap3A_1077 = arith.constant 48 : index
    %swap3A_1078 = tpu.vector_load %arg15[%swap3A_1076, %swap3A_1077] {strides = array<i32>} : memref<32x128xf32, #tpu.memory_space<vmem>>, vector<1x16xf32>,
    %swap3A_1079 = vector.shape_cast %swap3A_1078 : vector<1x16xf32> to vector<16xf32>
    %swap3A_1080 = vector.shape_cast %broadcast_in_dim3A_97 : vector<16xf32> to vector<1x16xf32>
    tpu.vector_store %arg15[%swap3A_1076, %swap3A_1077], %swap3A_1080 {strides = array<i32>} : memref<32x128xf32, #tpu.memory_space<vmem>>, vector<1x16xf32>,
    %swap3A_1081 = arith.constant 20 : i32
    %swap3A_1082 = arith.index_cast %swap3A_1081 : i32 to index
    %swap3A_1083 = arith.constant 64 : index
    %swap3A_1084 = tpu.vector_load %arg15[%swap3A_1082, %swap3A_1083] {strides = array<i32>} : memref<32x128xf32, #tpu.memory_space<vmem>>, vector<1x16xf32>,
    %swap3A_1085 = vector.shape_cast %swap3A_1084 : vector<1x16xf32> to vector<16xf32>
    %swap3A_1086 = vector.shape_cast %broadcast_in_dim3A_97 : vector<16xf32> to vector<1x16xf32>
    tpu.vector_store %arg15[%swap3A_1082, %swap3A_1083], %swap3A_1086 {strides = array<i32>} : memref<32x128xf32, #tpu.memory_space<vmem>>, vector<1x16xf32>,
    %swap3A_1087 = arith.constant 20 : i32
    %swap3A_1088 = arith.index_cast %swap3A_1087 : i32 to index
    %swap3A_1089 = arith.constant 80 : index
    %swap3A_1090 = tpu.vector_load %arg15[%swap3A_1088, %swap3A_1089] {strides = array<i32>} : memref<32x128xf32, #tpu.memory_space<vmem>>, vector<1x16xf32>,
    %swap3A_1091 = vector.shape_cast %swap3A_1090 : vector<1x16xf32> to vector<16xf32>
    %swap3A_1092 = vector.shape_cast %broadcast_in_dim3A_97 : vector<16xf32> to vector<1x16xf32>
    tpu.vector_store %arg15[%swap3A_1088, %swap3A_1089], %swap3A_1092 {strides = array<i32>} : memref<32x128xf32, #tpu.memory_space<vmem>>, vector<1x16xf32>,
    %swap3A_1093 = arith.constant 20 : i32
    %swap3A_1094 = arith.index_cast %swap3A_1093 : i32 to index
    %swap3A_1095 = arith.constant 96 : index
    %swap3A_1096 = tpu.vector_load %arg15[%swap3A_1094, %swap3A_1095] {strides = array<i32>} : memref<32x128xf32, #tpu.memory_space<vmem>>, vector<1x16xf32>,
    %swap3A_1097 = vector.shape_cast %swap3A_1096 : vector<1x16xf32> to vector<16xf32>
    %swap3A_1098 = vector.shape_cast %broadcast_in_dim3A_97 : vector<16xf32> to vector<1x16xf32>
    tpu.vector_store %arg15[%swap3A_1094, %swap3A_1095], %swap3A_1098 {strides = array<i32>} : memref<32x128xf32, #tpu.memory_space<vmem>>, vector<1x16xf32>,
    %swap3A_1099 = arith.constant 20 : i32
    %swap3A_1100 = arith.index_cast %swap3A_1099 : i32 to index
    %swap3A_1101 = arith.constant 112 : index
    %swap3A_1102 = tpu.vector_load %arg15[%swap3A_1100, %swap3A_1101] {strides = array<i32>} : memref<32x128xf32, #tpu.memory_space<vmem>>, vector<1x16xf32>,
    %swap3A_1103 = vector.shape_cast %swap3A_1102 : vector<1x16xf32> to vector<16xf32>
    %swap3A_1104 = vector.shape_cast %broadcast_in_dim3A_97 : vector<16xf32> to vector<1x16xf32>
    tpu.vector_store %arg15[%swap3A_1100, %swap3A_1101], %swap3A_1104 {strides = array<i32>} : memref<32x128xf32, #tpu.memory_space<vmem>>, vector<1x16xf32>,
    %swap3A_1105 = arith.constant 21 : i32
    %swap3A_1106 = arith.index_cast %swap3A_1105 : i32 to index
    %swap3A_1107 = arith.constant 0 : index
    %swap3A_1108 = tpu.vector_load %arg15[%swap3A_1106, %swap3A_1107] {strides = array<i32>} : memref<32x128xf32, #tpu.memory_space<vmem>>, vector<1x16xf32>,
    %swap3A_1109 = vector.shape_cast %swap3A_1108 : vector<1x16xf32> to vector<16xf32>
    %swap3A_1110 = vector.shape_cast %broadcast_in_dim3A_97 : vector<16xf32> to vector<1x16xf32>
    tpu.vector_store %arg15[%swap3A_1106, %swap3A_1107], %swap3A_1110 {strides = array<i32>} : memref<32x128xf32, #tpu.memory_space<vmem>>, vector<1x16xf32>,
    %swap3A_1111 = arith.constant 21 : i32
    %swap3A_1112 = arith.index_cast %swap3A_1111 : i32 to index
    %swap3A_1113 = arith.constant 16 : index
    %swap3A_1114 = tpu.vector_load %arg15[%swap3A_1112, %swap3A_1113] {strides = array<i32>} : memref<32x128xf32, #tpu.memory_space<vmem>>, vector<1x16xf32>,
    %swap3A_1115 = vector.shape_cast %swap3A_1114 : vector<1x16xf32> to vector<16xf32>
    %swap3A_1116 = vector.shape_cast %broadcast_in_dim3A_97 : vector<16xf32> to vector<1x16xf32>
    tpu.vector_store %arg15[%swap3A_1112, %swap3A_1113], %swap3A_1116 {strides = array<i32>} : memref<32x128xf32, #tpu.memory_space<vmem>>, vector<1x16xf32>,
    %swap3A_1117 = arith.constant 21 : i32
    %swap3A_1118 = arith.index_cast %swap3A_1117 : i32 to index
    %swap3A_1119 = arith.constant 32 : index
    %swap3A_1120 = tpu.vector_load %arg15[%swap3A_1118, %swap3A_1119] {strides = array<i32>} : memref<32x128xf32, #tpu.memory_space<vmem>>, vector<1x16xf32>,
    %swap3A_1121 = vector.shape_cast %swap3A_1120 : vector<1x16xf32> to vector<16xf32>
    %swap3A_1122 = vector.shape_cast %broadcast_in_dim3A_97 : vector<16xf32> to vector<1x16xf32>
    tpu.vector_store %arg15[%swap3A_1118, %swap3A_1119], %swap3A_1122 {strides = array<i32>} : memref<32x128xf32, #tpu.memory_space<vmem>>, vector<1x16xf32>,
    %swap3A_1123 = arith.constant 21 : i32
    %swap3A_1124 = arith.index_cast %swap3A_1123 : i32 to index
    %swap3A_1125 = arith.constant 48 : index
    %swap3A_1126 = tpu.vector_load %arg15[%swap3A_1124, %swap3A_1125] {strides = array<i32>} : memref<32x128xf32, #tpu.memory_space<vmem>>, vector<1x16xf32>,
    %swap3A_1127 = vector.shape_cast %swap3A_1126 : vector<1x16xf32> to vector<16xf32>
    %swap3A_1128 = vector.shape_cast %broadcast_in_dim3A_97 : vector<16xf32> to vector<1x16xf32>
    tpu.vector_store %arg15[%swap3A_1124, %swap3A_1125], %swap3A_1128 {strides = array<i32>} : memref<32x128xf32, #tpu.memory_space<vmem>>, vector<1x16xf32>,
    %swap3A_1129 = arith.constant 21 : i32
    %swap3A_1130 = arith.index_cast %swap3A_1129 : i32 to index
    %swap3A_1131 = arith.constant 64 : index
    %swap3A_1132 = tpu.vector_load %arg15[%swap3A_1130, %swap3A_1131] {strides = array<i32>} : memref<32x128xf32, #tpu.memory_space<vmem>>, vector<1x16xf32>,
    %swap3A_1133 = vector.shape_cast %swap3A_1132 : vector<1x16xf32> to vector<16xf32>
    %swap3A_1134 = vector.shape_cast %broadcast_in_dim3A_97 : vector<16xf32> to vector<1x16xf32>
    tpu.vector_store %arg15[%swap3A_1130, %swap3A_1131], %swap3A_1134 {strides = array<i32>} : memref<32x128xf32, #tpu.memory_space<vmem>>, vector<1x16xf32>,
    %swap3A_1135 = arith.constant 21 : i32
    %swap3A_1136 = arith.index_cast %swap3A_1135 : i32 to index
    %swap3A_1137 = arith.constant 80 : index
    %swap3A_1138 = tpu.vector_load %arg15[%swap3A_1136, %swap3A_1137] {strides = array<i32>} : memref<32x128xf32, #tpu.memory_space<vmem>>, vector<1x16xf32>,
    %swap3A_1139 = vector.shape_cast %swap3A_1138 : vector<1x16xf32> to vector<16xf32>
    %swap3A_1140 = vector.shape_cast %broadcast_in_dim3A_97 : vector<16xf32> to vector<1x16xf32>
    tpu.vector_store %arg15[%swap3A_1136, %swap3A_1137], %swap3A_1140 {strides = array<i32>} : memref<32x128xf32, #tpu.memory_space<vmem>>, vector<1x16xf32>,
    %swap3A_1141 = arith.constant 21 : i32
    %swap3A_1142 = arith.index_cast %swap3A_1141 : i32 to index
    %swap3A_1143 = arith.constant 96 : index
    %swap3A_1144 = tpu.vector_load %arg15[%swap3A_1142, %swap3A_1143] {strides = array<i32>} : memref<32x128xf32, #tpu.memory_space<vmem>>, vector<1x16xf32>,
    %swap3A_1145 = vector.shape_cast %swap3A_1144 : vector<1x16xf32> to vector<16xf32>
    %swap3A_1146 = vector.shape_cast %broadcast_in_dim3A_97 : vector<16xf32> to vector<1x16xf32>
    tpu.vector_store %arg15[%swap3A_1142, %swap3A_1143], %swap3A_1146 {strides = array<i32>} : memref<32x128xf32, #tpu.memory_space<vmem>>, vector<1x16xf32>,
    %swap3A_1147 = arith.constant 21 : i32
    %swap3A_1148 = arith.index_cast %swap3A_1147 : i32 to index
    %swap3A_1149 = arith.constant 112 : index
    %swap3A_1150 = tpu.vector_load %arg15[%swap3A_1148, %swap3A_1149] {strides = array<i32>} : memref<32x128xf32, #tpu.memory_space<vmem>>, vector<1x16xf32>,
    %swap3A_1151 = vector.shape_cast %swap3A_1150 : vector<1x16xf32> to vector<16xf32>
    %swap3A_1152 = vector.shape_cast %broadcast_in_dim3A_97 : vector<16xf32> to vector<1x16xf32>
    tpu.vector_store %arg15[%swap3A_1148, %swap3A_1149], %swap3A_1152 {strides = array<i32>} : memref<32x128xf32, #tpu.memory_space<vmem>>, vector<1x16xf32>,
    %swap3A_1153 = arith.constant 22 : i32
    %swap3A_1154 = arith.index_cast %swap3A_1153 : i32 to index
    %swap3A_1155 = arith.constant 0 : index
    %swap3A_1156 = tpu.vector_load %arg15[%swap3A_1154, %swap3A_1155] {strides = array<i32>} : memref<32x128xf32, #tpu.memory_space<vmem>>, vector<1x16xf32>,
    %swap3A_1157 = vector.shape_cast %swap3A_1156 : vector<1x16xf32> to vector<16xf32>
    %swap3A_1158 = vector.shape_cast %broadcast_in_dim3A_97 : vector<16xf32> to vector<1x16xf32>
    tpu.vector_store %arg15[%swap3A_1154, %swap3A_1155], %swap3A_1158 {strides = array<i32>} : memref<32x128xf32, #tpu.memory_space<vmem>>, vector<1x16xf32>,
    %swap3A_1159 = arith.constant 22 : i32
    %swap3A_1160 = arith.index_cast %swap3A_1159 : i32 to index
    %swap3A_1161 = arith.constant 16 : index
    %swap3A_1162 = tpu.vector_load %arg15[%swap3A_1160, %swap3A_1161] {strides = array<i32>} : memref<32x128xf32, #tpu.memory_space<vmem>>, vector<1x16xf32>,
    %swap3A_1163 = vector.shape_cast %swap3A_1162 : vector<1x16xf32> to vector<16xf32>
    %swap3A_1164 = vector.shape_cast %broadcast_in_dim3A_97 : vector<16xf32> to vector<1x16xf32>
    tpu.vector_store %arg15[%swap3A_1160, %swap3A_1161], %swap3A_1164 {strides = array<i32>} : memref<32x128xf32, #tpu.memory_space<vmem>>, vector<1x16xf32>,
    %swap3A_1165 = arith.constant 22 : i32
    %swap3A_1166 = arith.index_cast %swap3A_1165 : i32 to index
    %swap3A_1167 = arith.constant 32 : index
    %swap3A_1168 = tpu.vector_load %arg15[%swap3A_1166, %swap3A_1167] {strides = array<i32>} : memref<32x128xf32, #tpu.memory_space<vmem>>, vector<1x16xf32>,
    %swap3A_1169 = vector.shape_cast %swap3A_1168 : vector<1x16xf32> to vector<16xf32>
    %swap3A_1170 = vector.shape_cast %broadcast_in_dim3A_97 : vector<16xf32> to vector<1x16xf32>
    tpu.vector_store %arg15[%swap3A_1166, %swap3A_1167], %swap3A_1170 {strides = array<i32>} : memref<32x128xf32, #tpu.memory_space<vmem>>, vector<1x16xf32>,
    %swap3A_1171 = arith.constant 22 : i32
    %swap3A_1172 = arith.index_cast %swap3A_1171 : i32 to index
    %swap3A_1173 = arith.constant 48 : index
    %swap3A_1174 = tpu.vector_load %arg15[%swap3A_1172, %swap3A_1173] {strides = array<i32>} : memref<32x128xf32, #tpu.memory_space<vmem>>, vector<1x16xf32>,
    %swap3A_1175 = vector.shape_cast %swap3A_1174 : vector<1x16xf32> to vector<16xf32>
    %swap3A_1176 = vector.shape_cast %broadcast_in_dim3A_97 : vector<16xf32> to vector<1x16xf32>
    tpu.vector_store %arg15[%swap3A_1172, %swap3A_1173], %swap3A_1176 {strides = array<i32>} : memref<32x128xf32, #tpu.memory_space<vmem>>, vector<1x16xf32>,
    %swap3A_1177 = arith.constant 22 : i32
    %swap3A_1178 = arith.index_cast %swap3A_1177 : i32 to index
    %swap3A_1179 = arith.constant 64 : index
    %swap3A_1180 = tpu.vector_load %arg15[%swap3A_1178, %swap3A_1179] {strides = array<i32>} : memref<32x128xf32, #tpu.memory_space<vmem>>, vector<1x16xf32>,
    %swap3A_1181 = vector.shape_cast %swap3A_1180 : vector<1x16xf32> to vector<16xf32>
    %swap3A_1182 = vector.shape_cast %broadcast_in_dim3A_97 : vector<16xf32> to vector<1x16xf32>
    tpu.vector_store %arg15[%swap3A_1178, %swap3A_1179], %swap3A_1182 {strides = array<i32>} : memref<32x128xf32, #tpu.memory_space<vmem>>, vector<1x16xf32>,
    %swap3A_1183 = arith.constant 22 : i32
    %swap3A_1184 = arith.index_cast %swap3A_1183 : i32 to index
    %swap3A_1185 = arith.constant 80 : index
    %swap3A_1186 = tpu.vector_load %arg15[%swap3A_1184, %swap3A_1185] {strides = array<i32>} : memref<32x128xf32, #tpu.memory_space<vmem>>, vector<1x16xf32>,
    %swap3A_1187 = vector.shape_cast %swap3A_1186 : vector<1x16xf32> to vector<16xf32>
    %swap3A_1188 = vector.shape_cast %broadcast_in_dim3A_97 : vector<16xf32> to vector<1x16xf32>
    tpu.vector_store %arg15[%swap3A_1184, %swap3A_1185], %swap3A_1188 {strides = array<i32>} : memref<32x128xf32, #tpu.memory_space<vmem>>, vector<1x16xf32>,
    %swap3A_1189 = arith.constant 22 : i32
    %swap3A_1190 = arith.index_cast %swap3A_1189 : i32 to index
    %swap3A_1191 = arith.constant 96 : index
    %swap3A_1192 = tpu.vector_load %arg15[%swap3A_1190, %swap3A_1191] {strides = array<i32>} : memref<32x128xf32, #tpu.memory_space<vmem>>, vector<1x16xf32>,
    %swap3A_1193 = vector.shape_cast %swap3A_1192 : vector<1x16xf32> to vector<16xf32>
    %swap3A_1194 = vector.shape_cast %broadcast_in_dim3A_97 : vector<16xf32> to vector<1x16xf32>
    tpu.vector_store %arg15[%swap3A_1190, %swap3A_1191], %swap3A_1194 {strides = array<i32>} : memref<32x128xf32, #tpu.memory_space<vmem>>, vector<1x16xf32>,
    %swap3A_1195 = arith.constant 22 : i32
    %swap3A_1196 = arith.index_cast %swap3A_1195 : i32 to index
    %swap3A_1197 = arith.constant 112 : index
    %swap3A_1198 = tpu.vector_load %arg15[%swap3A_1196, %swap3A_1197] {strides = array<i32>} : memref<32x128xf32, #tpu.memory_space<vmem>>, vector<1x16xf32>,
    %swap3A_1199 = vector.shape_cast %swap3A_1198 : vector<1x16xf32> to vector<16xf32>
    %swap3A_1200 = vector.shape_cast %broadcast_in_dim3A_97 : vector<16xf32> to vector<1x16xf32>
    tpu.vector_store %arg15[%swap3A_1196, %swap3A_1197], %swap3A_1200 {strides = array<i32>} : memref<32x128xf32, #tpu.memory_space<vmem>>, vector<1x16xf32>,
    %swap3A_1201 = arith.constant 23 : i32
    %swap3A_1202 = arith.index_cast %swap3A_1201 : i32 to index
    %swap3A_1203 = arith.constant 0 : index
    %swap3A_1204 = tpu.vector_load %arg15[%swap3A_1202, %swap3A_1203] {strides = array<i32>} : memref<32x128xf32, #tpu.memory_space<vmem>>, vector<1x16xf32>,
    %swap3A_1205 = vector.shape_cast %swap3A_1204 : vector<1x16xf32> to vector<16xf32>
    %swap3A_1206 = vector.shape_cast %broadcast_in_dim3A_97 : vector<16xf32> to vector<1x16xf32>
    tpu.vector_store %arg15[%swap3A_1202, %swap3A_1203], %swap3A_1206 {strides = array<i32>} : memref<32x128xf32, #tpu.memory_space<vmem>>, vector<1x16xf32>,
    %swap3A_1207 = arith.constant 23 : i32
    %swap3A_1208 = arith.index_cast %swap3A_1207 : i32 to index
    %swap3A_1209 = arith.constant 16 : index
    %swap3A_1210 = tpu.vector_load %arg15[%swap3A_1208, %swap3A_1209] {strides = array<i32>} : memref<32x128xf32, #tpu.memory_space<vmem>>, vector<1x16xf32>,
    %swap3A_1211 = vector.shape_cast %swap3A_1210 : vector<1x16xf32> to vector<16xf32>
    %swap3A_1212 = vector.shape_cast %broadcast_in_dim3A_97 : vector<16xf32> to vector<1x16xf32>
    tpu.vector_store %arg15[%swap3A_1208, %swap3A_1209], %swap3A_1212 {strides = array<i32>} : memref<32x128xf32, #tpu.memory_space<vmem>>, vector<1x16xf32>,
    %swap3A_1213 = arith.constant 23 : i32
    %swap3A_1214 = arith.index_cast %swap3A_1213 : i32 to index
    %swap3A_1215 = arith.constant 32 : index
    %swap3A_1216 = tpu.vector_load %arg15[%swap3A_1214, %swap3A_1215] {strides = array<i32>} : memref<32x128xf32, #tpu.memory_space<vmem>>, vector<1x16xf32>,
    %swap3A_1217 = vector.shape_cast %swap3A_1216 : vector<1x16xf32> to vector<16xf32>
    %swap3A_1218 = vector.shape_cast %broadcast_in_dim3A_97 : vector<16xf32> to vector<1x16xf32>
    tpu.vector_store %arg15[%swap3A_1214, %swap3A_1215], %swap3A_1218 {strides = array<i32>} : memref<32x128xf32, #tpu.memory_space<vmem>>, vector<1x16xf32>,
    %swap3A_1219 = arith.constant 23 : i32
    %swap3A_1220 = arith.index_cast %swap3A_1219 : i32 to index
    %swap3A_1221 = arith.constant 48 : index
    %swap3A_1222 = tpu.vector_load %arg15[%swap3A_1220, %swap3A_1221] {strides = array<i32>} : memref<32x128xf32, #tpu.memory_space<vmem>>, vector<1x16xf32>,
    %swap3A_1223 = vector.shape_cast %swap3A_1222 : vector<1x16xf32> to vector<16xf32>
    %swap3A_1224 = vector.shape_cast %broadcast_in_dim3A_97 : vector<16xf32> to vector<1x16xf32>
    tpu.vector_store %arg15[%swap3A_1220, %swap3A_1221], %swap3A_1224 {strides = array<i32>} : memref<32x128xf32, #tpu.memory_space<vmem>>, vector<1x16xf32>,
    %swap3A_1225 = arith.constant 23 : i32
    %swap3A_1226 = arith.index_cast %swap3A_1225 : i32 to index
    %swap3A_1227 = arith.constant 64 : index
    %swap3A_1228 = tpu.vector_load %arg15[%swap3A_1226, %swap3A_1227] {strides = array<i32>} : memref<32x128xf32, #tpu.memory_space<vmem>>, vector<1x16xf32>,
    %swap3A_1229 = vector.shape_cast %swap3A_1228 : vector<1x16xf32> to vector<16xf32>
    %swap3A_1230 = vector.shape_cast %broadcast_in_dim3A_97 : vector<16xf32> to vector<1x16xf32>
    tpu.vector_store %arg15[%swap3A_1226, %swap3A_1227], %swap3A_1230 {strides = array<i32>} : memref<32x128xf32, #tpu.memory_space<vmem>>, vector<1x16xf32>,
    %swap3A_1231 = arith.constant 23 : i32
    %swap3A_1232 = arith.index_cast %swap3A_1231 : i32 to index
    %swap3A_1233 = arith.constant 80 : index
    %swap3A_1234 = tpu.vector_load %arg15[%swap3A_1232, %swap3A_1233] {strides = array<i32>} : memref<32x128xf32, #tpu.memory_space<vmem>>, vector<1x16xf32>,
    %swap3A_1235 = vector.shape_cast %swap3A_1234 : vector<1x16xf32> to vector<16xf32>
    %swap3A_1236 = vector.shape_cast %broadcast_in_dim3A_97 : vector<16xf32> to vector<1x16xf32>
    tpu.vector_store %arg15[%swap3A_1232, %swap3A_1233], %swap3A_1236 {strides = array<i32>} : memref<32x128xf32, #tpu.memory_space<vmem>>, vector<1x16xf32>,
    %swap3A_1237 = arith.constant 23 : i32
    %swap3A_1238 = arith.index_cast %swap3A_1237 : i32 to index
    %swap3A_1239 = arith.constant 96 : index
    %swap3A_1240 = tpu.vector_load %arg15[%swap3A_1238, %swap3A_1239] {strides = array<i32>} : memref<32x128xf32, #tpu.memory_space<vmem>>, vector<1x16xf32>,
    %swap3A_1241 = vector.shape_cast %swap3A_1240 : vector<1x16xf32> to vector<16xf32>
    %swap3A_1242 = vector.shape_cast %broadcast_in_dim3A_97 : vector<16xf32> to vector<1x16xf32>
    tpu.vector_store %arg15[%swap3A_1238, %swap3A_1239], %swap3A_1242 {strides = array<i32>} : memref<32x128xf32, #tpu.memory_space<vmem>>, vector<1x16xf32>,
    %swap3A_1243 = arith.constant 23 : i32
    %swap3A_1244 = arith.index_cast %swap3A_1243 : i32 to index
    %swap3A_1245 = arith.constant 112 : index
    %swap3A_1246 = tpu.vector_load %arg15[%swap3A_1244, %swap3A_1245] {strides = array<i32>} : memref<32x128xf32, #tpu.memory_space<vmem>>, vector<1x16xf32>,
    %swap3A_1247 = vector.shape_cast %swap3A_1246 : vector<1x16xf32> to vector<16xf32>
    %swap3A_1248 = vector.shape_cast %broadcast_in_dim3A_97 : vector<16xf32> to vector<1x16xf32>
    tpu.vector_store %arg15[%swap3A_1244, %swap3A_1245], %swap3A_1248 {strides = array<i32>} : memref<32x128xf32, #tpu.memory_space<vmem>>, vector<1x16xf32>,
    %swap3A_1249 = arith.constant 24 : i32
    %swap3A_1250 = arith.index_cast %swap3A_1249 : i32 to index
    %swap3A_1251 = arith.constant 0 : index
    %swap3A_1252 = tpu.vector_load %arg15[%swap3A_1250, %swap3A_1251] {strides = array<i32>} : memref<32x128xf32, #tpu.memory_space<vmem>>, vector<1x16xf32>,
    %swap3A_1253 = vector.shape_cast %swap3A_1252 : vector<1x16xf32> to vector<16xf32>
    %swap3A_1254 = vector.shape_cast %broadcast_in_dim3A_97 : vector<16xf32> to vector<1x16xf32>
    tpu.vector_store %arg15[%swap3A_1250, %swap3A_1251], %swap3A_1254 {strides = array<i32>} : memref<32x128xf32, #tpu.memory_space<vmem>>, vector<1x16xf32>,
    %swap3A_1255 = arith.constant 24 : i32
    %swap3A_1256 = arith.index_cast %swap3A_1255 : i32 to index
    %swap3A_1257 = arith.constant 16 : index
    %swap3A_1258 = tpu.vector_load %arg15[%swap3A_1256, %swap3A_1257] {strides = array<i32>} : memref<32x128xf32, #tpu.memory_space<vmem>>, vector<1x16xf32>,
    %swap3A_1259 = vector.shape_cast %swap3A_1258 : vector<1x16xf32> to vector<16xf32>
    %swap3A_1260 = vector.shape_cast %broadcast_in_dim3A_97 : vector<16xf32> to vector<1x16xf32>
    tpu.vector_store %arg15[%swap3A_1256, %swap3A_1257], %swap3A_1260 {strides = array<i32>} : memref<32x128xf32, #tpu.memory_space<vmem>>, vector<1x16xf32>,
    %swap3A_1261 = arith.constant 24 : i32
    %swap3A_1262 = arith.index_cast %swap3A_1261 : i32 to index
    %swap3A_1263 = arith.constant 32 : index
    %swap3A_1264 = tpu.vector_load %arg15[%swap3A_1262, %swap3A_1263] {strides = array<i32>} : memref<32x128xf32, #tpu.memory_space<vmem>>, vector<1x16xf32>,
    %swap3A_1265 = vector.shape_cast %swap3A_1264 : vector<1x16xf32> to vector<16xf32>
    %swap3A_1266 = vector.shape_cast %broadcast_in_dim3A_97 : vector<16xf32> to vector<1x16xf32>
    tpu.vector_store %arg15[%swap3A_1262, %swap3A_1263], %swap3A_1266 {strides = array<i32>} : memref<32x128xf32, #tpu.memory_space<vmem>>, vector<1x16xf32>,
    %swap3A_1267 = arith.constant 24 : i32
    %swap3A_1268 = arith.index_cast %swap3A_1267 : i32 to index
    %swap3A_1269 = arith.constant 48 : index
    %swap3A_1270 = tpu.vector_load %arg15[%swap3A_1268, %swap3A_1269] {strides = array<i32>} : memref<32x128xf32, #tpu.memory_space<vmem>>, vector<1x16xf32>,
    %swap3A_1271 = vector.shape_cast %swap3A_1270 : vector<1x16xf32> to vector<16xf32>
    %swap3A_1272 = vector.shape_cast %broadcast_in_dim3A_97 : vector<16xf32> to vector<1x16xf32>
    tpu.vector_store %arg15[%swap3A_1268, %swap3A_1269], %swap3A_1272 {strides = array<i32>} : memref<32x128xf32, #tpu.memory_space<vmem>>, vector<1x16xf32>,
    %swap3A_1273 = arith.constant 24 : i32
    %swap3A_1274 = arith.index_cast %swap3A_1273 : i32 to index
    %swap3A_1275 = arith.constant 64 : index
    %swap3A_1276 = tpu.vector_load %arg15[%swap3A_1274, %swap3A_1275] {strides = array<i32>} : memref<32x128xf32, #tpu.memory_space<vmem>>, vector<1x16xf32>,
    %swap3A_1277 = vector.shape_cast %swap3A_1276 : vector<1x16xf32> to vector<16xf32>
    %swap3A_1278 = vector.shape_cast %broadcast_in_dim3A_97 : vector<16xf32> to vector<1x16xf32>
    tpu.vector_store %arg15[%swap3A_1274, %swap3A_1275], %swap3A_1278 {strides = array<i32>} : memref<32x128xf32, #tpu.memory_space<vmem>>, vector<1x16xf32>,
    %swap3A_1279 = arith.constant 24 : i32
    %swap3A_1280 = arith.index_cast %swap3A_1279 : i32 to index
    %swap3A_1281 = arith.constant 80 : index
    %swap3A_1282 = tpu.vector_load %arg15[%swap3A_1280, %swap3A_1281] {strides = array<i32>} : memref<32x128xf32, #tpu.memory_space<vmem>>, vector<1x16xf32>,
    %swap3A_1283 = vector.shape_cast %swap3A_1282 : vector<1x16xf32> to vector<16xf32>
    %swap3A_1284 = vector.shape_cast %broadcast_in_dim3A_97 : vector<16xf32> to vector<1x16xf32>
    tpu.vector_store %arg15[%swap3A_1280, %swap3A_1281], %swap3A_1284 {strides = array<i32>} : memref<32x128xf32, #tpu.memory_space<vmem>>, vector<1x16xf32>,
    %swap3A_1285 = arith.constant 24 : i32
    %swap3A_1286 = arith.index_cast %swap3A_1285 : i32 to index
    %swap3A_1287 = arith.constant 96 : index
    %swap3A_1288 = tpu.vector_load %arg15[%swap3A_1286, %swap3A_1287] {strides = array<i32>} : memref<32x128xf32, #tpu.memory_space<vmem>>, vector<1x16xf32>,
    %swap3A_1289 = vector.shape_cast %swap3A_1288 : vector<1x16xf32> to vector<16xf32>
    %swap3A_1290 = vector.shape_cast %broadcast_in_dim3A_97 : vector<16xf32> to vector<1x16xf32>
    tpu.vector_store %arg15[%swap3A_1286, %swap3A_1287], %swap3A_1290 {strides = array<i32>} : memref<32x128xf32, #tpu.memory_space<vmem>>, vector<1x16xf32>,
    %swap3A_1291 = arith.constant 24 : i32
    %swap3A_1292 = arith.index_cast %swap3A_1291 : i32 to index
    %swap3A_1293 = arith.constant 112 : index
    %swap3A_1294 = tpu.vector_load %arg15[%swap3A_1292, %swap3A_1293] {strides = array<i32>} : memref<32x128xf32, #tpu.memory_space<vmem>>, vector<1x16xf32>,
    %swap3A_1295 = vector.shape_cast %swap3A_1294 : vector<1x16xf32> to vector<16xf32>
    %swap3A_1296 = vector.shape_cast %broadcast_in_dim3A_97 : vector<16xf32> to vector<1x16xf32>
    tpu.vector_store %arg15[%swap3A_1292, %swap3A_1293], %swap3A_1296 {strides = array<i32>} : memref<32x128xf32, #tpu.memory_space<vmem>>, vector<1x16xf32>,
    %swap3A_1297 = arith.constant 25 : i32
    %swap3A_1298 = arith.index_cast %swap3A_1297 : i32 to index
    %swap3A_1299 = arith.constant 0 : index
    %swap3A_1300 = tpu.vector_load %arg15[%swap3A_1298, %swap3A_1299] {strides = array<i32>} : memref<32x128xf32, #tpu.memory_space<vmem>>, vector<1x16xf32>,
    %swap3A_1301 = vector.shape_cast %swap3A_1300 : vector<1x16xf32> to vector<16xf32>
    %swap3A_1302 = vector.shape_cast %broadcast_in_dim3A_97 : vector<16xf32> to vector<1x16xf32>
    tpu.vector_store %arg15[%swap3A_1298, %swap3A_1299], %swap3A_1302 {strides = array<i32>} : memref<32x128xf32, #tpu.memory_space<vmem>>, vector<1x16xf32>,
    %swap3A_1303 = arith.constant 25 : i32
    %swap3A_1304 = arith.index_cast %swap3A_1303 : i32 to index
    %swap3A_1305 = arith.constant 16 : index
    %swap3A_1306 = tpu.vector_load %arg15[%swap3A_1304, %swap3A_1305] {strides = array<i32>} : memref<32x128xf32, #tpu.memory_space<vmem>>, vector<1x16xf32>,
    %swap3A_1307 = vector.shape_cast %swap3A_1306 : vector<1x16xf32> to vector<16xf32>
    %swap3A_1308 = vector.shape_cast %broadcast_in_dim3A_97 : vector<16xf32> to vector<1x16xf32>
    tpu.vector_store %arg15[%swap3A_1304, %swap3A_1305], %swap3A_1308 {strides = array<i32>} : memref<32x128xf32, #tpu.memory_space<vmem>>, vector<1x16xf32>,
    %swap3A_1309 = arith.constant 25 : i32
    %swap3A_1310 = arith.index_cast %swap3A_1309 : i32 to index
    %swap3A_1311 = arith.constant 32 : index
    %swap3A_1312 = tpu.vector_load %arg15[%swap3A_1310, %swap3A_1311] {strides = array<i32>} : memref<32x128xf32, #tpu.memory_space<vmem>>, vector<1x16xf32>,
    %swap3A_1313 = vector.shape_cast %swap3A_1312 : vector<1x16xf32> to vector<16xf32>
    %swap3A_1314 = vector.shape_cast %broadcast_in_dim3A_97 : vector<16xf32> to vector<1x16xf32>
    tpu.vector_store %arg15[%swap3A_1310, %swap3A_1311], %swap3A_1314 {strides = array<i32>} : memref<32x128xf32, #tpu.memory_space<vmem>>, vector<1x16xf32>,
    %swap3A_1315 = arith.constant 25 : i32
    %swap3A_1316 = arith.index_cast %swap3A_1315 : i32 to index
    %swap3A_1317 = arith.constant 48 : index
    %swap3A_1318 = tpu.vector_load %arg15[%swap3A_1316, %swap3A_1317] {strides = array<i32>} : memref<32x128xf32, #tpu.memory_space<vmem>>, vector<1x16xf32>,
    %swap3A_1319 = vector.shape_cast %swap3A_1318 : vector<1x16xf32> to vector<16xf32>
    %swap3A_1320 = vector.shape_cast %broadcast_in_dim3A_97 : vector<16xf32> to vector<1x16xf32>
    tpu.vector_store %arg15[%swap3A_1316, %swap3A_1317], %swap3A_1320 {strides = array<i32>} : memref<32x128xf32, #tpu.memory_space<vmem>>, vector<1x16xf32>,
    %swap3A_1321 = arith.constant 25 : i32
    %swap3A_1322 = arith.index_cast %swap3A_1321 : i32 to index
    %swap3A_1323 = arith.constant 64 : index
    %swap3A_1324 = tpu.vector_load %arg15[%swap3A_1322, %swap3A_1323] {strides = array<i32>} : memref<32x128xf32, #tpu.memory_space<vmem>>, vector<1x16xf32>,
    %swap3A_1325 = vector.shape_cast %swap3A_1324 : vector<1x16xf32> to vector<16xf32>
    %swap3A_1326 = vector.shape_cast %broadcast_in_dim3A_97 : vector<16xf32> to vector<1x16xf32>
    tpu.vector_store %arg15[%swap3A_1322, %swap3A_1323], %swap3A_1326 {strides = array<i32>} : memref<32x128xf32, #tpu.memory_space<vmem>>, vector<1x16xf32>,
    %swap3A_1327 = arith.constant 25 : i32
    %swap3A_1328 = arith.index_cast %swap3A_1327 : i32 to index
    %swap3A_1329 = arith.constant 80 : index
    %swap3A_1330 = tpu.vector_load %arg15[%swap3A_1328, %swap3A_1329] {strides = array<i32>} : memref<32x128xf32, #tpu.memory_space<vmem>>, vector<1x16xf32>,
    %swap3A_1331 = vector.shape_cast %swap3A_1330 : vector<1x16xf32> to vector<16xf32>
    %swap3A_1332 = vector.shape_cast %broadcast_in_dim3A_97 : vector<16xf32> to vector<1x16xf32>
    tpu.vector_store %arg15[%swap3A_1328, %swap3A_1329], %swap3A_1332 {strides = array<i32>} : memref<32x128xf32, #tpu.memory_space<vmem>>, vector<1x16xf32>,
    %swap3A_1333 = arith.constant 25 : i32
    %swap3A_1334 = arith.index_cast %swap3A_1333 : i32 to index
    %swap3A_1335 = arith.constant 96 : index
    %swap3A_1336 = tpu.vector_load %arg15[%swap3A_1334, %swap3A_1335] {strides = array<i32>} : memref<32x128xf32, #tpu.memory_space<vmem>>, vector<1x16xf32>,
    %swap3A_1337 = vector.shape_cast %swap3A_1336 : vector<1x16xf32> to vector<16xf32>
    %swap3A_1338 = vector.shape_cast %broadcast_in_dim3A_97 : vector<16xf32> to vector<1x16xf32>
    tpu.vector_store %arg15[%swap3A_1334, %swap3A_1335], %swap3A_1338 {strides = array<i32>} : memref<32x128xf32, #tpu.memory_space<vmem>>, vector<1x16xf32>,
    %swap3A_1339 = arith.constant 25 : i32
    %swap3A_1340 = arith.index_cast %swap3A_1339 : i32 to index
    %swap3A_1341 = arith.constant 112 : index
    %swap3A_1342 = tpu.vector_load %arg15[%swap3A_1340, %swap3A_1341] {strides = array<i32>} : memref<32x128xf32, #tpu.memory_space<vmem>>, vector<1x16xf32>,
    %swap3A_1343 = vector.shape_cast %swap3A_1342 : vector<1x16xf32> to vector<16xf32>
    %swap3A_1344 = vector.shape_cast %broadcast_in_dim3A_97 : vector<16xf32> to vector<1x16xf32>
    tpu.vector_store %arg15[%swap3A_1340, %swap3A_1341], %swap3A_1344 {strides = array<i32>} : memref<32x128xf32, #tpu.memory_space<vmem>>, vector<1x16xf32>,
    %swap3A_1345 = arith.constant 26 : i32
    %swap3A_1346 = arith.index_cast %swap3A_1345 : i32 to index
    %swap3A_1347 = arith.constant 0 : index
    %swap3A_1348 = tpu.vector_load %arg15[%swap3A_1346, %swap3A_1347] {strides = array<i32>} : memref<32x128xf32, #tpu.memory_space<vmem>>, vector<1x16xf32>,
    %swap3A_1349 = vector.shape_cast %swap3A_1348 : vector<1x16xf32> to vector<16xf32>
    %swap3A_1350 = vector.shape_cast %broadcast_in_dim3A_97 : vector<16xf32> to vector<1x16xf32>
    tpu.vector_store %arg15[%swap3A_1346, %swap3A_1347], %swap3A_1350 {strides = array<i32>} : memref<32x128xf32, #tpu.memory_space<vmem>>, vector<1x16xf32>,
    %swap3A_1351 = arith.constant 26 : i32
    %swap3A_1352 = arith.index_cast %swap3A_1351 : i32 to index
    %swap3A_1353 = arith.constant 16 : index
    %swap3A_1354 = tpu.vector_load %arg15[%swap3A_1352, %swap3A_1353] {strides = array<i32>} : memref<32x128xf32, #tpu.memory_space<vmem>>, vector<1x16xf32>,
    %swap3A_1355 = vector.shape_cast %swap3A_1354 : vector<1x16xf32> to vector<16xf32>
    %swap3A_1356 = vector.shape_cast %broadcast_in_dim3A_97 : vector<16xf32> to vector<1x16xf32>
    tpu.vector_store %arg15[%swap3A_1352, %swap3A_1353], %swap3A_1356 {strides = array<i32>} : memref<32x128xf32, #tpu.memory_space<vmem>>, vector<1x16xf32>,
    %swap3A_1357 = arith.constant 26 : i32
    %swap3A_1358 = arith.index_cast %swap3A_1357 : i32 to index
    %swap3A_1359 = arith.constant 32 : index
    %swap3A_1360 = tpu.vector_load %arg15[%swap3A_1358, %swap3A_1359] {strides = array<i32>} : memref<32x128xf32, #tpu.memory_space<vmem>>, vector<1x16xf32>,
    %swap3A_1361 = vector.shape_cast %swap3A_1360 : vector<1x16xf32> to vector<16xf32>
    %swap3A_1362 = vector.shape_cast %broadcast_in_dim3A_97 : vector<16xf32> to vector<1x16xf32>
    tpu.vector_store %arg15[%swap3A_1358, %swap3A_1359], %swap3A_1362 {strides = array<i32>} : memref<32x128xf32, #tpu.memory_space<vmem>>, vector<1x16xf32>,
    %swap3A_1363 = arith.constant 26 : i32
    %swap3A_1364 = arith.index_cast %swap3A_1363 : i32 to index
    %swap3A_1365 = arith.constant 48 : index
    %swap3A_1366 = tpu.vector_load %arg15[%swap3A_1364, %swap3A_1365] {strides = array<i32>} : memref<32x128xf32, #tpu.memory_space<vmem>>, vector<1x16xf32>,
    %swap3A_1367 = vector.shape_cast %swap3A_1366 : vector<1x16xf32> to vector<16xf32>
    %swap3A_1368 = vector.shape_cast %broadcast_in_dim3A_97 : vector<16xf32> to vector<1x16xf32>
    tpu.vector_store %arg15[%swap3A_1364, %swap3A_1365], %swap3A_1368 {strides = array<i32>} : memref<32x128xf32, #tpu.memory_space<vmem>>, vector<1x16xf32>,
    %swap3A_1369 = arith.constant 26 : i32
    %swap3A_1370 = arith.index_cast %swap3A_1369 : i32 to index
    %swap3A_1371 = arith.constant 64 : index
    %swap3A_1372 = tpu.vector_load %arg15[%swap3A_1370, %swap3A_1371] {strides = array<i32>} : memref<32x128xf32, #tpu.memory_space<vmem>>, vector<1x16xf32>,
    %swap3A_1373 = vector.shape_cast %swap3A_1372 : vector<1x16xf32> to vector<16xf32>
    %swap3A_1374 = vector.shape_cast %broadcast_in_dim3A_97 : vector<16xf32> to vector<1x16xf32>
    tpu.vector_store %arg15[%swap3A_1370, %swap3A_1371], %swap3A_1374 {strides = array<i32>} : memref<32x128xf32, #tpu.memory_space<vmem>>, vector<1x16xf32>,
    %swap3A_1375 = arith.constant 26 : i32
    %swap3A_1376 = arith.index_cast %swap3A_1375 : i32 to index
    %swap3A_1377 = arith.constant 80 : index
    %swap3A_1378 = tpu.vector_load %arg15[%swap3A_1376, %swap3A_1377] {strides = array<i32>} : memref<32x128xf32, #tpu.memory_space<vmem>>, vector<1x16xf32>,
    %swap3A_1379 = vector.shape_cast %swap3A_1378 : vector<1x16xf32> to vector<16xf32>
    %swap3A_1380 = vector.shape_cast %broadcast_in_dim3A_97 : vector<16xf32> to vector<1x16xf32>
    tpu.vector_store %arg15[%swap3A_1376, %swap3A_1377], %swap3A_1380 {strides = array<i32>} : memref<32x128xf32, #tpu.memory_space<vmem>>, vector<1x16xf32>,
    %swap3A_1381 = arith.constant 26 : i32
    %swap3A_1382 = arith.index_cast %swap3A_1381 : i32 to index
    %swap3A_1383 = arith.constant 96 : index
    %swap3A_1384 = tpu.vector_load %arg15[%swap3A_1382, %swap3A_1383] {strides = array<i32>} : memref<32x128xf32, #tpu.memory_space<vmem>>, vector<1x16xf32>,
    %swap3A_1385 = vector.shape_cast %swap3A_1384 : vector<1x16xf32> to vector<16xf32>
    %swap3A_1386 = vector.shape_cast %broadcast_in_dim3A_97 : vector<16xf32> to vector<1x16xf32>
    tpu.vector_store %arg15[%swap3A_1382, %swap3A_1383], %swap3A_1386 {strides = array<i32>} : memref<32x128xf32, #tpu.memory_space<vmem>>, vector<1x16xf32>,
    %swap3A_1387 = arith.constant 26 : i32
    %swap3A_1388 = arith.index_cast %swap3A_1387 : i32 to index
    %swap3A_1389 = arith.constant 112 : index
    %swap3A_1390 = tpu.vector_load %arg15[%swap3A_1388, %swap3A_1389] {strides = array<i32>} : memref<32x128xf32, #tpu.memory_space<vmem>>, vector<1x16xf32>,
    %swap3A_1391 = vector.shape_cast %swap3A_1390 : vector<1x16xf32> to vector<16xf32>
    %swap3A_1392 = vector.shape_cast %broadcast_in_dim3A_97 : vector<16xf32> to vector<1x16xf32>
    tpu.vector_store %arg15[%swap3A_1388, %swap3A_1389], %swap3A_1392 {strides = array<i32>} : memref<32x128xf32, #tpu.memory_space<vmem>>, vector<1x16xf32>,
    %swap3A_1393 = arith.constant 27 : i32
    %swap3A_1394 = arith.index_cast %swap3A_1393 : i32 to index
    %swap3A_1395 = arith.constant 0 : index
    %swap3A_1396 = tpu.vector_load %arg15[%swap3A_1394, %swap3A_1395] {strides = array<i32>} : memref<32x128xf32, #tpu.memory_space<vmem>>, vector<1x16xf32>,
    %swap3A_1397 = vector.shape_cast %swap3A_1396 : vector<1x16xf32> to vector<16xf32>
    %swap3A_1398 = vector.shape_cast %broadcast_in_dim3A_97 : vector<16xf32> to vector<1x16xf32>
    tpu.vector_store %arg15[%swap3A_1394, %swap3A_1395], %swap3A_1398 {strides = array<i32>} : memref<32x128xf32, #tpu.memory_space<vmem>>, vector<1x16xf32>,
    %swap3A_1399 = arith.constant 27 : i32
    %swap3A_1400 = arith.index_cast %swap3A_1399 : i32 to index
    %swap3A_1401 = arith.constant 16 : index
    %swap3A_1402 = tpu.vector_load %arg15[%swap3A_1400, %swap3A_1401] {strides = array<i32>} : memref<32x128xf32, #tpu.memory_space<vmem>>, vector<1x16xf32>,
    %swap3A_1403 = vector.shape_cast %swap3A_1402 : vector<1x16xf32> to vector<16xf32>
    %swap3A_1404 = vector.shape_cast %broadcast_in_dim3A_97 : vector<16xf32> to vector<1x16xf32>
    tpu.vector_store %arg15[%swap3A_1400, %swap3A_1401], %swap3A_1404 {strides = array<i32>} : memref<32x128xf32, #tpu.memory_space<vmem>>, vector<1x16xf32>,
    %swap3A_1405 = arith.constant 27 : i32
    %swap3A_1406 = arith.index_cast %swap3A_1405 : i32 to index
    %swap3A_1407 = arith.constant 32 : index
    %swap3A_1408 = tpu.vector_load %arg15[%swap3A_1406, %swap3A_1407] {strides = array<i32>} : memref<32x128xf32, #tpu.memory_space<vmem>>, vector<1x16xf32>,
    %swap3A_1409 = vector.shape_cast %swap3A_1408 : vector<1x16xf32> to vector<16xf32>
    %swap3A_1410 = vector.shape_cast %broadcast_in_dim3A_97 : vector<16xf32> to vector<1x16xf32>
    tpu.vector_store %arg15[%swap3A_1406, %swap3A_1407], %swap3A_1410 {strides = array<i32>} : memref<32x128xf32, #tpu.memory_space<vmem>>, vector<1x16xf32>,
    %swap3A_1411 = arith.constant 27 : i32
    %swap3A_1412 = arith.index_cast %swap3A_1411 : i32 to index
    %swap3A_1413 = arith.constant 48 : index
    %swap3A_1414 = tpu.vector_load %arg15[%swap3A_1412, %swap3A_1413] {strides = array<i32>} : memref<32x128xf32, #tpu.memory_space<vmem>>, vector<1x16xf32>,
    %swap3A_1415 = vector.shape_cast %swap3A_1414 : vector<1x16xf32> to vector<16xf32>
    %swap3A_1416 = vector.shape_cast %broadcast_in_dim3A_97 : vector<16xf32> to vector<1x16xf32>
    tpu.vector_store %arg15[%swap3A_1412, %swap3A_1413], %swap3A_1416 {strides = array<i32>} : memref<32x128xf32, #tpu.memory_space<vmem>>, vector<1x16xf32>,
    %swap3A_1417 = arith.constant 27 : i32
    %swap3A_1418 = arith.index_cast %swap3A_1417 : i32 to index
    %swap3A_1419 = arith.constant 64 : index
    %swap3A_1420 = tpu.vector_load %arg15[%swap3A_1418, %swap3A_1419] {strides = array<i32>} : memref<32x128xf32, #tpu.memory_space<vmem>>, vector<1x16xf32>,
    %swap3A_1421 = vector.shape_cast %swap3A_1420 : vector<1x16xf32> to vector<16xf32>
    %swap3A_1422 = vector.shape_cast %broadcast_in_dim3A_97 : vector<16xf32> to vector<1x16xf32>
    tpu.vector_store %arg15[%swap3A_1418, %swap3A_1419], %swap3A_1422 {strides = array<i32>} : memref<32x128xf32, #tpu.memory_space<vmem>>, vector<1x16xf32>,
    %swap3A_1423 = arith.constant 27 : i32
    %swap3A_1424 = arith.index_cast %swap3A_1423 : i32 to index
    %swap3A_1425 = arith.constant 80 : index
    %swap3A_1426 = tpu.vector_load %arg15[%swap3A_1424, %swap3A_1425] {strides = array<i32>} : memref<32x128xf32, #tpu.memory_space<vmem>>, vector<1x16xf32>,
    %swap3A_1427 = vector.shape_cast %swap3A_1426 : vector<1x16xf32> to vector<16xf32>
    %swap3A_1428 = vector.shape_cast %broadcast_in_dim3A_97 : vector<16xf32> to vector<1x16xf32>
    tpu.vector_store %arg15[%swap3A_1424, %swap3A_1425], %swap3A_1428 {strides = array<i32>} : memref<32x128xf32, #tpu.memory_space<vmem>>, vector<1x16xf32>,
    %swap3A_1429 = arith.constant 27 : i32
    %swap3A_1430 = arith.index_cast %swap3A_1429 : i32 to index
    %swap3A_1431 = arith.constant 96 : index
    %swap3A_1432 = tpu.vector_load %arg15[%swap3A_1430, %swap3A_1431] {strides = array<i32>} : memref<32x128xf32, #tpu.memory_space<vmem>>, vector<1x16xf32>,
    %swap3A_1433 = vector.shape_cast %swap3A_1432 : vector<1x16xf32> to vector<16xf32>
    %swap3A_1434 = vector.shape_cast %broadcast_in_dim3A_97 : vector<16xf32> to vector<1x16xf32>
    tpu.vector_store %arg15[%swap3A_1430, %swap3A_1431], %swap3A_1434 {strides = array<i32>} : memref<32x128xf32, #tpu.memory_space<vmem>>, vector<1x16xf32>,
    %swap3A_1435 = arith.constant 27 : i32
    %swap3A_1436 = arith.index_cast %swap3A_1435 : i32 to index
    %swap3A_1437 = arith.constant 112 : index
    %swap3A_1438 = tpu.vector_load %arg15[%swap3A_1436, %swap3A_1437] {strides = array<i32>} : memref<32x128xf32, #tpu.memory_space<vmem>>, vector<1x16xf32>,
    %swap3A_1439 = vector.shape_cast %swap3A_1438 : vector<1x16xf32> to vector<16xf32>
    %swap3A_1440 = vector.shape_cast %broadcast_in_dim3A_97 : vector<16xf32> to vector<1x16xf32>
    tpu.vector_store %arg15[%swap3A_1436, %swap3A_1437], %swap3A_1440 {strides = array<i32>} : memref<32x128xf32, #tpu.memory_space<vmem>>, vector<1x16xf32>,
    %swap3A_1441 = arith.constant 28 : i32
    %swap3A_1442 = arith.index_cast %swap3A_1441 : i32 to index
    %swap3A_1443 = arith.constant 0 : index
    %swap3A_1444 = tpu.vector_load %arg15[%swap3A_1442, %swap3A_1443] {strides = array<i32>} : memref<32x128xf32, #tpu.memory_space<vmem>>, vector<1x16xf32>,
    %swap3A_1445 = vector.shape_cast %swap3A_1444 : vector<1x16xf32> to vector<16xf32>
    %swap3A_1446 = vector.shape_cast %broadcast_in_dim3A_97 : vector<16xf32> to vector<1x16xf32>
    tpu.vector_store %arg15[%swap3A_1442, %swap3A_1443], %swap3A_1446 {strides = array<i32>} : memref<32x128xf32, #tpu.memory_space<vmem>>, vector<1x16xf32>,
    %swap3A_1447 = arith.constant 28 : i32
    %swap3A_1448 = arith.index_cast %swap3A_1447 : i32 to index
    %swap3A_1449 = arith.constant 16 : index
    %swap3A_1450 = tpu.vector_load %arg15[%swap3A_1448, %swap3A_1449] {strides = array<i32>} : memref<32x128xf32, #tpu.memory_space<vmem>>, vector<1x16xf32>,
    %swap3A_1451 = vector.shape_cast %swap3A_1450 : vector<1x16xf32> to vector<16xf32>
    %swap3A_1452 = vector.shape_cast %broadcast_in_dim3A_97 : vector<16xf32> to vector<1x16xf32>
    tpu.vector_store %arg15[%swap3A_1448, %swap3A_1449], %swap3A_1452 {strides = array<i32>} : memref<32x128xf32, #tpu.memory_space<vmem>>, vector<1x16xf32>,
    %swap3A_1453 = arith.constant 28 : i32
    %swap3A_1454 = arith.index_cast %swap3A_1453 : i32 to index
    %swap3A_1455 = arith.constant 32 : index
    %swap3A_1456 = tpu.vector_load %arg15[%swap3A_1454, %swap3A_1455] {strides = array<i32>} : memref<32x128xf32, #tpu.memory_space<vmem>>, vector<1x16xf32>,
    %swap3A_1457 = vector.shape_cast %swap3A_1456 : vector<1x16xf32> to vector<16xf32>
    %swap3A_1458 = vector.shape_cast %broadcast_in_dim3A_97 : vector<16xf32> to vector<1x16xf32>
    tpu.vector_store %arg15[%swap3A_1454, %swap3A_1455], %swap3A_1458 {strides = array<i32>} : memref<32x128xf32, #tpu.memory_space<vmem>>, vector<1x16xf32>,
    %swap3A_1459 = arith.constant 28 : i32
    %swap3A_1460 = arith.index_cast %swap3A_1459 : i32 to index
    %swap3A_1461 = arith.constant 48 : index
    %swap3A_1462 = tpu.vector_load %arg15[%swap3A_1460, %swap3A_1461] {strides = array<i32>} : memref<32x128xf32, #tpu.memory_space<vmem>>, vector<1x16xf32>,
    %swap3A_1463 = vector.shape_cast %swap3A_1462 : vector<1x16xf32> to vector<16xf32>
    %swap3A_1464 = vector.shape_cast %broadcast_in_dim3A_97 : vector<16xf32> to vector<1x16xf32>
    tpu.vector_store %arg15[%swap3A_1460, %swap3A_1461], %swap3A_1464 {strides = array<i32>} : memref<32x128xf32, #tpu.memory_space<vmem>>, vector<1x16xf32>,
    %swap3A_1465 = arith.constant 28 : i32
    %swap3A_1466 = arith.index_cast %swap3A_1465 : i32 to index
    %swap3A_1467 = arith.constant 64 : index
    %swap3A_1468 = tpu.vector_load %arg15[%swap3A_1466, %swap3A_1467] {strides = array<i32>} : memref<32x128xf32, #tpu.memory_space<vmem>>, vector<1x16xf32>,
    %swap3A_1469 = vector.shape_cast %swap3A_1468 : vector<1x16xf32> to vector<16xf32>
    %swap3A_1470 = vector.shape_cast %broadcast_in_dim3A_97 : vector<16xf32> to vector<1x16xf32>
    tpu.vector_store %arg15[%swap3A_1466, %swap3A_1467], %swap3A_1470 {strides = array<i32>} : memref<32x128xf32, #tpu.memory_space<vmem>>, vector<1x16xf32>,
    %swap3A_1471 = arith.constant 28 : i32
    %swap3A_1472 = arith.index_cast %swap3A_1471 : i32 to index
    %swap3A_1473 = arith.constant 80 : index
    %swap3A_1474 = tpu.vector_load %arg15[%swap3A_1472, %swap3A_1473] {strides = array<i32>} : memref<32x128xf32, #tpu.memory_space<vmem>>, vector<1x16xf32>,
    %swap3A_1475 = vector.shape_cast %swap3A_1474 : vector<1x16xf32> to vector<16xf32>
    %swap3A_1476 = vector.shape_cast %broadcast_in_dim3A_97 : vector<16xf32> to vector<1x16xf32>
    tpu.vector_store %arg15[%swap3A_1472, %swap3A_1473], %swap3A_1476 {strides = array<i32>} : memref<32x128xf32, #tpu.memory_space<vmem>>, vector<1x16xf32>,
    %swap3A_1477 = arith.constant 28 : i32
    %swap3A_1478 = arith.index_cast %swap3A_1477 : i32 to index
    %swap3A_1479 = arith.constant 96 : index
    %swap3A_1480 = tpu.vector_load %arg15[%swap3A_1478, %swap3A_1479] {strides = array<i32>} : memref<32x128xf32, #tpu.memory_space<vmem>>, vector<1x16xf32>,
    %swap3A_1481 = vector.shape_cast %swap3A_1480 : vector<1x16xf32> to vector<16xf32>
    %swap3A_1482 = vector.shape_cast %broadcast_in_dim3A_97 : vector<16xf32> to vector<1x16xf32>
    tpu.vector_store %arg15[%swap3A_1478, %swap3A_1479], %swap3A_1482 {strides = array<i32>} : memref<32x128xf32, #tpu.memory_space<vmem>>, vector<1x16xf32>,
    %swap3A_1483 = arith.constant 28 : i32
    %swap3A_1484 = arith.index_cast %swap3A_1483 : i32 to index
    %swap3A_1485 = arith.constant 112 : index
    %swap3A_1486 = tpu.vector_load %arg15[%swap3A_1484, %swap3A_1485] {strides = array<i32>} : memref<32x128xf32, #tpu.memory_space<vmem>>, vector<1x16xf32>,
    %swap3A_1487 = vector.shape_cast %swap3A_1486 : vector<1x16xf32> to vector<16xf32>
    %swap3A_1488 = vector.shape_cast %broadcast_in_dim3A_97 : vector<16xf32> to vector<1x16xf32>
    tpu.vector_store %arg15[%swap3A_1484, %swap3A_1485], %swap3A_1488 {strides = array<i32>} : memref<32x128xf32, #tpu.memory_space<vmem>>, vector<1x16xf32>,
    %swap3A_1489 = arith.constant 29 : i32
    %swap3A_1490 = arith.index_cast %swap3A_1489 : i32 to index
    %swap3A_1491 = arith.constant 0 : index
    %swap3A_1492 = tpu.vector_load %arg15[%swap3A_1490, %swap3A_1491] {strides = array<i32>} : memref<32x128xf32, #tpu.memory_space<vmem>>, vector<1x16xf32>,
    %swap3A_1493 = vector.shape_cast %swap3A_1492 : vector<1x16xf32> to vector<16xf32>
    %swap3A_1494 = vector.shape_cast %broadcast_in_dim3A_97 : vector<16xf32> to vector<1x16xf32>
    tpu.vector_store %arg15[%swap3A_1490, %swap3A_1491], %swap3A_1494 {strides = array<i32>} : memref<32x128xf32, #tpu.memory_space<vmem>>, vector<1x16xf32>,
    %swap3A_1495 = arith.constant 29 : i32
    %swap3A_1496 = arith.index_cast %swap3A_1495 : i32 to index
    %swap3A_1497 = arith.constant 16 : index
    %swap3A_1498 = tpu.vector_load %arg15[%swap3A_1496, %swap3A_1497] {strides = array<i32>} : memref<32x128xf32, #tpu.memory_space<vmem>>, vector<1x16xf32>,
    %swap3A_1499 = vector.shape_cast %swap3A_1498 : vector<1x16xf32> to vector<16xf32>
    %swap3A_1500 = vector.shape_cast %broadcast_in_dim3A_97 : vector<16xf32> to vector<1x16xf32>
    tpu.vector_store %arg15[%swap3A_1496, %swap3A_1497], %swap3A_1500 {strides = array<i32>} : memref<32x128xf32, #tpu.memory_space<vmem>>, vector<1x16xf32>,
    %swap3A_1501 = arith.constant 29 : i32
    %swap3A_1502 = arith.index_cast %swap3A_1501 : i32 to index
    %swap3A_1503 = arith.constant 32 : index
    %swap3A_1504 = tpu.vector_load %arg15[%swap3A_1502, %swap3A_1503] {strides = array<i32>} : memref<32x128xf32, #tpu.memory_space<vmem>>, vector<1x16xf32>,
    %swap3A_1505 = vector.shape_cast %swap3A_1504 : vector<1x16xf32> to vector<16xf32>
    %swap3A_1506 = vector.shape_cast %broadcast_in_dim3A_97 : vector<16xf32> to vector<1x16xf32>
    tpu.vector_store %arg15[%swap3A_1502, %swap3A_1503], %swap3A_1506 {strides = array<i32>} : memref<32x128xf32, #tpu.memory_space<vmem>>, vector<1x16xf32>,
    %swap3A_1507 = arith.constant 29 : i32
    %swap3A_1508 = arith.index_cast %swap3A_1507 : i32 to index
    %swap3A_1509 = arith.constant 48 : index
    %swap3A_1510 = tpu.vector_load %arg15[%swap3A_1508, %swap3A_1509] {strides = array<i32>} : memref<32x128xf32, #tpu.memory_space<vmem>>, vector<1x16xf32>,
    %swap3A_1511 = vector.shape_cast %swap3A_1510 : vector<1x16xf32> to vector<16xf32>
    %swap3A_1512 = vector.shape_cast %broadcast_in_dim3A_97 : vector<16xf32> to vector<1x16xf32>
    tpu.vector_store %arg15[%swap3A_1508, %swap3A_1509], %swap3A_1512 {strides = array<i32>} : memref<32x128xf32, #tpu.memory_space<vmem>>, vector<1x16xf32>,
    %swap3A_1513 = arith.constant 29 : i32
    %swap3A_1514 = arith.index_cast %swap3A_1513 : i32 to index
    %swap3A_1515 = arith.constant 64 : index
    %swap3A_1516 = tpu.vector_load %arg15[%swap3A_1514, %swap3A_1515] {strides = array<i32>} : memref<32x128xf32, #tpu.memory_space<vmem>>, vector<1x16xf32>,
    %swap3A_1517 = vector.shape_cast %swap3A_1516 : vector<1x16xf32> to vector<16xf32>
    %swap3A_1518 = vector.shape_cast %broadcast_in_dim3A_97 : vector<16xf32> to vector<1x16xf32>
    tpu.vector_store %arg15[%swap3A_1514, %swap3A_1515], %swap3A_1518 {strides = array<i32>} : memref<32x128xf32, #tpu.memory_space<vmem>>, vector<1x16xf32>,
    %swap3A_1519 = arith.constant 29 : i32
    %swap3A_1520 = arith.index_cast %swap3A_1519 : i32 to index
    %swap3A_1521 = arith.constant 80 : index
    %swap3A_1522 = tpu.vector_load %arg15[%swap3A_1520, %swap3A_1521] {strides = array<i32>} : memref<32x128xf32, #tpu.memory_space<vmem>>, vector<1x16xf32>,
    %swap3A_1523 = vector.shape_cast %swap3A_1522 : vector<1x16xf32> to vector<16xf32>
    %swap3A_1524 = vector.shape_cast %broadcast_in_dim3A_97 : vector<16xf32> to vector<1x16xf32>
    tpu.vector_store %arg15[%swap3A_1520, %swap3A_1521], %swap3A_1524 {strides = array<i32>} : memref<32x128xf32, #tpu.memory_space<vmem>>, vector<1x16xf32>,
    %swap3A_1525 = arith.constant 29 : i32
    %swap3A_1526 = arith.index_cast %swap3A_1525 : i32 to index
    %swap3A_1527 = arith.constant 96 : index
    %swap3A_1528 = tpu.vector_load %arg15[%swap3A_1526, %swap3A_1527] {strides = array<i32>} : memref<32x128xf32, #tpu.memory_space<vmem>>, vector<1x16xf32>,
    %swap3A_1529 = vector.shape_cast %swap3A_1528 : vector<1x16xf32> to vector<16xf32>
    %swap3A_1530 = vector.shape_cast %broadcast_in_dim3A_97 : vector<16xf32> to vector<1x16xf32>
    tpu.vector_store %arg15[%swap3A_1526, %swap3A_1527], %swap3A_1530 {strides = array<i32>} : memref<32x128xf32, #tpu.memory_space<vmem>>, vector<1x16xf32>,
    %swap3A_1531 = arith.constant 29 : i32
    %swap3A_1532 = arith.index_cast %swap3A_1531 : i32 to index
    %swap3A_1533 = arith.constant 112 : index
    %swap3A_1534 = tpu.vector_load %arg15[%swap3A_1532, %swap3A_1533] {strides = array<i32>} : memref<32x128xf32, #tpu.memory_space<vmem>>, vector<1x16xf32>,
    %swap3A_1535 = vector.shape_cast %swap3A_1534 : vector<1x16xf32> to vector<16xf32>
    %swap3A_1536 = vector.shape_cast %broadcast_in_dim3A_97 : vector<16xf32> to vector<1x16xf32>
    tpu.vector_store %arg15[%swap3A_1532, %swap3A_1533], %swap3A_1536 {strides = array<i32>} : memref<32x128xf32, #tpu.memory_space<vmem>>, vector<1x16xf32>,
    %swap3A_1537 = arith.constant 30 : i32
    %swap3A_1538 = arith.index_cast %swap3A_1537 : i32 to index
    %swap3A_1539 = arith.constant 0 : index
    %swap3A_1540 = tpu.vector_load %arg15[%swap3A_1538, %swap3A_1539] {strides = array<i32>} : memref<32x128xf32, #tpu.memory_space<vmem>>, vector<1x16xf32>,
    %swap3A_1541 = vector.shape_cast %swap3A_1540 : vector<1x16xf32> to vector<16xf32>
    %swap3A_1542 = vector.shape_cast %broadcast_in_dim3A_97 : vector<16xf32> to vector<1x16xf32>
    tpu.vector_store %arg15[%swap3A_1538, %swap3A_1539], %swap3A_1542 {strides = array<i32>} : memref<32x128xf32, #tpu.memory_space<vmem>>, vector<1x16xf32>,
    %swap3A_1543 = arith.constant 30 : i32
    %swap3A_1544 = arith.index_cast %swap3A_1543 : i32 to index
    %swap3A_1545 = arith.constant 16 : index
    %swap3A_1546 = tpu.vector_load %arg15[%swap3A_1544, %swap3A_1545] {strides = array<i32>} : memref<32x128xf32, #tpu.memory_space<vmem>>, vector<1x16xf32>,
    %swap3A_1547 = vector.shape_cast %swap3A_1546 : vector<1x16xf32> to vector<16xf32>
    %swap3A_1548 = vector.shape_cast %broadcast_in_dim3A_97 : vector<16xf32> to vector<1x16xf32>
    tpu.vector_store %arg15[%swap3A_1544, %swap3A_1545], %swap3A_1548 {strides = array<i32>} : memref<32x128xf32, #tpu.memory_space<vmem>>, vector<1x16xf32>,
    %swap3A_1549 = arith.constant 30 : i32
    %swap3A_1550 = arith.index_cast %swap3A_1549 : i32 to index
    %swap3A_1551 = arith.constant 32 : index
    %swap3A_1552 = tpu.vector_load %arg15[%swap3A_1550, %swap3A_1551] {strides = array<i32>} : memref<32x128xf32, #tpu.memory_space<vmem>>, vector<1x16xf32>,
    %swap3A_1553 = vector.shape_cast %swap3A_1552 : vector<1x16xf32> to vector<16xf32>
    %swap3A_1554 = vector.shape_cast %broadcast_in_dim3A_97 : vector<16xf32> to vector<1x16xf32>
    tpu.vector_store %arg15[%swap3A_1550, %swap3A_1551], %swap3A_1554 {strides = array<i32>} : memref<32x128xf32, #tpu.memory_space<vmem>>, vector<1x16xf32>,
    %swap3A_1555 = arith.constant 30 : i32
    %swap3A_1556 = arith.index_cast %swap3A_1555 : i32 to index
    %swap3A_1557 = arith.constant 48 : index
    %swap3A_1558 = tpu.vector_load %arg15[%swap3A_1556, %swap3A_1557] {strides = array<i32>} : memref<32x128xf32, #tpu.memory_space<vmem>>, vector<1x16xf32>,
    %swap3A_1559 = vector.shape_cast %swap3A_1558 : vector<1x16xf32> to vector<16xf32>
    %swap3A_1560 = vector.shape_cast %broadcast_in_dim3A_97 : vector<16xf32> to vector<1x16xf32>
    tpu.vector_store %arg15[%swap3A_1556, %swap3A_1557], %swap3A_1560 {strides = array<i32>} : memref<32x128xf32, #tpu.memory_space<vmem>>, vector<1x16xf32>,
    %swap3A_1561 = arith.constant 30 : i32
    %swap3A_1562 = arith.index_cast %swap3A_1561 : i32 to index
    %swap3A_1563 = arith.constant 64 : index
    %swap3A_1564 = tpu.vector_load %arg15[%swap3A_1562, %swap3A_1563] {strides = array<i32>} : memref<32x128xf32, #tpu.memory_space<vmem>>, vector<1x16xf32>,
    %swap3A_1565 = vector.shape_cast %swap3A_1564 : vector<1x16xf32> to vector<16xf32>
    %swap3A_1566 = vector.shape_cast %broadcast_in_dim3A_97 : vector<16xf32> to vector<1x16xf32>
    tpu.vector_store %arg15[%swap3A_1562, %swap3A_1563], %swap3A_1566 {strides = array<i32>} : memref<32x128xf32, #tpu.memory_space<vmem>>, vector<1x16xf32>,
    %swap3A_1567 = arith.constant 30 : i32
    %swap3A_1568 = arith.index_cast %swap3A_1567 : i32 to index
    %swap3A_1569 = arith.constant 80 : index
    %swap3A_1570 = tpu.vector_load %arg15[%swap3A_1568, %swap3A_1569] {strides = array<i32>} : memref<32x128xf32, #tpu.memory_space<vmem>>, vector<1x16xf32>,
    %swap3A_1571 = vector.shape_cast %swap3A_1570 : vector<1x16xf32> to vector<16xf32>
    %swap3A_1572 = vector.shape_cast %broadcast_in_dim3A_97 : vector<16xf32> to vector<1x16xf32>
    tpu.vector_store %arg15[%swap3A_1568, %swap3A_1569], %swap3A_1572 {strides = array<i32>} : memref<32x128xf32, #tpu.memory_space<vmem>>, vector<1x16xf32>,
    %swap3A_1573 = arith.constant 30 : i32
    %swap3A_1574 = arith.index_cast %swap3A_1573 : i32 to index
    %swap3A_1575 = arith.constant 96 : index
    %swap3A_1576 = tpu.vector_load %arg15[%swap3A_1574, %swap3A_1575] {strides = array<i32>} : memref<32x128xf32, #tpu.memory_space<vmem>>, vector<1x16xf32>,
    %swap3A_1577 = vector.shape_cast %swap3A_1576 : vector<1x16xf32> to vector<16xf32>
    %swap3A_1578 = vector.shape_cast %broadcast_in_dim3A_97 : vector<16xf32> to vector<1x16xf32>
    tpu.vector_store %arg15[%swap3A_1574, %swap3A_1575], %swap3A_1578 {strides = array<i32>} : memref<32x128xf32, #tpu.memory_space<vmem>>, vector<1x16xf32>,
    %swap3A_1579 = arith.constant 30 : i32
    %swap3A_1580 = arith.index_cast %swap3A_1579 : i32 to index
    %swap3A_1581 = arith.constant 112 : index
    %swap3A_1582 = tpu.vector_load %arg15[%swap3A_1580, %swap3A_1581] {strides = array<i32>} : memref<32x128xf32, #tpu.memory_space<vmem>>, vector<1x16xf32>,
    %swap3A_1583 = vector.shape_cast %swap3A_1582 : vector<1x16xf32> to vector<16xf32>
    %swap3A_1584 = vector.shape_cast %broadcast_in_dim3A_97 : vector<16xf32> to vector<1x16xf32>
    tpu.vector_store %arg15[%swap3A_1580, %swap3A_1581], %swap3A_1584 {strides = array<i32>} : memref<32x128xf32, #tpu.memory_space<vmem>>, vector<1x16xf32>,
    %swap3A_1585 = arith.constant 31 : i32
    %swap3A_1586 = arith.index_cast %swap3A_1585 : i32 to index
    %swap3A_1587 = arith.constant 0 : index
    %swap3A_1588 = tpu.vector_load %arg15[%swap3A_1586, %swap3A_1587] {strides = array<i32>} : memref<32x128xf32, #tpu.memory_space<vmem>>, vector<1x16xf32>,
    %swap3A_1589 = vector.shape_cast %swap3A_1588 : vector<1x16xf32> to vector<16xf32>
    %swap3A_1590 = vector.shape_cast %broadcast_in_dim3A_97 : vector<16xf32> to vector<1x16xf32>
    tpu.vector_store %arg15[%swap3A_1586, %swap3A_1587], %swap3A_1590 {strides = array<i32>} : memref<32x128xf32, #tpu.memory_space<vmem>>, vector<1x16xf32>,
    %swap3A_1591 = arith.constant 31 : i32
    %swap3A_1592 = arith.index_cast %swap3A_1591 : i32 to index
    %swap3A_1593 = arith.constant 16 : index
    %swap3A_1594 = tpu.vector_load %arg15[%swap3A_1592, %swap3A_1593] {strides = array<i32>} : memref<32x128xf32, #tpu.memory_space<vmem>>, vector<1x16xf32>,
    %swap3A_1595 = vector.shape_cast %swap3A_1594 : vector<1x16xf32> to vector<16xf32>
    %swap3A_1596 = vector.shape_cast %broadcast_in_dim3A_97 : vector<16xf32> to vector<1x16xf32>
    tpu.vector_store %arg15[%swap3A_1592, %swap3A_1593], %swap3A_1596 {strides = array<i32>} : memref<32x128xf32, #tpu.memory_space<vmem>>, vector<1x16xf32>,
    %swap3A_1597 = arith.constant 31 : i32
    %swap3A_1598 = arith.index_cast %swap3A_1597 : i32 to index
    %swap3A_1599 = arith.constant 32 : index
    %swap3A_1600 = tpu.vector_load %arg15[%swap3A_1598, %swap3A_1599] {strides = array<i32>} : memref<32x128xf32, #tpu.memory_space<vmem>>, vector<1x16xf32>,
    %swap3A_1601 = vector.shape_cast %swap3A_1600 : vector<1x16xf32> to vector<16xf32>
    %swap3A_1602 = vector.shape_cast %broadcast_in_dim3A_97 : vector<16xf32> to vector<1x16xf32>
    tpu.vector_store %arg15[%swap3A_1598, %swap3A_1599], %swap3A_1602 {strides = array<i32>} : memref<32x128xf32, #tpu.memory_space<vmem>>, vector<1x16xf32>,
    %swap3A_1603 = arith.constant 31 : i32
    %swap3A_1604 = arith.index_cast %swap3A_1603 : i32 to index
    %swap3A_1605 = arith.constant 48 : index
    %swap3A_1606 = tpu.vector_load %arg15[%swap3A_1604, %swap3A_1605] {strides = array<i32>} : memref<32x128xf32, #tpu.memory_space<vmem>>, vector<1x16xf32>,
    %swap3A_1607 = vector.shape_cast %swap3A_1606 : vector<1x16xf32> to vector<16xf32>
    %swap3A_1608 = vector.shape_cast %broadcast_in_dim3A_97 : vector<16xf32> to vector<1x16xf32>
    tpu.vector_store %arg15[%swap3A_1604, %swap3A_1605], %swap3A_1608 {strides = array<i32>} : memref<32x128xf32, #tpu.memory_space<vmem>>, vector<1x16xf32>,
    %swap3A_1609 = arith.constant 31 : i32
    %swap3A_1610 = arith.index_cast %swap3A_1609 : i32 to index
    %swap3A_1611 = arith.constant 64 : index
    %swap3A_1612 = tpu.vector_load %arg15[%swap3A_1610, %swap3A_1611] {strides = array<i32>} : memref<32x128xf32, #tpu.memory_space<vmem>>, vector<1x16xf32>,
    %swap3A_1613 = vector.shape_cast %swap3A_1612 : vector<1x16xf32> to vector<16xf32>
    %swap3A_1614 = vector.shape_cast %broadcast_in_dim3A_97 : vector<16xf32> to vector<1x16xf32>
    tpu.vector_store %arg15[%swap3A_1610, %swap3A_1611], %swap3A_1614 {strides = array<i32>} : memref<32x128xf32, #tpu.memory_space<vmem>>, vector<1x16xf32>,
    %swap3A_1615 = arith.constant 31 : i32
    %swap3A_1616 = arith.index_cast %swap3A_1615 : i32 to index
    %swap3A_1617 = arith.constant 80 : index
    %swap3A_1618 = tpu.vector_load %arg15[%swap3A_1616, %swap3A_1617] {strides = array<i32>} : memref<32x128xf32, #tpu.memory_space<vmem>>, vector<1x16xf32>,
    %swap3A_1619 = vector.shape_cast %swap3A_1618 : vector<1x16xf32> to vector<16xf32>
    %swap3A_1620 = vector.shape_cast %broadcast_in_dim3A_97 : vector<16xf32> to vector<1x16xf32>
    tpu.vector_store %arg15[%swap3A_1616, %swap3A_1617], %swap3A_1620 {strides = array<i32>} : memref<32x128xf32, #tpu.memory_space<vmem>>, vector<1x16xf32>,
    %swap3A_1621 = arith.constant 31 : i32
    %swap3A_1622 = arith.index_cast %swap3A_1621 : i32 to index
    %swap3A_1623 = arith.constant 96 : index
    %swap3A_1624 = tpu.vector_load %arg15[%swap3A_1622, %swap3A_1623] {strides = array<i32>} : memref<32x128xf32, #tpu.memory_space<vmem>>, vector<1x16xf32>,
    %swap3A_1625 = vector.shape_cast %swap3A_1624 : vector<1x16xf32> to vector<16xf32>
    %swap3A_1626 = vector.shape_cast %broadcast_in_dim3A_97 : vector<16xf32> to vector<1x16xf32>
    tpu.vector_store %arg15[%swap3A_1622, %swap3A_1623], %swap3A_1626 {strides = array<i32>} : memref<32x128xf32, #tpu.memory_space<vmem>>, vector<1x16xf32>,
    %swap3A_1627 = arith.constant 31 : i32
    %swap3A_1628 = arith.index_cast %swap3A_1627 : i32 to index
    %swap3A_1629 = arith.constant 112 : index
    %swap3A_1630 = tpu.vector_load %arg15[%swap3A_1628, %swap3A_1629] {strides = array<i32>} : memref<32x128xf32, #tpu.memory_space<vmem>>, vector<1x16xf32>,
    %swap3A_1631 = vector.shape_cast %swap3A_1630 : vector<1x16xf32> to vector<16xf32>
    %swap3A_1632 = vector.shape_cast %broadcast_in_dim3A_97 : vector<16xf32> to vector<1x16xf32>
    tpu.vector_store %arg15[%swap3A_1628, %swap3A_1629], %swap3A_1632 {strides = array<i32>} : memref<32x128xf32, #tpu.memory_space<vmem>>, vector<1x16xf32>,
    %mul3A_1633 = arith.constant 32 : i32
    %mul3A_1634 = arith.muli %arg1, %mul3A_1633 : i32
    "tpu.region"() ({
      %run_scoped3A = tpu.sem_alloc : memref<!tpu.dma_semaphore, #tpu.memory_space<semaphore_mem>>
      %dma_start3A_1829 = arith.constant 0 : i32
      %dma_start3A_1830 = tpu.memref_slice %arg5[%mul3A_1634, %dma_start3A_1829] : memref<512x128xf32, #tpu.memory_space<vmem_shared>> -> memref<32x128xf32, #tpu.memory_space<vmem_shared>>
      %dma_start3A_1831 = arith.constant 0 : i32
      %dma_start3A_1832 = tpu.memref_slice %arg5[%mul3A_1634, %dma_start3A_1831] : memref<512x128xf32, #tpu.memory_space<vmem_shared>> -> memref<32x128xf32, #tpu.memory_space<vmem_shared>>
      tpu.enqueue_dma source(%arg15 : memref<32x128xf32, #tpu.memory_space<vmem>>) target(%dma_start3A_1832 : memref<32x128xf32, #tpu.memory_space<vmem_shared>>) target_semaphore(%run_scoped3A : memref<!tpu.dma_semaphore, #tpu.memory_space<semaphore_mem>>)
      %dma_wait3A = arith.constant 0 : i32
      %dma_wait3A_1833 = tpu.memref_slice %arg5[%mul3A_1634, %dma_wait3A] : memref<512x128xf32, #tpu.memory_space<vmem_shared>> -> memref<32x128xf32, #tpu.memory_space<vmem_shared>>
      %dma_wait3A_1834 = arith.constant 0 : i32
      %dma_wait3A_1835 = tpu.memref_slice %arg5[%mul3A_1634, %dma_wait3A_1834] : memref<512x128xf32, #tpu.memory_space<vmem_shared>> -> memref<32x128xf32, #tpu.memory_space<vmem_shared>>
      tpu.wait_dma2 semaphore(%run_scoped3A : memref<!tpu.dma_semaphore, #tpu.memory_space<semaphore_mem>>) src(%arg15 : memref<32x128xf32, #tpu.memory_space<vmem>>) dst(%dma_wait3A_1835 : memref<32x128xf32, #tpu.memory_space<vmem_shared>>)
      tpu.yield
    }) : () -> ()
    %add3A_1635 = arith.constant 0 : i32
    %add3A_1636 = arith.addi %add3A, %add3A_1635 : i32
    %lt3A_1637 = arith.constant 300 : i32
    %lt3A_1638 = arith.cmpi slt, %add3A_1636, %lt3A_1637 : i32
    %convert_element_type3A_1639 = arith.extui %lt3A_1638 : i1 to i32
    %cond3A_1640 = arith.constant 0 : i32
    %cond3A_1641 = arith.cmpi ne, %convert_element_type3A_1639, %cond3A_1640 : i32
    scf.if %cond3A_1641 {
      %add3A_1829 = arith.constant 0 : i32
      %add3A_1830 = arith.addi %add3A, %add3A_1829 : i32
      %dma_wait3A = arith.constant 0 : i32
      %dma_wait3A_1831 = arith.constant 0 : i32
      %dma_wait3A_1832 = arith.constant 0 : i32
      %dma_wait3A_1833 = tpu.memref_slice %arg6[%dma_wait3A, %dma_wait3A_1831, %dma_wait3A_1832] : memref<10x2x100xi32, #tpu.memory_space<vmem>> -> memref<1x2x100xi32, #tpu.memory_space<vmem>>
      %dma_wait3A_1834 = tpu.memref_squeeze %dma_wait3A_1833 : memref<1x2x100xi32, #tpu.memory_space<vmem>> -> memref<2x100xi32, #tpu.memory_space<vmem>>
      %dma_wait3A_1835 = arith.constant 0 : i32
      %dma_wait3A_1836 = arith.constant 0 : i32
      %dma_wait3A_1837 = tpu.memref_slice %arg3[%add3A_1830, %dma_wait3A_1835, %dma_wait3A_1836] : memref<500x2x100xi32, #tpu.memory_space<hbm>> -> memref<1x2x100xi32, #tpu.memory_space<hbm>>
      %dma_wait3A_1838 = tpu.memref_squeeze %dma_wait3A_1837 : memref<1x2x100xi32, #tpu.memory_space<hbm>> -> memref<2x100xi32, #tpu.memory_space<hbm>>
      %dma_wait3A_1839 = arith.constant 0 : i32
      %dma_wait3A_1840 = arith.constant 0 : i32
      %dma_wait3A_1841 = tpu.memref_slice %arg6[%dma_wait3A, %dma_wait3A_1839, %dma_wait3A_1840] : memref<10x2x100xi32, #tpu.memory_space<vmem>> -> memref<1x2x100xi32, #tpu.memory_space<vmem>>
      %dma_wait3A_1842 = tpu.memref_squeeze %dma_wait3A_1841 : memref<1x2x100xi32, #tpu.memory_space<vmem>> -> memref<2x100xi32, #tpu.memory_space<vmem>>
      %dma_wait3A_1843 = arith.constant 0 : i32
      %dma_wait3A_1844 = arith.constant 0 : i32
      %dma_wait3A_1845 = tpu.memref_slice %arg3[%add3A_1830, %dma_wait3A_1843, %dma_wait3A_1844] : memref<500x2x100xi32, #tpu.memory_space<hbm>> -> memref<1x2x100xi32, #tpu.memory_space<hbm>>
      %dma_wait3A_1846 = tpu.memref_squeeze %dma_wait3A_1845 : memref<1x2x100xi32, #tpu.memory_space<hbm>> -> memref<2x100xi32, #tpu.memory_space<hbm>>
      tpu.wait_dma2 semaphore(%arg7 : memref<!tpu.dma_semaphore, #tpu.memory_space<semaphore_mem>>) src(%dma_wait3A_1846 : memref<2x100xi32, #tpu.memory_space<hbm>>) dst(%dma_wait3A_1842 : memref<2x100xi32, #tpu.memory_space<vmem>>)
    } else {
    }
    %add3A_1642 = arith.constant 32 : i32
    %add3A_1643 = arith.addi %add3A, %add3A_1642 : i32
    %lt3A_1644 = arith.constant 300 : i32
    %lt3A_1645 = arith.cmpi slt, %add3A_1643, %lt3A_1644 : i32
    %convert_element_type3A_1646 = arith.extui %lt3A_1645 : i1 to i32
    %cond3A_1647 = arith.constant 0 : i32
    %cond3A_1648 = arith.cmpi ne, %convert_element_type3A_1646, %cond3A_1647 : i32
    scf.if %cond3A_1648 {
      %add3A_1829 = arith.constant 32 : i32
      %add3A_1830 = arith.addi %add3A, %add3A_1829 : i32
      %dma_wait3A = arith.constant 1 : i32
      %dma_wait3A_1831 = arith.constant 0 : i32
      %dma_wait3A_1832 = arith.constant 0 : i32
      %dma_wait3A_1833 = tpu.memref_slice %arg6[%dma_wait3A, %dma_wait3A_1831, %dma_wait3A_1832] : memref<10x2x100xi32, #tpu.memory_space<vmem>> -> memref<1x2x100xi32, #tpu.memory_space<vmem>>
      %dma_wait3A_1834 = tpu.memref_squeeze %dma_wait3A_1833 : memref<1x2x100xi32, #tpu.memory_space<vmem>> -> memref<2x100xi32, #tpu.memory_space<vmem>>
      %dma_wait3A_1835 = arith.constant 0 : i32
      %dma_wait3A_1836 = arith.constant 0 : i32
      %dma_wait3A_1837 = tpu.memref_slice %arg3[%add3A_1830, %dma_wait3A_1835, %dma_wait3A_1836] : memref<500x2x100xi32, #tpu.memory_space<hbm>> -> memref<1x2x100xi32, #tpu.memory_space<hbm>>
      %dma_wait3A_1838 = tpu.memref_squeeze %dma_wait3A_1837 : memref<1x2x100xi32, #tpu.memory_space<hbm>> -> memref<2x100xi32, #tpu.memory_space<hbm>>
      %dma_wait3A_1839 = arith.constant 0 : i32
      %dma_wait3A_1840 = arith.constant 0 : i32
      %dma_wait3A_1841 = tpu.memref_slice %arg6[%dma_wait3A, %dma_wait3A_1839, %dma_wait3A_1840] : memref<10x2x100xi32, #tpu.memory_space<vmem>> -> memref<1x2x100xi32, #tpu.memory_space<vmem>>
      %dma_wait3A_1842 = tpu.memref_squeeze %dma_wait3A_1841 : memref<1x2x100xi32, #tpu.memory_space<vmem>> -> memref<2x100xi32, #tpu.memory_space<vmem>>
      %dma_wait3A_1843 = arith.constant 0 : i32
      %dma_wait3A_1844 = arith.constant 0 : i32
      %dma_wait3A_1845 = tpu.memref_slice %arg3[%add3A_1830, %dma_wait3A_1843, %dma_wait3A_1844] : memref<500x2x100xi32, #tpu.memory_space<hbm>> -> memref<1x2x100xi32, #tpu.memory_space<hbm>>
      %dma_wait3A_1846 = tpu.memref_squeeze %dma_wait3A_1845 : memref<1x2x100xi32, #tpu.memory_space<hbm>> -> memref<2x100xi32, #tpu.memory_space<hbm>>
      tpu.wait_dma2 semaphore(%arg7 : memref<!tpu.dma_semaphore, #tpu.memory_space<semaphore_mem>>) src(%dma_wait3A_1846 : memref<2x100xi32, #tpu.memory_space<hbm>>) dst(%dma_wait3A_1842 : memref<2x100xi32, #tpu.memory_space<vmem>>)
    } else {
    }
    %add3A_1649 = arith.constant 64 : i32
    %add3A_1650 = arith.addi %add3A, %add3A_1649 : i32
    %lt3A_1651 = arith.constant 300 : i32
    %lt3A_1652 = arith.cmpi slt, %add3A_1650, %lt3A_1651 : i32
    %convert_element_type3A_1653 = arith.extui %lt3A_1652 : i1 to i32
    %cond3A_1654 = arith.constant 0 : i32
    %cond3A_1655 = arith.cmpi ne, %convert_element_type3A_1653, %cond3A_1654 : i32
    scf.if %cond3A_1655 {
      %add3A_1829 = arith.constant 64 : i32
      %add3A_1830 = arith.addi %add3A, %add3A_1829 : i32
      %dma_wait3A = arith.constant 2 : i32
      %dma_wait3A_1831 = arith.constant 0 : i32
      %dma_wait3A_1832 = arith.constant 0 : i32
      %dma_wait3A_1833 = tpu.memref_slice %arg6[%dma_wait3A, %dma_wait3A_1831, %dma_wait3A_1832] : memref<10x2x100xi32, #tpu.memory_space<vmem>> -> memref<1x2x100xi32, #tpu.memory_space<vmem>>
      %dma_wait3A_1834 = tpu.memref_squeeze %dma_wait3A_1833 : memref<1x2x100xi32, #tpu.memory_space<vmem>> -> memref<2x100xi32, #tpu.memory_space<vmem>>
      %dma_wait3A_1835 = arith.constant 0 : i32
      %dma_wait3A_1836 = arith.constant 0 : i32
      %dma_wait3A_1837 = tpu.memref_slice %arg3[%add3A_1830, %dma_wait3A_1835, %dma_wait3A_1836] : memref<500x2x100xi32, #tpu.memory_space<hbm>> -> memref<1x2x100xi32, #tpu.memory_space<hbm>>
      %dma_wait3A_1838 = tpu.memref_squeeze %dma_wait3A_1837 : memref<1x2x100xi32, #tpu.memory_space<hbm>> -> memref<2x100xi32, #tpu.memory_space<hbm>>
      %dma_wait3A_1839 = arith.constant 0 : i32
      %dma_wait3A_1840 = arith.constant 0 : i32
      %dma_wait3A_1841 = tpu.memref_slice %arg6[%dma_wait3A, %dma_wait3A_1839, %dma_wait3A_1840] : memref<10x2x100xi32, #tpu.memory_space<vmem>> -> memref<1x2x100xi32, #tpu.memory_space<vmem>>
      %dma_wait3A_1842 = tpu.memref_squeeze %dma_wait3A_1841 : memref<1x2x100xi32, #tpu.memory_space<vmem>> -> memref<2x100xi32, #tpu.memory_space<vmem>>
      %dma_wait3A_1843 = arith.constant 0 : i32
      %dma_wait3A_1844 = arith.constant 0 : i32
      %dma_wait3A_1845 = tpu.memref_slice %arg3[%add3A_1830, %dma_wait3A_1843, %dma_wait3A_1844] : memref<500x2x100xi32, #tpu.memory_space<hbm>> -> memref<1x2x100xi32, #tpu.memory_space<hbm>>
      %dma_wait3A_1846 = tpu.memref_squeeze %dma_wait3A_1845 : memref<1x2x100xi32, #tpu.memory_space<hbm>> -> memref<2x100xi32, #tpu.memory_space<hbm>>
      tpu.wait_dma2 semaphore(%arg7 : memref<!tpu.dma_semaphore, #tpu.memory_space<semaphore_mem>>) src(%dma_wait3A_1846 : memref<2x100xi32, #tpu.memory_space<hbm>>) dst(%dma_wait3A_1842 : memref<2x100xi32, #tpu.memory_space<vmem>>)
    } else {
    }
    %add3A_1656 = arith.constant 96 : i32
    %add3A_1657 = arith.addi %add3A, %add3A_1656 : i32
    %lt3A_1658 = arith.constant 300 : i32
    %lt3A_1659 = arith.cmpi slt, %add3A_1657, %lt3A_1658 : i32
    %convert_element_type3A_1660 = arith.extui %lt3A_1659 : i1 to i32
    %cond3A_1661 = arith.constant 0 : i32
    %cond3A_1662 = arith.cmpi ne, %convert_element_type3A_1660, %cond3A_1661 : i32
    scf.if %cond3A_1662 {
      %add3A_1829 = arith.constant 96 : i32
      %add3A_1830 = arith.addi %add3A, %add3A_1829 : i32
      %dma_wait3A = arith.constant 3 : i32
      %dma_wait3A_1831 = arith.constant 0 : i32
      %dma_wait3A_1832 = arith.constant 0 : i32
      %dma_wait3A_1833 = tpu.memref_slice %arg6[%dma_wait3A, %dma_wait3A_1831, %dma_wait3A_1832] : memref<10x2x100xi32, #tpu.memory_space<vmem>> -> memref<1x2x100xi32, #tpu.memory_space<vmem>>
      %dma_wait3A_1834 = tpu.memref_squeeze %dma_wait3A_1833 : memref<1x2x100xi32, #tpu.memory_space<vmem>> -> memref<2x100xi32, #tpu.memory_space<vmem>>
      %dma_wait3A_1835 = arith.constant 0 : i32
      %dma_wait3A_1836 = arith.constant 0 : i32
      %dma_wait3A_1837 = tpu.memref_slice %arg3[%add3A_1830, %dma_wait3A_1835, %dma_wait3A_1836] : memref<500x2x100xi32, #tpu.memory_space<hbm>> -> memref<1x2x100xi32, #tpu.memory_space<hbm>>
      %dma_wait3A_1838 = tpu.memref_squeeze %dma_wait3A_1837 : memref<1x2x100xi32, #tpu.memory_space<hbm>> -> memref<2x100xi32, #tpu.memory_space<hbm>>
      %dma_wait3A_1839 = arith.constant 0 : i32
      %dma_wait3A_1840 = arith.constant 0 : i32
      %dma_wait3A_1841 = tpu.memref_slice %arg6[%dma_wait3A, %dma_wait3A_1839, %dma_wait3A_1840] : memref<10x2x100xi32, #tpu.memory_space<vmem>> -> memref<1x2x100xi32, #tpu.memory_space<vmem>>
      %dma_wait3A_1842 = tpu.memref_squeeze %dma_wait3A_1841 : memref<1x2x100xi32, #tpu.memory_space<vmem>> -> memref<2x100xi32, #tpu.memory_space<vmem>>
      %dma_wait3A_1843 = arith.constant 0 : i32
      %dma_wait3A_1844 = arith.constant 0 : i32
      %dma_wait3A_1845 = tpu.memref_slice %arg3[%add3A_1830, %dma_wait3A_1843, %dma_wait3A_1844] : memref<500x2x100xi32, #tpu.memory_space<hbm>> -> memref<1x2x100xi32, #tpu.memory_space<hbm>>
      %dma_wait3A_1846 = tpu.memref_squeeze %dma_wait3A_1845 : memref<1x2x100xi32, #tpu.memory_space<hbm>> -> memref<2x100xi32, #tpu.memory_space<hbm>>
      tpu.wait_dma2 semaphore(%arg7 : memref<!tpu.dma_semaphore, #tpu.memory_space<semaphore_mem>>) src(%dma_wait3A_1846 : memref<2x100xi32, #tpu.memory_space<hbm>>) dst(%dma_wait3A_1842 : memref<2x100xi32, #tpu.memory_space<vmem>>)
    } else {
    }
    %add3A_1663 = arith.constant 128 : i32
    %add3A_1664 = arith.addi %add3A, %add3A_1663 : i32
    %lt3A_1665 = arith.constant 300 : i32
    %lt3A_1666 = arith.cmpi slt, %add3A_1664, %lt3A_1665 : i32
    %convert_element_type3A_1667 = arith.extui %lt3A_1666 : i1 to i32
    %cond3A_1668 = arith.constant 0 : i32
    %cond3A_1669 = arith.cmpi ne, %convert_element_type3A_1667, %cond3A_1668 : i32
    scf.if %cond3A_1669 {
      %add3A_1829 = arith.constant 128 : i32
      %add3A_1830 = arith.addi %add3A, %add3A_1829 : i32
      %dma_wait3A = arith.constant 4 : i32
      %dma_wait3A_1831 = arith.constant 0 : i32
      %dma_wait3A_1832 = arith.constant 0 : i32
      %dma_wait3A_1833 = tpu.memref_slice %arg6[%dma_wait3A, %dma_wait3A_1831, %dma_wait3A_1832] : memref<10x2x100xi32, #tpu.memory_space<vmem>> -> memref<1x2x100xi32, #tpu.memory_space<vmem>>
      %dma_wait3A_1834 = tpu.memref_squeeze %dma_wait3A_1833 : memref<1x2x100xi32, #tpu.memory_space<vmem>> -> memref<2x100xi32, #tpu.memory_space<vmem>>
      %dma_wait3A_1835 = arith.constant 0 : i32
      %dma_wait3A_1836 = arith.constant 0 : i32
      %dma_wait3A_1837 = tpu.memref_slice %arg3[%add3A_1830, %dma_wait3A_1835, %dma_wait3A_1836] : memref<500x2x100xi32, #tpu.memory_space<hbm>> -> memref<1x2x100xi32, #tpu.memory_space<hbm>>
      %dma_wait3A_1838 = tpu.memref_squeeze %dma_wait3A_1837 : memref<1x2x100xi32, #tpu.memory_space<hbm>> -> memref<2x100xi32, #tpu.memory_space<hbm>>
      %dma_wait3A_1839 = arith.constant 0 : i32
      %dma_wait3A_1840 = arith.constant 0 : i32
      %dma_wait3A_1841 = tpu.memref_slice %arg6[%dma_wait3A, %dma_wait3A_1839, %dma_wait3A_1840] : memref<10x2x100xi32, #tpu.memory_space<vmem>> -> memref<1x2x100xi32, #tpu.memory_space<vmem>>
      %dma_wait3A_1842 = tpu.memref_squeeze %dma_wait3A_1841 : memref<1x2x100xi32, #tpu.memory_space<vmem>> -> memref<2x100xi32, #tpu.memory_space<vmem>>
      %dma_wait3A_1843 = arith.constant 0 : i32
      %dma_wait3A_1844 = arith.constant 0 : i32
      %dma_wait3A_1845 = tpu.memref_slice %arg3[%add3A_1830, %dma_wait3A_1843, %dma_wait3A_1844] : memref<500x2x100xi32, #tpu.memory_space<hbm>> -> memref<1x2x100xi32, #tpu.memory_space<hbm>>
      %dma_wait3A_1846 = tpu.memref_squeeze %dma_wait3A_1845 : memref<1x2x100xi32, #tpu.memory_space<hbm>> -> memref<2x100xi32, #tpu.memory_space<hbm>>
      tpu.wait_dma2 semaphore(%arg7 : memref<!tpu.dma_semaphore, #tpu.memory_space<semaphore_mem>>) src(%dma_wait3A_1846 : memref<2x100xi32, #tpu.memory_space<hbm>>) dst(%dma_wait3A_1842 : memref<2x100xi32, #tpu.memory_space<vmem>>)
    } else {
    }
    %add3A_1670 = arith.constant 160 : i32
    %add3A_1671 = arith.addi %add3A, %add3A_1670 : i32
    %lt3A_1672 = arith.constant 300 : i32
    %lt3A_1673 = arith.cmpi slt, %add3A_1671, %lt3A_1672 : i32
    %convert_element_type3A_1674 = arith.extui %lt3A_1673 : i1 to i32
    %cond3A_1675 = arith.constant 0 : i32
    %cond3A_1676 = arith.cmpi ne, %convert_element_type3A_1674, %cond3A_1675 : i32
    scf.if %cond3A_1676 {
      %add3A_1829 = arith.constant 160 : i32
      %add3A_1830 = arith.addi %add3A, %add3A_1829 : i32
      %dma_wait3A = arith.constant 5 : i32
      %dma_wait3A_1831 = arith.constant 0 : i32
      %dma_wait3A_1832 = arith.constant 0 : i32
      %dma_wait3A_1833 = tpu.memref_slice %arg6[%dma_wait3A, %dma_wait3A_1831, %dma_wait3A_1832] : memref<10x2x100xi32, #tpu.memory_space<vmem>> -> memref<1x2x100xi32, #tpu.memory_space<vmem>>
      %dma_wait3A_1834 = tpu.memref_squeeze %dma_wait3A_1833 : memref<1x2x100xi32, #tpu.memory_space<vmem>> -> memref<2x100xi32, #tpu.memory_space<vmem>>
      %dma_wait3A_1835 = arith.constant 0 : i32
      %dma_wait3A_1836 = arith.constant 0 : i32
      %dma_wait3A_1837 = tpu.memref_slice %arg3[%add3A_1830, %dma_wait3A_1835, %dma_wait3A_1836] : memref<500x2x100xi32, #tpu.memory_space<hbm>> -> memref<1x2x100xi32, #tpu.memory_space<hbm>>
      %dma_wait3A_1838 = tpu.memref_squeeze %dma_wait3A_1837 : memref<1x2x100xi32, #tpu.memory_space<hbm>> -> memref<2x100xi32, #tpu.memory_space<hbm>>
      %dma_wait3A_1839 = arith.constant 0 : i32
      %dma_wait3A_1840 = arith.constant 0 : i32
      %dma_wait3A_1841 = tpu.memref_slice %arg6[%dma_wait3A, %dma_wait3A_1839, %dma_wait3A_1840] : memref<10x2x100xi32, #tpu.memory_space<vmem>> -> memref<1x2x100xi32, #tpu.memory_space<vmem>>
      %dma_wait3A_1842 = tpu.memref_squeeze %dma_wait3A_1841 : memref<1x2x100xi32, #tpu.memory_space<vmem>> -> memref<2x100xi32, #tpu.memory_space<vmem>>
      %dma_wait3A_1843 = arith.constant 0 : i32
      %dma_wait3A_1844 = arith.constant 0 : i32
      %dma_wait3A_1845 = tpu.memref_slice %arg3[%add3A_1830, %dma_wait3A_1843, %dma_wait3A_1844] : memref<500x2x100xi32, #tpu.memory_space<hbm>> -> memref<1x2x100xi32, #tpu.memory_space<hbm>>
      %dma_wait3A_1846 = tpu.memref_squeeze %dma_wait3A_1845 : memref<1x2x100xi32, #tpu.memory_space<hbm>> -> memref<2x100xi32, #tpu.memory_space<hbm>>
      tpu.wait_dma2 semaphore(%arg7 : memref<!tpu.dma_semaphore, #tpu.memory_space<semaphore_mem>>) src(%dma_wait3A_1846 : memref<2x100xi32, #tpu.memory_space<hbm>>) dst(%dma_wait3A_1842 : memref<2x100xi32, #tpu.memory_space<vmem>>)
    } else {
    }
    %add3A_1677 = arith.constant 192 : i32
    %add3A_1678 = arith.addi %add3A, %add3A_1677 : i32
    %lt3A_1679 = arith.constant 300 : i32
    %lt3A_1680 = arith.cmpi slt, %add3A_1678, %lt3A_1679 : i32
    %convert_element_type3A_1681 = arith.extui %lt3A_1680 : i1 to i32
    %cond3A_1682 = arith.constant 0 : i32
    %cond3A_1683 = arith.cmpi ne, %convert_element_type3A_1681, %cond3A_1682 : i32
    scf.if %cond3A_1683 {
      %add3A_1829 = arith.constant 192 : i32
      %add3A_1830 = arith.addi %add3A, %add3A_1829 : i32
      %dma_wait3A = arith.constant 6 : i32
      %dma_wait3A_1831 = arith.constant 0 : i32
      %dma_wait3A_1832 = arith.constant 0 : i32
      %dma_wait3A_1833 = tpu.memref_slice %arg6[%dma_wait3A, %dma_wait3A_1831, %dma_wait3A_1832] : memref<10x2x100xi32, #tpu.memory_space<vmem>> -> memref<1x2x100xi32, #tpu.memory_space<vmem>>
      %dma_wait3A_1834 = tpu.memref_squeeze %dma_wait3A_1833 : memref<1x2x100xi32, #tpu.memory_space<vmem>> -> memref<2x100xi32, #tpu.memory_space<vmem>>
      %dma_wait3A_1835 = arith.constant 0 : i32
      %dma_wait3A_1836 = arith.constant 0 : i32
      %dma_wait3A_1837 = tpu.memref_slice %arg3[%add3A_1830, %dma_wait3A_1835, %dma_wait3A_1836] : memref<500x2x100xi32, #tpu.memory_space<hbm>> -> memref<1x2x100xi32, #tpu.memory_space<hbm>>
      %dma_wait3A_1838 = tpu.memref_squeeze %dma_wait3A_1837 : memref<1x2x100xi32, #tpu.memory_space<hbm>> -> memref<2x100xi32, #tpu.memory_space<hbm>>
      %dma_wait3A_1839 = arith.constant 0 : i32
      %dma_wait3A_1840 = arith.constant 0 : i32
      %dma_wait3A_1841 = tpu.memref_slice %arg6[%dma_wait3A, %dma_wait3A_1839, %dma_wait3A_1840] : memref<10x2x100xi32, #tpu.memory_space<vmem>> -> memref<1x2x100xi32, #tpu.memory_space<vmem>>
      %dma_wait3A_1842 = tpu.memref_squeeze %dma_wait3A_1841 : memref<1x2x100xi32, #tpu.memory_space<vmem>> -> memref<2x100xi32, #tpu.memory_space<vmem>>
      %dma_wait3A_1843 = arith.constant 0 : i32
      %dma_wait3A_1844 = arith.constant 0 : i32
      %dma_wait3A_1845 = tpu.memref_slice %arg3[%add3A_1830, %dma_wait3A_1843, %dma_wait3A_1844] : memref<500x2x100xi32, #tpu.memory_space<hbm>> -> memref<1x2x100xi32, #tpu.memory_space<hbm>>
      %dma_wait3A_1846 = tpu.memref_squeeze %dma_wait3A_1845 : memref<1x2x100xi32, #tpu.memory_space<hbm>> -> memref<2x100xi32, #tpu.memory_space<hbm>>
      tpu.wait_dma2 semaphore(%arg7 : memref<!tpu.dma_semaphore, #tpu.memory_space<semaphore_mem>>) src(%dma_wait3A_1846 : memref<2x100xi32, #tpu.memory_space<hbm>>) dst(%dma_wait3A_1842 : memref<2x100xi32, #tpu.memory_space<vmem>>)
    } else {
    }
    %add3A_1684 = arith.constant 224 : i32
    %add3A_1685 = arith.addi %add3A, %add3A_1684 : i32
    %lt3A_1686 = arith.constant 300 : i32
    %lt3A_1687 = arith.cmpi slt, %add3A_1685, %lt3A_1686 : i32
    %convert_element_type3A_1688 = arith.extui %lt3A_1687 : i1 to i32
    %cond3A_1689 = arith.constant 0 : i32
    %cond3A_1690 = arith.cmpi ne, %convert_element_type3A_1688, %cond3A_1689 : i32
    scf.if %cond3A_1690 {
      %add3A_1829 = arith.constant 224 : i32
      %add3A_1830 = arith.addi %add3A, %add3A_1829 : i32
      %dma_wait3A = arith.constant 7 : i32
      %dma_wait3A_1831 = arith.constant 0 : i32
      %dma_wait3A_1832 = arith.constant 0 : i32
      %dma_wait3A_1833 = tpu.memref_slice %arg6[%dma_wait3A, %dma_wait3A_1831, %dma_wait3A_1832] : memref<10x2x100xi32, #tpu.memory_space<vmem>> -> memref<1x2x100xi32, #tpu.memory_space<vmem>>
      %dma_wait3A_1834 = tpu.memref_squeeze %dma_wait3A_1833 : memref<1x2x100xi32, #tpu.memory_space<vmem>> -> memref<2x100xi32, #tpu.memory_space<vmem>>
      %dma_wait3A_1835 = arith.constant 0 : i32
      %dma_wait3A_1836 = arith.constant 0 : i32
      %dma_wait3A_1837 = tpu.memref_slice %arg3[%add3A_1830, %dma_wait3A_1835, %dma_wait3A_1836] : memref<500x2x100xi32, #tpu.memory_space<hbm>> -> memref<1x2x100xi32, #tpu.memory_space<hbm>>
      %dma_wait3A_1838 = tpu.memref_squeeze %dma_wait3A_1837 : memref<1x2x100xi32, #tpu.memory_space<hbm>> -> memref<2x100xi32, #tpu.memory_space<hbm>>
      %dma_wait3A_1839 = arith.constant 0 : i32
      %dma_wait3A_1840 = arith.constant 0 : i32
      %dma_wait3A_1841 = tpu.memref_slice %arg6[%dma_wait3A, %dma_wait3A_1839, %dma_wait3A_1840] : memref<10x2x100xi32, #tpu.memory_space<vmem>> -> memref<1x2x100xi32, #tpu.memory_space<vmem>>
      %dma_wait3A_1842 = tpu.memref_squeeze %dma_wait3A_1841 : memref<1x2x100xi32, #tpu.memory_space<vmem>> -> memref<2x100xi32, #tpu.memory_space<vmem>>
      %dma_wait3A_1843 = arith.constant 0 : i32
      %dma_wait3A_1844 = arith.constant 0 : i32
      %dma_wait3A_1845 = tpu.memref_slice %arg3[%add3A_1830, %dma_wait3A_1843, %dma_wait3A_1844] : memref<500x2x100xi32, #tpu.memory_space<hbm>> -> memref<1x2x100xi32, #tpu.memory_space<hbm>>
      %dma_wait3A_1846 = tpu.memref_squeeze %dma_wait3A_1845 : memref<1x2x100xi32, #tpu.memory_space<hbm>> -> memref<2x100xi32, #tpu.memory_space<hbm>>
      tpu.wait_dma2 semaphore(%arg7 : memref<!tpu.dma_semaphore, #tpu.memory_space<semaphore_mem>>) src(%dma_wait3A_1846 : memref<2x100xi32, #tpu.memory_space<hbm>>) dst(%dma_wait3A_1842 : memref<2x100xi32, #tpu.memory_space<vmem>>)
    } else {
    }
    %add3A_1691 = arith.constant 256 : i32
    %add3A_1692 = arith.addi %add3A, %add3A_1691 : i32
    %lt3A_1693 = arith.constant 300 : i32
    %lt3A_1694 = arith.cmpi slt, %add3A_1692, %lt3A_1693 : i32
    %convert_element_type3A_1695 = arith.extui %lt3A_1694 : i1 to i32
    %cond3A_1696 = arith.constant 0 : i32
    %cond3A_1697 = arith.cmpi ne, %convert_element_type3A_1695, %cond3A_1696 : i32
    scf.if %cond3A_1697 {
      %add3A_1829 = arith.constant 256 : i32
      %add3A_1830 = arith.addi %add3A, %add3A_1829 : i32
      %dma_wait3A = arith.constant 8 : i32
      %dma_wait3A_1831 = arith.constant 0 : i32
      %dma_wait3A_1832 = arith.constant 0 : i32
      %dma_wait3A_1833 = tpu.memref_slice %arg6[%dma_wait3A, %dma_wait3A_1831, %dma_wait3A_1832] : memref<10x2x100xi32, #tpu.memory_space<vmem>> -> memref<1x2x100xi32, #tpu.memory_space<vmem>>
      %dma_wait3A_1834 = tpu.memref_squeeze %dma_wait3A_1833 : memref<1x2x100xi32, #tpu.memory_space<vmem>> -> memref<2x100xi32, #tpu.memory_space<vmem>>
      %dma_wait3A_1835 = arith.constant 0 : i32
      %dma_wait3A_1836 = arith.constant 0 : i32
      %dma_wait3A_1837 = tpu.memref_slice %arg3[%add3A_1830, %dma_wait3A_1835, %dma_wait3A_1836] : memref<500x2x100xi32, #tpu.memory_space<hbm>> -> memref<1x2x100xi32, #tpu.memory_space<hbm>>
      %dma_wait3A_1838 = tpu.memref_squeeze %dma_wait3A_1837 : memref<1x2x100xi32, #tpu.memory_space<hbm>> -> memref<2x100xi32, #tpu.memory_space<hbm>>
      %dma_wait3A_1839 = arith.constant 0 : i32
      %dma_wait3A_1840 = arith.constant 0 : i32
      %dma_wait3A_1841 = tpu.memref_slice %arg6[%dma_wait3A, %dma_wait3A_1839, %dma_wait3A_1840] : memref<10x2x100xi32, #tpu.memory_space<vmem>> -> memref<1x2x100xi32, #tpu.memory_space<vmem>>
      %dma_wait3A_1842 = tpu.memref_squeeze %dma_wait3A_1841 : memref<1x2x100xi32, #tpu.memory_space<vmem>> -> memref<2x100xi32, #tpu.memory_space<vmem>>
      %dma_wait3A_1843 = arith.constant 0 : i32
      %dma_wait3A_1844 = arith.constant 0 : i32
      %dma_wait3A_1845 = tpu.memref_slice %arg3[%add3A_1830, %dma_wait3A_1843, %dma_wait3A_1844] : memref<500x2x100xi32, #tpu.memory_space<hbm>> -> memref<1x2x100xi32, #tpu.memory_space<hbm>>
      %dma_wait3A_1846 = tpu.memref_squeeze %dma_wait3A_1845 : memref<1x2x100xi32, #tpu.memory_space<hbm>> -> memref<2x100xi32, #tpu.memory_space<hbm>>
      tpu.wait_dma2 semaphore(%arg7 : memref<!tpu.dma_semaphore, #tpu.memory_space<semaphore_mem>>) src(%dma_wait3A_1846 : memref<2x100xi32, #tpu.memory_space<hbm>>) dst(%dma_wait3A_1842 : memref<2x100xi32, #tpu.memory_space<vmem>>)
    } else {
    }
    %add3A_1698 = arith.constant 288 : i32
    %add3A_1699 = arith.addi %add3A, %add3A_1698 : i32
    %lt3A_1700 = arith.constant 300 : i32
    %lt3A_1701 = arith.cmpi slt, %add3A_1699, %lt3A_1700 : i32
    %convert_element_type3A_1702 = arith.extui %lt3A_1701 : i1 to i32
    %cond3A_1703 = arith.constant 0 : i32
    %cond3A_1704 = arith.cmpi ne, %convert_element_type3A_1702, %cond3A_1703 : i32
    scf.if %cond3A_1704 {
      %add3A_1829 = arith.constant 288 : i32
      %add3A_1830 = arith.addi %add3A, %add3A_1829 : i32
      %dma_wait3A = arith.constant 9 : i32
      %dma_wait3A_1831 = arith.constant 0 : i32
      %dma_wait3A_1832 = arith.constant 0 : i32
      %dma_wait3A_1833 = tpu.memref_slice %arg6[%dma_wait3A, %dma_wait3A_1831, %dma_wait3A_1832] : memref<10x2x100xi32, #tpu.memory_space<vmem>> -> memref<1x2x100xi32, #tpu.memory_space<vmem>>
      %dma_wait3A_1834 = tpu.memref_squeeze %dma_wait3A_1833 : memref<1x2x100xi32, #tpu.memory_space<vmem>> -> memref<2x100xi32, #tpu.memory_space<vmem>>
      %dma_wait3A_1835 = arith.constant 0 : i32
      %dma_wait3A_1836 = arith.constant 0 : i32
      %dma_wait3A_1837 = tpu.memref_slice %arg3[%add3A_1830, %dma_wait3A_1835, %dma_wait3A_1836] : memref<500x2x100xi32, #tpu.memory_space<hbm>> -> memref<1x2x100xi32, #tpu.memory_space<hbm>>
      %dma_wait3A_1838 = tpu.memref_squeeze %dma_wait3A_1837 : memref<1x2x100xi32, #tpu.memory_space<hbm>> -> memref<2x100xi32, #tpu.memory_space<hbm>>
      %dma_wait3A_1839 = arith.constant 0 : i32
      %dma_wait3A_1840 = arith.constant 0 : i32
      %dma_wait3A_1841 = tpu.memref_slice %arg6[%dma_wait3A, %dma_wait3A_1839, %dma_wait3A_1840] : memref<10x2x100xi32, #tpu.memory_space<vmem>> -> memref<1x2x100xi32, #tpu.memory_space<vmem>>
      %dma_wait3A_1842 = tpu.memref_squeeze %dma_wait3A_1841 : memref<1x2x100xi32, #tpu.memory_space<vmem>> -> memref<2x100xi32, #tpu.memory_space<vmem>>
      %dma_wait3A_1843 = arith.constant 0 : i32
      %dma_wait3A_1844 = arith.constant 0 : i32
      %dma_wait3A_1845 = tpu.memref_slice %arg3[%add3A_1830, %dma_wait3A_1843, %dma_wait3A_1844] : memref<500x2x100xi32, #tpu.memory_space<hbm>> -> memref<1x2x100xi32, #tpu.memory_space<hbm>>
      %dma_wait3A_1846 = tpu.memref_squeeze %dma_wait3A_1845 : memref<1x2x100xi32, #tpu.memory_space<hbm>> -> memref<2x100xi32, #tpu.memory_space<hbm>>
      tpu.wait_dma2 semaphore(%arg7 : memref<!tpu.dma_semaphore, #tpu.memory_space<semaphore_mem>>) src(%dma_wait3A_1846 : memref<2x100xi32, #tpu.memory_space<hbm>>) dst(%dma_wait3A_1842 : memref<2x100xi32, #tpu.memory_space<vmem>>)
    } else {
    }
    %barrier3A = arith.constant 0 : index
    tpu.barrier barrier_id(%barrier3A)
    %add3A_1705 = arith.constant 0 : i32
    %add3A_1706 = arith.addi %add3A, %add3A_1705 : i32
    %lt3A_1707 = arith.constant 300 : i32
    %lt3A_1708 = arith.cmpi slt, %add3A_1706, %lt3A_1707 : i32
    %convert_element_type3A_1709 = arith.extui %lt3A_1708 : i1 to i32
    %cond3A_1710 = arith.constant 0 : i32
    %cond3A_1711 = arith.cmpi ne, %convert_element_type3A_1709, %cond3A_1710 : i32
    scf.if %cond3A_1711 {
      %add3A_1829 = arith.constant 0 : i32
      %add3A_1830 = arith.addi %add3A, %add3A_1829 : i32
      %dma_wait3A = arith.constant 0 : i32
      %dma_wait3A_1831 = arith.constant 0 : i32
      %dma_wait3A_1832 = tpu.memref_slice %arg2[%add3A_1830, %dma_wait3A, %dma_wait3A_1831] : memref<500x200x128xf32, #tpu.memory_space<hbm>> -> memref<1x200x128xf32, #tpu.memory_space<hbm>>
      %dma_wait3A_1833 = tpu.memref_squeeze %dma_wait3A_1832 : memref<1x200x128xf32, #tpu.memory_space<hbm>> -> memref<200x128xf32, #tpu.memory_space<hbm>>
      %dma_wait3A_1834 = arith.constant 0 : i32
      %dma_wait3A_1835 = arith.constant 0 : i32
      %dma_wait3A_1836 = tpu.memref_slice %arg2[%add3A_1830, %dma_wait3A_1834, %dma_wait3A_1835] : memref<500x200x128xf32, #tpu.memory_space<hbm>> -> memref<1x200x128xf32, #tpu.memory_space<hbm>>
      %dma_wait3A_1837 = tpu.memref_squeeze %dma_wait3A_1836 : memref<1x200x128xf32, #tpu.memory_space<hbm>> -> memref<200x128xf32, #tpu.memory_space<hbm>>
      tpu.wait_dma2 semaphore(%arg8 : memref<!tpu.dma_semaphore, #tpu.memory_space<semaphore_mem>>) src(%dma_wait3A_1837 : memref<200x128xf32, #tpu.memory_space<hbm>>) dst(%arg12 : memref<200x128xf32, #tpu.memory_space<vmem>>)
      %dma_start3A_1838 = arith.constant 0 : i32
      %dma_start3A_1839 = arith.constant 0 : i32
      %dma_start3A_1840 = arith.constant 0 : i32
      %dma_start3A_1841 = arith.constant 0 : i32
      %dma_start3A_1842 = tpu.memref_slice %arg12[%dma_start3A_1840, %dma_start3A_1841] : memref<200x128xf32, #tpu.memory_space<vmem>> -> memref<100x128xf32, #tpu.memory_space<vmem>>
      %dma_start3A_1843 = arith.constant 0 : i32
      %dma_start3A_1844 = tpu.memref_slice %arg6[%dma_start3A_1838, %dma_start3A_1839, %dma_start3A_1843] : memref<10x2x100xi32, #tpu.memory_space<vmem>> -> memref<1x1x100xi32, #tpu.memory_space<vmem>>
      %dma_start3A_1845 = tpu.memref_squeeze %dma_start3A_1844 : memref<1x1x100xi32, #tpu.memory_space<vmem>> -> memref<100xi32, #tpu.memory_space<vmem>>
      %dma_start3A_1846 = arith.constant 0 : i32
      %dma_start3A_1847 = arith.constant 0 : i32
      %dma_start3A_1848 = tpu.memref_slice %arg5[%dma_start3A_1846, %dma_start3A_1847] : memref<512x128xf32, #tpu.memory_space<vmem_shared>> -> memref<512x128xf32, #tpu.memory_space<vmem_shared>>
      tpu.enqueue_indirect_dma source(%dma_start3A_1842 : memref<100x128xf32, #tpu.memory_space<vmem>>) target(%dma_start3A_1848 : memref<512x128xf32, #tpu.memory_space<vmem_shared>>) offsets(%dma_start3A_1845 : memref<100xi32, #tpu.memory_space<vmem>>) semaphore(%arg11 : memref<!tpu.dma_semaphore, #tpu.memory_space<semaphore_mem>>) {add = true}
      %dma_start3A_1849 = arith.constant 0 : i32
      %dma_start3A_1850 = arith.constant 1 : i32
      %dma_start3A_1851 = arith.constant 100 : i32
      %dma_start3A_1852 = arith.constant 0 : i32
      %dma_start3A_1853 = tpu.memref_slice %arg12[%dma_start3A_1851, %dma_start3A_1852] : memref<200x128xf32, #tpu.memory_space<vmem>> -> memref<100x128xf32, #tpu.memory_space<vmem>>
      %dma_start3A_1854 = arith.constant 0 : i32
      %dma_start3A_1855 = tpu.memref_slice %arg6[%dma_start3A_1849, %dma_start3A_1850, %dma_start3A_1854] : memref<10x2x100xi32, #tpu.memory_space<vmem>> -> memref<1x1x100xi32, #tpu.memory_space<vmem>>
      %dma_start3A_1856 = tpu.memref_squeeze %dma_start3A_1855 : memref<1x1x100xi32, #tpu.memory_space<vmem>> -> memref<100xi32, #tpu.memory_space<vmem>>
      %dma_start3A_1857 = arith.constant 0 : i32
      %dma_start3A_1858 = arith.constant 0 : i32
      %dma_start3A_1859 = tpu.memref_slice %arg5[%dma_start3A_1857, %dma_start3A_1858] : memref<512x128xf32, #tpu.memory_space<vmem_shared>> -> memref<512x128xf32, #tpu.memory_space<vmem_shared>>
      tpu.enqueue_indirect_dma source(%dma_start3A_1853 : memref<100x128xf32, #tpu.memory_space<vmem>>) target(%dma_start3A_1859 : memref<512x128xf32, #tpu.memory_space<vmem_shared>>) offsets(%dma_start3A_1856 : memref<100xi32, #tpu.memory_space<vmem>>) semaphore(%arg11 : memref<!tpu.dma_semaphore, #tpu.memory_space<semaphore_mem>>) {add = true}
      %dma_wait3A_1860 = arith.constant 0 : i32
      %dma_wait3A_1861 = arith.constant 0 : i32
      %dma_wait3A_1862 = arith.constant 0 : i32
      %dma_wait3A_1863 = arith.constant 0 : i32
      %dma_wait3A_1864 = tpu.memref_slice %arg12[%dma_wait3A_1862, %dma_wait3A_1863] : memref<200x128xf32, #tpu.memory_space<vmem>> -> memref<100x128xf32, #tpu.memory_space<vmem>>
      %dma_wait3A_1865 = arith.constant 0 : i32
      %dma_wait3A_1866 = tpu.memref_slice %arg6[%dma_wait3A_1860, %dma_wait3A_1861, %dma_wait3A_1865] : memref<10x2x100xi32, #tpu.memory_space<vmem>> -> memref<1x1x100xi32, #tpu.memory_space<vmem>>
      %dma_wait3A_1867 = tpu.memref_squeeze %dma_wait3A_1866 : memref<1x1x100xi32, #tpu.memory_space<vmem>> -> memref<100xi32, #tpu.memory_space<vmem>>
      %dma_wait3A_1868 = arith.constant 0 : i32
      %dma_wait3A_1869 = arith.constant 0 : i32
      %dma_wait3A_1870 = tpu.memref_slice %arg5[%dma_wait3A_1868, %dma_wait3A_1869] : memref<512x128xf32, #tpu.memory_space<vmem_shared>> -> memref<512x128xf32, #tpu.memory_space<vmem_shared>>
      tpu.wait_indirect_dma semaphore(%arg11 : memref<!tpu.dma_semaphore, #tpu.memory_space<semaphore_mem>>) src(%dma_wait3A_1864 : memref<100x128xf32, #tpu.memory_space<vmem>>) dst(%dma_wait3A_1870 : memref<512x128xf32, #tpu.memory_space<vmem_shared>>)
      %dma_wait3A_1871 = arith.constant 0 : i32
      %dma_wait3A_1872 = arith.constant 1 : i32
      %dma_wait3A_1873 = arith.constant 100 : i32
      %dma_wait3A_1874 = arith.constant 0 : i32
      %dma_wait3A_1875 = tpu.memref_slice %arg12[%dma_wait3A_1873, %dma_wait3A_1874] : memref<200x128xf32, #tpu.memory_space<vmem>> -> memref<100x128xf32, #tpu.memory_space<vmem>>
      %dma_wait3A_1876 = arith.constant 0 : i32
      %dma_wait3A_1877 = tpu.memref_slice %arg6[%dma_wait3A_1871, %dma_wait3A_1872, %dma_wait3A_1876] : memref<10x2x100xi32, #tpu.memory_space<vmem>> -> memref<1x1x100xi32, #tpu.memory_space<vmem>>
      %dma_wait3A_1878 = tpu.memref_squeeze %dma_wait3A_1877 : memref<1x1x100xi32, #tpu.memory_space<vmem>> -> memref<100xi32, #tpu.memory_space<vmem>>
      %dma_wait3A_1879 = arith.constant 0 : i32
      %dma_wait3A_1880 = arith.constant 0 : i32
      %dma_wait3A_1881 = tpu.memref_slice %arg5[%dma_wait3A_1879, %dma_wait3A_1880] : memref<512x128xf32, #tpu.memory_space<vmem_shared>> -> memref<512x128xf32, #tpu.memory_space<vmem_shared>>
      tpu.wait_indirect_dma semaphore(%arg11 : memref<!tpu.dma_semaphore, #tpu.memory_space<semaphore_mem>>) src(%dma_wait3A_1875 : memref<100x128xf32, #tpu.memory_space<vmem>>) dst(%dma_wait3A_1881 : memref<512x128xf32, #tpu.memory_space<vmem_shared>>)
    } else {
    }
    %add3A_1712 = arith.constant 96 : i32
    %add3A_1713 = arith.addi %add3A, %add3A_1712 : i32
    %lt3A_1714 = arith.constant 300 : i32
    %lt3A_1715 = arith.cmpi slt, %add3A_1713, %lt3A_1714 : i32
    %convert_element_type3A_1716 = arith.extui %lt3A_1715 : i1 to i32
    %cond3A_1717 = arith.constant 0 : i32
    %cond3A_1718 = arith.cmpi ne, %convert_element_type3A_1716, %cond3A_1717 : i32
    scf.if %cond3A_1718 {
      %add3A_1829 = arith.constant 96 : i32
      %add3A_1830 = arith.addi %add3A, %add3A_1829 : i32
      %dma_start3A_1831 = arith.constant 0 : i32
      %dma_start3A_1832 = arith.constant 0 : i32
      %dma_start3A_1833 = tpu.memref_slice %arg2[%add3A_1830, %dma_start3A_1831, %dma_start3A_1832] : memref<500x200x128xf32, #tpu.memory_space<hbm>> -> memref<1x200x128xf32, #tpu.memory_space<hbm>>
      %dma_start3A_1834 = tpu.memref_squeeze %dma_start3A_1833 : memref<1x200x128xf32, #tpu.memory_space<hbm>> -> memref<200x128xf32, #tpu.memory_space<hbm>>
      %dma_start3A_1835 = arith.constant 0 : i32
      %dma_start3A_1836 = arith.constant 0 : i32
      %dma_start3A_1837 = tpu.memref_slice %arg2[%add3A_1830, %dma_start3A_1835, %dma_start3A_1836] : memref<500x200x128xf32, #tpu.memory_space<hbm>> -> memref<1x200x128xf32, #tpu.memory_space<hbm>>
      %dma_start3A_1838 = tpu.memref_squeeze %dma_start3A_1837 : memref<1x200x128xf32, #tpu.memory_space<hbm>> -> memref<200x128xf32, #tpu.memory_space<hbm>>
      tpu.enqueue_dma source(%dma_start3A_1838 : memref<200x128xf32, #tpu.memory_space<hbm>>) target(%arg12 : memref<200x128xf32, #tpu.memory_space<vmem>>) target_semaphore(%arg8 : memref<!tpu.dma_semaphore, #tpu.memory_space<semaphore_mem>>)
    } else {
    }
    %add3A_1719 = arith.constant 32 : i32
    %add3A_1720 = arith.addi %add3A, %add3A_1719 : i32
    %lt3A_1721 = arith.constant 300 : i32
    %lt3A_1722 = arith.cmpi slt, %add3A_1720, %lt3A_1721 : i32
    %convert_element_type3A_1723 = arith.extui %lt3A_1722 : i1 to i32
    %cond3A_1724 = arith.constant 0 : i32
    %cond3A_1725 = arith.cmpi ne, %convert_element_type3A_1723, %cond3A_1724 : i32
    scf.if %cond3A_1725 {
      %add3A_1829 = arith.constant 32 : i32
      %add3A_1830 = arith.addi %add3A, %add3A_1829 : i32
      %dma_wait3A = arith.constant 0 : i32
      %dma_wait3A_1831 = arith.constant 0 : i32
      %dma_wait3A_1832 = tpu.memref_slice %arg2[%add3A_1830, %dma_wait3A, %dma_wait3A_1831] : memref<500x200x128xf32, #tpu.memory_space<hbm>> -> memref<1x200x128xf32, #tpu.memory_space<hbm>>
      %dma_wait3A_1833 = tpu.memref_squeeze %dma_wait3A_1832 : memref<1x200x128xf32, #tpu.memory_space<hbm>> -> memref<200x128xf32, #tpu.memory_space<hbm>>
      %dma_wait3A_1834 = arith.constant 0 : i32
      %dma_wait3A_1835 = arith.constant 0 : i32
      %dma_wait3A_1836 = tpu.memref_slice %arg2[%add3A_1830, %dma_wait3A_1834, %dma_wait3A_1835] : memref<500x200x128xf32, #tpu.memory_space<hbm>> -> memref<1x200x128xf32, #tpu.memory_space<hbm>>
      %dma_wait3A_1837 = tpu.memref_squeeze %dma_wait3A_1836 : memref<1x200x128xf32, #tpu.memory_space<hbm>> -> memref<200x128xf32, #tpu.memory_space<hbm>>
      tpu.wait_dma2 semaphore(%arg9 : memref<!tpu.dma_semaphore, #tpu.memory_space<semaphore_mem>>) src(%dma_wait3A_1837 : memref<200x128xf32, #tpu.memory_space<hbm>>) dst(%arg13 : memref<200x128xf32, #tpu.memory_space<vmem>>)
      %dma_start3A_1838 = arith.constant 1 : i32
      %dma_start3A_1839 = arith.constant 0 : i32
      %dma_start3A_1840 = arith.constant 0 : i32
      %dma_start3A_1841 = arith.constant 0 : i32
      %dma_start3A_1842 = tpu.memref_slice %arg13[%dma_start3A_1840, %dma_start3A_1841] : memref<200x128xf32, #tpu.memory_space<vmem>> -> memref<100x128xf32, #tpu.memory_space<vmem>>
      %dma_start3A_1843 = arith.constant 0 : i32
      %dma_start3A_1844 = tpu.memref_slice %arg6[%dma_start3A_1838, %dma_start3A_1839, %dma_start3A_1843] : memref<10x2x100xi32, #tpu.memory_space<vmem>> -> memref<1x1x100xi32, #tpu.memory_space<vmem>>
      %dma_start3A_1845 = tpu.memref_squeeze %dma_start3A_1844 : memref<1x1x100xi32, #tpu.memory_space<vmem>> -> memref<100xi32, #tpu.memory_space<vmem>>
      %dma_start3A_1846 = arith.constant 0 : i32
      %dma_start3A_1847 = arith.constant 0 : i32
      %dma_start3A_1848 = tpu.memref_slice %arg5[%dma_start3A_1846, %dma_start3A_1847] : memref<512x128xf32, #tpu.memory_space<vmem_shared>> -> memref<512x128xf32, #tpu.memory_space<vmem_shared>>
      tpu.enqueue_indirect_dma source(%dma_start3A_1842 : memref<100x128xf32, #tpu.memory_space<vmem>>) target(%dma_start3A_1848 : memref<512x128xf32, #tpu.memory_space<vmem_shared>>) offsets(%dma_start3A_1845 : memref<100xi32, #tpu.memory_space<vmem>>) semaphore(%arg11 : memref<!tpu.dma_semaphore, #tpu.memory_space<semaphore_mem>>) {add = true}
      %dma_start3A_1849 = arith.constant 1 : i32
      %dma_start3A_1850 = arith.constant 1 : i32
      %dma_start3A_1851 = arith.constant 100 : i32
      %dma_start3A_1852 = arith.constant 0 : i32
      %dma_start3A_1853 = tpu.memref_slice %arg13[%dma_start3A_1851, %dma_start3A_1852] : memref<200x128xf32, #tpu.memory_space<vmem>> -> memref<100x128xf32, #tpu.memory_space<vmem>>
      %dma_start3A_1854 = arith.constant 0 : i32
      %dma_start3A_1855 = tpu.memref_slice %arg6[%dma_start3A_1849, %dma_start3A_1850, %dma_start3A_1854] : memref<10x2x100xi32, #tpu.memory_space<vmem>> -> memref<1x1x100xi32, #tpu.memory_space<vmem>>
      %dma_start3A_1856 = tpu.memref_squeeze %dma_start3A_1855 : memref<1x1x100xi32, #tpu.memory_space<vmem>> -> memref<100xi32, #tpu.memory_space<vmem>>
      %dma_start3A_1857 = arith.constant 0 : i32
      %dma_start3A_1858 = arith.constant 0 : i32
      %dma_start3A_1859 = tpu.memref_slice %arg5[%dma_start3A_1857, %dma_start3A_1858] : memref<512x128xf32, #tpu.memory_space<vmem_shared>> -> memref<512x128xf32, #tpu.memory_space<vmem_shared>>
      tpu.enqueue_indirect_dma source(%dma_start3A_1853 : memref<100x128xf32, #tpu.memory_space<vmem>>) target(%dma_start3A_1859 : memref<512x128xf32, #tpu.memory_space<vmem_shared>>) offsets(%dma_start3A_1856 : memref<100xi32, #tpu.memory_space<vmem>>) semaphore(%arg11 : memref<!tpu.dma_semaphore, #tpu.memory_space<semaphore_mem>>) {add = true}
      %dma_wait3A_1860 = arith.constant 1 : i32
      %dma_wait3A_1861 = arith.constant 0 : i32
      %dma_wait3A_1862 = arith.constant 0 : i32
      %dma_wait3A_1863 = arith.constant 0 : i32
      %dma_wait3A_1864 = tpu.memref_slice %arg13[%dma_wait3A_1862, %dma_wait3A_1863] : memref<200x128xf32, #tpu.memory_space<vmem>> -> memref<100x128xf32, #tpu.memory_space<vmem>>
      %dma_wait3A_1865 = arith.constant 0 : i32
      %dma_wait3A_1866 = tpu.memref_slice %arg6[%dma_wait3A_1860, %dma_wait3A_1861, %dma_wait3A_1865] : memref<10x2x100xi32, #tpu.memory_space<vmem>> -> memref<1x1x100xi32, #tpu.memory_space<vmem>>
      %dma_wait3A_1867 = tpu.memref_squeeze %dma_wait3A_1866 : memref<1x1x100xi32, #tpu.memory_space<vmem>> -> memref<100xi32, #tpu.memory_space<vmem>>
      %dma_wait3A_1868 = arith.constant 0 : i32
      %dma_wait3A_1869 = arith.constant 0 : i32
      %dma_wait3A_1870 = tpu.memref_slice %arg5[%dma_wait3A_1868, %dma_wait3A_1869] : memref<512x128xf32, #tpu.memory_space<vmem_shared>> -> memref<512x128xf32, #tpu.memory_space<vmem_shared>>
      tpu.wait_indirect_dma semaphore(%arg11 : memref<!tpu.dma_semaphore, #tpu.memory_space<semaphore_mem>>) src(%dma_wait3A_1864 : memref<100x128xf32, #tpu.memory_space<vmem>>) dst(%dma_wait3A_1870 : memref<512x128xf32, #tpu.memory_space<vmem_shared>>)
      %dma_wait3A_1871 = arith.constant 1 : i32
      %dma_wait3A_1872 = arith.constant 1 : i32
      %dma_wait3A_1873 = arith.constant 100 : i32
      %dma_wait3A_1874 = arith.constant 0 : i32
      %dma_wait3A_1875 = tpu.memref_slice %arg13[%dma_wait3A_1873, %dma_wait3A_1874] : memref<200x128xf32, #tpu.memory_space<vmem>> -> memref<100x128xf32, #tpu.memory_space<vmem>>
      %dma_wait3A_1876 = arith.constant 0 : i32
      %dma_wait3A_1877 = tpu.memref_slice %arg6[%dma_wait3A_1871, %dma_wait3A_1872, %dma_wait3A_1876] : memref<10x2x100xi32, #tpu.memory_space<vmem>> -> memref<1x1x100xi32, #tpu.memory_space<vmem>>
      %dma_wait3A_1878 = tpu.memref_squeeze %dma_wait3A_1877 : memref<1x1x100xi32, #tpu.memory_space<vmem>> -> memref<100xi32, #tpu.memory_space<vmem>>
      %dma_wait3A_1879 = arith.constant 0 : i32
      %dma_wait3A_1880 = arith.constant 0 : i32
      %dma_wait3A_1881 = tpu.memref_slice %arg5[%dma_wait3A_1879, %dma_wait3A_1880] : memref<512x128xf32, #tpu.memory_space<vmem_shared>> -> memref<512x128xf32, #tpu.memory_space<vmem_shared>>
      tpu.wait_indirect_dma semaphore(%arg11 : memref<!tpu.dma_semaphore, #tpu.memory_space<semaphore_mem>>) src(%dma_wait3A_1875 : memref<100x128xf32, #tpu.memory_space<vmem>>) dst(%dma_wait3A_1881 : memref<512x128xf32, #tpu.memory_space<vmem_shared>>)
    } else {
    }
    %add3A_1726 = arith.constant 128 : i32
    %add3A_1727 = arith.addi %add3A, %add3A_1726 : i32
    %lt3A_1728 = arith.constant 300 : i32
    %lt3A_1729 = arith.cmpi slt, %add3A_1727, %lt3A_1728 : i32
    %convert_element_type3A_1730 = arith.extui %lt3A_1729 : i1 to i32
    %cond3A_1731 = arith.constant 0 : i32
    %cond3A_1732 = arith.cmpi ne, %convert_element_type3A_1730, %cond3A_1731 : i32
    scf.if %cond3A_1732 {
      %add3A_1829 = arith.constant 128 : i32
      %add3A_1830 = arith.addi %add3A, %add3A_1829 : i32
      %dma_start3A_1831 = arith.constant 0 : i32
      %dma_start3A_1832 = arith.constant 0 : i32
      %dma_start3A_1833 = tpu.memref_slice %arg2[%add3A_1830, %dma_start3A_1831, %dma_start3A_1832] : memref<500x200x128xf32, #tpu.memory_space<hbm>> -> memref<1x200x128xf32, #tpu.memory_space<hbm>>
      %dma_start3A_1834 = tpu.memref_squeeze %dma_start3A_1833 : memref<1x200x128xf32, #tpu.memory_space<hbm>> -> memref<200x128xf32, #tpu.memory_space<hbm>>
      %dma_start3A_1835 = arith.constant 0 : i32
      %dma_start3A_1836 = arith.constant 0 : i32
      %dma_start3A_1837 = tpu.memref_slice %arg2[%add3A_1830, %dma_start3A_1835, %dma_start3A_1836] : memref<500x200x128xf32, #tpu.memory_space<hbm>> -> memref<1x200x128xf32, #tpu.memory_space<hbm>>
      %dma_start3A_1838 = tpu.memref_squeeze %dma_start3A_1837 : memref<1x200x128xf32, #tpu.memory_space<hbm>> -> memref<200x128xf32, #tpu.memory_space<hbm>>
      tpu.enqueue_dma source(%dma_start3A_1838 : memref<200x128xf32, #tpu.memory_space<hbm>>) target(%arg13 : memref<200x128xf32, #tpu.memory_space<vmem>>) target_semaphore(%arg9 : memref<!tpu.dma_semaphore, #tpu.memory_space<semaphore_mem>>)
    } else {
    }
    %add3A_1733 = arith.constant 64 : i32
    %add3A_1734 = arith.addi %add3A, %add3A_1733 : i32
    %lt3A_1735 = arith.constant 300 : i32
    %lt3A_1736 = arith.cmpi slt, %add3A_1734, %lt3A_1735 : i32
    %convert_element_type3A_1737 = arith.extui %lt3A_1736 : i1 to i32
    %cond3A_1738 = arith.constant 0 : i32
    %cond3A_1739 = arith.cmpi ne, %convert_element_type3A_1737, %cond3A_1738 : i32
    scf.if %cond3A_1739 {
      %add3A_1829 = arith.constant 64 : i32
      %add3A_1830 = arith.addi %add3A, %add3A_1829 : i32
      %dma_wait3A = arith.constant 0 : i32
      %dma_wait3A_1831 = arith.constant 0 : i32
      %dma_wait3A_1832 = tpu.memref_slice %arg2[%add3A_1830, %dma_wait3A, %dma_wait3A_1831] : memref<500x200x128xf32, #tpu.memory_space<hbm>> -> memref<1x200x128xf32, #tpu.memory_space<hbm>>
      %dma_wait3A_1833 = tpu.memref_squeeze %dma_wait3A_1832 : memref<1x200x128xf32, #tpu.memory_space<hbm>> -> memref<200x128xf32, #tpu.memory_space<hbm>>
      %dma_wait3A_1834 = arith.constant 0 : i32
      %dma_wait3A_1835 = arith.constant 0 : i32
      %dma_wait3A_1836 = tpu.memref_slice %arg2[%add3A_1830, %dma_wait3A_1834, %dma_wait3A_1835] : memref<500x200x128xf32, #tpu.memory_space<hbm>> -> memref<1x200x128xf32, #tpu.memory_space<hbm>>
      %dma_wait3A_1837 = tpu.memref_squeeze %dma_wait3A_1836 : memref<1x200x128xf32, #tpu.memory_space<hbm>> -> memref<200x128xf32, #tpu.memory_space<hbm>>
      tpu.wait_dma2 semaphore(%arg10 : memref<!tpu.dma_semaphore, #tpu.memory_space<semaphore_mem>>) src(%dma_wait3A_1837 : memref<200x128xf32, #tpu.memory_space<hbm>>) dst(%arg14 : memref<200x128xf32, #tpu.memory_space<vmem>>)
      %dma_start3A_1838 = arith.constant 2 : i32
      %dma_start3A_1839 = arith.constant 0 : i32
      %dma_start3A_1840 = arith.constant 0 : i32
      %dma_start3A_1841 = arith.constant 0 : i32
      %dma_start3A_1842 = tpu.memref_slice %arg14[%dma_start3A_1840, %dma_start3A_1841] : memref<200x128xf32, #tpu.memory_space<vmem>> -> memref<100x128xf32, #tpu.memory_space<vmem>>
      %dma_start3A_1843 = arith.constant 0 : i32
      %dma_start3A_1844 = tpu.memref_slice %arg6[%dma_start3A_1838, %dma_start3A_1839, %dma_start3A_1843] : memref<10x2x100xi32, #tpu.memory_space<vmem>> -> memref<1x1x100xi32, #tpu.memory_space<vmem>>
      %dma_start3A_1845 = tpu.memref_squeeze %dma_start3A_1844 : memref<1x1x100xi32, #tpu.memory_space<vmem>> -> memref<100xi32, #tpu.memory_space<vmem>>
      %dma_start3A_1846 = arith.constant 0 : i32
      %dma_start3A_1847 = arith.constant 0 : i32
      %dma_start3A_1848 = tpu.memref_slice %arg5[%dma_start3A_1846, %dma_start3A_1847] : memref<512x128xf32, #tpu.memory_space<vmem_shared>> -> memref<512x128xf32, #tpu.memory_space<vmem_shared>>
      tpu.enqueue_indirect_dma source(%dma_start3A_1842 : memref<100x128xf32, #tpu.memory_space<vmem>>) target(%dma_start3A_1848 : memref<512x128xf32, #tpu.memory_space<vmem_shared>>) offsets(%dma_start3A_1845 : memref<100xi32, #tpu.memory_space<vmem>>) semaphore(%arg11 : memref<!tpu.dma_semaphore, #tpu.memory_space<semaphore_mem>>) {add = true}
      %dma_start3A_1849 = arith.constant 2 : i32
      %dma_start3A_1850 = arith.constant 1 : i32
      %dma_start3A_1851 = arith.constant 100 : i32
      %dma_start3A_1852 = arith.constant 0 : i32
      %dma_start3A_1853 = tpu.memref_slice %arg14[%dma_start3A_1851, %dma_start3A_1852] : memref<200x128xf32, #tpu.memory_space<vmem>> -> memref<100x128xf32, #tpu.memory_space<vmem>>
      %dma_start3A_1854 = arith.constant 0 : i32
      %dma_start3A_1855 = tpu.memref_slice %arg6[%dma_start3A_1849, %dma_start3A_1850, %dma_start3A_1854] : memref<10x2x100xi32, #tpu.memory_space<vmem>> -> memref<1x1x100xi32, #tpu.memory_space<vmem>>
      %dma_start3A_1856 = tpu.memref_squeeze %dma_start3A_1855 : memref<1x1x100xi32, #tpu.memory_space<vmem>> -> memref<100xi32, #tpu.memory_space<vmem>>
      %dma_start3A_1857 = arith.constant 0 : i32
      %dma_start3A_1858 = arith.constant 0 : i32
      %dma_start3A_1859 = tpu.memref_slice %arg5[%dma_start3A_1857, %dma_start3A_1858] : memref<512x128xf32, #tpu.memory_space<vmem_shared>> -> memref<512x128xf32, #tpu.memory_space<vmem_shared>>
      tpu.enqueue_indirect_dma source(%dma_start3A_1853 : memref<100x128xf32, #tpu.memory_space<vmem>>) target(%dma_start3A_1859 : memref<512x128xf32, #tpu.memory_space<vmem_shared>>) offsets(%dma_start3A_1856 : memref<100xi32, #tpu.memory_space<vmem>>) semaphore(%arg11 : memref<!tpu.dma_semaphore, #tpu.memory_space<semaphore_mem>>) {add = true}
      %dma_wait3A_1860 = arith.constant 2 : i32
      %dma_wait3A_1861 = arith.constant 0 : i32
      %dma_wait3A_1862 = arith.constant 0 : i32
      %dma_wait3A_1863 = arith.constant 0 : i32
      %dma_wait3A_1864 = tpu.memref_slice %arg14[%dma_wait3A_1862, %dma_wait3A_1863] : memref<200x128xf32, #tpu.memory_space<vmem>> -> memref<100x128xf32, #tpu.memory_space<vmem>>
      %dma_wait3A_1865 = arith.constant 0 : i32
      %dma_wait3A_1866 = tpu.memref_slice %arg6[%dma_wait3A_1860, %dma_wait3A_1861, %dma_wait3A_1865] : memref<10x2x100xi32, #tpu.memory_space<vmem>> -> memref<1x1x100xi32, #tpu.memory_space<vmem>>
      %dma_wait3A_1867 = tpu.memref_squeeze %dma_wait3A_1866 : memref<1x1x100xi32, #tpu.memory_space<vmem>> -> memref<100xi32, #tpu.memory_space<vmem>>
      %dma_wait3A_1868 = arith.constant 0 : i32
      %dma_wait3A_1869 = arith.constant 0 : i32
      %dma_wait3A_1870 = tpu.memref_slice %arg5[%dma_wait3A_1868, %dma_wait3A_1869] : memref<512x128xf32, #tpu.memory_space<vmem_shared>> -> memref<512x128xf32, #tpu.memory_space<vmem_shared>>
      tpu.wait_indirect_dma semaphore(%arg11 : memref<!tpu.dma_semaphore, #tpu.memory_space<semaphore_mem>>) src(%dma_wait3A_1864 : memref<100x128xf32, #tpu.memory_space<vmem>>) dst(%dma_wait3A_1870 : memref<512x128xf32, #tpu.memory_space<vmem_shared>>)
      %dma_wait3A_1871 = arith.constant 2 : i32
      %dma_wait3A_1872 = arith.constant 1 : i32
      %dma_wait3A_1873 = arith.constant 100 : i32
      %dma_wait3A_1874 = arith.constant 0 : i32
      %dma_wait3A_1875 = tpu.memref_slice %arg14[%dma_wait3A_1873, %dma_wait3A_1874] : memref<200x128xf32, #tpu.memory_space<vmem>> -> memref<100x128xf32, #tpu.memory_space<vmem>>
      %dma_wait3A_1876 = arith.constant 0 : i32
      %dma_wait3A_1877 = tpu.memref_slice %arg6[%dma_wait3A_1871, %dma_wait3A_1872, %dma_wait3A_1876] : memref<10x2x100xi32, #tpu.memory_space<vmem>> -> memref<1x1x100xi32, #tpu.memory_space<vmem>>
      %dma_wait3A_1878 = tpu.memref_squeeze %dma_wait3A_1877 : memref<1x1x100xi32, #tpu.memory_space<vmem>> -> memref<100xi32, #tpu.memory_space<vmem>>
      %dma_wait3A_1879 = arith.constant 0 : i32
      %dma_wait3A_1880 = arith.constant 0 : i32
      %dma_wait3A_1881 = tpu.memref_slice %arg5[%dma_wait3A_1879, %dma_wait3A_1880] : memref<512x128xf32, #tpu.memory_space<vmem_shared>> -> memref<512x128xf32, #tpu.memory_space<vmem_shared>>
      tpu.wait_indirect_dma semaphore(%arg11 : memref<!tpu.dma_semaphore, #tpu.memory_space<semaphore_mem>>) src(%dma_wait3A_1875 : memref<100x128xf32, #tpu.memory_space<vmem>>) dst(%dma_wait3A_1881 : memref<512x128xf32, #tpu.memory_space<vmem_shared>>)
    } else {
    }
    %add3A_1740 = arith.constant 160 : i32
    %add3A_1741 = arith.addi %add3A, %add3A_1740 : i32
    %lt3A_1742 = arith.constant 300 : i32
    %lt3A_1743 = arith.cmpi slt, %add3A_1741, %lt3A_1742 : i32
    %convert_element_type3A_1744 = arith.extui %lt3A_1743 : i1 to i32
    %cond3A_1745 = arith.constant 0 : i32
    %cond3A_1746 = arith.cmpi ne, %convert_element_type3A_1744, %cond3A_1745 : i32
    scf.if %cond3A_1746 {
      %add3A_1829 = arith.constant 160 : i32
      %add3A_1830 = arith.addi %add3A, %add3A_1829 : i32
      %dma_start3A_1831 = arith.constant 0 : i32
      %dma_start3A_1832 = arith.constant 0 : i32
      %dma_start3A_1833 = tpu.memref_slice %arg2[%add3A_1830, %dma_start3A_1831, %dma_start3A_1832] : memref<500x200x128xf32, #tpu.memory_space<hbm>> -> memref<1x200x128xf32, #tpu.memory_space<hbm>>
      %dma_start3A_1834 = tpu.memref_squeeze %dma_start3A_1833 : memref<1x200x128xf32, #tpu.memory_space<hbm>> -> memref<200x128xf32, #tpu.memory_space<hbm>>
      %dma_start3A_1835 = arith.constant 0 : i32
      %dma_start3A_1836 = arith.constant 0 : i32
      %dma_start3A_1837 = tpu.memref_slice %arg2[%add3A_1830, %dma_start3A_1835, %dma_start3A_1836] : memref<500x200x128xf32, #tpu.memory_space<hbm>> -> memref<1x200x128xf32, #tpu.memory_space<hbm>>
      %dma_start3A_1838 = tpu.memref_squeeze %dma_start3A_1837 : memref<1x200x128xf32, #tpu.memory_space<hbm>> -> memref<200x128xf32, #tpu.memory_space<hbm>>
      tpu.enqueue_dma source(%dma_start3A_1838 : memref<200x128xf32, #tpu.memory_space<hbm>>) target(%arg14 : memref<200x128xf32, #tpu.memory_space<vmem>>) target_semaphore(%arg10 : memref<!tpu.dma_semaphore, #tpu.memory_space<semaphore_mem>>)
    } else {
    }
    %add3A_1747 = arith.constant 96 : i32
    %add3A_1748 = arith.addi %add3A, %add3A_1747 : i32
    %lt3A_1749 = arith.constant 300 : i32
    %lt3A_1750 = arith.cmpi slt, %add3A_1748, %lt3A_1749 : i32
    %convert_element_type3A_1751 = arith.extui %lt3A_1750 : i1 to i32
    %cond3A_1752 = arith.constant 0 : i32
    %cond3A_1753 = arith.cmpi ne, %convert_element_type3A_1751, %cond3A_1752 : i32
    scf.if %cond3A_1753 {
      %add3A_1829 = arith.constant 96 : i32
      %add3A_1830 = arith.addi %add3A, %add3A_1829 : i32
      %dma_wait3A = arith.constant 0 : i32
      %dma_wait3A_1831 = arith.constant 0 : i32
      %dma_wait3A_1832 = tpu.memref_slice %arg2[%add3A_1830, %dma_wait3A, %dma_wait3A_1831] : memref<500x200x128xf32, #tpu.memory_space<hbm>> -> memref<1x200x128xf32, #tpu.memory_space<hbm>>
      %dma_wait3A_1833 = tpu.memref_squeeze %dma_wait3A_1832 : memref<1x200x128xf32, #tpu.memory_space<hbm>> -> memref<200x128xf32, #tpu.memory_space<hbm>>
      %dma_wait3A_1834 = arith.constant 0 : i32
      %dma_wait3A_1835 = arith.constant 0 : i32
      %dma_wait3A_1836 = tpu.memref_slice %arg2[%add3A_1830, %dma_wait3A_1834, %dma_wait3A_1835] : memref<500x200x128xf32, #tpu.memory_space<hbm>> -> memref<1x200x128xf32, #tpu.memory_space<hbm>>
      %dma_wait3A_1837 = tpu.memref_squeeze %dma_wait3A_1836 : memref<1x200x128xf32, #tpu.memory_space<hbm>> -> memref<200x128xf32, #tpu.memory_space<hbm>>
      tpu.wait_dma2 semaphore(%arg8 : memref<!tpu.dma_semaphore, #tpu.memory_space<semaphore_mem>>) src(%dma_wait3A_1837 : memref<200x128xf32, #tpu.memory_space<hbm>>) dst(%arg12 : memref<200x128xf32, #tpu.memory_space<vmem>>)
      %dma_start3A_1838 = arith.constant 3 : i32
      %dma_start3A_1839 = arith.constant 0 : i32
      %dma_start3A_1840 = arith.constant 0 : i32
      %dma_start3A_1841 = arith.constant 0 : i32
      %dma_start3A_1842 = tpu.memref_slice %arg12[%dma_start3A_1840, %dma_start3A_1841] : memref<200x128xf32, #tpu.memory_space<vmem>> -> memref<100x128xf32, #tpu.memory_space<vmem>>
      %dma_start3A_1843 = arith.constant 0 : i32
      %dma_start3A_1844 = tpu.memref_slice %arg6[%dma_start3A_1838, %dma_start3A_1839, %dma_start3A_1843] : memref<10x2x100xi32, #tpu.memory_space<vmem>> -> memref<1x1x100xi32, #tpu.memory_space<vmem>>
      %dma_start3A_1845 = tpu.memref_squeeze %dma_start3A_1844 : memref<1x1x100xi32, #tpu.memory_space<vmem>> -> memref<100xi32, #tpu.memory_space<vmem>>
      %dma_start3A_1846 = arith.constant 0 : i32
      %dma_start3A_1847 = arith.constant 0 : i32
      %dma_start3A_1848 = tpu.memref_slice %arg5[%dma_start3A_1846, %dma_start3A_1847] : memref<512x128xf32, #tpu.memory_space<vmem_shared>> -> memref<512x128xf32, #tpu.memory_space<vmem_shared>>
      tpu.enqueue_indirect_dma source(%dma_start3A_1842 : memref<100x128xf32, #tpu.memory_space<vmem>>) target(%dma_start3A_1848 : memref<512x128xf32, #tpu.memory_space<vmem_shared>>) offsets(%dma_start3A_1845 : memref<100xi32, #tpu.memory_space<vmem>>) semaphore(%arg11 : memref<!tpu.dma_semaphore, #tpu.memory_space<semaphore_mem>>) {add = true}
      %dma_start3A_1849 = arith.constant 3 : i32
      %dma_start3A_1850 = arith.constant 1 : i32
      %dma_start3A_1851 = arith.constant 100 : i32
      %dma_start3A_1852 = arith.constant 0 : i32
      %dma_start3A_1853 = tpu.memref_slice %arg12[%dma_start3A_1851, %dma_start3A_1852] : memref<200x128xf32, #tpu.memory_space<vmem>> -> memref<100x128xf32, #tpu.memory_space<vmem>>
      %dma_start3A_1854 = arith.constant 0 : i32
      %dma_start3A_1855 = tpu.memref_slice %arg6[%dma_start3A_1849, %dma_start3A_1850, %dma_start3A_1854] : memref<10x2x100xi32, #tpu.memory_space<vmem>> -> memref<1x1x100xi32, #tpu.memory_space<vmem>>
      %dma_start3A_1856 = tpu.memref_squeeze %dma_start3A_1855 : memref<1x1x100xi32, #tpu.memory_space<vmem>> -> memref<100xi32, #tpu.memory_space<vmem>>
      %dma_start3A_1857 = arith.constant 0 : i32
      %dma_start3A_1858 = arith.constant 0 : i32
      %dma_start3A_1859 = tpu.memref_slice %arg5[%dma_start3A_1857, %dma_start3A_1858] : memref<512x128xf32, #tpu.memory_space<vmem_shared>> -> memref<512x128xf32, #tpu.memory_space<vmem_shared>>
      tpu.enqueue_indirect_dma source(%dma_start3A_1853 : memref<100x128xf32, #tpu.memory_space<vmem>>) target(%dma_start3A_1859 : memref<512x128xf32, #tpu.memory_space<vmem_shared>>) offsets(%dma_start3A_1856 : memref<100xi32, #tpu.memory_space<vmem>>) semaphore(%arg11 : memref<!tpu.dma_semaphore, #tpu.memory_space<semaphore_mem>>) {add = true}
      %dma_wait3A_1860 = arith.constant 3 : i32
      %dma_wait3A_1861 = arith.constant 0 : i32
      %dma_wait3A_1862 = arith.constant 0 : i32
      %dma_wait3A_1863 = arith.constant 0 : i32
      %dma_wait3A_1864 = tpu.memref_slice %arg12[%dma_wait3A_1862, %dma_wait3A_1863] : memref<200x128xf32, #tpu.memory_space<vmem>> -> memref<100x128xf32, #tpu.memory_space<vmem>>
      %dma_wait3A_1865 = arith.constant 0 : i32
      %dma_wait3A_1866 = tpu.memref_slice %arg6[%dma_wait3A_1860, %dma_wait3A_1861, %dma_wait3A_1865] : memref<10x2x100xi32, #tpu.memory_space<vmem>> -> memref<1x1x100xi32, #tpu.memory_space<vmem>>
      %dma_wait3A_1867 = tpu.memref_squeeze %dma_wait3A_1866 : memref<1x1x100xi32, #tpu.memory_space<vmem>> -> memref<100xi32, #tpu.memory_space<vmem>>
      %dma_wait3A_1868 = arith.constant 0 : i32
      %dma_wait3A_1869 = arith.constant 0 : i32
      %dma_wait3A_1870 = tpu.memref_slice %arg5[%dma_wait3A_1868, %dma_wait3A_1869] : memref<512x128xf32, #tpu.memory_space<vmem_shared>> -> memref<512x128xf32, #tpu.memory_space<vmem_shared>>
      tpu.wait_indirect_dma semaphore(%arg11 : memref<!tpu.dma_semaphore, #tpu.memory_space<semaphore_mem>>) src(%dma_wait3A_1864 : memref<100x128xf32, #tpu.memory_space<vmem>>) dst(%dma_wait3A_1870 : memref<512x128xf32, #tpu.memory_space<vmem_shared>>)
      %dma_wait3A_1871 = arith.constant 3 : i32
      %dma_wait3A_1872 = arith.constant 1 : i32
      %dma_wait3A_1873 = arith.constant 100 : i32
      %dma_wait3A_1874 = arith.constant 0 : i32
      %dma_wait3A_1875 = tpu.memref_slice %arg12[%dma_wait3A_1873, %dma_wait3A_1874] : memref<200x128xf32, #tpu.memory_space<vmem>> -> memref<100x128xf32, #tpu.memory_space<vmem>>
      %dma_wait3A_1876 = arith.constant 0 : i32
      %dma_wait3A_1877 = tpu.memref_slice %arg6[%dma_wait3A_1871, %dma_wait3A_1872, %dma_wait3A_1876] : memref<10x2x100xi32, #tpu.memory_space<vmem>> -> memref<1x1x100xi32, #tpu.memory_space<vmem>>
      %dma_wait3A_1878 = tpu.memref_squeeze %dma_wait3A_1877 : memref<1x1x100xi32, #tpu.memory_space<vmem>> -> memref<100xi32, #tpu.memory_space<vmem>>
      %dma_wait3A_1879 = arith.constant 0 : i32
      %dma_wait3A_1880 = arith.constant 0 : i32
      %dma_wait3A_1881 = tpu.memref_slice %arg5[%dma_wait3A_1879, %dma_wait3A_1880] : memref<512x128xf32, #tpu.memory_space<vmem_shared>> -> memref<512x128xf32, #tpu.memory_space<vmem_shared>>
      tpu.wait_indirect_dma semaphore(%arg11 : memref<!tpu.dma_semaphore, #tpu.memory_space<semaphore_mem>>) src(%dma_wait3A_1875 : memref<100x128xf32, #tpu.memory_space<vmem>>) dst(%dma_wait3A_1881 : memref<512x128xf32, #tpu.memory_space<vmem_shared>>)
    } else {
    }
    %add3A_1754 = arith.constant 192 : i32
    %add3A_1755 = arith.addi %add3A, %add3A_1754 : i32
    %lt3A_1756 = arith.constant 300 : i32
    %lt3A_1757 = arith.cmpi slt, %add3A_1755, %lt3A_1756 : i32
    %convert_element_type3A_1758 = arith.extui %lt3A_1757 : i1 to i32
    %cond3A_1759 = arith.constant 0 : i32
    %cond3A_1760 = arith.cmpi ne, %convert_element_type3A_1758, %cond3A_1759 : i32
    scf.if %cond3A_1760 {
      %add3A_1829 = arith.constant 192 : i32
      %add3A_1830 = arith.addi %add3A, %add3A_1829 : i32
      %dma_start3A_1831 = arith.constant 0 : i32
      %dma_start3A_1832 = arith.constant 0 : i32
      %dma_start3A_1833 = tpu.memref_slice %arg2[%add3A_1830, %dma_start3A_1831, %dma_start3A_1832] : memref<500x200x128xf32, #tpu.memory_space<hbm>> -> memref<1x200x128xf32, #tpu.memory_space<hbm>>
      %dma_start3A_1834 = tpu.memref_squeeze %dma_start3A_1833 : memref<1x200x128xf32, #tpu.memory_space<hbm>> -> memref<200x128xf32, #tpu.memory_space<hbm>>
      %dma_start3A_1835 = arith.constant 0 : i32
      %dma_start3A_1836 = arith.constant 0 : i32
      %dma_start3A_1837 = tpu.memref_slice %arg2[%add3A_1830, %dma_start3A_1835, %dma_start3A_1836] : memref<500x200x128xf32, #tpu.memory_space<hbm>> -> memref<1x200x128xf32, #tpu.memory_space<hbm>>
      %dma_start3A_1838 = tpu.memref_squeeze %dma_start3A_1837 : memref<1x200x128xf32, #tpu.memory_space<hbm>> -> memref<200x128xf32, #tpu.memory_space<hbm>>
      tpu.enqueue_dma source(%dma_start3A_1838 : memref<200x128xf32, #tpu.memory_space<hbm>>) target(%arg12 : memref<200x128xf32, #tpu.memory_space<vmem>>) target_semaphore(%arg8 : memref<!tpu.dma_semaphore, #tpu.memory_space<semaphore_mem>>)
    } else {
    }
    %add3A_1761 = arith.constant 128 : i32
    %add3A_1762 = arith.addi %add3A, %add3A_1761 : i32
    %lt3A_1763 = arith.constant 300 : i32
    %lt3A_1764 = arith.cmpi slt, %add3A_1762, %lt3A_1763 : i32
    %convert_element_type3A_1765 = arith.extui %lt3A_1764 : i1 to i32
    %cond3A_1766 = arith.constant 0 : i32
    %cond3A_1767 = arith.cmpi ne, %convert_element_type3A_1765, %cond3A_1766 : i32
    scf.if %cond3A_1767 {
      %add3A_1829 = arith.constant 128 : i32
      %add3A_1830 = arith.addi %add3A, %add3A_1829 : i32
      %dma_wait3A = arith.constant 0 : i32
      %dma_wait3A_1831 = arith.constant 0 : i32
      %dma_wait3A_1832 = tpu.memref_slice %arg2[%add3A_1830, %dma_wait3A, %dma_wait3A_1831] : memref<500x200x128xf32, #tpu.memory_space<hbm>> -> memref<1x200x128xf32, #tpu.memory_space<hbm>>
      %dma_wait3A_1833 = tpu.memref_squeeze %dma_wait3A_1832 : memref<1x200x128xf32, #tpu.memory_space<hbm>> -> memref<200x128xf32, #tpu.memory_space<hbm>>
      %dma_wait3A_1834 = arith.constant 0 : i32
      %dma_wait3A_1835 = arith.constant 0 : i32
      %dma_wait3A_1836 = tpu.memref_slice %arg2[%add3A_1830, %dma_wait3A_1834, %dma_wait3A_1835] : memref<500x200x128xf32, #tpu.memory_space<hbm>> -> memref<1x200x128xf32, #tpu.memory_space<hbm>>
      %dma_wait3A_1837 = tpu.memref_squeeze %dma_wait3A_1836 : memref<1x200x128xf32, #tpu.memory_space<hbm>> -> memref<200x128xf32, #tpu.memory_space<hbm>>
      tpu.wait_dma2 semaphore(%arg9 : memref<!tpu.dma_semaphore, #tpu.memory_space<semaphore_mem>>) src(%dma_wait3A_1837 : memref<200x128xf32, #tpu.memory_space<hbm>>) dst(%arg13 : memref<200x128xf32, #tpu.memory_space<vmem>>)
      %dma_start3A_1838 = arith.constant 4 : i32
      %dma_start3A_1839 = arith.constant 0 : i32
      %dma_start3A_1840 = arith.constant 0 : i32
      %dma_start3A_1841 = arith.constant 0 : i32
      %dma_start3A_1842 = tpu.memref_slice %arg13[%dma_start3A_1840, %dma_start3A_1841] : memref<200x128xf32, #tpu.memory_space<vmem>> -> memref<100x128xf32, #tpu.memory_space<vmem>>
      %dma_start3A_1843 = arith.constant 0 : i32
      %dma_start3A_1844 = tpu.memref_slice %arg6[%dma_start3A_1838, %dma_start3A_1839, %dma_start3A_1843] : memref<10x2x100xi32, #tpu.memory_space<vmem>> -> memref<1x1x100xi32, #tpu.memory_space<vmem>>
      %dma_start3A_1845 = tpu.memref_squeeze %dma_start3A_1844 : memref<1x1x100xi32, #tpu.memory_space<vmem>> -> memref<100xi32, #tpu.memory_space<vmem>>
      %dma_start3A_1846 = arith.constant 0 : i32
      %dma_start3A_1847 = arith.constant 0 : i32
      %dma_start3A_1848 = tpu.memref_slice %arg5[%dma_start3A_1846, %dma_start3A_1847] : memref<512x128xf32, #tpu.memory_space<vmem_shared>> -> memref<512x128xf32, #tpu.memory_space<vmem_shared>>
      tpu.enqueue_indirect_dma source(%dma_start3A_1842 : memref<100x128xf32, #tpu.memory_space<vmem>>) target(%dma_start3A_1848 : memref<512x128xf32, #tpu.memory_space<vmem_shared>>) offsets(%dma_start3A_1845 : memref<100xi32, #tpu.memory_space<vmem>>) semaphore(%arg11 : memref<!tpu.dma_semaphore, #tpu.memory_space<semaphore_mem>>) {add = true}
      %dma_start3A_1849 = arith.constant 4 : i32
      %dma_start3A_1850 = arith.constant 1 : i32
      %dma_start3A_1851 = arith.constant 100 : i32
      %dma_start3A_1852 = arith.constant 0 : i32
      %dma_start3A_1853 = tpu.memref_slice %arg13[%dma_start3A_1851, %dma_start3A_1852] : memref<200x128xf32, #tpu.memory_space<vmem>> -> memref<100x128xf32, #tpu.memory_space<vmem>>
      %dma_start3A_1854 = arith.constant 0 : i32
      %dma_start3A_1855 = tpu.memref_slice %arg6[%dma_start3A_1849, %dma_start3A_1850, %dma_start3A_1854] : memref<10x2x100xi32, #tpu.memory_space<vmem>> -> memref<1x1x100xi32, #tpu.memory_space<vmem>>
      %dma_start3A_1856 = tpu.memref_squeeze %dma_start3A_1855 : memref<1x1x100xi32, #tpu.memory_space<vmem>> -> memref<100xi32, #tpu.memory_space<vmem>>
      %dma_start3A_1857 = arith.constant 0 : i32
      %dma_start3A_1858 = arith.constant 0 : i32
      %dma_start3A_1859 = tpu.memref_slice %arg5[%dma_start3A_1857, %dma_start3A_1858] : memref<512x128xf32, #tpu.memory_space<vmem_shared>> -> memref<512x128xf32, #tpu.memory_space<vmem_shared>>
      tpu.enqueue_indirect_dma source(%dma_start3A_1853 : memref<100x128xf32, #tpu.memory_space<vmem>>) target(%dma_start3A_1859 : memref<512x128xf32, #tpu.memory_space<vmem_shared>>) offsets(%dma_start3A_1856 : memref<100xi32, #tpu.memory_space<vmem>>) semaphore(%arg11 : memref<!tpu.dma_semaphore, #tpu.memory_space<semaphore_mem>>) {add = true}
      %dma_wait3A_1860 = arith.constant 4 : i32
      %dma_wait3A_1861 = arith.constant 0 : i32
      %dma_wait3A_1862 = arith.constant 0 : i32
      %dma_wait3A_1863 = arith.constant 0 : i32
      %dma_wait3A_1864 = tpu.memref_slice %arg13[%dma_wait3A_1862, %dma_wait3A_1863] : memref<200x128xf32, #tpu.memory_space<vmem>> -> memref<100x128xf32, #tpu.memory_space<vmem>>
      %dma_wait3A_1865 = arith.constant 0 : i32
      %dma_wait3A_1866 = tpu.memref_slice %arg6[%dma_wait3A_1860, %dma_wait3A_1861, %dma_wait3A_1865] : memref<10x2x100xi32, #tpu.memory_space<vmem>> -> memref<1x1x100xi32, #tpu.memory_space<vmem>>
      %dma_wait3A_1867 = tpu.memref_squeeze %dma_wait3A_1866 : memref<1x1x100xi32, #tpu.memory_space<vmem>> -> memref<100xi32, #tpu.memory_space<vmem>>
      %dma_wait3A_1868 = arith.constant 0 : i32
      %dma_wait3A_1869 = arith.constant 0 : i32
      %dma_wait3A_1870 = tpu.memref_slice %arg5[%dma_wait3A_1868, %dma_wait3A_1869] : memref<512x128xf32, #tpu.memory_space<vmem_shared>> -> memref<512x128xf32, #tpu.memory_space<vmem_shared>>
      tpu.wait_indirect_dma semaphore(%arg11 : memref<!tpu.dma_semaphore, #tpu.memory_space<semaphore_mem>>) src(%dma_wait3A_1864 : memref<100x128xf32, #tpu.memory_space<vmem>>) dst(%dma_wait3A_1870 : memref<512x128xf32, #tpu.memory_space<vmem_shared>>)
      %dma_wait3A_1871 = arith.constant 4 : i32
      %dma_wait3A_1872 = arith.constant 1 : i32
      %dma_wait3A_1873 = arith.constant 100 : i32
      %dma_wait3A_1874 = arith.constant 0 : i32
      %dma_wait3A_1875 = tpu.memref_slice %arg13[%dma_wait3A_1873, %dma_wait3A_1874] : memref<200x128xf32, #tpu.memory_space<vmem>> -> memref<100x128xf32, #tpu.memory_space<vmem>>
      %dma_wait3A_1876 = arith.constant 0 : i32
      %dma_wait3A_1877 = tpu.memref_slice %arg6[%dma_wait3A_1871, %dma_wait3A_1872, %dma_wait3A_1876] : memref<10x2x100xi32, #tpu.memory_space<vmem>> -> memref<1x1x100xi32, #tpu.memory_space<vmem>>
      %dma_wait3A_1878 = tpu.memref_squeeze %dma_wait3A_1877 : memref<1x1x100xi32, #tpu.memory_space<vmem>> -> memref<100xi32, #tpu.memory_space<vmem>>
      %dma_wait3A_1879 = arith.constant 0 : i32
      %dma_wait3A_1880 = arith.constant 0 : i32
      %dma_wait3A_1881 = tpu.memref_slice %arg5[%dma_wait3A_1879, %dma_wait3A_1880] : memref<512x128xf32, #tpu.memory_space<vmem_shared>> -> memref<512x128xf32, #tpu.memory_space<vmem_shared>>
      tpu.wait_indirect_dma semaphore(%arg11 : memref<!tpu.dma_semaphore, #tpu.memory_space<semaphore_mem>>) src(%dma_wait3A_1875 : memref<100x128xf32, #tpu.memory_space<vmem>>) dst(%dma_wait3A_1881 : memref<512x128xf32, #tpu.memory_space<vmem_shared>>)
    } else {
    }
    %add3A_1768 = arith.constant 224 : i32
    %add3A_1769 = arith.addi %add3A, %add3A_1768 : i32
    %lt3A_1770 = arith.constant 300 : i32
    %lt3A_1771 = arith.cmpi slt, %add3A_1769, %lt3A_1770 : i32
    %convert_element_type3A_1772 = arith.extui %lt3A_1771 : i1 to i32
    %cond3A_1773 = arith.constant 0 : i32
    %cond3A_1774 = arith.cmpi ne, %convert_element_type3A_1772, %cond3A_1773 : i32
    scf.if %cond3A_1774 {
      %add3A_1829 = arith.constant 224 : i32
      %add3A_1830 = arith.addi %add3A, %add3A_1829 : i32
      %dma_start3A_1831 = arith.constant 0 : i32
      %dma_start3A_1832 = arith.constant 0 : i32
      %dma_start3A_1833 = tpu.memref_slice %arg2[%add3A_1830, %dma_start3A_1831, %dma_start3A_1832] : memref<500x200x128xf32, #tpu.memory_space<hbm>> -> memref<1x200x128xf32, #tpu.memory_space<hbm>>
      %dma_start3A_1834 = tpu.memref_squeeze %dma_start3A_1833 : memref<1x200x128xf32, #tpu.memory_space<hbm>> -> memref<200x128xf32, #tpu.memory_space<hbm>>
      %dma_start3A_1835 = arith.constant 0 : i32
      %dma_start3A_1836 = arith.constant 0 : i32
      %dma_start3A_1837 = tpu.memref_slice %arg2[%add3A_1830, %dma_start3A_1835, %dma_start3A_1836] : memref<500x200x128xf32, #tpu.memory_space<hbm>> -> memref<1x200x128xf32, #tpu.memory_space<hbm>>
      %dma_start3A_1838 = tpu.memref_squeeze %dma_start3A_1837 : memref<1x200x128xf32, #tpu.memory_space<hbm>> -> memref<200x128xf32, #tpu.memory_space<hbm>>
      tpu.enqueue_dma source(%dma_start3A_1838 : memref<200x128xf32, #tpu.memory_space<hbm>>) target(%arg13 : memref<200x128xf32, #tpu.memory_space<vmem>>) target_semaphore(%arg9 : memref<!tpu.dma_semaphore, #tpu.memory_space<semaphore_mem>>)
    } else {
    }
    %add3A_1775 = arith.constant 160 : i32
    %add3A_1776 = arith.addi %add3A, %add3A_1775 : i32
    %lt3A_1777 = arith.constant 300 : i32
    %lt3A_1778 = arith.cmpi slt, %add3A_1776, %lt3A_1777 : i32
    %convert_element_type3A_1779 = arith.extui %lt3A_1778 : i1 to i32
    %cond3A_1780 = arith.constant 0 : i32
    %cond3A_1781 = arith.cmpi ne, %convert_element_type3A_1779, %cond3A_1780 : i32
    scf.if %cond3A_1781 {
      %add3A_1829 = arith.constant 160 : i32
      %add3A_1830 = arith.addi %add3A, %add3A_1829 : i32
      %dma_wait3A = arith.constant 0 : i32
      %dma_wait3A_1831 = arith.constant 0 : i32
      %dma_wait3A_1832 = tpu.memref_slice %arg2[%add3A_1830, %dma_wait3A, %dma_wait3A_1831] : memref<500x200x128xf32, #tpu.memory_space<hbm>> -> memref<1x200x128xf32, #tpu.memory_space<hbm>>
      %dma_wait3A_1833 = tpu.memref_squeeze %dma_wait3A_1832 : memref<1x200x128xf32, #tpu.memory_space<hbm>> -> memref<200x128xf32, #tpu.memory_space<hbm>>
      %dma_wait3A_1834 = arith.constant 0 : i32
      %dma_wait3A_1835 = arith.constant 0 : i32
      %dma_wait3A_1836 = tpu.memref_slice %arg2[%add3A_1830, %dma_wait3A_1834, %dma_wait3A_1835] : memref<500x200x128xf32, #tpu.memory_space<hbm>> -> memref<1x200x128xf32, #tpu.memory_space<hbm>>
      %dma_wait3A_1837 = tpu.memref_squeeze %dma_wait3A_1836 : memref<1x200x128xf32, #tpu.memory_space<hbm>> -> memref<200x128xf32, #tpu.memory_space<hbm>>
      tpu.wait_dma2 semaphore(%arg10 : memref<!tpu.dma_semaphore, #tpu.memory_space<semaphore_mem>>) src(%dma_wait3A_1837 : memref<200x128xf32, #tpu.memory_space<hbm>>) dst(%arg14 : memref<200x128xf32, #tpu.memory_space<vmem>>)
      %dma_start3A_1838 = arith.constant 5 : i32
      %dma_start3A_1839 = arith.constant 0 : i32
      %dma_start3A_1840 = arith.constant 0 : i32
      %dma_start3A_1841 = arith.constant 0 : i32
      %dma_start3A_1842 = tpu.memref_slice %arg14[%dma_start3A_1840, %dma_start3A_1841] : memref<200x128xf32, #tpu.memory_space<vmem>> -> memref<100x128xf32, #tpu.memory_space<vmem>>
      %dma_start3A_1843 = arith.constant 0 : i32
      %dma_start3A_1844 = tpu.memref_slice %arg6[%dma_start3A_1838, %dma_start3A_1839, %dma_start3A_1843] : memref<10x2x100xi32, #tpu.memory_space<vmem>> -> memref<1x1x100xi32, #tpu.memory_space<vmem>>
      %dma_start3A_1845 = tpu.memref_squeeze %dma_start3A_1844 : memref<1x1x100xi32, #tpu.memory_space<vmem>> -> memref<100xi32, #tpu.memory_space<vmem>>
      %dma_start3A_1846 = arith.constant 0 : i32
      %dma_start3A_1847 = arith.constant 0 : i32
      %dma_start3A_1848 = tpu.memref_slice %arg5[%dma_start3A_1846, %dma_start3A_1847] : memref<512x128xf32, #tpu.memory_space<vmem_shared>> -> memref<512x128xf32, #tpu.memory_space<vmem_shared>>
      tpu.enqueue_indirect_dma source(%dma_start3A_1842 : memref<100x128xf32, #tpu.memory_space<vmem>>) target(%dma_start3A_1848 : memref<512x128xf32, #tpu.memory_space<vmem_shared>>) offsets(%dma_start3A_1845 : memref<100xi32, #tpu.memory_space<vmem>>) semaphore(%arg11 : memref<!tpu.dma_semaphore, #tpu.memory_space<semaphore_mem>>) {add = true}
      %dma_start3A_1849 = arith.constant 5 : i32
      %dma_start3A_1850 = arith.constant 1 : i32
      %dma_start3A_1851 = arith.constant 100 : i32
      %dma_start3A_1852 = arith.constant 0 : i32
      %dma_start3A_1853 = tpu.memref_slice %arg14[%dma_start3A_1851, %dma_start3A_1852] : memref<200x128xf32, #tpu.memory_space<vmem>> -> memref<100x128xf32, #tpu.memory_space<vmem>>
      %dma_start3A_1854 = arith.constant 0 : i32
      %dma_start3A_1855 = tpu.memref_slice %arg6[%dma_start3A_1849, %dma_start3A_1850, %dma_start3A_1854] : memref<10x2x100xi32, #tpu.memory_space<vmem>> -> memref<1x1x100xi32, #tpu.memory_space<vmem>>
      %dma_start3A_1856 = tpu.memref_squeeze %dma_start3A_1855 : memref<1x1x100xi32, #tpu.memory_space<vmem>> -> memref<100xi32, #tpu.memory_space<vmem>>
      %dma_start3A_1857 = arith.constant 0 : i32
      %dma_start3A_1858 = arith.constant 0 : i32
      %dma_start3A_1859 = tpu.memref_slice %arg5[%dma_start3A_1857, %dma_start3A_1858] : memref<512x128xf32, #tpu.memory_space<vmem_shared>> -> memref<512x128xf32, #tpu.memory_space<vmem_shared>>
      tpu.enqueue_indirect_dma source(%dma_start3A_1853 : memref<100x128xf32, #tpu.memory_space<vmem>>) target(%dma_start3A_1859 : memref<512x128xf32, #tpu.memory_space<vmem_shared>>) offsets(%dma_start3A_1856 : memref<100xi32, #tpu.memory_space<vmem>>) semaphore(%arg11 : memref<!tpu.dma_semaphore, #tpu.memory_space<semaphore_mem>>) {add = true}
      %dma_wait3A_1860 = arith.constant 5 : i32
      %dma_wait3A_1861 = arith.constant 0 : i32
      %dma_wait3A_1862 = arith.constant 0 : i32
      %dma_wait3A_1863 = arith.constant 0 : i32
      %dma_wait3A_1864 = tpu.memref_slice %arg14[%dma_wait3A_1862, %dma_wait3A_1863] : memref<200x128xf32, #tpu.memory_space<vmem>> -> memref<100x128xf32, #tpu.memory_space<vmem>>
      %dma_wait3A_1865 = arith.constant 0 : i32
      %dma_wait3A_1866 = tpu.memref_slice %arg6[%dma_wait3A_1860, %dma_wait3A_1861, %dma_wait3A_1865] : memref<10x2x100xi32, #tpu.memory_space<vmem>> -> memref<1x1x100xi32, #tpu.memory_space<vmem>>
      %dma_wait3A_1867 = tpu.memref_squeeze %dma_wait3A_1866 : memref<1x1x100xi32, #tpu.memory_space<vmem>> -> memref<100xi32, #tpu.memory_space<vmem>>
      %dma_wait3A_1868 = arith.constant 0 : i32
      %dma_wait3A_1869 = arith.constant 0 : i32
      %dma_wait3A_1870 = tpu.memref_slice %arg5[%dma_wait3A_1868, %dma_wait3A_1869] : memref<512x128xf32, #tpu.memory_space<vmem_shared>> -> memref<512x128xf32, #tpu.memory_space<vmem_shared>>
      tpu.wait_indirect_dma semaphore(%arg11 : memref<!tpu.dma_semaphore, #tpu.memory_space<semaphore_mem>>) src(%dma_wait3A_1864 : memref<100x128xf32, #tpu.memory_space<vmem>>) dst(%dma_wait3A_1870 : memref<512x128xf32, #tpu.memory_space<vmem_shared>>)
      %dma_wait3A_1871 = arith.constant 5 : i32
      %dma_wait3A_1872 = arith.constant 1 : i32
      %dma_wait3A_1873 = arith.constant 100 : i32
      %dma_wait3A_1874 = arith.constant 0 : i32
      %dma_wait3A_1875 = tpu.memref_slice %arg14[%dma_wait3A_1873, %dma_wait3A_1874] : memref<200x128xf32, #tpu.memory_space<vmem>> -> memref<100x128xf32, #tpu.memory_space<vmem>>
      %dma_wait3A_1876 = arith.constant 0 : i32
      %dma_wait3A_1877 = tpu.memref_slice %arg6[%dma_wait3A_1871, %dma_wait3A_1872, %dma_wait3A_1876] : memref<10x2x100xi32, #tpu.memory_space<vmem>> -> memref<1x1x100xi32, #tpu.memory_space<vmem>>
      %dma_wait3A_1878 = tpu.memref_squeeze %dma_wait3A_1877 : memref<1x1x100xi32, #tpu.memory_space<vmem>> -> memref<100xi32, #tpu.memory_space<vmem>>
      %dma_wait3A_1879 = arith.constant 0 : i32
      %dma_wait3A_1880 = arith.constant 0 : i32
      %dma_wait3A_1881 = tpu.memref_slice %arg5[%dma_wait3A_1879, %dma_wait3A_1880] : memref<512x128xf32, #tpu.memory_space<vmem_shared>> -> memref<512x128xf32, #tpu.memory_space<vmem_shared>>
      tpu.wait_indirect_dma semaphore(%arg11 : memref<!tpu.dma_semaphore, #tpu.memory_space<semaphore_mem>>) src(%dma_wait3A_1875 : memref<100x128xf32, #tpu.memory_space<vmem>>) dst(%dma_wait3A_1881 : memref<512x128xf32, #tpu.memory_space<vmem_shared>>)
    } else {
    }
    %add3A_1782 = arith.constant 256 : i32
    %add3A_1783 = arith.addi %add3A, %add3A_1782 : i32
    %lt3A_1784 = arith.constant 300 : i32
    %lt3A_1785 = arith.cmpi slt, %add3A_1783, %lt3A_1784 : i32
    %convert_element_type3A_1786 = arith.extui %lt3A_1785 : i1 to i32
    %cond3A_1787 = arith.constant 0 : i32
    %cond3A_1788 = arith.cmpi ne, %convert_element_type3A_1786, %cond3A_1787 : i32
    scf.if %cond3A_1788 {
      %add3A_1829 = arith.constant 256 : i32
      %add3A_1830 = arith.addi %add3A, %add3A_1829 : i32
      %dma_start3A_1831 = arith.constant 0 : i32
      %dma_start3A_1832 = arith.constant 0 : i32
      %dma_start3A_1833 = tpu.memref_slice %arg2[%add3A_1830, %dma_start3A_1831, %dma_start3A_1832] : memref<500x200x128xf32, #tpu.memory_space<hbm>> -> memref<1x200x128xf32, #tpu.memory_space<hbm>>
      %dma_start3A_1834 = tpu.memref_squeeze %dma_start3A_1833 : memref<1x200x128xf32, #tpu.memory_space<hbm>> -> memref<200x128xf32, #tpu.memory_space<hbm>>
      %dma_start3A_1835 = arith.constant 0 : i32
      %dma_start3A_1836 = arith.constant 0 : i32
      %dma_start3A_1837 = tpu.memref_slice %arg2[%add3A_1830, %dma_start3A_1835, %dma_start3A_1836] : memref<500x200x128xf32, #tpu.memory_space<hbm>> -> memref<1x200x128xf32, #tpu.memory_space<hbm>>
      %dma_start3A_1838 = tpu.memref_squeeze %dma_start3A_1837 : memref<1x200x128xf32, #tpu.memory_space<hbm>> -> memref<200x128xf32, #tpu.memory_space<hbm>>
      tpu.enqueue_dma source(%dma_start3A_1838 : memref<200x128xf32, #tpu.memory_space<hbm>>) target(%arg14 : memref<200x128xf32, #tpu.memory_space<vmem>>) target_semaphore(%arg10 : memref<!tpu.dma_semaphore, #tpu.memory_space<semaphore_mem>>)
    } else {
    }
    %add3A_1789 = arith.constant 192 : i32
    %add3A_1790 = arith.addi %add3A, %add3A_1789 : i32
    %lt3A_1791 = arith.constant 300 : i32
    %lt3A_1792 = arith.cmpi slt, %add3A_1790, %lt3A_1791 : i32
    %convert_element_type3A_1793 = arith.extui %lt3A_1792 : i1 to i32
    %cond3A_1794 = arith.constant 0 : i32
    %cond3A_1795 = arith.cmpi ne, %convert_element_type3A_1793, %cond3A_1794 : i32
    scf.if %cond3A_1795 {
      %add3A_1829 = arith.constant 192 : i32
      %add3A_1830 = arith.addi %add3A, %add3A_1829 : i32
      %dma_wait3A = arith.constant 0 : i32
      %dma_wait3A_1831 = arith.constant 0 : i32
      %dma_wait3A_1832 = tpu.memref_slice %arg2[%add3A_1830, %dma_wait3A, %dma_wait3A_1831] : memref<500x200x128xf32, #tpu.memory_space<hbm>> -> memref<1x200x128xf32, #tpu.memory_space<hbm>>
      %dma_wait3A_1833 = tpu.memref_squeeze %dma_wait3A_1832 : memref<1x200x128xf32, #tpu.memory_space<hbm>> -> memref<200x128xf32, #tpu.memory_space<hbm>>
      %dma_wait3A_1834 = arith.constant 0 : i32
      %dma_wait3A_1835 = arith.constant 0 : i32
      %dma_wait3A_1836 = tpu.memref_slice %arg2[%add3A_1830, %dma_wait3A_1834, %dma_wait3A_1835] : memref<500x200x128xf32, #tpu.memory_space<hbm>> -> memref<1x200x128xf32, #tpu.memory_space<hbm>>
      %dma_wait3A_1837 = tpu.memref_squeeze %dma_wait3A_1836 : memref<1x200x128xf32, #tpu.memory_space<hbm>> -> memref<200x128xf32, #tpu.memory_space<hbm>>
      tpu.wait_dma2 semaphore(%arg8 : memref<!tpu.dma_semaphore, #tpu.memory_space<semaphore_mem>>) src(%dma_wait3A_1837 : memref<200x128xf32, #tpu.memory_space<hbm>>) dst(%arg12 : memref<200x128xf32, #tpu.memory_space<vmem>>)
      %dma_start3A_1838 = arith.constant 6 : i32
      %dma_start3A_1839 = arith.constant 0 : i32
      %dma_start3A_1840 = arith.constant 0 : i32
      %dma_start3A_1841 = arith.constant 0 : i32
      %dma_start3A_1842 = tpu.memref_slice %arg12[%dma_start3A_1840, %dma_start3A_1841] : memref<200x128xf32, #tpu.memory_space<vmem>> -> memref<100x128xf32, #tpu.memory_space<vmem>>
      %dma_start3A_1843 = arith.constant 0 : i32
      %dma_start3A_1844 = tpu.memref_slice %arg6[%dma_start3A_1838, %dma_start3A_1839, %dma_start3A_1843] : memref<10x2x100xi32, #tpu.memory_space<vmem>> -> memref<1x1x100xi32, #tpu.memory_space<vmem>>
      %dma_start3A_1845 = tpu.memref_squeeze %dma_start3A_1844 : memref<1x1x100xi32, #tpu.memory_space<vmem>> -> memref<100xi32, #tpu.memory_space<vmem>>
      %dma_start3A_1846 = arith.constant 0 : i32
      %dma_start3A_1847 = arith.constant 0 : i32
      %dma_start3A_1848 = tpu.memref_slice %arg5[%dma_start3A_1846, %dma_start3A_1847] : memref<512x128xf32, #tpu.memory_space<vmem_shared>> -> memref<512x128xf32, #tpu.memory_space<vmem_shared>>
      tpu.enqueue_indirect_dma source(%dma_start3A_1842 : memref<100x128xf32, #tpu.memory_space<vmem>>) target(%dma_start3A_1848 : memref<512x128xf32, #tpu.memory_space<vmem_shared>>) offsets(%dma_start3A_1845 : memref<100xi32, #tpu.memory_space<vmem>>) semaphore(%arg11 : memref<!tpu.dma_semaphore, #tpu.memory_space<semaphore_mem>>) {add = true}
      %dma_start3A_1849 = arith.constant 6 : i32
      %dma_start3A_1850 = arith.constant 1 : i32
      %dma_start3A_1851 = arith.constant 100 : i32
      %dma_start3A_1852 = arith.constant 0 : i32
      %dma_start3A_1853 = tpu.memref_slice %arg12[%dma_start3A_1851, %dma_start3A_1852] : memref<200x128xf32, #tpu.memory_space<vmem>> -> memref<100x128xf32, #tpu.memory_space<vmem>>
      %dma_start3A_1854 = arith.constant 0 : i32
      %dma_start3A_1855 = tpu.memref_slice %arg6[%dma_start3A_1849, %dma_start3A_1850, %dma_start3A_1854] : memref<10x2x100xi32, #tpu.memory_space<vmem>> -> memref<1x1x100xi32, #tpu.memory_space<vmem>>
      %dma_start3A_1856 = tpu.memref_squeeze %dma_start3A_1855 : memref<1x1x100xi32, #tpu.memory_space<vmem>> -> memref<100xi32, #tpu.memory_space<vmem>>
      %dma_start3A_1857 = arith.constant 0 : i32
      %dma_start3A_1858 = arith.constant 0 : i32
      %dma_start3A_1859 = tpu.memref_slice %arg5[%dma_start3A_1857, %dma_start3A_1858] : memref<512x128xf32, #tpu.memory_space<vmem_shared>> -> memref<512x128xf32, #tpu.memory_space<vmem_shared>>
      tpu.enqueue_indirect_dma source(%dma_start3A_1853 : memref<100x128xf32, #tpu.memory_space<vmem>>) target(%dma_start3A_1859 : memref<512x128xf32, #tpu.memory_space<vmem_shared>>) offsets(%dma_start3A_1856 : memref<100xi32, #tpu.memory_space<vmem>>) semaphore(%arg11 : memref<!tpu.dma_semaphore, #tpu.memory_space<semaphore_mem>>) {add = true}
      %dma_wait3A_1860 = arith.constant 6 : i32
      %dma_wait3A_1861 = arith.constant 0 : i32
      %dma_wait3A_1862 = arith.constant 0 : i32
      %dma_wait3A_1863 = arith.constant 0 : i32
      %dma_wait3A_1864 = tpu.memref_slice %arg12[%dma_wait3A_1862, %dma_wait3A_1863] : memref<200x128xf32, #tpu.memory_space<vmem>> -> memref<100x128xf32, #tpu.memory_space<vmem>>
      %dma_wait3A_1865 = arith.constant 0 : i32
      %dma_wait3A_1866 = tpu.memref_slice %arg6[%dma_wait3A_1860, %dma_wait3A_1861, %dma_wait3A_1865] : memref<10x2x100xi32, #tpu.memory_space<vmem>> -> memref<1x1x100xi32, #tpu.memory_space<vmem>>
      %dma_wait3A_1867 = tpu.memref_squeeze %dma_wait3A_1866 : memref<1x1x100xi32, #tpu.memory_space<vmem>> -> memref<100xi32, #tpu.memory_space<vmem>>
      %dma_wait3A_1868 = arith.constant 0 : i32
      %dma_wait3A_1869 = arith.constant 0 : i32
      %dma_wait3A_1870 = tpu.memref_slice %arg5[%dma_wait3A_1868, %dma_wait3A_1869] : memref<512x128xf32, #tpu.memory_space<vmem_shared>> -> memref<512x128xf32, #tpu.memory_space<vmem_shared>>
      tpu.wait_indirect_dma semaphore(%arg11 : memref<!tpu.dma_semaphore, #tpu.memory_space<semaphore_mem>>) src(%dma_wait3A_1864 : memref<100x128xf32, #tpu.memory_space<vmem>>) dst(%dma_wait3A_1870 : memref<512x128xf32, #tpu.memory_space<vmem_shared>>)
      %dma_wait3A_1871 = arith.constant 6 : i32
      %dma_wait3A_1872 = arith.constant 1 : i32
      %dma_wait3A_1873 = arith.constant 100 : i32
      %dma_wait3A_1874 = arith.constant 0 : i32
      %dma_wait3A_1875 = tpu.memref_slice %arg12[%dma_wait3A_1873, %dma_wait3A_1874] : memref<200x128xf32, #tpu.memory_space<vmem>> -> memref<100x128xf32, #tpu.memory_space<vmem>>
      %dma_wait3A_1876 = arith.constant 0 : i32
      %dma_wait3A_1877 = tpu.memref_slice %arg6[%dma_wait3A_1871, %dma_wait3A_1872, %dma_wait3A_1876] : memref<10x2x100xi32, #tpu.memory_space<vmem>> -> memref<1x1x100xi32, #tpu.memory_space<vmem>>
      %dma_wait3A_1878 = tpu.memref_squeeze %dma_wait3A_1877 : memref<1x1x100xi32, #tpu.memory_space<vmem>> -> memref<100xi32, #tpu.memory_space<vmem>>
      %dma_wait3A_1879 = arith.constant 0 : i32
      %dma_wait3A_1880 = arith.constant 0 : i32
      %dma_wait3A_1881 = tpu.memref_slice %arg5[%dma_wait3A_1879, %dma_wait3A_1880] : memref<512x128xf32, #tpu.memory_space<vmem_shared>> -> memref<512x128xf32, #tpu.memory_space<vmem_shared>>
      tpu.wait_indirect_dma semaphore(%arg11 : memref<!tpu.dma_semaphore, #tpu.memory_space<semaphore_mem>>) src(%dma_wait3A_1875 : memref<100x128xf32, #tpu.memory_space<vmem>>) dst(%dma_wait3A_1881 : memref<512x128xf32, #tpu.memory_space<vmem_shared>>)
    } else {
    }
    %add3A_1796 = arith.constant 288 : i32
    %add3A_1797 = arith.addi %add3A, %add3A_1796 : i32
    %lt3A_1798 = arith.constant 300 : i32
    %lt3A_1799 = arith.cmpi slt, %add3A_1797, %lt3A_1798 : i32
    %convert_element_type3A_1800 = arith.extui %lt3A_1799 : i1 to i32
    %cond3A_1801 = arith.constant 0 : i32
    %cond3A_1802 = arith.cmpi ne, %convert_element_type3A_1800, %cond3A_1801 : i32
    scf.if %cond3A_1802 {
      %add3A_1829 = arith.constant 288 : i32
      %add3A_1830 = arith.addi %add3A, %add3A_1829 : i32
      %dma_start3A_1831 = arith.constant 0 : i32
      %dma_start3A_1832 = arith.constant 0 : i32
      %dma_start3A_1833 = tpu.memref_slice %arg2[%add3A_1830, %dma_start3A_1831, %dma_start3A_1832] : memref<500x200x128xf32, #tpu.memory_space<hbm>> -> memref<1x200x128xf32, #tpu.memory_space<hbm>>
      %dma_start3A_1834 = tpu.memref_squeeze %dma_start3A_1833 : memref<1x200x128xf32, #tpu.memory_space<hbm>> -> memref<200x128xf32, #tpu.memory_space<hbm>>
      %dma_start3A_1835 = arith.constant 0 : i32
      %dma_start3A_1836 = arith.constant 0 : i32
      %dma_start3A_1837 = tpu.memref_slice %arg2[%add3A_1830, %dma_start3A_1835, %dma_start3A_1836] : memref<500x200x128xf32, #tpu.memory_space<hbm>> -> memref<1x200x128xf32, #tpu.memory_space<hbm>>
      %dma_start3A_1838 = tpu.memref_squeeze %dma_start3A_1837 : memref<1x200x128xf32, #tpu.memory_space<hbm>> -> memref<200x128xf32, #tpu.memory_space<hbm>>
      tpu.enqueue_dma source(%dma_start3A_1838 : memref<200x128xf32, #tpu.memory_space<hbm>>) target(%arg12 : memref<200x128xf32, #tpu.memory_space<vmem>>) target_semaphore(%arg8 : memref<!tpu.dma_semaphore, #tpu.memory_space<semaphore_mem>>)
    } else {
    }
    %add3A_1803 = arith.constant 224 : i32
    %add3A_1804 = arith.addi %add3A, %add3A_1803 : i32
    %lt3A_1805 = arith.constant 300 : i32
    %lt3A_1806 = arith.cmpi slt, %add3A_1804, %lt3A_1805 : i32
    %convert_element_type3A_1807 = arith.extui %lt3A_1806 : i1 to i32
    %cond3A_1808 = arith.constant 0 : i32
    %cond3A_1809 = arith.cmpi ne, %convert_element_type3A_1807, %cond3A_1808 : i32
    scf.if %cond3A_1809 {
      %add3A_1829 = arith.constant 224 : i32
      %add3A_1830 = arith.addi %add3A, %add3A_1829 : i32
      %dma_wait3A = arith.constant 0 : i32
      %dma_wait3A_1831 = arith.constant 0 : i32
      %dma_wait3A_1832 = tpu.memref_slice %arg2[%add3A_1830, %dma_wait3A, %dma_wait3A_1831] : memref<500x200x128xf32, #tpu.memory_space<hbm>> -> memref<1x200x128xf32, #tpu.memory_space<hbm>>
      %dma_wait3A_1833 = tpu.memref_squeeze %dma_wait3A_1832 : memref<1x200x128xf32, #tpu.memory_space<hbm>> -> memref<200x128xf32, #tpu.memory_space<hbm>>
      %dma_wait3A_1834 = arith.constant 0 : i32
      %dma_wait3A_1835 = arith.constant 0 : i32
      %dma_wait3A_1836 = tpu.memref_slice %arg2[%add3A_1830, %dma_wait3A_1834, %dma_wait3A_1835] : memref<500x200x128xf32, #tpu.memory_space<hbm>> -> memref<1x200x128xf32, #tpu.memory_space<hbm>>
      %dma_wait3A_1837 = tpu.memref_squeeze %dma_wait3A_1836 : memref<1x200x128xf32, #tpu.memory_space<hbm>> -> memref<200x128xf32, #tpu.memory_space<hbm>>
      tpu.wait_dma2 semaphore(%arg9 : memref<!tpu.dma_semaphore, #tpu.memory_space<semaphore_mem>>) src(%dma_wait3A_1837 : memref<200x128xf32, #tpu.memory_space<hbm>>) dst(%arg13 : memref<200x128xf32, #tpu.memory_space<vmem>>)
      %dma_start3A_1838 = arith.constant 7 : i32
      %dma_start3A_1839 = arith.constant 0 : i32
      %dma_start3A_1840 = arith.constant 0 : i32
      %dma_start3A_1841 = arith.constant 0 : i32
      %dma_start3A_1842 = tpu.memref_slice %arg13[%dma_start3A_1840, %dma_start3A_1841] : memref<200x128xf32, #tpu.memory_space<vmem>> -> memref<100x128xf32, #tpu.memory_space<vmem>>
      %dma_start3A_1843 = arith.constant 0 : i32
      %dma_start3A_1844 = tpu.memref_slice %arg6[%dma_start3A_1838, %dma_start3A_1839, %dma_start3A_1843] : memref<10x2x100xi32, #tpu.memory_space<vmem>> -> memref<1x1x100xi32, #tpu.memory_space<vmem>>
      %dma_start3A_1845 = tpu.memref_squeeze %dma_start3A_1844 : memref<1x1x100xi32, #tpu.memory_space<vmem>> -> memref<100xi32, #tpu.memory_space<vmem>>
      %dma_start3A_1846 = arith.constant 0 : i32
      %dma_start3A_1847 = arith.constant 0 : i32
      %dma_start3A_1848 = tpu.memref_slice %arg5[%dma_start3A_1846, %dma_start3A_1847] : memref<512x128xf32, #tpu.memory_space<vmem_shared>> -> memref<512x128xf32, #tpu.memory_space<vmem_shared>>
      tpu.enqueue_indirect_dma source(%dma_start3A_1842 : memref<100x128xf32, #tpu.memory_space<vmem>>) target(%dma_start3A_1848 : memref<512x128xf32, #tpu.memory_space<vmem_shared>>) offsets(%dma_start3A_1845 : memref<100xi32, #tpu.memory_space<vmem>>) semaphore(%arg11 : memref<!tpu.dma_semaphore, #tpu.memory_space<semaphore_mem>>) {add = true}
      %dma_start3A_1849 = arith.constant 7 : i32
      %dma_start3A_1850 = arith.constant 1 : i32
      %dma_start3A_1851 = arith.constant 100 : i32
      %dma_start3A_1852 = arith.constant 0 : i32
      %dma_start3A_1853 = tpu.memref_slice %arg13[%dma_start3A_1851, %dma_start3A_1852] : memref<200x128xf32, #tpu.memory_space<vmem>> -> memref<100x128xf32, #tpu.memory_space<vmem>>
      %dma_start3A_1854 = arith.constant 0 : i32
      %dma_start3A_1855 = tpu.memref_slice %arg6[%dma_start3A_1849, %dma_start3A_1850, %dma_start3A_1854] : memref<10x2x100xi32, #tpu.memory_space<vmem>> -> memref<1x1x100xi32, #tpu.memory_space<vmem>>
      %dma_start3A_1856 = tpu.memref_squeeze %dma_start3A_1855 : memref<1x1x100xi32, #tpu.memory_space<vmem>> -> memref<100xi32, #tpu.memory_space<vmem>>
      %dma_start3A_1857 = arith.constant 0 : i32
      %dma_start3A_1858 = arith.constant 0 : i32
      %dma_start3A_1859 = tpu.memref_slice %arg5[%dma_start3A_1857, %dma_start3A_1858] : memref<512x128xf32, #tpu.memory_space<vmem_shared>> -> memref<512x128xf32, #tpu.memory_space<vmem_shared>>
      tpu.enqueue_indirect_dma source(%dma_start3A_1853 : memref<100x128xf32, #tpu.memory_space<vmem>>) target(%dma_start3A_1859 : memref<512x128xf32, #tpu.memory_space<vmem_shared>>) offsets(%dma_start3A_1856 : memref<100xi32, #tpu.memory_space<vmem>>) semaphore(%arg11 : memref<!tpu.dma_semaphore, #tpu.memory_space<semaphore_mem>>) {add = true}
      %dma_wait3A_1860 = arith.constant 7 : i32
      %dma_wait3A_1861 = arith.constant 0 : i32
      %dma_wait3A_1862 = arith.constant 0 : i32
      %dma_wait3A_1863 = arith.constant 0 : i32
      %dma_wait3A_1864 = tpu.memref_slice %arg13[%dma_wait3A_1862, %dma_wait3A_1863] : memref<200x128xf32, #tpu.memory_space<vmem>> -> memref<100x128xf32, #tpu.memory_space<vmem>>
      %dma_wait3A_1865 = arith.constant 0 : i32
      %dma_wait3A_1866 = tpu.memref_slice %arg6[%dma_wait3A_1860, %dma_wait3A_1861, %dma_wait3A_1865] : memref<10x2x100xi32, #tpu.memory_space<vmem>> -> memref<1x1x100xi32, #tpu.memory_space<vmem>>
      %dma_wait3A_1867 = tpu.memref_squeeze %dma_wait3A_1866 : memref<1x1x100xi32, #tpu.memory_space<vmem>> -> memref<100xi32, #tpu.memory_space<vmem>>
      %dma_wait3A_1868 = arith.constant 0 : i32
      %dma_wait3A_1869 = arith.constant 0 : i32
      %dma_wait3A_1870 = tpu.memref_slice %arg5[%dma_wait3A_1868, %dma_wait3A_1869] : memref<512x128xf32, #tpu.memory_space<vmem_shared>> -> memref<512x128xf32, #tpu.memory_space<vmem_shared>>
      tpu.wait_indirect_dma semaphore(%arg11 : memref<!tpu.dma_semaphore, #tpu.memory_space<semaphore_mem>>) src(%dma_wait3A_1864 : memref<100x128xf32, #tpu.memory_space<vmem>>) dst(%dma_wait3A_1870 : memref<512x128xf32, #tpu.memory_space<vmem_shared>>)
      %dma_wait3A_1871 = arith.constant 7 : i32
      %dma_wait3A_1872 = arith.constant 1 : i32
      %dma_wait3A_1873 = arith.constant 100 : i32
      %dma_wait3A_1874 = arith.constant 0 : i32
      %dma_wait3A_1875 = tpu.memref_slice %arg13[%dma_wait3A_1873, %dma_wait3A_1874] : memref<200x128xf32, #tpu.memory_space<vmem>> -> memref<100x128xf32, #tpu.memory_space<vmem>>
      %dma_wait3A_1876 = arith.constant 0 : i32
      %dma_wait3A_1877 = tpu.memref_slice %arg6[%dma_wait3A_1871, %dma_wait3A_1872, %dma_wait3A_1876] : memref<10x2x100xi32, #tpu.memory_space<vmem>> -> memref<1x1x100xi32, #tpu.memory_space<vmem>>
      %dma_wait3A_1878 = tpu.memref_squeeze %dma_wait3A_1877 : memref<1x1x100xi32, #tpu.memory_space<vmem>> -> memref<100xi32, #tpu.memory_space<vmem>>
      %dma_wait3A_1879 = arith.constant 0 : i32
      %dma_wait3A_1880 = arith.constant 0 : i32
      %dma_wait3A_1881 = tpu.memref_slice %arg5[%dma_wait3A_1879, %dma_wait3A_1880] : memref<512x128xf32, #tpu.memory_space<vmem_shared>> -> memref<512x128xf32, #tpu.memory_space<vmem_shared>>
      tpu.wait_indirect_dma semaphore(%arg11 : memref<!tpu.dma_semaphore, #tpu.memory_space<semaphore_mem>>) src(%dma_wait3A_1875 : memref<100x128xf32, #tpu.memory_space<vmem>>) dst(%dma_wait3A_1881 : memref<512x128xf32, #tpu.memory_space<vmem_shared>>)
    } else {
    }
    %add3A_1810 = arith.constant 256 : i32
    %add3A_1811 = arith.addi %add3A, %add3A_1810 : i32
    %lt3A_1812 = arith.constant 300 : i32
    %lt3A_1813 = arith.cmpi slt, %add3A_1811, %lt3A_1812 : i32
    %convert_element_type3A_1814 = arith.extui %lt3A_1813 : i1 to i32
    %cond3A_1815 = arith.constant 0 : i32
    %cond3A_1816 = arith.cmpi ne, %convert_element_type3A_1814, %cond3A_1815 : i32
    scf.if %cond3A_1816 {
      %add3A_1829 = arith.constant 256 : i32
      %add3A_1830 = arith.addi %add3A, %add3A_1829 : i32
      %dma_wait3A = arith.constant 0 : i32
      %dma_wait3A_1831 = arith.constant 0 : i32
      %dma_wait3A_1832 = tpu.memref_slice %arg2[%add3A_1830, %dma_wait3A, %dma_wait3A_1831] : memref<500x200x128xf32, #tpu.memory_space<hbm>> -> memref<1x200x128xf32, #tpu.memory_space<hbm>>
      %dma_wait3A_1833 = tpu.memref_squeeze %dma_wait3A_1832 : memref<1x200x128xf32, #tpu.memory_space<hbm>> -> memref<200x128xf32, #tpu.memory_space<hbm>>
      %dma_wait3A_1834 = arith.constant 0 : i32
      %dma_wait3A_1835 = arith.constant 0 : i32
      %dma_wait3A_1836 = tpu.memref_slice %arg2[%add3A_1830, %dma_wait3A_1834, %dma_wait3A_1835] : memref<500x200x128xf32, #tpu.memory_space<hbm>> -> memref<1x200x128xf32, #tpu.memory_space<hbm>>
      %dma_wait3A_1837 = tpu.memref_squeeze %dma_wait3A_1836 : memref<1x200x128xf32, #tpu.memory_space<hbm>> -> memref<200x128xf32, #tpu.memory_space<hbm>>
      tpu.wait_dma2 semaphore(%arg10 : memref<!tpu.dma_semaphore, #tpu.memory_space<semaphore_mem>>) src(%dma_wait3A_1837 : memref<200x128xf32, #tpu.memory_space<hbm>>) dst(%arg14 : memref<200x128xf32, #tpu.memory_space<vmem>>)
      %dma_start3A_1838 = arith.constant 8 : i32
      %dma_start3A_1839 = arith.constant 0 : i32
      %dma_start3A_1840 = arith.constant 0 : i32
      %dma_start3A_1841 = arith.constant 0 : i32
      %dma_start3A_1842 = tpu.memref_slice %arg14[%dma_start3A_1840, %dma_start3A_1841] : memref<200x128xf32, #tpu.memory_space<vmem>> -> memref<100x128xf32, #tpu.memory_space<vmem>>
      %dma_start3A_1843 = arith.constant 0 : i32
      %dma_start3A_1844 = tpu.memref_slice %arg6[%dma_start3A_1838, %dma_start3A_1839, %dma_start3A_1843] : memref<10x2x100xi32, #tpu.memory_space<vmem>> -> memref<1x1x100xi32, #tpu.memory_space<vmem>>
      %dma_start3A_1845 = tpu.memref_squeeze %dma_start3A_1844 : memref<1x1x100xi32, #tpu.memory_space<vmem>> -> memref<100xi32, #tpu.memory_space<vmem>>
      %dma_start3A_1846 = arith.constant 0 : i32
      %dma_start3A_1847 = arith.constant 0 : i32
      %dma_start3A_1848 = tpu.memref_slice %arg5[%dma_start3A_1846, %dma_start3A_1847] : memref<512x128xf32, #tpu.memory_space<vmem_shared>> -> memref<512x128xf32, #tpu.memory_space<vmem_shared>>
      tpu.enqueue_indirect_dma source(%dma_start3A_1842 : memref<100x128xf32, #tpu.memory_space<vmem>>) target(%dma_start3A_1848 : memref<512x128xf32, #tpu.memory_space<vmem_shared>>) offsets(%dma_start3A_1845 : memref<100xi32, #tpu.memory_space<vmem>>) semaphore(%arg11 : memref<!tpu.dma_semaphore, #tpu.memory_space<semaphore_mem>>) {add = true}
      %dma_start3A_1849 = arith.constant 8 : i32
      %dma_start3A_1850 = arith.constant 1 : i32
      %dma_start3A_1851 = arith.constant 100 : i32
      %dma_start3A_1852 = arith.constant 0 : i32
      %dma_start3A_1853 = tpu.memref_slice %arg14[%dma_start3A_1851, %dma_start3A_1852] : memref<200x128xf32, #tpu.memory_space<vmem>> -> memref<100x128xf32, #tpu.memory_space<vmem>>
      %dma_start3A_1854 = arith.constant 0 : i32
      %dma_start3A_1855 = tpu.memref_slice %arg6[%dma_start3A_1849, %dma_start3A_1850, %dma_start3A_1854] : memref<10x2x100xi32, #tpu.memory_space<vmem>> -> memref<1x1x100xi32, #tpu.memory_space<vmem>>
      %dma_start3A_1856 = tpu.memref_squeeze %dma_start3A_1855 : memref<1x1x100xi32, #tpu.memory_space<vmem>> -> memref<100xi32, #tpu.memory_space<vmem>>
      %dma_start3A_1857 = arith.constant 0 : i32
      %dma_start3A_1858 = arith.constant 0 : i32
      %dma_start3A_1859 = tpu.memref_slice %arg5[%dma_start3A_1857, %dma_start3A_1858] : memref<512x128xf32, #tpu.memory_space<vmem_shared>> -> memref<512x128xf32, #tpu.memory_space<vmem_shared>>
      tpu.enqueue_indirect_dma source(%dma_start3A_1853 : memref<100x128xf32, #tpu.memory_space<vmem>>) target(%dma_start3A_1859 : memref<512x128xf32, #tpu.memory_space<vmem_shared>>) offsets(%dma_start3A_1856 : memref<100xi32, #tpu.memory_space<vmem>>) semaphore(%arg11 : memref<!tpu.dma_semaphore, #tpu.memory_space<semaphore_mem>>) {add = true}
      %dma_wait3A_1860 = arith.constant 8 : i32
      %dma_wait3A_1861 = arith.constant 0 : i32
      %dma_wait3A_1862 = arith.constant 0 : i32
      %dma_wait3A_1863 = arith.constant 0 : i32
      %dma_wait3A_1864 = tpu.memref_slice %arg14[%dma_wait3A_1862, %dma_wait3A_1863] : memref<200x128xf32, #tpu.memory_space<vmem>> -> memref<100x128xf32, #tpu.memory_space<vmem>>
      %dma_wait3A_1865 = arith.constant 0 : i32
      %dma_wait3A_1866 = tpu.memref_slice %arg6[%dma_wait3A_1860, %dma_wait3A_1861, %dma_wait3A_1865] : memref<10x2x100xi32, #tpu.memory_space<vmem>> -> memref<1x1x100xi32, #tpu.memory_space<vmem>>
      %dma_wait3A_1867 = tpu.memref_squeeze %dma_wait3A_1866 : memref<1x1x100xi32, #tpu.memory_space<vmem>> -> memref<100xi32, #tpu.memory_space<vmem>>
      %dma_wait3A_1868 = arith.constant 0 : i32
      %dma_wait3A_1869 = arith.constant 0 : i32
      %dma_wait3A_1870 = tpu.memref_slice %arg5[%dma_wait3A_1868, %dma_wait3A_1869] : memref<512x128xf32, #tpu.memory_space<vmem_shared>> -> memref<512x128xf32, #tpu.memory_space<vmem_shared>>
      tpu.wait_indirect_dma semaphore(%arg11 : memref<!tpu.dma_semaphore, #tpu.memory_space<semaphore_mem>>) src(%dma_wait3A_1864 : memref<100x128xf32, #tpu.memory_space<vmem>>) dst(%dma_wait3A_1870 : memref<512x128xf32, #tpu.memory_space<vmem_shared>>)
      %dma_wait3A_1871 = arith.constant 8 : i32
      %dma_wait3A_1872 = arith.constant 1 : i32
      %dma_wait3A_1873 = arith.constant 100 : i32
      %dma_wait3A_1874 = arith.constant 0 : i32
      %dma_wait3A_1875 = tpu.memref_slice %arg14[%dma_wait3A_1873, %dma_wait3A_1874] : memref<200x128xf32, #tpu.memory_space<vmem>> -> memref<100x128xf32, #tpu.memory_space<vmem>>
      %dma_wait3A_1876 = arith.constant 0 : i32
      %dma_wait3A_1877 = tpu.memref_slice %arg6[%dma_wait3A_1871, %dma_wait3A_1872, %dma_wait3A_1876] : memref<10x2x100xi32, #tpu.memory_space<vmem>> -> memref<1x1x100xi32, #tpu.memory_space<vmem>>
      %dma_wait3A_1878 = tpu.memref_squeeze %dma_wait3A_1877 : memref<1x1x100xi32, #tpu.memory_space<vmem>> -> memref<100xi32, #tpu.memory_space<vmem>>
      %dma_wait3A_1879 = arith.constant 0 : i32
      %dma_wait3A_1880 = arith.constant 0 : i32
      %dma_wait3A_1881 = tpu.memref_slice %arg5[%dma_wait3A_1879, %dma_wait3A_1880] : memref<512x128xf32, #tpu.memory_space<vmem_shared>> -> memref<512x128xf32, #tpu.memory_space<vmem_shared>>
      tpu.wait_indirect_dma semaphore(%arg11 : memref<!tpu.dma_semaphore, #tpu.memory_space<semaphore_mem>>) src(%dma_wait3A_1875 : memref<100x128xf32, #tpu.memory_space<vmem>>) dst(%dma_wait3A_1881 : memref<512x128xf32, #tpu.memory_space<vmem_shared>>)
    } else {
    }
    %add3A_1817 = arith.constant 288 : i32
    %add3A_1818 = arith.addi %add3A, %add3A_1817 : i32
    %lt3A_1819 = arith.constant 300 : i32
    %lt3A_1820 = arith.cmpi slt, %add3A_1818, %lt3A_1819 : i32
    %convert_element_type3A_1821 = arith.extui %lt3A_1820 : i1 to i32
    %cond3A_1822 = arith.constant 0 : i32
    %cond3A_1823 = arith.cmpi ne, %convert_element_type3A_1821, %cond3A_1822 : i32
    scf.if %cond3A_1823 {
      %add3A_1829 = arith.constant 288 : i32
      %add3A_1830 = arith.addi %add3A, %add3A_1829 : i32
      %dma_wait3A = arith.constant 0 : i32
      %dma_wait3A_1831 = arith.constant 0 : i32
      %dma_wait3A_1832 = tpu.memref_slice %arg2[%add3A_1830, %dma_wait3A, %dma_wait3A_1831] : memref<500x200x128xf32, #tpu.memory_space<hbm>> -> memref<1x200x128xf32, #tpu.memory_space<hbm>>
      %dma_wait3A_1833 = tpu.memref_squeeze %dma_wait3A_1832 : memref<1x200x128xf32, #tpu.memory_space<hbm>> -> memref<200x128xf32, #tpu.memory_space<hbm>>
      %dma_wait3A_1834 = arith.constant 0 : i32
      %dma_wait3A_1835 = arith.constant 0 : i32
      %dma_wait3A_1836 = tpu.memref_slice %arg2[%add3A_1830, %dma_wait3A_1834, %dma_wait3A_1835] : memref<500x200x128xf32, #tpu.memory_space<hbm>> -> memref<1x200x128xf32, #tpu.memory_space<hbm>>
      %dma_wait3A_1837 = tpu.memref_squeeze %dma_wait3A_1836 : memref<1x200x128xf32, #tpu.memory_space<hbm>> -> memref<200x128xf32, #tpu.memory_space<hbm>>
      tpu.wait_dma2 semaphore(%arg8 : memref<!tpu.dma_semaphore, #tpu.memory_space<semaphore_mem>>) src(%dma_wait3A_1837 : memref<200x128xf32, #tpu.memory_space<hbm>>) dst(%arg12 : memref<200x128xf32, #tpu.memory_space<vmem>>)
      %dma_start3A_1838 = arith.constant 9 : i32
      %dma_start3A_1839 = arith.constant 0 : i32
      %dma_start3A_1840 = arith.constant 0 : i32
      %dma_start3A_1841 = arith.constant 0 : i32
      %dma_start3A_1842 = tpu.memref_slice %arg12[%dma_start3A_1840, %dma_start3A_1841] : memref<200x128xf32, #tpu.memory_space<vmem>> -> memref<100x128xf32, #tpu.memory_space<vmem>>
      %dma_start3A_1843 = arith.constant 0 : i32
      %dma_start3A_1844 = tpu.memref_slice %arg6[%dma_start3A_1838, %dma_start3A_1839, %dma_start3A_1843] : memref<10x2x100xi32, #tpu.memory_space<vmem>> -> memref<1x1x100xi32, #tpu.memory_space<vmem>>
      %dma_start3A_1845 = tpu.memref_squeeze %dma_start3A_1844 : memref<1x1x100xi32, #tpu.memory_space<vmem>> -> memref<100xi32, #tpu.memory_space<vmem>>
      %dma_start3A_1846 = arith.constant 0 : i32
      %dma_start3A_1847 = arith.constant 0 : i32
      %dma_start3A_1848 = tpu.memref_slice %arg5[%dma_start3A_1846, %dma_start3A_1847] : memref<512x128xf32, #tpu.memory_space<vmem_shared>> -> memref<512x128xf32, #tpu.memory_space<vmem_shared>>
      tpu.enqueue_indirect_dma source(%dma_start3A_1842 : memref<100x128xf32, #tpu.memory_space<vmem>>) target(%dma_start3A_1848 : memref<512x128xf32, #tpu.memory_space<vmem_shared>>) offsets(%dma_start3A_1845 : memref<100xi32, #tpu.memory_space<vmem>>) semaphore(%arg11 : memref<!tpu.dma_semaphore, #tpu.memory_space<semaphore_mem>>) {add = true}
      %dma_start3A_1849 = arith.constant 9 : i32
      %dma_start3A_1850 = arith.constant 1 : i32
      %dma_start3A_1851 = arith.constant 100 : i32
      %dma_start3A_1852 = arith.constant 0 : i32
      %dma_start3A_1853 = tpu.memref_slice %arg12[%dma_start3A_1851, %dma_start3A_1852] : memref<200x128xf32, #tpu.memory_space<vmem>> -> memref<100x128xf32, #tpu.memory_space<vmem>>
      %dma_start3A_1854 = arith.constant 0 : i32
      %dma_start3A_1855 = tpu.memref_slice %arg6[%dma_start3A_1849, %dma_start3A_1850, %dma_start3A_1854] : memref<10x2x100xi32, #tpu.memory_space<vmem>> -> memref<1x1x100xi32, #tpu.memory_space<vmem>>
      %dma_start3A_1856 = tpu.memref_squeeze %dma_start3A_1855 : memref<1x1x100xi32, #tpu.memory_space<vmem>> -> memref<100xi32, #tpu.memory_space<vmem>>
      %dma_start3A_1857 = arith.constant 0 : i32
      %dma_start3A_1858 = arith.constant 0 : i32
      %dma_start3A_1859 = tpu.memref_slice %arg5[%dma_start3A_1857, %dma_start3A_1858] : memref<512x128xf32, #tpu.memory_space<vmem_shared>> -> memref<512x128xf32, #tpu.memory_space<vmem_shared>>
      tpu.enqueue_indirect_dma source(%dma_start3A_1853 : memref<100x128xf32, #tpu.memory_space<vmem>>) target(%dma_start3A_1859 : memref<512x128xf32, #tpu.memory_space<vmem_shared>>) offsets(%dma_start3A_1856 : memref<100xi32, #tpu.memory_space<vmem>>) semaphore(%arg11 : memref<!tpu.dma_semaphore, #tpu.memory_space<semaphore_mem>>) {add = true}
      %dma_wait3A_1860 = arith.constant 9 : i32
      %dma_wait3A_1861 = arith.constant 0 : i32
      %dma_wait3A_1862 = arith.constant 0 : i32
      %dma_wait3A_1863 = arith.constant 0 : i32
      %dma_wait3A_1864 = tpu.memref_slice %arg12[%dma_wait3A_1862, %dma_wait3A_1863] : memref<200x128xf32, #tpu.memory_space<vmem>> -> memref<100x128xf32, #tpu.memory_space<vmem>>
      %dma_wait3A_1865 = arith.constant 0 : i32
      %dma_wait3A_1866 = tpu.memref_slice %arg6[%dma_wait3A_1860, %dma_wait3A_1861, %dma_wait3A_1865] : memref<10x2x100xi32, #tpu.memory_space<vmem>> -> memref<1x1x100xi32, #tpu.memory_space<vmem>>
      %dma_wait3A_1867 = tpu.memref_squeeze %dma_wait3A_1866 : memref<1x1x100xi32, #tpu.memory_space<vmem>> -> memref<100xi32, #tpu.memory_space<vmem>>
      %dma_wait3A_1868 = arith.constant 0 : i32
      %dma_wait3A_1869 = arith.constant 0 : i32
      %dma_wait3A_1870 = tpu.memref_slice %arg5[%dma_wait3A_1868, %dma_wait3A_1869] : memref<512x128xf32, #tpu.memory_space<vmem_shared>> -> memref<512x128xf32, #tpu.memory_space<vmem_shared>>
      tpu.wait_indirect_dma semaphore(%arg11 : memref<!tpu.dma_semaphore, #tpu.memory_space<semaphore_mem>>) src(%dma_wait3A_1864 : memref<100x128xf32, #tpu.memory_space<vmem>>) dst(%dma_wait3A_1870 : memref<512x128xf32, #tpu.memory_space<vmem_shared>>)
      %dma_wait3A_1871 = arith.constant 9 : i32
      %dma_wait3A_1872 = arith.constant 1 : i32
      %dma_wait3A_1873 = arith.constant 100 : i32
      %dma_wait3A_1874 = arith.constant 0 : i32
      %dma_wait3A_1875 = tpu.memref_slice %arg12[%dma_wait3A_1873, %dma_wait3A_1874] : memref<200x128xf32, #tpu.memory_space<vmem>> -> memref<100x128xf32, #tpu.memory_space<vmem>>
      %dma_wait3A_1876 = arith.constant 0 : i32
      %dma_wait3A_1877 = tpu.memref_slice %arg6[%dma_wait3A_1871, %dma_wait3A_1872, %dma_wait3A_1876] : memref<10x2x100xi32, #tpu.memory_space<vmem>> -> memref<1x1x100xi32, #tpu.memory_space<vmem>>
      %dma_wait3A_1878 = tpu.memref_squeeze %dma_wait3A_1877 : memref<1x1x100xi32, #tpu.memory_space<vmem>> -> memref<100xi32, #tpu.memory_space<vmem>>
      %dma_wait3A_1879 = arith.constant 0 : i32
      %dma_wait3A_1880 = arith.constant 0 : i32
      %dma_wait3A_1881 = tpu.memref_slice %arg5[%dma_wait3A_1879, %dma_wait3A_1880] : memref<512x128xf32, #tpu.memory_space<vmem_shared>> -> memref<512x128xf32, #tpu.memory_space<vmem_shared>>
      tpu.wait_indirect_dma semaphore(%arg11 : memref<!tpu.dma_semaphore, #tpu.memory_space<semaphore_mem>>) src(%dma_wait3A_1875 : memref<100x128xf32, #tpu.memory_space<vmem>>) dst(%dma_wait3A_1881 : memref<512x128xf32, #tpu.memory_space<vmem_shared>>)
    } else {
    }
    %barrier3A_1824 = arith.constant 0 : index
    tpu.barrier barrier_id(%barrier3A_1824)
    %mul3A_1825 = arith.constant 32 : i32
    %mul3A_1826 = arith.muli %arg1, %mul3A_1825 : i32
    "tpu.region"() ({
      %run_scoped3A = tpu.sem_alloc : memref<!tpu.dma_semaphore, #tpu.memory_space<semaphore_mem>>
      %dma_start3A_1829 = arith.constant 0 : i32
      %dma_start3A_1830 = tpu.memref_slice %arg5[%mul3A_1826, %dma_start3A_1829] : memref<512x128xf32, #tpu.memory_space<vmem_shared>> -> memref<32x128xf32, #tpu.memory_space<vmem_shared>>
      %dma_start3A_1831 = arith.constant 0 : i32
      %dma_start3A_1832 = tpu.memref_slice %arg5[%mul3A_1826, %dma_start3A_1831] : memref<512x128xf32, #tpu.memory_space<vmem_shared>> -> memref<32x128xf32, #tpu.memory_space<vmem_shared>>
      tpu.enqueue_dma source(%dma_start3A_1832 : memref<32x128xf32, #tpu.memory_space<vmem_shared>>) target(%arg15 : memref<32x128xf32, #tpu.memory_space<vmem>>) target_semaphore(%run_scoped3A : memref<!tpu.dma_semaphore, #tpu.memory_space<semaphore_mem>>)
      %dma_wait3A = arith.constant 0 : i32
      %dma_wait3A_1833 = tpu.memref_slice %arg5[%mul3A_1826, %dma_wait3A] : memref<512x128xf32, #tpu.memory_space<vmem_shared>> -> memref<32x128xf32, #tpu.memory_space<vmem_shared>>
      %dma_wait3A_1834 = arith.constant 0 : i32
      %dma_wait3A_1835 = tpu.memref_slice %arg5[%mul3A_1826, %dma_wait3A_1834] : memref<512x128xf32, #tpu.memory_space<vmem_shared>> -> memref<32x128xf32, #tpu.memory_space<vmem_shared>>
      tpu.wait_dma2 semaphore(%run_scoped3A : memref<!tpu.dma_semaphore, #tpu.memory_space<semaphore_mem>>) src(%dma_wait3A_1835 : memref<32x128xf32, #tpu.memory_space<vmem_shared>>) dst(%arg15 : memref<32x128xf32, #tpu.memory_space<vmem>>)
      tpu.yield
    }) : () -> ()
    %mul3A_1827 = arith.constant 32 : i32
    %mul3A_1828 = arith.muli %arg1, %mul3A_1827 : i32
    "tpu.region"() ({
      %run_scoped3A = tpu.sem_alloc : memref<!tpu.dma_semaphore, #tpu.memory_space<semaphore_mem>>
      %dma_start3A_1829 = arith.constant 0 : i32
      %dma_start3A_1830 = tpu.memref_slice %arg4[%arg0, %mul3A_1828, %dma_start3A_1829] : memref<2x512x128xf32, #tpu.memory_space<hbm>> -> memref<1x32x128xf32, #tpu.memory_space<hbm>>
      %dma_start3A_1831 = tpu.memref_squeeze %dma_start3A_1830 : memref<1x32x128xf32, #tpu.memory_space<hbm>> -> memref<32x128xf32, #tpu.memory_space<hbm>>
      %dma_start3A_1832 = arith.constant 0 : i32
      %dma_start3A_1833 = tpu.memref_slice %arg4[%arg0, %mul3A_1828, %dma_start3A_1832] : memref<2x512x128xf32, #tpu.memory_space<hbm>> -> memref<1x32x128xf32, #tpu.memory_space<hbm>>
      %dma_start3A_1834 = tpu.memref_squeeze %dma_start3A_1833 : memref<1x32x128xf32, #tpu.memory_space<hbm>> -> memref<32x128xf32, #tpu.memory_space<hbm>>
      tpu.enqueue_dma source(%arg15 : memref<32x128xf32, #tpu.memory_space<vmem>>) target(%dma_start3A_1834 : memref<32x128xf32, #tpu.memory_space<hbm>>) target_semaphore(%run_scoped3A : memref<!tpu.dma_semaphore, #tpu.memory_space<semaphore_mem>>)
      %dma_wait3A = arith.constant 0 : i32
      %dma_wait3A_1835 = tpu.memref_slice %arg4[%arg0, %mul3A_1828, %dma_wait3A] : memref<2x512x128xf32, #tpu.memory_space<hbm>> -> memref<1x32x128xf32, #tpu.memory_space<hbm>>
      %dma_wait3A_1836 = tpu.memref_squeeze %dma_wait3A_1835 : memref<1x32x128xf32, #tpu.memory_space<hbm>> -> memref<32x128xf32, #tpu.memory_space<hbm>>
      %dma_wait3A_1837 = arith.constant 0 : i32
      %dma_wait3A_1838 = tpu.memref_slice %arg4[%arg0, %mul3A_1828, %dma_wait3A_1837] : memref<2x512x128xf32, #tpu.memory_space<hbm>> -> memref<1x32x128xf32, #tpu.memory_space<hbm>>
      %dma_wait3A_1839 = tpu.memref_squeeze %dma_wait3A_1838 : memref<1x32x128xf32, #tpu.memory_space<hbm>> -> memref<32x128xf32, #tpu.memory_space<hbm>>
      tpu.wait_dma2 semaphore(%run_scoped3A : memref<!tpu.dma_semaphore, #tpu.memory_space<semaphore_mem>>) src(%arg15 : memref<32x128xf32, #tpu.memory_space<vmem>>) dst(%dma_wait3A_1839 : memref<32x128xf32, #tpu.memory_space<hbm>>)
      tpu.yield
    }) : () -> ()
    return
  }
}

module attributes {stable_mosaic.version = 14 : i64} {
  func.func @body(%arg0: i32, %arg1: memref<1x1x2000xi32, #tpu.memory_space<vmem>>, %arg2: memref<2000x128xf32, #tpu.memory_space<vmem>>, %arg3: memref<512x128xf32, #tpu.memory_space<vmem>>) attributes {dimension_semantics = [#tpu.dimension_semantics<arbitrary>], iteration_bounds = array<i64: 20>, scalar_prefetch = 0 : i64, scratch_operands = 0 : i64, tpu.core_type = #tpu.core_type<tc>, window_params = [{transform_indices = @transform_0, window_bounds = array<i64: 1, 1, 2000>}, {transform_indices = @transform_1, window_bounds = array<i64: 2000, 128>}, {pipeline_mode = #tpu.pipeline_mode<synchronous>, transform_indices = @transform_2, window_bounds = array<i64: 512, 128>}]} {
    %get3A = arith.constant 0 : index
    %get3A_0 = arith.constant 0 : index
    %get3A_1 = arith.constant 0 : index
    %get3A_2 = vector.load %arg1[%get3A, %get3A_0, %get3A_1] : memref<1x1x2000xi32, #tpu.memory_space<vmem>>, vector<1x1x2000xi32>
    %get3A_3 = vector.shape_cast %get3A_2 : vector<1x1x2000xi32> to vector<2000xi32>
    %broadcast_in_dim3A = vector.shape_cast %get3A_3 : vector<2000xi32> to vector<1x2000xi32>
    %iota3A = tpu.iota {dimensions = array<i32: 0>} : vector<512x2000xi32>
    %eq3A = vector.broadcast %broadcast_in_dim3A : vector<1x2000xi32> to vector<512x2000xi32>
    %eq3A_4 = arith.cmpi eq, %iota3A, %eq3A : vector<512x2000xi32>
    %convert_element_type3A = arith.extui %eq3A_4 : vector<512x2000xi1> to vector<512x2000xi32>
    %convert_element_type3A_5 = arith.sitofp %convert_element_type3A : vector<512x2000xi32> to vector<512x2000xf32>
    %convert_element_type3A_6 = arith.truncf %convert_element_type3A_5 : vector<512x2000xf32> to vector<512x2000xbf16>
    %get3A_7 = arith.constant 0 : index
    %get3A_8 = arith.constant 0 : index
    %get3A_9 = vector.load %arg2[%get3A_7, %get3A_8] : memref<2000x128xf32, #tpu.memory_space<vmem>>, vector<2000x128xf32>
    %convert_element_type3A_10 = arith.truncf %get3A_9 : vector<2000x128xf32> to vector<2000x128xbf16>
    %convert_element_type3A_11 = arith.extf %convert_element_type3A_10 : vector<2000x128xbf16> to vector<2000x128xf32>
    %sub3A = arith.subf %get3A_9, %convert_element_type3A_11 : vector<2000x128xf32>
    %convert_element_type3A_12 = arith.truncf %sub3A : vector<2000x128xf32> to vector<2000x128xbf16>
    %dot_general3A = arith.constant dense<0.000000e+00> : vector<512x128xf32>
    %dot_general3A_13 = tpu.matmul %convert_element_type3A_6, %convert_element_type3A_10, %dot_general3A {dimension_numbers = #tpu.dot_dimension_numbers<[1], [0], [0], [1], [0, 0, 1, 1], [], []>, transpose_lhs_hint = false} : vector<512x2000xbf16>, vector<2000x128xbf16>, vector<512x128xf32> -> vector<512x128xf32>
    %dot_general3A_14 = arith.constant dense<0.000000e+00> : vector<512x128xf32>
    %dot_general3A_15 = tpu.matmul %convert_element_type3A_6, %convert_element_type3A_12, %dot_general3A_14 {dimension_numbers = #tpu.dot_dimension_numbers<[1], [0], [0], [1], [0, 0, 1, 1], [], []>, transpose_lhs_hint = false} : vector<512x2000xbf16>, vector<2000x128xbf16>, vector<512x128xf32> -> vector<512x128xf32>
    %add3A = arith.addf %dot_general3A_13, %dot_general3A_15 : vector<512x128xf32>
    %eq3A_16 = arith.constant 0 : i32
    %eq3A_17 = arith.cmpi eq, %arg0, %eq3A_16 : i32
    %convert_element_type3A_18 = arith.extui %eq3A_17 : i1 to i32
    %cond3A = arith.constant 0 : i32
    %cond3A_19 = arith.cmpi ne, %convert_element_type3A_18, %cond3A : i32
    scf.if %cond3A_19 {
      %swap3A = arith.constant 0 : index
      %swap3A_24 = arith.constant 0 : index
      %swap3A_25 = vector.load %arg3[%swap3A, %swap3A_24] : memref<512x128xf32, #tpu.memory_space<vmem>>, vector<512x128xf32>
      tpu.vector_store %arg3[%swap3A, %swap3A_24], %add3A {strides = array<i32>} : memref<512x128xf32, #tpu.memory_space<vmem>>, vector<512x128xf32>,
    } else {
    }
    %gt3A = arith.constant 0 : i32
    %gt3A_20 = arith.cmpi sgt, %arg0, %gt3A : i32
    %convert_element_type3A_21 = arith.extui %gt3A_20 : i1 to i32
    %cond3A_22 = arith.constant 0 : i32
    %cond3A_23 = arith.cmpi ne, %convert_element_type3A_21, %cond3A_22 : i32
    scf.if %cond3A_23 {
      %get3A_24 = arith.constant 0 : index
      %get3A_25 = arith.constant 0 : index
      %get3A_26 = vector.load %arg3[%get3A_24, %get3A_25] : memref<512x128xf32, #tpu.memory_space<vmem>>, vector<512x128xf32>
      %add3A_27 = arith.addf %get3A_26, %add3A : vector<512x128xf32>
      %swap3A = arith.constant 0 : index
      %swap3A_28 = arith.constant 0 : index
      %swap3A_29 = vector.load %arg3[%swap3A, %swap3A_28] : memref<512x128xf32, #tpu.memory_space<vmem>>, vector<512x128xf32>
      tpu.vector_store %arg3[%swap3A, %swap3A_28], %add3A_27 {strides = array<i32>} : memref<512x128xf32, #tpu.memory_space<vmem>>, vector<512x128xf32>,
    } else {
    }
    return
  }
  func.func @transform_0(%arg0: i32) -> (i32, i32, i32) {
    %add3A = arith.constant 30 : i32
    %add3A_0 = arith.addi %add3A, %arg0 : i32
    %c0_i32 = arith.constant 0 : i32
    %c0_i32_1 = arith.constant 0 : i32
    %c0_i32_2 = arith.constant 0 : i32
    return %add3A_0, %c0_i32, %c0_i32_1 : i32, i32, i32
  }
  func.func @transform_1(%arg0: i32) -> (i32, i32) {
    %add3A = arith.constant 30 : i32
    %add3A_0 = arith.addi %add3A, %arg0 : i32
    %c0_i32 = arith.constant 0 : i32
    %c0_i32_1 = arith.constant 0 : i32
    return %add3A_0, %c0_i32 : i32, i32
  }
  func.func @transform_2(%arg0: i32) -> (i32, i32) {
    %c0_i32 = arith.constant 0 : i32
    %c0_i32_0 = arith.constant 0 : i32
    %c0_i32_1 = arith.constant 0 : i32
    return %c0_i32, %c0_i32_0 : i32, i32
  }
}

module attributes {stable_mosaic.version = 14 : i64} {
  func.func @body(%arg0: memref<50x1x2000xi32, #tpu.memory_space<vmem>>, %arg1: memref<512x1xf32, #tpu.memory_space<vmem>>) attributes {dimension_semantics = [], scalar_prefetch = 0 : i64, scratch_operands = 0 : i64, tpu.core_type = #tpu.core_type<tc>} {
    %broadcast_in_dim3A = arith.constant 0.000000e+00 : f32
    %broadcast_in_dim3A_0 = vector.broadcast %broadcast_in_dim3A : f32 to vector<16x32xf32>
    %get3A = arith.constant 0 : index
    %get3A_1 = arith.constant 0 : index
    %get3A_2 = arith.constant 0 : index
    %get3A_3 = vector.load %arg0[%get3A, %get3A_1, %get3A_2] : memref<50x1x2000xi32, #tpu.memory_space<vmem>>, vector<1x1x2000xi32>
    %get3A_4 = vector.shape_cast %get3A_3 : vector<1x1x2000xi32> to vector<2000xi32>
    %shift_right_arithmetic3A = arith.constant 5 : i32
    %shift_right_arithmetic3A_5 = vector.broadcast %shift_right_arithmetic3A : i32 to vector<2000xi32>
    %shift_right_arithmetic3A_6 = arith.shrsi %get3A_4, %shift_right_arithmetic3A_5 : vector<2000xi32>
    %broadcast_in_dim3A_7 = vector.shape_cast %shift_right_arithmetic3A_6 : vector<2000xi32> to vector<1x2000xi32>
    %and3A = arith.constant 31 : i32
    %and3A_8 = vector.broadcast %and3A : i32 to vector<2000xi32>
    %and3A_9 = arith.andi %get3A_4, %and3A_8 : vector<2000xi32>
    %broadcast_in_dim3A_10 = vector.shape_cast %and3A_9 : vector<2000xi32> to vector<1x2000xi32>
    %iota3A = tpu.iota {dimensions = array<i32: 0>} : vector<16x2000xi32>
    %eq3A = vector.broadcast %broadcast_in_dim3A_7 : vector<1x2000xi32> to vector<16x2000xi32>
    %eq3A_11 = arith.cmpi eq, %iota3A, %eq3A : vector<16x2000xi32>
    %convert_element_type3A = arith.extui %eq3A_11 : vector<16x2000xi1> to vector<16x2000xi32>
    %convert_element_type3A_12 = arith.sitofp %convert_element_type3A : vector<16x2000xi32> to vector<16x2000xf32>
    %convert_element_type3A_13 = arith.truncf %convert_element_type3A_12 : vector<16x2000xf32> to vector<16x2000xbf16>
    %iota3A_14 = tpu.iota {dimensions = array<i32: 0>} : vector<32x2000xi32>
    %eq3A_15 = vector.broadcast %broadcast_in_dim3A_10 : vector<1x2000xi32> to vector<32x2000xi32>
    %eq3A_16 = arith.cmpi eq, %iota3A_14, %eq3A_15 : vector<32x2000xi32>
    %convert_element_type3A_17 = arith.extui %eq3A_16 : vector<32x2000xi1> to vector<32x2000xi32>
    %convert_element_type3A_18 = arith.sitofp %convert_element_type3A_17 : vector<32x2000xi32> to vector<32x2000xf32>
    %convert_element_type3A_19 = arith.truncf %convert_element_type3A_18 : vector<32x2000xf32> to vector<32x2000xbf16>
    %dot_general3A = arith.constant dense<0.000000e+00> : vector<16x32xf32>
    %dot_general3A_20 = tpu.matmul %convert_element_type3A_13, %convert_element_type3A_19, %dot_general3A {dimension_numbers = #tpu.dot_dimension_numbers<[1], [1], [0], [0], [0, 0, 1, 0], [], []>, transpose_lhs_hint = false} : vector<16x2000xbf16>, vector<32x2000xbf16>, vector<16x32xf32> -> vector<16x32xf32>
    %add3A = arith.addf %broadcast_in_dim3A_0, %dot_general3A_20 : vector<16x32xf32>
    %get3A_21 = arith.constant 1 : index
    %get3A_22 = arith.constant 0 : index
    %get3A_23 = arith.constant 0 : index
    %get3A_24 = vector.load %arg0[%get3A_21, %get3A_22, %get3A_23] : memref<50x1x2000xi32, #tpu.memory_space<vmem>>, vector<1x1x2000xi32>
    %get3A_25 = vector.shape_cast %get3A_24 : vector<1x1x2000xi32> to vector<2000xi32>
    %shift_right_arithmetic3A_26 = arith.constant 5 : i32
    %shift_right_arithmetic3A_27 = vector.broadcast %shift_right_arithmetic3A_26 : i32 to vector<2000xi32>
    %shift_right_arithmetic3A_28 = arith.shrsi %get3A_25, %shift_right_arithmetic3A_27 : vector<2000xi32>
    %broadcast_in_dim3A_29 = vector.shape_cast %shift_right_arithmetic3A_28 : vector<2000xi32> to vector<1x2000xi32>
    %and3A_30 = arith.constant 31 : i32
    %and3A_31 = vector.broadcast %and3A_30 : i32 to vector<2000xi32>
    %and3A_32 = arith.andi %get3A_25, %and3A_31 : vector<2000xi32>
    %broadcast_in_dim3A_33 = vector.shape_cast %and3A_32 : vector<2000xi32> to vector<1x2000xi32>
    %iota3A_34 = tpu.iota {dimensions = array<i32: 0>} : vector<16x2000xi32>
    %eq3A_35 = vector.broadcast %broadcast_in_dim3A_29 : vector<1x2000xi32> to vector<16x2000xi32>
    %eq3A_36 = arith.cmpi eq, %iota3A_34, %eq3A_35 : vector<16x2000xi32>
    %convert_element_type3A_37 = arith.extui %eq3A_36 : vector<16x2000xi1> to vector<16x2000xi32>
    %convert_element_type3A_38 = arith.sitofp %convert_element_type3A_37 : vector<16x2000xi32> to vector<16x2000xf32>
    %convert_element_type3A_39 = arith.truncf %convert_element_type3A_38 : vector<16x2000xf32> to vector<16x2000xbf16>
    %iota3A_40 = tpu.iota {dimensions = array<i32: 0>} : vector<32x2000xi32>
    %eq3A_41 = vector.broadcast %broadcast_in_dim3A_33 : vector<1x2000xi32> to vector<32x2000xi32>
    %eq3A_42 = arith.cmpi eq, %iota3A_40, %eq3A_41 : vector<32x2000xi32>
    %convert_element_type3A_43 = arith.extui %eq3A_42 : vector<32x2000xi1> to vector<32x2000xi32>
    %convert_element_type3A_44 = arith.sitofp %convert_element_type3A_43 : vector<32x2000xi32> to vector<32x2000xf32>
    %convert_element_type3A_45 = arith.truncf %convert_element_type3A_44 : vector<32x2000xf32> to vector<32x2000xbf16>
    %dot_general3A_46 = arith.constant dense<0.000000e+00> : vector<16x32xf32>
    %dot_general3A_47 = tpu.matmul %convert_element_type3A_39, %convert_element_type3A_45, %dot_general3A_46 {dimension_numbers = #tpu.dot_dimension_numbers<[1], [1], [0], [0], [0, 0, 1, 0], [], []>, transpose_lhs_hint = false} : vector<16x2000xbf16>, vector<32x2000xbf16>, vector<16x32xf32> -> vector<16x32xf32>
    %add3A_48 = arith.addf %add3A, %dot_general3A_47 : vector<16x32xf32>
    %get3A_49 = arith.constant 2 : index
    %get3A_50 = arith.constant 0 : index
    %get3A_51 = arith.constant 0 : index
    %get3A_52 = vector.load %arg0[%get3A_49, %get3A_50, %get3A_51] : memref<50x1x2000xi32, #tpu.memory_space<vmem>>, vector<1x1x2000xi32>
    %get3A_53 = vector.shape_cast %get3A_52 : vector<1x1x2000xi32> to vector<2000xi32>
    %shift_right_arithmetic3A_54 = arith.constant 5 : i32
    %shift_right_arithmetic3A_55 = vector.broadcast %shift_right_arithmetic3A_54 : i32 to vector<2000xi32>
    %shift_right_arithmetic3A_56 = arith.shrsi %get3A_53, %shift_right_arithmetic3A_55 : vector<2000xi32>
    %broadcast_in_dim3A_57 = vector.shape_cast %shift_right_arithmetic3A_56 : vector<2000xi32> to vector<1x2000xi32>
    %and3A_58 = arith.constant 31 : i32
    %and3A_59 = vector.broadcast %and3A_58 : i32 to vector<2000xi32>
    %and3A_60 = arith.andi %get3A_53, %and3A_59 : vector<2000xi32>
    %broadcast_in_dim3A_61 = vector.shape_cast %and3A_60 : vector<2000xi32> to vector<1x2000xi32>
    %iota3A_62 = tpu.iota {dimensions = array<i32: 0>} : vector<16x2000xi32>
    %eq3A_63 = vector.broadcast %broadcast_in_dim3A_57 : vector<1x2000xi32> to vector<16x2000xi32>
    %eq3A_64 = arith.cmpi eq, %iota3A_62, %eq3A_63 : vector<16x2000xi32>
    %convert_element_type3A_65 = arith.extui %eq3A_64 : vector<16x2000xi1> to vector<16x2000xi32>
    %convert_element_type3A_66 = arith.sitofp %convert_element_type3A_65 : vector<16x2000xi32> to vector<16x2000xf32>
    %convert_element_type3A_67 = arith.truncf %convert_element_type3A_66 : vector<16x2000xf32> to vector<16x2000xbf16>
    %iota3A_68 = tpu.iota {dimensions = array<i32: 0>} : vector<32x2000xi32>
    %eq3A_69 = vector.broadcast %broadcast_in_dim3A_61 : vector<1x2000xi32> to vector<32x2000xi32>
    %eq3A_70 = arith.cmpi eq, %iota3A_68, %eq3A_69 : vector<32x2000xi32>
    %convert_element_type3A_71 = arith.extui %eq3A_70 : vector<32x2000xi1> to vector<32x2000xi32>
    %convert_element_type3A_72 = arith.sitofp %convert_element_type3A_71 : vector<32x2000xi32> to vector<32x2000xf32>
    %convert_element_type3A_73 = arith.truncf %convert_element_type3A_72 : vector<32x2000xf32> to vector<32x2000xbf16>
    %dot_general3A_74 = arith.constant dense<0.000000e+00> : vector<16x32xf32>
    %dot_general3A_75 = tpu.matmul %convert_element_type3A_67, %convert_element_type3A_73, %dot_general3A_74 {dimension_numbers = #tpu.dot_dimension_numbers<[1], [1], [0], [0], [0, 0, 1, 0], [], []>, transpose_lhs_hint = false} : vector<16x2000xbf16>, vector<32x2000xbf16>, vector<16x32xf32> -> vector<16x32xf32>
    %add3A_76 = arith.addf %add3A_48, %dot_general3A_75 : vector<16x32xf32>
    %get3A_77 = arith.constant 3 : index
    %get3A_78 = arith.constant 0 : index
    %get3A_79 = arith.constant 0 : index
    %get3A_80 = vector.load %arg0[%get3A_77, %get3A_78, %get3A_79] : memref<50x1x2000xi32, #tpu.memory_space<vmem>>, vector<1x1x2000xi32>
    %get3A_81 = vector.shape_cast %get3A_80 : vector<1x1x2000xi32> to vector<2000xi32>
    %shift_right_arithmetic3A_82 = arith.constant 5 : i32
    %shift_right_arithmetic3A_83 = vector.broadcast %shift_right_arithmetic3A_82 : i32 to vector<2000xi32>
    %shift_right_arithmetic3A_84 = arith.shrsi %get3A_81, %shift_right_arithmetic3A_83 : vector<2000xi32>
    %broadcast_in_dim3A_85 = vector.shape_cast %shift_right_arithmetic3A_84 : vector<2000xi32> to vector<1x2000xi32>
    %and3A_86 = arith.constant 31 : i32
    %and3A_87 = vector.broadcast %and3A_86 : i32 to vector<2000xi32>
    %and3A_88 = arith.andi %get3A_81, %and3A_87 : vector<2000xi32>
    %broadcast_in_dim3A_89 = vector.shape_cast %and3A_88 : vector<2000xi32> to vector<1x2000xi32>
    %iota3A_90 = tpu.iota {dimensions = array<i32: 0>} : vector<16x2000xi32>
    %eq3A_91 = vector.broadcast %broadcast_in_dim3A_85 : vector<1x2000xi32> to vector<16x2000xi32>
    %eq3A_92 = arith.cmpi eq, %iota3A_90, %eq3A_91 : vector<16x2000xi32>
    %convert_element_type3A_93 = arith.extui %eq3A_92 : vector<16x2000xi1> to vector<16x2000xi32>
    %convert_element_type3A_94 = arith.sitofp %convert_element_type3A_93 : vector<16x2000xi32> to vector<16x2000xf32>
    %convert_element_type3A_95 = arith.truncf %convert_element_type3A_94 : vector<16x2000xf32> to vector<16x2000xbf16>
    %iota3A_96 = tpu.iota {dimensions = array<i32: 0>} : vector<32x2000xi32>
    %eq3A_97 = vector.broadcast %broadcast_in_dim3A_89 : vector<1x2000xi32> to vector<32x2000xi32>
    %eq3A_98 = arith.cmpi eq, %iota3A_96, %eq3A_97 : vector<32x2000xi32>
    %convert_element_type3A_99 = arith.extui %eq3A_98 : vector<32x2000xi1> to vector<32x2000xi32>
    %convert_element_type3A_100 = arith.sitofp %convert_element_type3A_99 : vector<32x2000xi32> to vector<32x2000xf32>
    %convert_element_type3A_101 = arith.truncf %convert_element_type3A_100 : vector<32x2000xf32> to vector<32x2000xbf16>
    %dot_general3A_102 = arith.constant dense<0.000000e+00> : vector<16x32xf32>
    %dot_general3A_103 = tpu.matmul %convert_element_type3A_95, %convert_element_type3A_101, %dot_general3A_102 {dimension_numbers = #tpu.dot_dimension_numbers<[1], [1], [0], [0], [0, 0, 1, 0], [], []>, transpose_lhs_hint = false} : vector<16x2000xbf16>, vector<32x2000xbf16>, vector<16x32xf32> -> vector<16x32xf32>
    %add3A_104 = arith.addf %add3A_76, %dot_general3A_103 : vector<16x32xf32>
    %get3A_105 = arith.constant 4 : index
    %get3A_106 = arith.constant 0 : index
    %get3A_107 = arith.constant 0 : index
    %get3A_108 = vector.load %arg0[%get3A_105, %get3A_106, %get3A_107] : memref<50x1x2000xi32, #tpu.memory_space<vmem>>, vector<1x1x2000xi32>
    %get3A_109 = vector.shape_cast %get3A_108 : vector<1x1x2000xi32> to vector<2000xi32>
    %shift_right_arithmetic3A_110 = arith.constant 5 : i32
    %shift_right_arithmetic3A_111 = vector.broadcast %shift_right_arithmetic3A_110 : i32 to vector<2000xi32>
    %shift_right_arithmetic3A_112 = arith.shrsi %get3A_109, %shift_right_arithmetic3A_111 : vector<2000xi32>
    %broadcast_in_dim3A_113 = vector.shape_cast %shift_right_arithmetic3A_112 : vector<2000xi32> to vector<1x2000xi32>
    %and3A_114 = arith.constant 31 : i32
    %and3A_115 = vector.broadcast %and3A_114 : i32 to vector<2000xi32>
    %and3A_116 = arith.andi %get3A_109, %and3A_115 : vector<2000xi32>
    %broadcast_in_dim3A_117 = vector.shape_cast %and3A_116 : vector<2000xi32> to vector<1x2000xi32>
    %iota3A_118 = tpu.iota {dimensions = array<i32: 0>} : vector<16x2000xi32>
    %eq3A_119 = vector.broadcast %broadcast_in_dim3A_113 : vector<1x2000xi32> to vector<16x2000xi32>
    %eq3A_120 = arith.cmpi eq, %iota3A_118, %eq3A_119 : vector<16x2000xi32>
    %convert_element_type3A_121 = arith.extui %eq3A_120 : vector<16x2000xi1> to vector<16x2000xi32>
    %convert_element_type3A_122 = arith.sitofp %convert_element_type3A_121 : vector<16x2000xi32> to vector<16x2000xf32>
    %convert_element_type3A_123 = arith.truncf %convert_element_type3A_122 : vector<16x2000xf32> to vector<16x2000xbf16>
    %iota3A_124 = tpu.iota {dimensions = array<i32: 0>} : vector<32x2000xi32>
    %eq3A_125 = vector.broadcast %broadcast_in_dim3A_117 : vector<1x2000xi32> to vector<32x2000xi32>
    %eq3A_126 = arith.cmpi eq, %iota3A_124, %eq3A_125 : vector<32x2000xi32>
    %convert_element_type3A_127 = arith.extui %eq3A_126 : vector<32x2000xi1> to vector<32x2000xi32>
    %convert_element_type3A_128 = arith.sitofp %convert_element_type3A_127 : vector<32x2000xi32> to vector<32x2000xf32>
    %convert_element_type3A_129 = arith.truncf %convert_element_type3A_128 : vector<32x2000xf32> to vector<32x2000xbf16>
    %dot_general3A_130 = arith.constant dense<0.000000e+00> : vector<16x32xf32>
    %dot_general3A_131 = tpu.matmul %convert_element_type3A_123, %convert_element_type3A_129, %dot_general3A_130 {dimension_numbers = #tpu.dot_dimension_numbers<[1], [1], [0], [0], [0, 0, 1, 0], [], []>, transpose_lhs_hint = false} : vector<16x2000xbf16>, vector<32x2000xbf16>, vector<16x32xf32> -> vector<16x32xf32>
    %add3A_132 = arith.addf %add3A_104, %dot_general3A_131 : vector<16x32xf32>
    %get3A_133 = arith.constant 5 : index
    %get3A_134 = arith.constant 0 : index
    %get3A_135 = arith.constant 0 : index
    %get3A_136 = vector.load %arg0[%get3A_133, %get3A_134, %get3A_135] : memref<50x1x2000xi32, #tpu.memory_space<vmem>>, vector<1x1x2000xi32>
    %get3A_137 = vector.shape_cast %get3A_136 : vector<1x1x2000xi32> to vector<2000xi32>
    %shift_right_arithmetic3A_138 = arith.constant 5 : i32
    %shift_right_arithmetic3A_139 = vector.broadcast %shift_right_arithmetic3A_138 : i32 to vector<2000xi32>
    %shift_right_arithmetic3A_140 = arith.shrsi %get3A_137, %shift_right_arithmetic3A_139 : vector<2000xi32>
    %broadcast_in_dim3A_141 = vector.shape_cast %shift_right_arithmetic3A_140 : vector<2000xi32> to vector<1x2000xi32>
    %and3A_142 = arith.constant 31 : i32
    %and3A_143 = vector.broadcast %and3A_142 : i32 to vector<2000xi32>
    %and3A_144 = arith.andi %get3A_137, %and3A_143 : vector<2000xi32>
    %broadcast_in_dim3A_145 = vector.shape_cast %and3A_144 : vector<2000xi32> to vector<1x2000xi32>
    %iota3A_146 = tpu.iota {dimensions = array<i32: 0>} : vector<16x2000xi32>
    %eq3A_147 = vector.broadcast %broadcast_in_dim3A_141 : vector<1x2000xi32> to vector<16x2000xi32>
    %eq3A_148 = arith.cmpi eq, %iota3A_146, %eq3A_147 : vector<16x2000xi32>
    %convert_element_type3A_149 = arith.extui %eq3A_148 : vector<16x2000xi1> to vector<16x2000xi32>
    %convert_element_type3A_150 = arith.sitofp %convert_element_type3A_149 : vector<16x2000xi32> to vector<16x2000xf32>
    %convert_element_type3A_151 = arith.truncf %convert_element_type3A_150 : vector<16x2000xf32> to vector<16x2000xbf16>
    %iota3A_152 = tpu.iota {dimensions = array<i32: 0>} : vector<32x2000xi32>
    %eq3A_153 = vector.broadcast %broadcast_in_dim3A_145 : vector<1x2000xi32> to vector<32x2000xi32>
    %eq3A_154 = arith.cmpi eq, %iota3A_152, %eq3A_153 : vector<32x2000xi32>
    %convert_element_type3A_155 = arith.extui %eq3A_154 : vector<32x2000xi1> to vector<32x2000xi32>
    %convert_element_type3A_156 = arith.sitofp %convert_element_type3A_155 : vector<32x2000xi32> to vector<32x2000xf32>
    %convert_element_type3A_157 = arith.truncf %convert_element_type3A_156 : vector<32x2000xf32> to vector<32x2000xbf16>
    %dot_general3A_158 = arith.constant dense<0.000000e+00> : vector<16x32xf32>
    %dot_general3A_159 = tpu.matmul %convert_element_type3A_151, %convert_element_type3A_157, %dot_general3A_158 {dimension_numbers = #tpu.dot_dimension_numbers<[1], [1], [0], [0], [0, 0, 1, 0], [], []>, transpose_lhs_hint = false} : vector<16x2000xbf16>, vector<32x2000xbf16>, vector<16x32xf32> -> vector<16x32xf32>
    %add3A_160 = arith.addf %add3A_132, %dot_general3A_159 : vector<16x32xf32>
    %get3A_161 = arith.constant 6 : index
    %get3A_162 = arith.constant 0 : index
    %get3A_163 = arith.constant 0 : index
    %get3A_164 = vector.load %arg0[%get3A_161, %get3A_162, %get3A_163] : memref<50x1x2000xi32, #tpu.memory_space<vmem>>, vector<1x1x2000xi32>
    %get3A_165 = vector.shape_cast %get3A_164 : vector<1x1x2000xi32> to vector<2000xi32>
    %shift_right_arithmetic3A_166 = arith.constant 5 : i32
    %shift_right_arithmetic3A_167 = vector.broadcast %shift_right_arithmetic3A_166 : i32 to vector<2000xi32>
    %shift_right_arithmetic3A_168 = arith.shrsi %get3A_165, %shift_right_arithmetic3A_167 : vector<2000xi32>
    %broadcast_in_dim3A_169 = vector.shape_cast %shift_right_arithmetic3A_168 : vector<2000xi32> to vector<1x2000xi32>
    %and3A_170 = arith.constant 31 : i32
    %and3A_171 = vector.broadcast %and3A_170 : i32 to vector<2000xi32>
    %and3A_172 = arith.andi %get3A_165, %and3A_171 : vector<2000xi32>
    %broadcast_in_dim3A_173 = vector.shape_cast %and3A_172 : vector<2000xi32> to vector<1x2000xi32>
    %iota3A_174 = tpu.iota {dimensions = array<i32: 0>} : vector<16x2000xi32>
    %eq3A_175 = vector.broadcast %broadcast_in_dim3A_169 : vector<1x2000xi32> to vector<16x2000xi32>
    %eq3A_176 = arith.cmpi eq, %iota3A_174, %eq3A_175 : vector<16x2000xi32>
    %convert_element_type3A_177 = arith.extui %eq3A_176 : vector<16x2000xi1> to vector<16x2000xi32>
    %convert_element_type3A_178 = arith.sitofp %convert_element_type3A_177 : vector<16x2000xi32> to vector<16x2000xf32>
    %convert_element_type3A_179 = arith.truncf %convert_element_type3A_178 : vector<16x2000xf32> to vector<16x2000xbf16>
    %iota3A_180 = tpu.iota {dimensions = array<i32: 0>} : vector<32x2000xi32>
    %eq3A_181 = vector.broadcast %broadcast_in_dim3A_173 : vector<1x2000xi32> to vector<32x2000xi32>
    %eq3A_182 = arith.cmpi eq, %iota3A_180, %eq3A_181 : vector<32x2000xi32>
    %convert_element_type3A_183 = arith.extui %eq3A_182 : vector<32x2000xi1> to vector<32x2000xi32>
    %convert_element_type3A_184 = arith.sitofp %convert_element_type3A_183 : vector<32x2000xi32> to vector<32x2000xf32>
    %convert_element_type3A_185 = arith.truncf %convert_element_type3A_184 : vector<32x2000xf32> to vector<32x2000xbf16>
    %dot_general3A_186 = arith.constant dense<0.000000e+00> : vector<16x32xf32>
    %dot_general3A_187 = tpu.matmul %convert_element_type3A_179, %convert_element_type3A_185, %dot_general3A_186 {dimension_numbers = #tpu.dot_dimension_numbers<[1], [1], [0], [0], [0, 0, 1, 0], [], []>, transpose_lhs_hint = false} : vector<16x2000xbf16>, vector<32x2000xbf16>, vector<16x32xf32> -> vector<16x32xf32>
    %add3A_188 = arith.addf %add3A_160, %dot_general3A_187 : vector<16x32xf32>
    %get3A_189 = arith.constant 7 : index
    %get3A_190 = arith.constant 0 : index
    %get3A_191 = arith.constant 0 : index
    %get3A_192 = vector.load %arg0[%get3A_189, %get3A_190, %get3A_191] : memref<50x1x2000xi32, #tpu.memory_space<vmem>>, vector<1x1x2000xi32>
    %get3A_193 = vector.shape_cast %get3A_192 : vector<1x1x2000xi32> to vector<2000xi32>
    %shift_right_arithmetic3A_194 = arith.constant 5 : i32
    %shift_right_arithmetic3A_195 = vector.broadcast %shift_right_arithmetic3A_194 : i32 to vector<2000xi32>
    %shift_right_arithmetic3A_196 = arith.shrsi %get3A_193, %shift_right_arithmetic3A_195 : vector<2000xi32>
    %broadcast_in_dim3A_197 = vector.shape_cast %shift_right_arithmetic3A_196 : vector<2000xi32> to vector<1x2000xi32>
    %and3A_198 = arith.constant 31 : i32
    %and3A_199 = vector.broadcast %and3A_198 : i32 to vector<2000xi32>
    %and3A_200 = arith.andi %get3A_193, %and3A_199 : vector<2000xi32>
    %broadcast_in_dim3A_201 = vector.shape_cast %and3A_200 : vector<2000xi32> to vector<1x2000xi32>
    %iota3A_202 = tpu.iota {dimensions = array<i32: 0>} : vector<16x2000xi32>
    %eq3A_203 = vector.broadcast %broadcast_in_dim3A_197 : vector<1x2000xi32> to vector<16x2000xi32>
    %eq3A_204 = arith.cmpi eq, %iota3A_202, %eq3A_203 : vector<16x2000xi32>
    %convert_element_type3A_205 = arith.extui %eq3A_204 : vector<16x2000xi1> to vector<16x2000xi32>
    %convert_element_type3A_206 = arith.sitofp %convert_element_type3A_205 : vector<16x2000xi32> to vector<16x2000xf32>
    %convert_element_type3A_207 = arith.truncf %convert_element_type3A_206 : vector<16x2000xf32> to vector<16x2000xbf16>
    %iota3A_208 = tpu.iota {dimensions = array<i32: 0>} : vector<32x2000xi32>
    %eq3A_209 = vector.broadcast %broadcast_in_dim3A_201 : vector<1x2000xi32> to vector<32x2000xi32>
    %eq3A_210 = arith.cmpi eq, %iota3A_208, %eq3A_209 : vector<32x2000xi32>
    %convert_element_type3A_211 = arith.extui %eq3A_210 : vector<32x2000xi1> to vector<32x2000xi32>
    %convert_element_type3A_212 = arith.sitofp %convert_element_type3A_211 : vector<32x2000xi32> to vector<32x2000xf32>
    %convert_element_type3A_213 = arith.truncf %convert_element_type3A_212 : vector<32x2000xf32> to vector<32x2000xbf16>
    %dot_general3A_214 = arith.constant dense<0.000000e+00> : vector<16x32xf32>
    %dot_general3A_215 = tpu.matmul %convert_element_type3A_207, %convert_element_type3A_213, %dot_general3A_214 {dimension_numbers = #tpu.dot_dimension_numbers<[1], [1], [0], [0], [0, 0, 1, 0], [], []>, transpose_lhs_hint = false} : vector<16x2000xbf16>, vector<32x2000xbf16>, vector<16x32xf32> -> vector<16x32xf32>
    %add3A_216 = arith.addf %add3A_188, %dot_general3A_215 : vector<16x32xf32>
    %get3A_217 = arith.constant 8 : index
    %get3A_218 = arith.constant 0 : index
    %get3A_219 = arith.constant 0 : index
    %get3A_220 = vector.load %arg0[%get3A_217, %get3A_218, %get3A_219] : memref<50x1x2000xi32, #tpu.memory_space<vmem>>, vector<1x1x2000xi32>
    %get3A_221 = vector.shape_cast %get3A_220 : vector<1x1x2000xi32> to vector<2000xi32>
    %shift_right_arithmetic3A_222 = arith.constant 5 : i32
    %shift_right_arithmetic3A_223 = vector.broadcast %shift_right_arithmetic3A_222 : i32 to vector<2000xi32>
    %shift_right_arithmetic3A_224 = arith.shrsi %get3A_221, %shift_right_arithmetic3A_223 : vector<2000xi32>
    %broadcast_in_dim3A_225 = vector.shape_cast %shift_right_arithmetic3A_224 : vector<2000xi32> to vector<1x2000xi32>
    %and3A_226 = arith.constant 31 : i32
    %and3A_227 = vector.broadcast %and3A_226 : i32 to vector<2000xi32>
    %and3A_228 = arith.andi %get3A_221, %and3A_227 : vector<2000xi32>
    %broadcast_in_dim3A_229 = vector.shape_cast %and3A_228 : vector<2000xi32> to vector<1x2000xi32>
    %iota3A_230 = tpu.iota {dimensions = array<i32: 0>} : vector<16x2000xi32>
    %eq3A_231 = vector.broadcast %broadcast_in_dim3A_225 : vector<1x2000xi32> to vector<16x2000xi32>
    %eq3A_232 = arith.cmpi eq, %iota3A_230, %eq3A_231 : vector<16x2000xi32>
    %convert_element_type3A_233 = arith.extui %eq3A_232 : vector<16x2000xi1> to vector<16x2000xi32>
    %convert_element_type3A_234 = arith.sitofp %convert_element_type3A_233 : vector<16x2000xi32> to vector<16x2000xf32>
    %convert_element_type3A_235 = arith.truncf %convert_element_type3A_234 : vector<16x2000xf32> to vector<16x2000xbf16>
    %iota3A_236 = tpu.iota {dimensions = array<i32: 0>} : vector<32x2000xi32>
    %eq3A_237 = vector.broadcast %broadcast_in_dim3A_229 : vector<1x2000xi32> to vector<32x2000xi32>
    %eq3A_238 = arith.cmpi eq, %iota3A_236, %eq3A_237 : vector<32x2000xi32>
    %convert_element_type3A_239 = arith.extui %eq3A_238 : vector<32x2000xi1> to vector<32x2000xi32>
    %convert_element_type3A_240 = arith.sitofp %convert_element_type3A_239 : vector<32x2000xi32> to vector<32x2000xf32>
    %convert_element_type3A_241 = arith.truncf %convert_element_type3A_240 : vector<32x2000xf32> to vector<32x2000xbf16>
    %dot_general3A_242 = arith.constant dense<0.000000e+00> : vector<16x32xf32>
    %dot_general3A_243 = tpu.matmul %convert_element_type3A_235, %convert_element_type3A_241, %dot_general3A_242 {dimension_numbers = #tpu.dot_dimension_numbers<[1], [1], [0], [0], [0, 0, 1, 0], [], []>, transpose_lhs_hint = false} : vector<16x2000xbf16>, vector<32x2000xbf16>, vector<16x32xf32> -> vector<16x32xf32>
    %add3A_244 = arith.addf %add3A_216, %dot_general3A_243 : vector<16x32xf32>
    %get3A_245 = arith.constant 9 : index
    %get3A_246 = arith.constant 0 : index
    %get3A_247 = arith.constant 0 : index
    %get3A_248 = vector.load %arg0[%get3A_245, %get3A_246, %get3A_247] : memref<50x1x2000xi32, #tpu.memory_space<vmem>>, vector<1x1x2000xi32>
    %get3A_249 = vector.shape_cast %get3A_248 : vector<1x1x2000xi32> to vector<2000xi32>
    %shift_right_arithmetic3A_250 = arith.constant 5 : i32
    %shift_right_arithmetic3A_251 = vector.broadcast %shift_right_arithmetic3A_250 : i32 to vector<2000xi32>
    %shift_right_arithmetic3A_252 = arith.shrsi %get3A_249, %shift_right_arithmetic3A_251 : vector<2000xi32>
    %broadcast_in_dim3A_253 = vector.shape_cast %shift_right_arithmetic3A_252 : vector<2000xi32> to vector<1x2000xi32>
    %and3A_254 = arith.constant 31 : i32
    %and3A_255 = vector.broadcast %and3A_254 : i32 to vector<2000xi32>
    %and3A_256 = arith.andi %get3A_249, %and3A_255 : vector<2000xi32>
    %broadcast_in_dim3A_257 = vector.shape_cast %and3A_256 : vector<2000xi32> to vector<1x2000xi32>
    %iota3A_258 = tpu.iota {dimensions = array<i32: 0>} : vector<16x2000xi32>
    %eq3A_259 = vector.broadcast %broadcast_in_dim3A_253 : vector<1x2000xi32> to vector<16x2000xi32>
    %eq3A_260 = arith.cmpi eq, %iota3A_258, %eq3A_259 : vector<16x2000xi32>
    %convert_element_type3A_261 = arith.extui %eq3A_260 : vector<16x2000xi1> to vector<16x2000xi32>
    %convert_element_type3A_262 = arith.sitofp %convert_element_type3A_261 : vector<16x2000xi32> to vector<16x2000xf32>
    %convert_element_type3A_263 = arith.truncf %convert_element_type3A_262 : vector<16x2000xf32> to vector<16x2000xbf16>
    %iota3A_264 = tpu.iota {dimensions = array<i32: 0>} : vector<32x2000xi32>
    %eq3A_265 = vector.broadcast %broadcast_in_dim3A_257 : vector<1x2000xi32> to vector<32x2000xi32>
    %eq3A_266 = arith.cmpi eq, %iota3A_264, %eq3A_265 : vector<32x2000xi32>
    %convert_element_type3A_267 = arith.extui %eq3A_266 : vector<32x2000xi1> to vector<32x2000xi32>
    %convert_element_type3A_268 = arith.sitofp %convert_element_type3A_267 : vector<32x2000xi32> to vector<32x2000xf32>
    %convert_element_type3A_269 = arith.truncf %convert_element_type3A_268 : vector<32x2000xf32> to vector<32x2000xbf16>
    %dot_general3A_270 = arith.constant dense<0.000000e+00> : vector<16x32xf32>
    %dot_general3A_271 = tpu.matmul %convert_element_type3A_263, %convert_element_type3A_269, %dot_general3A_270 {dimension_numbers = #tpu.dot_dimension_numbers<[1], [1], [0], [0], [0, 0, 1, 0], [], []>, transpose_lhs_hint = false} : vector<16x2000xbf16>, vector<32x2000xbf16>, vector<16x32xf32> -> vector<16x32xf32>
    %add3A_272 = arith.addf %add3A_244, %dot_general3A_271 : vector<16x32xf32>
    %get3A_273 = arith.constant 10 : index
    %get3A_274 = arith.constant 0 : index
    %get3A_275 = arith.constant 0 : index
    %get3A_276 = vector.load %arg0[%get3A_273, %get3A_274, %get3A_275] : memref<50x1x2000xi32, #tpu.memory_space<vmem>>, vector<1x1x2000xi32>
    %get3A_277 = vector.shape_cast %get3A_276 : vector<1x1x2000xi32> to vector<2000xi32>
    %shift_right_arithmetic3A_278 = arith.constant 5 : i32
    %shift_right_arithmetic3A_279 = vector.broadcast %shift_right_arithmetic3A_278 : i32 to vector<2000xi32>
    %shift_right_arithmetic3A_280 = arith.shrsi %get3A_277, %shift_right_arithmetic3A_279 : vector<2000xi32>
    %broadcast_in_dim3A_281 = vector.shape_cast %shift_right_arithmetic3A_280 : vector<2000xi32> to vector<1x2000xi32>
    %and3A_282 = arith.constant 31 : i32
    %and3A_283 = vector.broadcast %and3A_282 : i32 to vector<2000xi32>
    %and3A_284 = arith.andi %get3A_277, %and3A_283 : vector<2000xi32>
    %broadcast_in_dim3A_285 = vector.shape_cast %and3A_284 : vector<2000xi32> to vector<1x2000xi32>
    %iota3A_286 = tpu.iota {dimensions = array<i32: 0>} : vector<16x2000xi32>
    %eq3A_287 = vector.broadcast %broadcast_in_dim3A_281 : vector<1x2000xi32> to vector<16x2000xi32>
    %eq3A_288 = arith.cmpi eq, %iota3A_286, %eq3A_287 : vector<16x2000xi32>
    %convert_element_type3A_289 = arith.extui %eq3A_288 : vector<16x2000xi1> to vector<16x2000xi32>
    %convert_element_type3A_290 = arith.sitofp %convert_element_type3A_289 : vector<16x2000xi32> to vector<16x2000xf32>
    %convert_element_type3A_291 = arith.truncf %convert_element_type3A_290 : vector<16x2000xf32> to vector<16x2000xbf16>
    %iota3A_292 = tpu.iota {dimensions = array<i32: 0>} : vector<32x2000xi32>
    %eq3A_293 = vector.broadcast %broadcast_in_dim3A_285 : vector<1x2000xi32> to vector<32x2000xi32>
    %eq3A_294 = arith.cmpi eq, %iota3A_292, %eq3A_293 : vector<32x2000xi32>
    %convert_element_type3A_295 = arith.extui %eq3A_294 : vector<32x2000xi1> to vector<32x2000xi32>
    %convert_element_type3A_296 = arith.sitofp %convert_element_type3A_295 : vector<32x2000xi32> to vector<32x2000xf32>
    %convert_element_type3A_297 = arith.truncf %convert_element_type3A_296 : vector<32x2000xf32> to vector<32x2000xbf16>
    %dot_general3A_298 = arith.constant dense<0.000000e+00> : vector<16x32xf32>
    %dot_general3A_299 = tpu.matmul %convert_element_type3A_291, %convert_element_type3A_297, %dot_general3A_298 {dimension_numbers = #tpu.dot_dimension_numbers<[1], [1], [0], [0], [0, 0, 1, 0], [], []>, transpose_lhs_hint = false} : vector<16x2000xbf16>, vector<32x2000xbf16>, vector<16x32xf32> -> vector<16x32xf32>
    %add3A_300 = arith.addf %add3A_272, %dot_general3A_299 : vector<16x32xf32>
    %get3A_301 = arith.constant 11 : index
    %get3A_302 = arith.constant 0 : index
    %get3A_303 = arith.constant 0 : index
    %get3A_304 = vector.load %arg0[%get3A_301, %get3A_302, %get3A_303] : memref<50x1x2000xi32, #tpu.memory_space<vmem>>, vector<1x1x2000xi32>
    %get3A_305 = vector.shape_cast %get3A_304 : vector<1x1x2000xi32> to vector<2000xi32>
    %shift_right_arithmetic3A_306 = arith.constant 5 : i32
    %shift_right_arithmetic3A_307 = vector.broadcast %shift_right_arithmetic3A_306 : i32 to vector<2000xi32>
    %shift_right_arithmetic3A_308 = arith.shrsi %get3A_305, %shift_right_arithmetic3A_307 : vector<2000xi32>
    %broadcast_in_dim3A_309 = vector.shape_cast %shift_right_arithmetic3A_308 : vector<2000xi32> to vector<1x2000xi32>
    %and3A_310 = arith.constant 31 : i32
    %and3A_311 = vector.broadcast %and3A_310 : i32 to vector<2000xi32>
    %and3A_312 = arith.andi %get3A_305, %and3A_311 : vector<2000xi32>
    %broadcast_in_dim3A_313 = vector.shape_cast %and3A_312 : vector<2000xi32> to vector<1x2000xi32>
    %iota3A_314 = tpu.iota {dimensions = array<i32: 0>} : vector<16x2000xi32>
    %eq3A_315 = vector.broadcast %broadcast_in_dim3A_309 : vector<1x2000xi32> to vector<16x2000xi32>
    %eq3A_316 = arith.cmpi eq, %iota3A_314, %eq3A_315 : vector<16x2000xi32>
    %convert_element_type3A_317 = arith.extui %eq3A_316 : vector<16x2000xi1> to vector<16x2000xi32>
    %convert_element_type3A_318 = arith.sitofp %convert_element_type3A_317 : vector<16x2000xi32> to vector<16x2000xf32>
    %convert_element_type3A_319 = arith.truncf %convert_element_type3A_318 : vector<16x2000xf32> to vector<16x2000xbf16>
    %iota3A_320 = tpu.iota {dimensions = array<i32: 0>} : vector<32x2000xi32>
    %eq3A_321 = vector.broadcast %broadcast_in_dim3A_313 : vector<1x2000xi32> to vector<32x2000xi32>
    %eq3A_322 = arith.cmpi eq, %iota3A_320, %eq3A_321 : vector<32x2000xi32>
    %convert_element_type3A_323 = arith.extui %eq3A_322 : vector<32x2000xi1> to vector<32x2000xi32>
    %convert_element_type3A_324 = arith.sitofp %convert_element_type3A_323 : vector<32x2000xi32> to vector<32x2000xf32>
    %convert_element_type3A_325 = arith.truncf %convert_element_type3A_324 : vector<32x2000xf32> to vector<32x2000xbf16>
    %dot_general3A_326 = arith.constant dense<0.000000e+00> : vector<16x32xf32>
    %dot_general3A_327 = tpu.matmul %convert_element_type3A_319, %convert_element_type3A_325, %dot_general3A_326 {dimension_numbers = #tpu.dot_dimension_numbers<[1], [1], [0], [0], [0, 0, 1, 0], [], []>, transpose_lhs_hint = false} : vector<16x2000xbf16>, vector<32x2000xbf16>, vector<16x32xf32> -> vector<16x32xf32>
    %add3A_328 = arith.addf %add3A_300, %dot_general3A_327 : vector<16x32xf32>
    %get3A_329 = arith.constant 12 : index
    %get3A_330 = arith.constant 0 : index
    %get3A_331 = arith.constant 0 : index
    %get3A_332 = vector.load %arg0[%get3A_329, %get3A_330, %get3A_331] : memref<50x1x2000xi32, #tpu.memory_space<vmem>>, vector<1x1x2000xi32>
    %get3A_333 = vector.shape_cast %get3A_332 : vector<1x1x2000xi32> to vector<2000xi32>
    %shift_right_arithmetic3A_334 = arith.constant 5 : i32
    %shift_right_arithmetic3A_335 = vector.broadcast %shift_right_arithmetic3A_334 : i32 to vector<2000xi32>
    %shift_right_arithmetic3A_336 = arith.shrsi %get3A_333, %shift_right_arithmetic3A_335 : vector<2000xi32>
    %broadcast_in_dim3A_337 = vector.shape_cast %shift_right_arithmetic3A_336 : vector<2000xi32> to vector<1x2000xi32>
    %and3A_338 = arith.constant 31 : i32
    %and3A_339 = vector.broadcast %and3A_338 : i32 to vector<2000xi32>
    %and3A_340 = arith.andi %get3A_333, %and3A_339 : vector<2000xi32>
    %broadcast_in_dim3A_341 = vector.shape_cast %and3A_340 : vector<2000xi32> to vector<1x2000xi32>
    %iota3A_342 = tpu.iota {dimensions = array<i32: 0>} : vector<16x2000xi32>
    %eq3A_343 = vector.broadcast %broadcast_in_dim3A_337 : vector<1x2000xi32> to vector<16x2000xi32>
    %eq3A_344 = arith.cmpi eq, %iota3A_342, %eq3A_343 : vector<16x2000xi32>
    %convert_element_type3A_345 = arith.extui %eq3A_344 : vector<16x2000xi1> to vector<16x2000xi32>
    %convert_element_type3A_346 = arith.sitofp %convert_element_type3A_345 : vector<16x2000xi32> to vector<16x2000xf32>
    %convert_element_type3A_347 = arith.truncf %convert_element_type3A_346 : vector<16x2000xf32> to vector<16x2000xbf16>
    %iota3A_348 = tpu.iota {dimensions = array<i32: 0>} : vector<32x2000xi32>
    %eq3A_349 = vector.broadcast %broadcast_in_dim3A_341 : vector<1x2000xi32> to vector<32x2000xi32>
    %eq3A_350 = arith.cmpi eq, %iota3A_348, %eq3A_349 : vector<32x2000xi32>
    %convert_element_type3A_351 = arith.extui %eq3A_350 : vector<32x2000xi1> to vector<32x2000xi32>
    %convert_element_type3A_352 = arith.sitofp %convert_element_type3A_351 : vector<32x2000xi32> to vector<32x2000xf32>
    %convert_element_type3A_353 = arith.truncf %convert_element_type3A_352 : vector<32x2000xf32> to vector<32x2000xbf16>
    %dot_general3A_354 = arith.constant dense<0.000000e+00> : vector<16x32xf32>
    %dot_general3A_355 = tpu.matmul %convert_element_type3A_347, %convert_element_type3A_353, %dot_general3A_354 {dimension_numbers = #tpu.dot_dimension_numbers<[1], [1], [0], [0], [0, 0, 1, 0], [], []>, transpose_lhs_hint = false} : vector<16x2000xbf16>, vector<32x2000xbf16>, vector<16x32xf32> -> vector<16x32xf32>
    %add3A_356 = arith.addf %add3A_328, %dot_general3A_355 : vector<16x32xf32>
    %get3A_357 = arith.constant 13 : index
    %get3A_358 = arith.constant 0 : index
    %get3A_359 = arith.constant 0 : index
    %get3A_360 = vector.load %arg0[%get3A_357, %get3A_358, %get3A_359] : memref<50x1x2000xi32, #tpu.memory_space<vmem>>, vector<1x1x2000xi32>
    %get3A_361 = vector.shape_cast %get3A_360 : vector<1x1x2000xi32> to vector<2000xi32>
    %shift_right_arithmetic3A_362 = arith.constant 5 : i32
    %shift_right_arithmetic3A_363 = vector.broadcast %shift_right_arithmetic3A_362 : i32 to vector<2000xi32>
    %shift_right_arithmetic3A_364 = arith.shrsi %get3A_361, %shift_right_arithmetic3A_363 : vector<2000xi32>
    %broadcast_in_dim3A_365 = vector.shape_cast %shift_right_arithmetic3A_364 : vector<2000xi32> to vector<1x2000xi32>
    %and3A_366 = arith.constant 31 : i32
    %and3A_367 = vector.broadcast %and3A_366 : i32 to vector<2000xi32>
    %and3A_368 = arith.andi %get3A_361, %and3A_367 : vector<2000xi32>
    %broadcast_in_dim3A_369 = vector.shape_cast %and3A_368 : vector<2000xi32> to vector<1x2000xi32>
    %iota3A_370 = tpu.iota {dimensions = array<i32: 0>} : vector<16x2000xi32>
    %eq3A_371 = vector.broadcast %broadcast_in_dim3A_365 : vector<1x2000xi32> to vector<16x2000xi32>
    %eq3A_372 = arith.cmpi eq, %iota3A_370, %eq3A_371 : vector<16x2000xi32>
    %convert_element_type3A_373 = arith.extui %eq3A_372 : vector<16x2000xi1> to vector<16x2000xi32>
    %convert_element_type3A_374 = arith.sitofp %convert_element_type3A_373 : vector<16x2000xi32> to vector<16x2000xf32>
    %convert_element_type3A_375 = arith.truncf %convert_element_type3A_374 : vector<16x2000xf32> to vector<16x2000xbf16>
    %iota3A_376 = tpu.iota {dimensions = array<i32: 0>} : vector<32x2000xi32>
    %eq3A_377 = vector.broadcast %broadcast_in_dim3A_369 : vector<1x2000xi32> to vector<32x2000xi32>
    %eq3A_378 = arith.cmpi eq, %iota3A_376, %eq3A_377 : vector<32x2000xi32>
    %convert_element_type3A_379 = arith.extui %eq3A_378 : vector<32x2000xi1> to vector<32x2000xi32>
    %convert_element_type3A_380 = arith.sitofp %convert_element_type3A_379 : vector<32x2000xi32> to vector<32x2000xf32>
    %convert_element_type3A_381 = arith.truncf %convert_element_type3A_380 : vector<32x2000xf32> to vector<32x2000xbf16>
    %dot_general3A_382 = arith.constant dense<0.000000e+00> : vector<16x32xf32>
    %dot_general3A_383 = tpu.matmul %convert_element_type3A_375, %convert_element_type3A_381, %dot_general3A_382 {dimension_numbers = #tpu.dot_dimension_numbers<[1], [1], [0], [0], [0, 0, 1, 0], [], []>, transpose_lhs_hint = false} : vector<16x2000xbf16>, vector<32x2000xbf16>, vector<16x32xf32> -> vector<16x32xf32>
    %add3A_384 = arith.addf %add3A_356, %dot_general3A_383 : vector<16x32xf32>
    %get3A_385 = arith.constant 14 : index
    %get3A_386 = arith.constant 0 : index
    %get3A_387 = arith.constant 0 : index
    %get3A_388 = vector.load %arg0[%get3A_385, %get3A_386, %get3A_387] : memref<50x1x2000xi32, #tpu.memory_space<vmem>>, vector<1x1x2000xi32>
    %get3A_389 = vector.shape_cast %get3A_388 : vector<1x1x2000xi32> to vector<2000xi32>
    %shift_right_arithmetic3A_390 = arith.constant 5 : i32
    %shift_right_arithmetic3A_391 = vector.broadcast %shift_right_arithmetic3A_390 : i32 to vector<2000xi32>
    %shift_right_arithmetic3A_392 = arith.shrsi %get3A_389, %shift_right_arithmetic3A_391 : vector<2000xi32>
    %broadcast_in_dim3A_393 = vector.shape_cast %shift_right_arithmetic3A_392 : vector<2000xi32> to vector<1x2000xi32>
    %and3A_394 = arith.constant 31 : i32
    %and3A_395 = vector.broadcast %and3A_394 : i32 to vector<2000xi32>
    %and3A_396 = arith.andi %get3A_389, %and3A_395 : vector<2000xi32>
    %broadcast_in_dim3A_397 = vector.shape_cast %and3A_396 : vector<2000xi32> to vector<1x2000xi32>
    %iota3A_398 = tpu.iota {dimensions = array<i32: 0>} : vector<16x2000xi32>
    %eq3A_399 = vector.broadcast %broadcast_in_dim3A_393 : vector<1x2000xi32> to vector<16x2000xi32>
    %eq3A_400 = arith.cmpi eq, %iota3A_398, %eq3A_399 : vector<16x2000xi32>
    %convert_element_type3A_401 = arith.extui %eq3A_400 : vector<16x2000xi1> to vector<16x2000xi32>
    %convert_element_type3A_402 = arith.sitofp %convert_element_type3A_401 : vector<16x2000xi32> to vector<16x2000xf32>
    %convert_element_type3A_403 = arith.truncf %convert_element_type3A_402 : vector<16x2000xf32> to vector<16x2000xbf16>
    %iota3A_404 = tpu.iota {dimensions = array<i32: 0>} : vector<32x2000xi32>
    %eq3A_405 = vector.broadcast %broadcast_in_dim3A_397 : vector<1x2000xi32> to vector<32x2000xi32>
    %eq3A_406 = arith.cmpi eq, %iota3A_404, %eq3A_405 : vector<32x2000xi32>
    %convert_element_type3A_407 = arith.extui %eq3A_406 : vector<32x2000xi1> to vector<32x2000xi32>
    %convert_element_type3A_408 = arith.sitofp %convert_element_type3A_407 : vector<32x2000xi32> to vector<32x2000xf32>
    %convert_element_type3A_409 = arith.truncf %convert_element_type3A_408 : vector<32x2000xf32> to vector<32x2000xbf16>
    %dot_general3A_410 = arith.constant dense<0.000000e+00> : vector<16x32xf32>
    %dot_general3A_411 = tpu.matmul %convert_element_type3A_403, %convert_element_type3A_409, %dot_general3A_410 {dimension_numbers = #tpu.dot_dimension_numbers<[1], [1], [0], [0], [0, 0, 1, 0], [], []>, transpose_lhs_hint = false} : vector<16x2000xbf16>, vector<32x2000xbf16>, vector<16x32xf32> -> vector<16x32xf32>
    %add3A_412 = arith.addf %add3A_384, %dot_general3A_411 : vector<16x32xf32>
    %get3A_413 = arith.constant 15 : index
    %get3A_414 = arith.constant 0 : index
    %get3A_415 = arith.constant 0 : index
    %get3A_416 = vector.load %arg0[%get3A_413, %get3A_414, %get3A_415] : memref<50x1x2000xi32, #tpu.memory_space<vmem>>, vector<1x1x2000xi32>
    %get3A_417 = vector.shape_cast %get3A_416 : vector<1x1x2000xi32> to vector<2000xi32>
    %shift_right_arithmetic3A_418 = arith.constant 5 : i32
    %shift_right_arithmetic3A_419 = vector.broadcast %shift_right_arithmetic3A_418 : i32 to vector<2000xi32>
    %shift_right_arithmetic3A_420 = arith.shrsi %get3A_417, %shift_right_arithmetic3A_419 : vector<2000xi32>
    %broadcast_in_dim3A_421 = vector.shape_cast %shift_right_arithmetic3A_420 : vector<2000xi32> to vector<1x2000xi32>
    %and3A_422 = arith.constant 31 : i32
    %and3A_423 = vector.broadcast %and3A_422 : i32 to vector<2000xi32>
    %and3A_424 = arith.andi %get3A_417, %and3A_423 : vector<2000xi32>
    %broadcast_in_dim3A_425 = vector.shape_cast %and3A_424 : vector<2000xi32> to vector<1x2000xi32>
    %iota3A_426 = tpu.iota {dimensions = array<i32: 0>} : vector<16x2000xi32>
    %eq3A_427 = vector.broadcast %broadcast_in_dim3A_421 : vector<1x2000xi32> to vector<16x2000xi32>
    %eq3A_428 = arith.cmpi eq, %iota3A_426, %eq3A_427 : vector<16x2000xi32>
    %convert_element_type3A_429 = arith.extui %eq3A_428 : vector<16x2000xi1> to vector<16x2000xi32>
    %convert_element_type3A_430 = arith.sitofp %convert_element_type3A_429 : vector<16x2000xi32> to vector<16x2000xf32>
    %convert_element_type3A_431 = arith.truncf %convert_element_type3A_430 : vector<16x2000xf32> to vector<16x2000xbf16>
    %iota3A_432 = tpu.iota {dimensions = array<i32: 0>} : vector<32x2000xi32>
    %eq3A_433 = vector.broadcast %broadcast_in_dim3A_425 : vector<1x2000xi32> to vector<32x2000xi32>
    %eq3A_434 = arith.cmpi eq, %iota3A_432, %eq3A_433 : vector<32x2000xi32>
    %convert_element_type3A_435 = arith.extui %eq3A_434 : vector<32x2000xi1> to vector<32x2000xi32>
    %convert_element_type3A_436 = arith.sitofp %convert_element_type3A_435 : vector<32x2000xi32> to vector<32x2000xf32>
    %convert_element_type3A_437 = arith.truncf %convert_element_type3A_436 : vector<32x2000xf32> to vector<32x2000xbf16>
    %dot_general3A_438 = arith.constant dense<0.000000e+00> : vector<16x32xf32>
    %dot_general3A_439 = tpu.matmul %convert_element_type3A_431, %convert_element_type3A_437, %dot_general3A_438 {dimension_numbers = #tpu.dot_dimension_numbers<[1], [1], [0], [0], [0, 0, 1, 0], [], []>, transpose_lhs_hint = false} : vector<16x2000xbf16>, vector<32x2000xbf16>, vector<16x32xf32> -> vector<16x32xf32>
    %add3A_440 = arith.addf %add3A_412, %dot_general3A_439 : vector<16x32xf32>
    %get3A_441 = arith.constant 16 : index
    %get3A_442 = arith.constant 0 : index
    %get3A_443 = arith.constant 0 : index
    %get3A_444 = vector.load %arg0[%get3A_441, %get3A_442, %get3A_443] : memref<50x1x2000xi32, #tpu.memory_space<vmem>>, vector<1x1x2000xi32>
    %get3A_445 = vector.shape_cast %get3A_444 : vector<1x1x2000xi32> to vector<2000xi32>
    %shift_right_arithmetic3A_446 = arith.constant 5 : i32
    %shift_right_arithmetic3A_447 = vector.broadcast %shift_right_arithmetic3A_446 : i32 to vector<2000xi32>
    %shift_right_arithmetic3A_448 = arith.shrsi %get3A_445, %shift_right_arithmetic3A_447 : vector<2000xi32>
    %broadcast_in_dim3A_449 = vector.shape_cast %shift_right_arithmetic3A_448 : vector<2000xi32> to vector<1x2000xi32>
    %and3A_450 = arith.constant 31 : i32
    %and3A_451 = vector.broadcast %and3A_450 : i32 to vector<2000xi32>
    %and3A_452 = arith.andi %get3A_445, %and3A_451 : vector<2000xi32>
    %broadcast_in_dim3A_453 = vector.shape_cast %and3A_452 : vector<2000xi32> to vector<1x2000xi32>
    %iota3A_454 = tpu.iota {dimensions = array<i32: 0>} : vector<16x2000xi32>
    %eq3A_455 = vector.broadcast %broadcast_in_dim3A_449 : vector<1x2000xi32> to vector<16x2000xi32>
    %eq3A_456 = arith.cmpi eq, %iota3A_454, %eq3A_455 : vector<16x2000xi32>
    %convert_element_type3A_457 = arith.extui %eq3A_456 : vector<16x2000xi1> to vector<16x2000xi32>
    %convert_element_type3A_458 = arith.sitofp %convert_element_type3A_457 : vector<16x2000xi32> to vector<16x2000xf32>
    %convert_element_type3A_459 = arith.truncf %convert_element_type3A_458 : vector<16x2000xf32> to vector<16x2000xbf16>
    %iota3A_460 = tpu.iota {dimensions = array<i32: 0>} : vector<32x2000xi32>
    %eq3A_461 = vector.broadcast %broadcast_in_dim3A_453 : vector<1x2000xi32> to vector<32x2000xi32>
    %eq3A_462 = arith.cmpi eq, %iota3A_460, %eq3A_461 : vector<32x2000xi32>
    %convert_element_type3A_463 = arith.extui %eq3A_462 : vector<32x2000xi1> to vector<32x2000xi32>
    %convert_element_type3A_464 = arith.sitofp %convert_element_type3A_463 : vector<32x2000xi32> to vector<32x2000xf32>
    %convert_element_type3A_465 = arith.truncf %convert_element_type3A_464 : vector<32x2000xf32> to vector<32x2000xbf16>
    %dot_general3A_466 = arith.constant dense<0.000000e+00> : vector<16x32xf32>
    %dot_general3A_467 = tpu.matmul %convert_element_type3A_459, %convert_element_type3A_465, %dot_general3A_466 {dimension_numbers = #tpu.dot_dimension_numbers<[1], [1], [0], [0], [0, 0, 1, 0], [], []>, transpose_lhs_hint = false} : vector<16x2000xbf16>, vector<32x2000xbf16>, vector<16x32xf32> -> vector<16x32xf32>
    %add3A_468 = arith.addf %add3A_440, %dot_general3A_467 : vector<16x32xf32>
    %get3A_469 = arith.constant 17 : index
    %get3A_470 = arith.constant 0 : index
    %get3A_471 = arith.constant 0 : index
    %get3A_472 = vector.load %arg0[%get3A_469, %get3A_470, %get3A_471] : memref<50x1x2000xi32, #tpu.memory_space<vmem>>, vector<1x1x2000xi32>
    %get3A_473 = vector.shape_cast %get3A_472 : vector<1x1x2000xi32> to vector<2000xi32>
    %shift_right_arithmetic3A_474 = arith.constant 5 : i32
    %shift_right_arithmetic3A_475 = vector.broadcast %shift_right_arithmetic3A_474 : i32 to vector<2000xi32>
    %shift_right_arithmetic3A_476 = arith.shrsi %get3A_473, %shift_right_arithmetic3A_475 : vector<2000xi32>
    %broadcast_in_dim3A_477 = vector.shape_cast %shift_right_arithmetic3A_476 : vector<2000xi32> to vector<1x2000xi32>
    %and3A_478 = arith.constant 31 : i32
    %and3A_479 = vector.broadcast %and3A_478 : i32 to vector<2000xi32>
    %and3A_480 = arith.andi %get3A_473, %and3A_479 : vector<2000xi32>
    %broadcast_in_dim3A_481 = vector.shape_cast %and3A_480 : vector<2000xi32> to vector<1x2000xi32>
    %iota3A_482 = tpu.iota {dimensions = array<i32: 0>} : vector<16x2000xi32>
    %eq3A_483 = vector.broadcast %broadcast_in_dim3A_477 : vector<1x2000xi32> to vector<16x2000xi32>
    %eq3A_484 = arith.cmpi eq, %iota3A_482, %eq3A_483 : vector<16x2000xi32>
    %convert_element_type3A_485 = arith.extui %eq3A_484 : vector<16x2000xi1> to vector<16x2000xi32>
    %convert_element_type3A_486 = arith.sitofp %convert_element_type3A_485 : vector<16x2000xi32> to vector<16x2000xf32>
    %convert_element_type3A_487 = arith.truncf %convert_element_type3A_486 : vector<16x2000xf32> to vector<16x2000xbf16>
    %iota3A_488 = tpu.iota {dimensions = array<i32: 0>} : vector<32x2000xi32>
    %eq3A_489 = vector.broadcast %broadcast_in_dim3A_481 : vector<1x2000xi32> to vector<32x2000xi32>
    %eq3A_490 = arith.cmpi eq, %iota3A_488, %eq3A_489 : vector<32x2000xi32>
    %convert_element_type3A_491 = arith.extui %eq3A_490 : vector<32x2000xi1> to vector<32x2000xi32>
    %convert_element_type3A_492 = arith.sitofp %convert_element_type3A_491 : vector<32x2000xi32> to vector<32x2000xf32>
    %convert_element_type3A_493 = arith.truncf %convert_element_type3A_492 : vector<32x2000xf32> to vector<32x2000xbf16>
    %dot_general3A_494 = arith.constant dense<0.000000e+00> : vector<16x32xf32>
    %dot_general3A_495 = tpu.matmul %convert_element_type3A_487, %convert_element_type3A_493, %dot_general3A_494 {dimension_numbers = #tpu.dot_dimension_numbers<[1], [1], [0], [0], [0, 0, 1, 0], [], []>, transpose_lhs_hint = false} : vector<16x2000xbf16>, vector<32x2000xbf16>, vector<16x32xf32> -> vector<16x32xf32>
    %add3A_496 = arith.addf %add3A_468, %dot_general3A_495 : vector<16x32xf32>
    %get3A_497 = arith.constant 18 : index
    %get3A_498 = arith.constant 0 : index
    %get3A_499 = arith.constant 0 : index
    %get3A_500 = vector.load %arg0[%get3A_497, %get3A_498, %get3A_499] : memref<50x1x2000xi32, #tpu.memory_space<vmem>>, vector<1x1x2000xi32>
    %get3A_501 = vector.shape_cast %get3A_500 : vector<1x1x2000xi32> to vector<2000xi32>
    %shift_right_arithmetic3A_502 = arith.constant 5 : i32
    %shift_right_arithmetic3A_503 = vector.broadcast %shift_right_arithmetic3A_502 : i32 to vector<2000xi32>
    %shift_right_arithmetic3A_504 = arith.shrsi %get3A_501, %shift_right_arithmetic3A_503 : vector<2000xi32>
    %broadcast_in_dim3A_505 = vector.shape_cast %shift_right_arithmetic3A_504 : vector<2000xi32> to vector<1x2000xi32>
    %and3A_506 = arith.constant 31 : i32
    %and3A_507 = vector.broadcast %and3A_506 : i32 to vector<2000xi32>
    %and3A_508 = arith.andi %get3A_501, %and3A_507 : vector<2000xi32>
    %broadcast_in_dim3A_509 = vector.shape_cast %and3A_508 : vector<2000xi32> to vector<1x2000xi32>
    %iota3A_510 = tpu.iota {dimensions = array<i32: 0>} : vector<16x2000xi32>
    %eq3A_511 = vector.broadcast %broadcast_in_dim3A_505 : vector<1x2000xi32> to vector<16x2000xi32>
    %eq3A_512 = arith.cmpi eq, %iota3A_510, %eq3A_511 : vector<16x2000xi32>
    %convert_element_type3A_513 = arith.extui %eq3A_512 : vector<16x2000xi1> to vector<16x2000xi32>
    %convert_element_type3A_514 = arith.sitofp %convert_element_type3A_513 : vector<16x2000xi32> to vector<16x2000xf32>
    %convert_element_type3A_515 = arith.truncf %convert_element_type3A_514 : vector<16x2000xf32> to vector<16x2000xbf16>
    %iota3A_516 = tpu.iota {dimensions = array<i32: 0>} : vector<32x2000xi32>
    %eq3A_517 = vector.broadcast %broadcast_in_dim3A_509 : vector<1x2000xi32> to vector<32x2000xi32>
    %eq3A_518 = arith.cmpi eq, %iota3A_516, %eq3A_517 : vector<32x2000xi32>
    %convert_element_type3A_519 = arith.extui %eq3A_518 : vector<32x2000xi1> to vector<32x2000xi32>
    %convert_element_type3A_520 = arith.sitofp %convert_element_type3A_519 : vector<32x2000xi32> to vector<32x2000xf32>
    %convert_element_type3A_521 = arith.truncf %convert_element_type3A_520 : vector<32x2000xf32> to vector<32x2000xbf16>
    %dot_general3A_522 = arith.constant dense<0.000000e+00> : vector<16x32xf32>
    %dot_general3A_523 = tpu.matmul %convert_element_type3A_515, %convert_element_type3A_521, %dot_general3A_522 {dimension_numbers = #tpu.dot_dimension_numbers<[1], [1], [0], [0], [0, 0, 1, 0], [], []>, transpose_lhs_hint = false} : vector<16x2000xbf16>, vector<32x2000xbf16>, vector<16x32xf32> -> vector<16x32xf32>
    %add3A_524 = arith.addf %add3A_496, %dot_general3A_523 : vector<16x32xf32>
    %get3A_525 = arith.constant 19 : index
    %get3A_526 = arith.constant 0 : index
    %get3A_527 = arith.constant 0 : index
    %get3A_528 = vector.load %arg0[%get3A_525, %get3A_526, %get3A_527] : memref<50x1x2000xi32, #tpu.memory_space<vmem>>, vector<1x1x2000xi32>
    %get3A_529 = vector.shape_cast %get3A_528 : vector<1x1x2000xi32> to vector<2000xi32>
    %shift_right_arithmetic3A_530 = arith.constant 5 : i32
    %shift_right_arithmetic3A_531 = vector.broadcast %shift_right_arithmetic3A_530 : i32 to vector<2000xi32>
    %shift_right_arithmetic3A_532 = arith.shrsi %get3A_529, %shift_right_arithmetic3A_531 : vector<2000xi32>
    %broadcast_in_dim3A_533 = vector.shape_cast %shift_right_arithmetic3A_532 : vector<2000xi32> to vector<1x2000xi32>
    %and3A_534 = arith.constant 31 : i32
    %and3A_535 = vector.broadcast %and3A_534 : i32 to vector<2000xi32>
    %and3A_536 = arith.andi %get3A_529, %and3A_535 : vector<2000xi32>
    %broadcast_in_dim3A_537 = vector.shape_cast %and3A_536 : vector<2000xi32> to vector<1x2000xi32>
    %iota3A_538 = tpu.iota {dimensions = array<i32: 0>} : vector<16x2000xi32>
    %eq3A_539 = vector.broadcast %broadcast_in_dim3A_533 : vector<1x2000xi32> to vector<16x2000xi32>
    %eq3A_540 = arith.cmpi eq, %iota3A_538, %eq3A_539 : vector<16x2000xi32>
    %convert_element_type3A_541 = arith.extui %eq3A_540 : vector<16x2000xi1> to vector<16x2000xi32>
    %convert_element_type3A_542 = arith.sitofp %convert_element_type3A_541 : vector<16x2000xi32> to vector<16x2000xf32>
    %convert_element_type3A_543 = arith.truncf %convert_element_type3A_542 : vector<16x2000xf32> to vector<16x2000xbf16>
    %iota3A_544 = tpu.iota {dimensions = array<i32: 0>} : vector<32x2000xi32>
    %eq3A_545 = vector.broadcast %broadcast_in_dim3A_537 : vector<1x2000xi32> to vector<32x2000xi32>
    %eq3A_546 = arith.cmpi eq, %iota3A_544, %eq3A_545 : vector<32x2000xi32>
    %convert_element_type3A_547 = arith.extui %eq3A_546 : vector<32x2000xi1> to vector<32x2000xi32>
    %convert_element_type3A_548 = arith.sitofp %convert_element_type3A_547 : vector<32x2000xi32> to vector<32x2000xf32>
    %convert_element_type3A_549 = arith.truncf %convert_element_type3A_548 : vector<32x2000xf32> to vector<32x2000xbf16>
    %dot_general3A_550 = arith.constant dense<0.000000e+00> : vector<16x32xf32>
    %dot_general3A_551 = tpu.matmul %convert_element_type3A_543, %convert_element_type3A_549, %dot_general3A_550 {dimension_numbers = #tpu.dot_dimension_numbers<[1], [1], [0], [0], [0, 0, 1, 0], [], []>, transpose_lhs_hint = false} : vector<16x2000xbf16>, vector<32x2000xbf16>, vector<16x32xf32> -> vector<16x32xf32>
    %add3A_552 = arith.addf %add3A_524, %dot_general3A_551 : vector<16x32xf32>
    %get3A_553 = arith.constant 20 : index
    %get3A_554 = arith.constant 0 : index
    %get3A_555 = arith.constant 0 : index
    %get3A_556 = vector.load %arg0[%get3A_553, %get3A_554, %get3A_555] : memref<50x1x2000xi32, #tpu.memory_space<vmem>>, vector<1x1x2000xi32>
    %get3A_557 = vector.shape_cast %get3A_556 : vector<1x1x2000xi32> to vector<2000xi32>
    %shift_right_arithmetic3A_558 = arith.constant 5 : i32
    %shift_right_arithmetic3A_559 = vector.broadcast %shift_right_arithmetic3A_558 : i32 to vector<2000xi32>
    %shift_right_arithmetic3A_560 = arith.shrsi %get3A_557, %shift_right_arithmetic3A_559 : vector<2000xi32>
    %broadcast_in_dim3A_561 = vector.shape_cast %shift_right_arithmetic3A_560 : vector<2000xi32> to vector<1x2000xi32>
    %and3A_562 = arith.constant 31 : i32
    %and3A_563 = vector.broadcast %and3A_562 : i32 to vector<2000xi32>
    %and3A_564 = arith.andi %get3A_557, %and3A_563 : vector<2000xi32>
    %broadcast_in_dim3A_565 = vector.shape_cast %and3A_564 : vector<2000xi32> to vector<1x2000xi32>
    %iota3A_566 = tpu.iota {dimensions = array<i32: 0>} : vector<16x2000xi32>
    %eq3A_567 = vector.broadcast %broadcast_in_dim3A_561 : vector<1x2000xi32> to vector<16x2000xi32>
    %eq3A_568 = arith.cmpi eq, %iota3A_566, %eq3A_567 : vector<16x2000xi32>
    %convert_element_type3A_569 = arith.extui %eq3A_568 : vector<16x2000xi1> to vector<16x2000xi32>
    %convert_element_type3A_570 = arith.sitofp %convert_element_type3A_569 : vector<16x2000xi32> to vector<16x2000xf32>
    %convert_element_type3A_571 = arith.truncf %convert_element_type3A_570 : vector<16x2000xf32> to vector<16x2000xbf16>
    %iota3A_572 = tpu.iota {dimensions = array<i32: 0>} : vector<32x2000xi32>
    %eq3A_573 = vector.broadcast %broadcast_in_dim3A_565 : vector<1x2000xi32> to vector<32x2000xi32>
    %eq3A_574 = arith.cmpi eq, %iota3A_572, %eq3A_573 : vector<32x2000xi32>
    %convert_element_type3A_575 = arith.extui %eq3A_574 : vector<32x2000xi1> to vector<32x2000xi32>
    %convert_element_type3A_576 = arith.sitofp %convert_element_type3A_575 : vector<32x2000xi32> to vector<32x2000xf32>
    %convert_element_type3A_577 = arith.truncf %convert_element_type3A_576 : vector<32x2000xf32> to vector<32x2000xbf16>
    %dot_general3A_578 = arith.constant dense<0.000000e+00> : vector<16x32xf32>
    %dot_general3A_579 = tpu.matmul %convert_element_type3A_571, %convert_element_type3A_577, %dot_general3A_578 {dimension_numbers = #tpu.dot_dimension_numbers<[1], [1], [0], [0], [0, 0, 1, 0], [], []>, transpose_lhs_hint = false} : vector<16x2000xbf16>, vector<32x2000xbf16>, vector<16x32xf32> -> vector<16x32xf32>
    %add3A_580 = arith.addf %add3A_552, %dot_general3A_579 : vector<16x32xf32>
    %get3A_581 = arith.constant 21 : index
    %get3A_582 = arith.constant 0 : index
    %get3A_583 = arith.constant 0 : index
    %get3A_584 = vector.load %arg0[%get3A_581, %get3A_582, %get3A_583] : memref<50x1x2000xi32, #tpu.memory_space<vmem>>, vector<1x1x2000xi32>
    %get3A_585 = vector.shape_cast %get3A_584 : vector<1x1x2000xi32> to vector<2000xi32>
    %shift_right_arithmetic3A_586 = arith.constant 5 : i32
    %shift_right_arithmetic3A_587 = vector.broadcast %shift_right_arithmetic3A_586 : i32 to vector<2000xi32>
    %shift_right_arithmetic3A_588 = arith.shrsi %get3A_585, %shift_right_arithmetic3A_587 : vector<2000xi32>
    %broadcast_in_dim3A_589 = vector.shape_cast %shift_right_arithmetic3A_588 : vector<2000xi32> to vector<1x2000xi32>
    %and3A_590 = arith.constant 31 : i32
    %and3A_591 = vector.broadcast %and3A_590 : i32 to vector<2000xi32>
    %and3A_592 = arith.andi %get3A_585, %and3A_591 : vector<2000xi32>
    %broadcast_in_dim3A_593 = vector.shape_cast %and3A_592 : vector<2000xi32> to vector<1x2000xi32>
    %iota3A_594 = tpu.iota {dimensions = array<i32: 0>} : vector<16x2000xi32>
    %eq3A_595 = vector.broadcast %broadcast_in_dim3A_589 : vector<1x2000xi32> to vector<16x2000xi32>
    %eq3A_596 = arith.cmpi eq, %iota3A_594, %eq3A_595 : vector<16x2000xi32>
    %convert_element_type3A_597 = arith.extui %eq3A_596 : vector<16x2000xi1> to vector<16x2000xi32>
    %convert_element_type3A_598 = arith.sitofp %convert_element_type3A_597 : vector<16x2000xi32> to vector<16x2000xf32>
    %convert_element_type3A_599 = arith.truncf %convert_element_type3A_598 : vector<16x2000xf32> to vector<16x2000xbf16>
    %iota3A_600 = tpu.iota {dimensions = array<i32: 0>} : vector<32x2000xi32>
    %eq3A_601 = vector.broadcast %broadcast_in_dim3A_593 : vector<1x2000xi32> to vector<32x2000xi32>
    %eq3A_602 = arith.cmpi eq, %iota3A_600, %eq3A_601 : vector<32x2000xi32>
    %convert_element_type3A_603 = arith.extui %eq3A_602 : vector<32x2000xi1> to vector<32x2000xi32>
    %convert_element_type3A_604 = arith.sitofp %convert_element_type3A_603 : vector<32x2000xi32> to vector<32x2000xf32>
    %convert_element_type3A_605 = arith.truncf %convert_element_type3A_604 : vector<32x2000xf32> to vector<32x2000xbf16>
    %dot_general3A_606 = arith.constant dense<0.000000e+00> : vector<16x32xf32>
    %dot_general3A_607 = tpu.matmul %convert_element_type3A_599, %convert_element_type3A_605, %dot_general3A_606 {dimension_numbers = #tpu.dot_dimension_numbers<[1], [1], [0], [0], [0, 0, 1, 0], [], []>, transpose_lhs_hint = false} : vector<16x2000xbf16>, vector<32x2000xbf16>, vector<16x32xf32> -> vector<16x32xf32>
    %add3A_608 = arith.addf %add3A_580, %dot_general3A_607 : vector<16x32xf32>
    %get3A_609 = arith.constant 22 : index
    %get3A_610 = arith.constant 0 : index
    %get3A_611 = arith.constant 0 : index
    %get3A_612 = vector.load %arg0[%get3A_609, %get3A_610, %get3A_611] : memref<50x1x2000xi32, #tpu.memory_space<vmem>>, vector<1x1x2000xi32>
    %get3A_613 = vector.shape_cast %get3A_612 : vector<1x1x2000xi32> to vector<2000xi32>
    %shift_right_arithmetic3A_614 = arith.constant 5 : i32
    %shift_right_arithmetic3A_615 = vector.broadcast %shift_right_arithmetic3A_614 : i32 to vector<2000xi32>
    %shift_right_arithmetic3A_616 = arith.shrsi %get3A_613, %shift_right_arithmetic3A_615 : vector<2000xi32>
    %broadcast_in_dim3A_617 = vector.shape_cast %shift_right_arithmetic3A_616 : vector<2000xi32> to vector<1x2000xi32>
    %and3A_618 = arith.constant 31 : i32
    %and3A_619 = vector.broadcast %and3A_618 : i32 to vector<2000xi32>
    %and3A_620 = arith.andi %get3A_613, %and3A_619 : vector<2000xi32>
    %broadcast_in_dim3A_621 = vector.shape_cast %and3A_620 : vector<2000xi32> to vector<1x2000xi32>
    %iota3A_622 = tpu.iota {dimensions = array<i32: 0>} : vector<16x2000xi32>
    %eq3A_623 = vector.broadcast %broadcast_in_dim3A_617 : vector<1x2000xi32> to vector<16x2000xi32>
    %eq3A_624 = arith.cmpi eq, %iota3A_622, %eq3A_623 : vector<16x2000xi32>
    %convert_element_type3A_625 = arith.extui %eq3A_624 : vector<16x2000xi1> to vector<16x2000xi32>
    %convert_element_type3A_626 = arith.sitofp %convert_element_type3A_625 : vector<16x2000xi32> to vector<16x2000xf32>
    %convert_element_type3A_627 = arith.truncf %convert_element_type3A_626 : vector<16x2000xf32> to vector<16x2000xbf16>
    %iota3A_628 = tpu.iota {dimensions = array<i32: 0>} : vector<32x2000xi32>
    %eq3A_629 = vector.broadcast %broadcast_in_dim3A_621 : vector<1x2000xi32> to vector<32x2000xi32>
    %eq3A_630 = arith.cmpi eq, %iota3A_628, %eq3A_629 : vector<32x2000xi32>
    %convert_element_type3A_631 = arith.extui %eq3A_630 : vector<32x2000xi1> to vector<32x2000xi32>
    %convert_element_type3A_632 = arith.sitofp %convert_element_type3A_631 : vector<32x2000xi32> to vector<32x2000xf32>
    %convert_element_type3A_633 = arith.truncf %convert_element_type3A_632 : vector<32x2000xf32> to vector<32x2000xbf16>
    %dot_general3A_634 = arith.constant dense<0.000000e+00> : vector<16x32xf32>
    %dot_general3A_635 = tpu.matmul %convert_element_type3A_627, %convert_element_type3A_633, %dot_general3A_634 {dimension_numbers = #tpu.dot_dimension_numbers<[1], [1], [0], [0], [0, 0, 1, 0], [], []>, transpose_lhs_hint = false} : vector<16x2000xbf16>, vector<32x2000xbf16>, vector<16x32xf32> -> vector<16x32xf32>
    %add3A_636 = arith.addf %add3A_608, %dot_general3A_635 : vector<16x32xf32>
    %get3A_637 = arith.constant 23 : index
    %get3A_638 = arith.constant 0 : index
    %get3A_639 = arith.constant 0 : index
    %get3A_640 = vector.load %arg0[%get3A_637, %get3A_638, %get3A_639] : memref<50x1x2000xi32, #tpu.memory_space<vmem>>, vector<1x1x2000xi32>
    %get3A_641 = vector.shape_cast %get3A_640 : vector<1x1x2000xi32> to vector<2000xi32>
    %shift_right_arithmetic3A_642 = arith.constant 5 : i32
    %shift_right_arithmetic3A_643 = vector.broadcast %shift_right_arithmetic3A_642 : i32 to vector<2000xi32>
    %shift_right_arithmetic3A_644 = arith.shrsi %get3A_641, %shift_right_arithmetic3A_643 : vector<2000xi32>
    %broadcast_in_dim3A_645 = vector.shape_cast %shift_right_arithmetic3A_644 : vector<2000xi32> to vector<1x2000xi32>
    %and3A_646 = arith.constant 31 : i32
    %and3A_647 = vector.broadcast %and3A_646 : i32 to vector<2000xi32>
    %and3A_648 = arith.andi %get3A_641, %and3A_647 : vector<2000xi32>
    %broadcast_in_dim3A_649 = vector.shape_cast %and3A_648 : vector<2000xi32> to vector<1x2000xi32>
    %iota3A_650 = tpu.iota {dimensions = array<i32: 0>} : vector<16x2000xi32>
    %eq3A_651 = vector.broadcast %broadcast_in_dim3A_645 : vector<1x2000xi32> to vector<16x2000xi32>
    %eq3A_652 = arith.cmpi eq, %iota3A_650, %eq3A_651 : vector<16x2000xi32>
    %convert_element_type3A_653 = arith.extui %eq3A_652 : vector<16x2000xi1> to vector<16x2000xi32>
    %convert_element_type3A_654 = arith.sitofp %convert_element_type3A_653 : vector<16x2000xi32> to vector<16x2000xf32>
    %convert_element_type3A_655 = arith.truncf %convert_element_type3A_654 : vector<16x2000xf32> to vector<16x2000xbf16>
    %iota3A_656 = tpu.iota {dimensions = array<i32: 0>} : vector<32x2000xi32>
    %eq3A_657 = vector.broadcast %broadcast_in_dim3A_649 : vector<1x2000xi32> to vector<32x2000xi32>
    %eq3A_658 = arith.cmpi eq, %iota3A_656, %eq3A_657 : vector<32x2000xi32>
    %convert_element_type3A_659 = arith.extui %eq3A_658 : vector<32x2000xi1> to vector<32x2000xi32>
    %convert_element_type3A_660 = arith.sitofp %convert_element_type3A_659 : vector<32x2000xi32> to vector<32x2000xf32>
    %convert_element_type3A_661 = arith.truncf %convert_element_type3A_660 : vector<32x2000xf32> to vector<32x2000xbf16>
    %dot_general3A_662 = arith.constant dense<0.000000e+00> : vector<16x32xf32>
    %dot_general3A_663 = tpu.matmul %convert_element_type3A_655, %convert_element_type3A_661, %dot_general3A_662 {dimension_numbers = #tpu.dot_dimension_numbers<[1], [1], [0], [0], [0, 0, 1, 0], [], []>, transpose_lhs_hint = false} : vector<16x2000xbf16>, vector<32x2000xbf16>, vector<16x32xf32> -> vector<16x32xf32>
    %add3A_664 = arith.addf %add3A_636, %dot_general3A_663 : vector<16x32xf32>
    %get3A_665 = arith.constant 24 : index
    %get3A_666 = arith.constant 0 : index
    %get3A_667 = arith.constant 0 : index
    %get3A_668 = vector.load %arg0[%get3A_665, %get3A_666, %get3A_667] : memref<50x1x2000xi32, #tpu.memory_space<vmem>>, vector<1x1x2000xi32>
    %get3A_669 = vector.shape_cast %get3A_668 : vector<1x1x2000xi32> to vector<2000xi32>
    %shift_right_arithmetic3A_670 = arith.constant 5 : i32
    %shift_right_arithmetic3A_671 = vector.broadcast %shift_right_arithmetic3A_670 : i32 to vector<2000xi32>
    %shift_right_arithmetic3A_672 = arith.shrsi %get3A_669, %shift_right_arithmetic3A_671 : vector<2000xi32>
    %broadcast_in_dim3A_673 = vector.shape_cast %shift_right_arithmetic3A_672 : vector<2000xi32> to vector<1x2000xi32>
    %and3A_674 = arith.constant 31 : i32
    %and3A_675 = vector.broadcast %and3A_674 : i32 to vector<2000xi32>
    %and3A_676 = arith.andi %get3A_669, %and3A_675 : vector<2000xi32>
    %broadcast_in_dim3A_677 = vector.shape_cast %and3A_676 : vector<2000xi32> to vector<1x2000xi32>
    %iota3A_678 = tpu.iota {dimensions = array<i32: 0>} : vector<16x2000xi32>
    %eq3A_679 = vector.broadcast %broadcast_in_dim3A_673 : vector<1x2000xi32> to vector<16x2000xi32>
    %eq3A_680 = arith.cmpi eq, %iota3A_678, %eq3A_679 : vector<16x2000xi32>
    %convert_element_type3A_681 = arith.extui %eq3A_680 : vector<16x2000xi1> to vector<16x2000xi32>
    %convert_element_type3A_682 = arith.sitofp %convert_element_type3A_681 : vector<16x2000xi32> to vector<16x2000xf32>
    %convert_element_type3A_683 = arith.truncf %convert_element_type3A_682 : vector<16x2000xf32> to vector<16x2000xbf16>
    %iota3A_684 = tpu.iota {dimensions = array<i32: 0>} : vector<32x2000xi32>
    %eq3A_685 = vector.broadcast %broadcast_in_dim3A_677 : vector<1x2000xi32> to vector<32x2000xi32>
    %eq3A_686 = arith.cmpi eq, %iota3A_684, %eq3A_685 : vector<32x2000xi32>
    %convert_element_type3A_687 = arith.extui %eq3A_686 : vector<32x2000xi1> to vector<32x2000xi32>
    %convert_element_type3A_688 = arith.sitofp %convert_element_type3A_687 : vector<32x2000xi32> to vector<32x2000xf32>
    %convert_element_type3A_689 = arith.truncf %convert_element_type3A_688 : vector<32x2000xf32> to vector<32x2000xbf16>
    %dot_general3A_690 = arith.constant dense<0.000000e+00> : vector<16x32xf32>
    %dot_general3A_691 = tpu.matmul %convert_element_type3A_683, %convert_element_type3A_689, %dot_general3A_690 {dimension_numbers = #tpu.dot_dimension_numbers<[1], [1], [0], [0], [0, 0, 1, 0], [], []>, transpose_lhs_hint = false} : vector<16x2000xbf16>, vector<32x2000xbf16>, vector<16x32xf32> -> vector<16x32xf32>
    %add3A_692 = arith.addf %add3A_664, %dot_general3A_691 : vector<16x32xf32>
    %get3A_693 = arith.constant 25 : index
    %get3A_694 = arith.constant 0 : index
    %get3A_695 = arith.constant 0 : index
    %get3A_696 = vector.load %arg0[%get3A_693, %get3A_694, %get3A_695] : memref<50x1x2000xi32, #tpu.memory_space<vmem>>, vector<1x1x2000xi32>
    %get3A_697 = vector.shape_cast %get3A_696 : vector<1x1x2000xi32> to vector<2000xi32>
    %shift_right_arithmetic3A_698 = arith.constant 5 : i32
    %shift_right_arithmetic3A_699 = vector.broadcast %shift_right_arithmetic3A_698 : i32 to vector<2000xi32>
    %shift_right_arithmetic3A_700 = arith.shrsi %get3A_697, %shift_right_arithmetic3A_699 : vector<2000xi32>
    %broadcast_in_dim3A_701 = vector.shape_cast %shift_right_arithmetic3A_700 : vector<2000xi32> to vector<1x2000xi32>
    %and3A_702 = arith.constant 31 : i32
    %and3A_703 = vector.broadcast %and3A_702 : i32 to vector<2000xi32>
    %and3A_704 = arith.andi %get3A_697, %and3A_703 : vector<2000xi32>
    %broadcast_in_dim3A_705 = vector.shape_cast %and3A_704 : vector<2000xi32> to vector<1x2000xi32>
    %iota3A_706 = tpu.iota {dimensions = array<i32: 0>} : vector<16x2000xi32>
    %eq3A_707 = vector.broadcast %broadcast_in_dim3A_701 : vector<1x2000xi32> to vector<16x2000xi32>
    %eq3A_708 = arith.cmpi eq, %iota3A_706, %eq3A_707 : vector<16x2000xi32>
    %convert_element_type3A_709 = arith.extui %eq3A_708 : vector<16x2000xi1> to vector<16x2000xi32>
    %convert_element_type3A_710 = arith.sitofp %convert_element_type3A_709 : vector<16x2000xi32> to vector<16x2000xf32>
    %convert_element_type3A_711 = arith.truncf %convert_element_type3A_710 : vector<16x2000xf32> to vector<16x2000xbf16>
    %iota3A_712 = tpu.iota {dimensions = array<i32: 0>} : vector<32x2000xi32>
    %eq3A_713 = vector.broadcast %broadcast_in_dim3A_705 : vector<1x2000xi32> to vector<32x2000xi32>
    %eq3A_714 = arith.cmpi eq, %iota3A_712, %eq3A_713 : vector<32x2000xi32>
    %convert_element_type3A_715 = arith.extui %eq3A_714 : vector<32x2000xi1> to vector<32x2000xi32>
    %convert_element_type3A_716 = arith.sitofp %convert_element_type3A_715 : vector<32x2000xi32> to vector<32x2000xf32>
    %convert_element_type3A_717 = arith.truncf %convert_element_type3A_716 : vector<32x2000xf32> to vector<32x2000xbf16>
    %dot_general3A_718 = arith.constant dense<0.000000e+00> : vector<16x32xf32>
    %dot_general3A_719 = tpu.matmul %convert_element_type3A_711, %convert_element_type3A_717, %dot_general3A_718 {dimension_numbers = #tpu.dot_dimension_numbers<[1], [1], [0], [0], [0, 0, 1, 0], [], []>, transpose_lhs_hint = false} : vector<16x2000xbf16>, vector<32x2000xbf16>, vector<16x32xf32> -> vector<16x32xf32>
    %add3A_720 = arith.addf %add3A_692, %dot_general3A_719 : vector<16x32xf32>
    %get3A_721 = arith.constant 26 : index
    %get3A_722 = arith.constant 0 : index
    %get3A_723 = arith.constant 0 : index
    %get3A_724 = vector.load %arg0[%get3A_721, %get3A_722, %get3A_723] : memref<50x1x2000xi32, #tpu.memory_space<vmem>>, vector<1x1x2000xi32>
    %get3A_725 = vector.shape_cast %get3A_724 : vector<1x1x2000xi32> to vector<2000xi32>
    %shift_right_arithmetic3A_726 = arith.constant 5 : i32
    %shift_right_arithmetic3A_727 = vector.broadcast %shift_right_arithmetic3A_726 : i32 to vector<2000xi32>
    %shift_right_arithmetic3A_728 = arith.shrsi %get3A_725, %shift_right_arithmetic3A_727 : vector<2000xi32>
    %broadcast_in_dim3A_729 = vector.shape_cast %shift_right_arithmetic3A_728 : vector<2000xi32> to vector<1x2000xi32>
    %and3A_730 = arith.constant 31 : i32
    %and3A_731 = vector.broadcast %and3A_730 : i32 to vector<2000xi32>
    %and3A_732 = arith.andi %get3A_725, %and3A_731 : vector<2000xi32>
    %broadcast_in_dim3A_733 = vector.shape_cast %and3A_732 : vector<2000xi32> to vector<1x2000xi32>
    %iota3A_734 = tpu.iota {dimensions = array<i32: 0>} : vector<16x2000xi32>
    %eq3A_735 = vector.broadcast %broadcast_in_dim3A_729 : vector<1x2000xi32> to vector<16x2000xi32>
    %eq3A_736 = arith.cmpi eq, %iota3A_734, %eq3A_735 : vector<16x2000xi32>
    %convert_element_type3A_737 = arith.extui %eq3A_736 : vector<16x2000xi1> to vector<16x2000xi32>
    %convert_element_type3A_738 = arith.sitofp %convert_element_type3A_737 : vector<16x2000xi32> to vector<16x2000xf32>
    %convert_element_type3A_739 = arith.truncf %convert_element_type3A_738 : vector<16x2000xf32> to vector<16x2000xbf16>
    %iota3A_740 = tpu.iota {dimensions = array<i32: 0>} : vector<32x2000xi32>
    %eq3A_741 = vector.broadcast %broadcast_in_dim3A_733 : vector<1x2000xi32> to vector<32x2000xi32>
    %eq3A_742 = arith.cmpi eq, %iota3A_740, %eq3A_741 : vector<32x2000xi32>
    %convert_element_type3A_743 = arith.extui %eq3A_742 : vector<32x2000xi1> to vector<32x2000xi32>
    %convert_element_type3A_744 = arith.sitofp %convert_element_type3A_743 : vector<32x2000xi32> to vector<32x2000xf32>
    %convert_element_type3A_745 = arith.truncf %convert_element_type3A_744 : vector<32x2000xf32> to vector<32x2000xbf16>
    %dot_general3A_746 = arith.constant dense<0.000000e+00> : vector<16x32xf32>
    %dot_general3A_747 = tpu.matmul %convert_element_type3A_739, %convert_element_type3A_745, %dot_general3A_746 {dimension_numbers = #tpu.dot_dimension_numbers<[1], [1], [0], [0], [0, 0, 1, 0], [], []>, transpose_lhs_hint = false} : vector<16x2000xbf16>, vector<32x2000xbf16>, vector<16x32xf32> -> vector<16x32xf32>
    %add3A_748 = arith.addf %add3A_720, %dot_general3A_747 : vector<16x32xf32>
    %get3A_749 = arith.constant 27 : index
    %get3A_750 = arith.constant 0 : index
    %get3A_751 = arith.constant 0 : index
    %get3A_752 = vector.load %arg0[%get3A_749, %get3A_750, %get3A_751] : memref<50x1x2000xi32, #tpu.memory_space<vmem>>, vector<1x1x2000xi32>
    %get3A_753 = vector.shape_cast %get3A_752 : vector<1x1x2000xi32> to vector<2000xi32>
    %shift_right_arithmetic3A_754 = arith.constant 5 : i32
    %shift_right_arithmetic3A_755 = vector.broadcast %shift_right_arithmetic3A_754 : i32 to vector<2000xi32>
    %shift_right_arithmetic3A_756 = arith.shrsi %get3A_753, %shift_right_arithmetic3A_755 : vector<2000xi32>
    %broadcast_in_dim3A_757 = vector.shape_cast %shift_right_arithmetic3A_756 : vector<2000xi32> to vector<1x2000xi32>
    %and3A_758 = arith.constant 31 : i32
    %and3A_759 = vector.broadcast %and3A_758 : i32 to vector<2000xi32>
    %and3A_760 = arith.andi %get3A_753, %and3A_759 : vector<2000xi32>
    %broadcast_in_dim3A_761 = vector.shape_cast %and3A_760 : vector<2000xi32> to vector<1x2000xi32>
    %iota3A_762 = tpu.iota {dimensions = array<i32: 0>} : vector<16x2000xi32>
    %eq3A_763 = vector.broadcast %broadcast_in_dim3A_757 : vector<1x2000xi32> to vector<16x2000xi32>
    %eq3A_764 = arith.cmpi eq, %iota3A_762, %eq3A_763 : vector<16x2000xi32>
    %convert_element_type3A_765 = arith.extui %eq3A_764 : vector<16x2000xi1> to vector<16x2000xi32>
    %convert_element_type3A_766 = arith.sitofp %convert_element_type3A_765 : vector<16x2000xi32> to vector<16x2000xf32>
    %convert_element_type3A_767 = arith.truncf %convert_element_type3A_766 : vector<16x2000xf32> to vector<16x2000xbf16>
    %iota3A_768 = tpu.iota {dimensions = array<i32: 0>} : vector<32x2000xi32>
    %eq3A_769 = vector.broadcast %broadcast_in_dim3A_761 : vector<1x2000xi32> to vector<32x2000xi32>
    %eq3A_770 = arith.cmpi eq, %iota3A_768, %eq3A_769 : vector<32x2000xi32>
    %convert_element_type3A_771 = arith.extui %eq3A_770 : vector<32x2000xi1> to vector<32x2000xi32>
    %convert_element_type3A_772 = arith.sitofp %convert_element_type3A_771 : vector<32x2000xi32> to vector<32x2000xf32>
    %convert_element_type3A_773 = arith.truncf %convert_element_type3A_772 : vector<32x2000xf32> to vector<32x2000xbf16>
    %dot_general3A_774 = arith.constant dense<0.000000e+00> : vector<16x32xf32>
    %dot_general3A_775 = tpu.matmul %convert_element_type3A_767, %convert_element_type3A_773, %dot_general3A_774 {dimension_numbers = #tpu.dot_dimension_numbers<[1], [1], [0], [0], [0, 0, 1, 0], [], []>, transpose_lhs_hint = false} : vector<16x2000xbf16>, vector<32x2000xbf16>, vector<16x32xf32> -> vector<16x32xf32>
    %add3A_776 = arith.addf %add3A_748, %dot_general3A_775 : vector<16x32xf32>
    %get3A_777 = arith.constant 28 : index
    %get3A_778 = arith.constant 0 : index
    %get3A_779 = arith.constant 0 : index
    %get3A_780 = vector.load %arg0[%get3A_777, %get3A_778, %get3A_779] : memref<50x1x2000xi32, #tpu.memory_space<vmem>>, vector<1x1x2000xi32>
    %get3A_781 = vector.shape_cast %get3A_780 : vector<1x1x2000xi32> to vector<2000xi32>
    %shift_right_arithmetic3A_782 = arith.constant 5 : i32
    %shift_right_arithmetic3A_783 = vector.broadcast %shift_right_arithmetic3A_782 : i32 to vector<2000xi32>
    %shift_right_arithmetic3A_784 = arith.shrsi %get3A_781, %shift_right_arithmetic3A_783 : vector<2000xi32>
    %broadcast_in_dim3A_785 = vector.shape_cast %shift_right_arithmetic3A_784 : vector<2000xi32> to vector<1x2000xi32>
    %and3A_786 = arith.constant 31 : i32
    %and3A_787 = vector.broadcast %and3A_786 : i32 to vector<2000xi32>
    %and3A_788 = arith.andi %get3A_781, %and3A_787 : vector<2000xi32>
    %broadcast_in_dim3A_789 = vector.shape_cast %and3A_788 : vector<2000xi32> to vector<1x2000xi32>
    %iota3A_790 = tpu.iota {dimensions = array<i32: 0>} : vector<16x2000xi32>
    %eq3A_791 = vector.broadcast %broadcast_in_dim3A_785 : vector<1x2000xi32> to vector<16x2000xi32>
    %eq3A_792 = arith.cmpi eq, %iota3A_790, %eq3A_791 : vector<16x2000xi32>
    %convert_element_type3A_793 = arith.extui %eq3A_792 : vector<16x2000xi1> to vector<16x2000xi32>
    %convert_element_type3A_794 = arith.sitofp %convert_element_type3A_793 : vector<16x2000xi32> to vector<16x2000xf32>
    %convert_element_type3A_795 = arith.truncf %convert_element_type3A_794 : vector<16x2000xf32> to vector<16x2000xbf16>
    %iota3A_796 = tpu.iota {dimensions = array<i32: 0>} : vector<32x2000xi32>
    %eq3A_797 = vector.broadcast %broadcast_in_dim3A_789 : vector<1x2000xi32> to vector<32x2000xi32>
    %eq3A_798 = arith.cmpi eq, %iota3A_796, %eq3A_797 : vector<32x2000xi32>
    %convert_element_type3A_799 = arith.extui %eq3A_798 : vector<32x2000xi1> to vector<32x2000xi32>
    %convert_element_type3A_800 = arith.sitofp %convert_element_type3A_799 : vector<32x2000xi32> to vector<32x2000xf32>
    %convert_element_type3A_801 = arith.truncf %convert_element_type3A_800 : vector<32x2000xf32> to vector<32x2000xbf16>
    %dot_general3A_802 = arith.constant dense<0.000000e+00> : vector<16x32xf32>
    %dot_general3A_803 = tpu.matmul %convert_element_type3A_795, %convert_element_type3A_801, %dot_general3A_802 {dimension_numbers = #tpu.dot_dimension_numbers<[1], [1], [0], [0], [0, 0, 1, 0], [], []>, transpose_lhs_hint = false} : vector<16x2000xbf16>, vector<32x2000xbf16>, vector<16x32xf32> -> vector<16x32xf32>
    %add3A_804 = arith.addf %add3A_776, %dot_general3A_803 : vector<16x32xf32>
    %get3A_805 = arith.constant 29 : index
    %get3A_806 = arith.constant 0 : index
    %get3A_807 = arith.constant 0 : index
    %get3A_808 = vector.load %arg0[%get3A_805, %get3A_806, %get3A_807] : memref<50x1x2000xi32, #tpu.memory_space<vmem>>, vector<1x1x2000xi32>
    %get3A_809 = vector.shape_cast %get3A_808 : vector<1x1x2000xi32> to vector<2000xi32>
    %shift_right_arithmetic3A_810 = arith.constant 5 : i32
    %shift_right_arithmetic3A_811 = vector.broadcast %shift_right_arithmetic3A_810 : i32 to vector<2000xi32>
    %shift_right_arithmetic3A_812 = arith.shrsi %get3A_809, %shift_right_arithmetic3A_811 : vector<2000xi32>
    %broadcast_in_dim3A_813 = vector.shape_cast %shift_right_arithmetic3A_812 : vector<2000xi32> to vector<1x2000xi32>
    %and3A_814 = arith.constant 31 : i32
    %and3A_815 = vector.broadcast %and3A_814 : i32 to vector<2000xi32>
    %and3A_816 = arith.andi %get3A_809, %and3A_815 : vector<2000xi32>
    %broadcast_in_dim3A_817 = vector.shape_cast %and3A_816 : vector<2000xi32> to vector<1x2000xi32>
    %iota3A_818 = tpu.iota {dimensions = array<i32: 0>} : vector<16x2000xi32>
    %eq3A_819 = vector.broadcast %broadcast_in_dim3A_813 : vector<1x2000xi32> to vector<16x2000xi32>
    %eq3A_820 = arith.cmpi eq, %iota3A_818, %eq3A_819 : vector<16x2000xi32>
    %convert_element_type3A_821 = arith.extui %eq3A_820 : vector<16x2000xi1> to vector<16x2000xi32>
    %convert_element_type3A_822 = arith.sitofp %convert_element_type3A_821 : vector<16x2000xi32> to vector<16x2000xf32>
    %convert_element_type3A_823 = arith.truncf %convert_element_type3A_822 : vector<16x2000xf32> to vector<16x2000xbf16>
    %iota3A_824 = tpu.iota {dimensions = array<i32: 0>} : vector<32x2000xi32>
    %eq3A_825 = vector.broadcast %broadcast_in_dim3A_817 : vector<1x2000xi32> to vector<32x2000xi32>
    %eq3A_826 = arith.cmpi eq, %iota3A_824, %eq3A_825 : vector<32x2000xi32>
    %convert_element_type3A_827 = arith.extui %eq3A_826 : vector<32x2000xi1> to vector<32x2000xi32>
    %convert_element_type3A_828 = arith.sitofp %convert_element_type3A_827 : vector<32x2000xi32> to vector<32x2000xf32>
    %convert_element_type3A_829 = arith.truncf %convert_element_type3A_828 : vector<32x2000xf32> to vector<32x2000xbf16>
    %dot_general3A_830 = arith.constant dense<0.000000e+00> : vector<16x32xf32>
    %dot_general3A_831 = tpu.matmul %convert_element_type3A_823, %convert_element_type3A_829, %dot_general3A_830 {dimension_numbers = #tpu.dot_dimension_numbers<[1], [1], [0], [0], [0, 0, 1, 0], [], []>, transpose_lhs_hint = false} : vector<16x2000xbf16>, vector<32x2000xbf16>, vector<16x32xf32> -> vector<16x32xf32>
    %add3A_832 = arith.addf %add3A_804, %dot_general3A_831 : vector<16x32xf32>
    %get3A_833 = arith.constant 30 : index
    %get3A_834 = arith.constant 0 : index
    %get3A_835 = arith.constant 0 : index
    %get3A_836 = vector.load %arg0[%get3A_833, %get3A_834, %get3A_835] : memref<50x1x2000xi32, #tpu.memory_space<vmem>>, vector<1x1x2000xi32>
    %get3A_837 = vector.shape_cast %get3A_836 : vector<1x1x2000xi32> to vector<2000xi32>
    %shift_right_arithmetic3A_838 = arith.constant 5 : i32
    %shift_right_arithmetic3A_839 = vector.broadcast %shift_right_arithmetic3A_838 : i32 to vector<2000xi32>
    %shift_right_arithmetic3A_840 = arith.shrsi %get3A_837, %shift_right_arithmetic3A_839 : vector<2000xi32>
    %broadcast_in_dim3A_841 = vector.shape_cast %shift_right_arithmetic3A_840 : vector<2000xi32> to vector<1x2000xi32>
    %and3A_842 = arith.constant 31 : i32
    %and3A_843 = vector.broadcast %and3A_842 : i32 to vector<2000xi32>
    %and3A_844 = arith.andi %get3A_837, %and3A_843 : vector<2000xi32>
    %broadcast_in_dim3A_845 = vector.shape_cast %and3A_844 : vector<2000xi32> to vector<1x2000xi32>
    %iota3A_846 = tpu.iota {dimensions = array<i32: 0>} : vector<16x2000xi32>
    %eq3A_847 = vector.broadcast %broadcast_in_dim3A_841 : vector<1x2000xi32> to vector<16x2000xi32>
    %eq3A_848 = arith.cmpi eq, %iota3A_846, %eq3A_847 : vector<16x2000xi32>
    %convert_element_type3A_849 = arith.extui %eq3A_848 : vector<16x2000xi1> to vector<16x2000xi32>
    %convert_element_type3A_850 = arith.sitofp %convert_element_type3A_849 : vector<16x2000xi32> to vector<16x2000xf32>
    %convert_element_type3A_851 = arith.truncf %convert_element_type3A_850 : vector<16x2000xf32> to vector<16x2000xbf16>
    %iota3A_852 = tpu.iota {dimensions = array<i32: 0>} : vector<32x2000xi32>
    %eq3A_853 = vector.broadcast %broadcast_in_dim3A_845 : vector<1x2000xi32> to vector<32x2000xi32>
    %eq3A_854 = arith.cmpi eq, %iota3A_852, %eq3A_853 : vector<32x2000xi32>
    %convert_element_type3A_855 = arith.extui %eq3A_854 : vector<32x2000xi1> to vector<32x2000xi32>
    %convert_element_type3A_856 = arith.sitofp %convert_element_type3A_855 : vector<32x2000xi32> to vector<32x2000xf32>
    %convert_element_type3A_857 = arith.truncf %convert_element_type3A_856 : vector<32x2000xf32> to vector<32x2000xbf16>
    %dot_general3A_858 = arith.constant dense<0.000000e+00> : vector<16x32xf32>
    %dot_general3A_859 = tpu.matmul %convert_element_type3A_851, %convert_element_type3A_857, %dot_general3A_858 {dimension_numbers = #tpu.dot_dimension_numbers<[1], [1], [0], [0], [0, 0, 1, 0], [], []>, transpose_lhs_hint = false} : vector<16x2000xbf16>, vector<32x2000xbf16>, vector<16x32xf32> -> vector<16x32xf32>
    %add3A_860 = arith.addf %add3A_832, %dot_general3A_859 : vector<16x32xf32>
    %get3A_861 = arith.constant 31 : index
    %get3A_862 = arith.constant 0 : index
    %get3A_863 = arith.constant 0 : index
    %get3A_864 = vector.load %arg0[%get3A_861, %get3A_862, %get3A_863] : memref<50x1x2000xi32, #tpu.memory_space<vmem>>, vector<1x1x2000xi32>
    %get3A_865 = vector.shape_cast %get3A_864 : vector<1x1x2000xi32> to vector<2000xi32>
    %shift_right_arithmetic3A_866 = arith.constant 5 : i32
    %shift_right_arithmetic3A_867 = vector.broadcast %shift_right_arithmetic3A_866 : i32 to vector<2000xi32>
    %shift_right_arithmetic3A_868 = arith.shrsi %get3A_865, %shift_right_arithmetic3A_867 : vector<2000xi32>
    %broadcast_in_dim3A_869 = vector.shape_cast %shift_right_arithmetic3A_868 : vector<2000xi32> to vector<1x2000xi32>
    %and3A_870 = arith.constant 31 : i32
    %and3A_871 = vector.broadcast %and3A_870 : i32 to vector<2000xi32>
    %and3A_872 = arith.andi %get3A_865, %and3A_871 : vector<2000xi32>
    %broadcast_in_dim3A_873 = vector.shape_cast %and3A_872 : vector<2000xi32> to vector<1x2000xi32>
    %iota3A_874 = tpu.iota {dimensions = array<i32: 0>} : vector<16x2000xi32>
    %eq3A_875 = vector.broadcast %broadcast_in_dim3A_869 : vector<1x2000xi32> to vector<16x2000xi32>
    %eq3A_876 = arith.cmpi eq, %iota3A_874, %eq3A_875 : vector<16x2000xi32>
    %convert_element_type3A_877 = arith.extui %eq3A_876 : vector<16x2000xi1> to vector<16x2000xi32>
    %convert_element_type3A_878 = arith.sitofp %convert_element_type3A_877 : vector<16x2000xi32> to vector<16x2000xf32>
    %convert_element_type3A_879 = arith.truncf %convert_element_type3A_878 : vector<16x2000xf32> to vector<16x2000xbf16>
    %iota3A_880 = tpu.iota {dimensions = array<i32: 0>} : vector<32x2000xi32>
    %eq3A_881 = vector.broadcast %broadcast_in_dim3A_873 : vector<1x2000xi32> to vector<32x2000xi32>
    %eq3A_882 = arith.cmpi eq, %iota3A_880, %eq3A_881 : vector<32x2000xi32>
    %convert_element_type3A_883 = arith.extui %eq3A_882 : vector<32x2000xi1> to vector<32x2000xi32>
    %convert_element_type3A_884 = arith.sitofp %convert_element_type3A_883 : vector<32x2000xi32> to vector<32x2000xf32>
    %convert_element_type3A_885 = arith.truncf %convert_element_type3A_884 : vector<32x2000xf32> to vector<32x2000xbf16>
    %dot_general3A_886 = arith.constant dense<0.000000e+00> : vector<16x32xf32>
    %dot_general3A_887 = tpu.matmul %convert_element_type3A_879, %convert_element_type3A_885, %dot_general3A_886 {dimension_numbers = #tpu.dot_dimension_numbers<[1], [1], [0], [0], [0, 0, 1, 0], [], []>, transpose_lhs_hint = false} : vector<16x2000xbf16>, vector<32x2000xbf16>, vector<16x32xf32> -> vector<16x32xf32>
    %add3A_888 = arith.addf %add3A_860, %dot_general3A_887 : vector<16x32xf32>
    %get3A_889 = arith.constant 32 : index
    %get3A_890 = arith.constant 0 : index
    %get3A_891 = arith.constant 0 : index
    %get3A_892 = vector.load %arg0[%get3A_889, %get3A_890, %get3A_891] : memref<50x1x2000xi32, #tpu.memory_space<vmem>>, vector<1x1x2000xi32>
    %get3A_893 = vector.shape_cast %get3A_892 : vector<1x1x2000xi32> to vector<2000xi32>
    %shift_right_arithmetic3A_894 = arith.constant 5 : i32
    %shift_right_arithmetic3A_895 = vector.broadcast %shift_right_arithmetic3A_894 : i32 to vector<2000xi32>
    %shift_right_arithmetic3A_896 = arith.shrsi %get3A_893, %shift_right_arithmetic3A_895 : vector<2000xi32>
    %broadcast_in_dim3A_897 = vector.shape_cast %shift_right_arithmetic3A_896 : vector<2000xi32> to vector<1x2000xi32>
    %and3A_898 = arith.constant 31 : i32
    %and3A_899 = vector.broadcast %and3A_898 : i32 to vector<2000xi32>
    %and3A_900 = arith.andi %get3A_893, %and3A_899 : vector<2000xi32>
    %broadcast_in_dim3A_901 = vector.shape_cast %and3A_900 : vector<2000xi32> to vector<1x2000xi32>
    %iota3A_902 = tpu.iota {dimensions = array<i32: 0>} : vector<16x2000xi32>
    %eq3A_903 = vector.broadcast %broadcast_in_dim3A_897 : vector<1x2000xi32> to vector<16x2000xi32>
    %eq3A_904 = arith.cmpi eq, %iota3A_902, %eq3A_903 : vector<16x2000xi32>
    %convert_element_type3A_905 = arith.extui %eq3A_904 : vector<16x2000xi1> to vector<16x2000xi32>
    %convert_element_type3A_906 = arith.sitofp %convert_element_type3A_905 : vector<16x2000xi32> to vector<16x2000xf32>
    %convert_element_type3A_907 = arith.truncf %convert_element_type3A_906 : vector<16x2000xf32> to vector<16x2000xbf16>
    %iota3A_908 = tpu.iota {dimensions = array<i32: 0>} : vector<32x2000xi32>
    %eq3A_909 = vector.broadcast %broadcast_in_dim3A_901 : vector<1x2000xi32> to vector<32x2000xi32>
    %eq3A_910 = arith.cmpi eq, %iota3A_908, %eq3A_909 : vector<32x2000xi32>
    %convert_element_type3A_911 = arith.extui %eq3A_910 : vector<32x2000xi1> to vector<32x2000xi32>
    %convert_element_type3A_912 = arith.sitofp %convert_element_type3A_911 : vector<32x2000xi32> to vector<32x2000xf32>
    %convert_element_type3A_913 = arith.truncf %convert_element_type3A_912 : vector<32x2000xf32> to vector<32x2000xbf16>
    %dot_general3A_914 = arith.constant dense<0.000000e+00> : vector<16x32xf32>
    %dot_general3A_915 = tpu.matmul %convert_element_type3A_907, %convert_element_type3A_913, %dot_general3A_914 {dimension_numbers = #tpu.dot_dimension_numbers<[1], [1], [0], [0], [0, 0, 1, 0], [], []>, transpose_lhs_hint = false} : vector<16x2000xbf16>, vector<32x2000xbf16>, vector<16x32xf32> -> vector<16x32xf32>
    %add3A_916 = arith.addf %add3A_888, %dot_general3A_915 : vector<16x32xf32>
    %get3A_917 = arith.constant 33 : index
    %get3A_918 = arith.constant 0 : index
    %get3A_919 = arith.constant 0 : index
    %get3A_920 = vector.load %arg0[%get3A_917, %get3A_918, %get3A_919] : memref<50x1x2000xi32, #tpu.memory_space<vmem>>, vector<1x1x2000xi32>
    %get3A_921 = vector.shape_cast %get3A_920 : vector<1x1x2000xi32> to vector<2000xi32>
    %shift_right_arithmetic3A_922 = arith.constant 5 : i32
    %shift_right_arithmetic3A_923 = vector.broadcast %shift_right_arithmetic3A_922 : i32 to vector<2000xi32>
    %shift_right_arithmetic3A_924 = arith.shrsi %get3A_921, %shift_right_arithmetic3A_923 : vector<2000xi32>
    %broadcast_in_dim3A_925 = vector.shape_cast %shift_right_arithmetic3A_924 : vector<2000xi32> to vector<1x2000xi32>
    %and3A_926 = arith.constant 31 : i32
    %and3A_927 = vector.broadcast %and3A_926 : i32 to vector<2000xi32>
    %and3A_928 = arith.andi %get3A_921, %and3A_927 : vector<2000xi32>
    %broadcast_in_dim3A_929 = vector.shape_cast %and3A_928 : vector<2000xi32> to vector<1x2000xi32>
    %iota3A_930 = tpu.iota {dimensions = array<i32: 0>} : vector<16x2000xi32>
    %eq3A_931 = vector.broadcast %broadcast_in_dim3A_925 : vector<1x2000xi32> to vector<16x2000xi32>
    %eq3A_932 = arith.cmpi eq, %iota3A_930, %eq3A_931 : vector<16x2000xi32>
    %convert_element_type3A_933 = arith.extui %eq3A_932 : vector<16x2000xi1> to vector<16x2000xi32>
    %convert_element_type3A_934 = arith.sitofp %convert_element_type3A_933 : vector<16x2000xi32> to vector<16x2000xf32>
    %convert_element_type3A_935 = arith.truncf %convert_element_type3A_934 : vector<16x2000xf32> to vector<16x2000xbf16>
    %iota3A_936 = tpu.iota {dimensions = array<i32: 0>} : vector<32x2000xi32>
    %eq3A_937 = vector.broadcast %broadcast_in_dim3A_929 : vector<1x2000xi32> to vector<32x2000xi32>
    %eq3A_938 = arith.cmpi eq, %iota3A_936, %eq3A_937 : vector<32x2000xi32>
    %convert_element_type3A_939 = arith.extui %eq3A_938 : vector<32x2000xi1> to vector<32x2000xi32>
    %convert_element_type3A_940 = arith.sitofp %convert_element_type3A_939 : vector<32x2000xi32> to vector<32x2000xf32>
    %convert_element_type3A_941 = arith.truncf %convert_element_type3A_940 : vector<32x2000xf32> to vector<32x2000xbf16>
    %dot_general3A_942 = arith.constant dense<0.000000e+00> : vector<16x32xf32>
    %dot_general3A_943 = tpu.matmul %convert_element_type3A_935, %convert_element_type3A_941, %dot_general3A_942 {dimension_numbers = #tpu.dot_dimension_numbers<[1], [1], [0], [0], [0, 0, 1, 0], [], []>, transpose_lhs_hint = false} : vector<16x2000xbf16>, vector<32x2000xbf16>, vector<16x32xf32> -> vector<16x32xf32>
    %add3A_944 = arith.addf %add3A_916, %dot_general3A_943 : vector<16x32xf32>
    %get3A_945 = arith.constant 34 : index
    %get3A_946 = arith.constant 0 : index
    %get3A_947 = arith.constant 0 : index
    %get3A_948 = vector.load %arg0[%get3A_945, %get3A_946, %get3A_947] : memref<50x1x2000xi32, #tpu.memory_space<vmem>>, vector<1x1x2000xi32>
    %get3A_949 = vector.shape_cast %get3A_948 : vector<1x1x2000xi32> to vector<2000xi32>
    %shift_right_arithmetic3A_950 = arith.constant 5 : i32
    %shift_right_arithmetic3A_951 = vector.broadcast %shift_right_arithmetic3A_950 : i32 to vector<2000xi32>
    %shift_right_arithmetic3A_952 = arith.shrsi %get3A_949, %shift_right_arithmetic3A_951 : vector<2000xi32>
    %broadcast_in_dim3A_953 = vector.shape_cast %shift_right_arithmetic3A_952 : vector<2000xi32> to vector<1x2000xi32>
    %and3A_954 = arith.constant 31 : i32
    %and3A_955 = vector.broadcast %and3A_954 : i32 to vector<2000xi32>
    %and3A_956 = arith.andi %get3A_949, %and3A_955 : vector<2000xi32>
    %broadcast_in_dim3A_957 = vector.shape_cast %and3A_956 : vector<2000xi32> to vector<1x2000xi32>
    %iota3A_958 = tpu.iota {dimensions = array<i32: 0>} : vector<16x2000xi32>
    %eq3A_959 = vector.broadcast %broadcast_in_dim3A_953 : vector<1x2000xi32> to vector<16x2000xi32>
    %eq3A_960 = arith.cmpi eq, %iota3A_958, %eq3A_959 : vector<16x2000xi32>
    %convert_element_type3A_961 = arith.extui %eq3A_960 : vector<16x2000xi1> to vector<16x2000xi32>
    %convert_element_type3A_962 = arith.sitofp %convert_element_type3A_961 : vector<16x2000xi32> to vector<16x2000xf32>
    %convert_element_type3A_963 = arith.truncf %convert_element_type3A_962 : vector<16x2000xf32> to vector<16x2000xbf16>
    %iota3A_964 = tpu.iota {dimensions = array<i32: 0>} : vector<32x2000xi32>
    %eq3A_965 = vector.broadcast %broadcast_in_dim3A_957 : vector<1x2000xi32> to vector<32x2000xi32>
    %eq3A_966 = arith.cmpi eq, %iota3A_964, %eq3A_965 : vector<32x2000xi32>
    %convert_element_type3A_967 = arith.extui %eq3A_966 : vector<32x2000xi1> to vector<32x2000xi32>
    %convert_element_type3A_968 = arith.sitofp %convert_element_type3A_967 : vector<32x2000xi32> to vector<32x2000xf32>
    %convert_element_type3A_969 = arith.truncf %convert_element_type3A_968 : vector<32x2000xf32> to vector<32x2000xbf16>
    %dot_general3A_970 = arith.constant dense<0.000000e+00> : vector<16x32xf32>
    %dot_general3A_971 = tpu.matmul %convert_element_type3A_963, %convert_element_type3A_969, %dot_general3A_970 {dimension_numbers = #tpu.dot_dimension_numbers<[1], [1], [0], [0], [0, 0, 1, 0], [], []>, transpose_lhs_hint = false} : vector<16x2000xbf16>, vector<32x2000xbf16>, vector<16x32xf32> -> vector<16x32xf32>
    %add3A_972 = arith.addf %add3A_944, %dot_general3A_971 : vector<16x32xf32>
    %get3A_973 = arith.constant 35 : index
    %get3A_974 = arith.constant 0 : index
    %get3A_975 = arith.constant 0 : index
    %get3A_976 = vector.load %arg0[%get3A_973, %get3A_974, %get3A_975] : memref<50x1x2000xi32, #tpu.memory_space<vmem>>, vector<1x1x2000xi32>
    %get3A_977 = vector.shape_cast %get3A_976 : vector<1x1x2000xi32> to vector<2000xi32>
    %shift_right_arithmetic3A_978 = arith.constant 5 : i32
    %shift_right_arithmetic3A_979 = vector.broadcast %shift_right_arithmetic3A_978 : i32 to vector<2000xi32>
    %shift_right_arithmetic3A_980 = arith.shrsi %get3A_977, %shift_right_arithmetic3A_979 : vector<2000xi32>
    %broadcast_in_dim3A_981 = vector.shape_cast %shift_right_arithmetic3A_980 : vector<2000xi32> to vector<1x2000xi32>
    %and3A_982 = arith.constant 31 : i32
    %and3A_983 = vector.broadcast %and3A_982 : i32 to vector<2000xi32>
    %and3A_984 = arith.andi %get3A_977, %and3A_983 : vector<2000xi32>
    %broadcast_in_dim3A_985 = vector.shape_cast %and3A_984 : vector<2000xi32> to vector<1x2000xi32>
    %iota3A_986 = tpu.iota {dimensions = array<i32: 0>} : vector<16x2000xi32>
    %eq3A_987 = vector.broadcast %broadcast_in_dim3A_981 : vector<1x2000xi32> to vector<16x2000xi32>
    %eq3A_988 = arith.cmpi eq, %iota3A_986, %eq3A_987 : vector<16x2000xi32>
    %convert_element_type3A_989 = arith.extui %eq3A_988 : vector<16x2000xi1> to vector<16x2000xi32>
    %convert_element_type3A_990 = arith.sitofp %convert_element_type3A_989 : vector<16x2000xi32> to vector<16x2000xf32>
    %convert_element_type3A_991 = arith.truncf %convert_element_type3A_990 : vector<16x2000xf32> to vector<16x2000xbf16>
    %iota3A_992 = tpu.iota {dimensions = array<i32: 0>} : vector<32x2000xi32>
    %eq3A_993 = vector.broadcast %broadcast_in_dim3A_985 : vector<1x2000xi32> to vector<32x2000xi32>
    %eq3A_994 = arith.cmpi eq, %iota3A_992, %eq3A_993 : vector<32x2000xi32>
    %convert_element_type3A_995 = arith.extui %eq3A_994 : vector<32x2000xi1> to vector<32x2000xi32>
    %convert_element_type3A_996 = arith.sitofp %convert_element_type3A_995 : vector<32x2000xi32> to vector<32x2000xf32>
    %convert_element_type3A_997 = arith.truncf %convert_element_type3A_996 : vector<32x2000xf32> to vector<32x2000xbf16>
    %dot_general3A_998 = arith.constant dense<0.000000e+00> : vector<16x32xf32>
    %dot_general3A_999 = tpu.matmul %convert_element_type3A_991, %convert_element_type3A_997, %dot_general3A_998 {dimension_numbers = #tpu.dot_dimension_numbers<[1], [1], [0], [0], [0, 0, 1, 0], [], []>, transpose_lhs_hint = false} : vector<16x2000xbf16>, vector<32x2000xbf16>, vector<16x32xf32> -> vector<16x32xf32>
    %add3A_1000 = arith.addf %add3A_972, %dot_general3A_999 : vector<16x32xf32>
    %get3A_1001 = arith.constant 36 : index
    %get3A_1002 = arith.constant 0 : index
    %get3A_1003 = arith.constant 0 : index
    %get3A_1004 = vector.load %arg0[%get3A_1001, %get3A_1002, %get3A_1003] : memref<50x1x2000xi32, #tpu.memory_space<vmem>>, vector<1x1x2000xi32>
    %get3A_1005 = vector.shape_cast %get3A_1004 : vector<1x1x2000xi32> to vector<2000xi32>
    %shift_right_arithmetic3A_1006 = arith.constant 5 : i32
    %shift_right_arithmetic3A_1007 = vector.broadcast %shift_right_arithmetic3A_1006 : i32 to vector<2000xi32>
    %shift_right_arithmetic3A_1008 = arith.shrsi %get3A_1005, %shift_right_arithmetic3A_1007 : vector<2000xi32>
    %broadcast_in_dim3A_1009 = vector.shape_cast %shift_right_arithmetic3A_1008 : vector<2000xi32> to vector<1x2000xi32>
    %and3A_1010 = arith.constant 31 : i32
    %and3A_1011 = vector.broadcast %and3A_1010 : i32 to vector<2000xi32>
    %and3A_1012 = arith.andi %get3A_1005, %and3A_1011 : vector<2000xi32>
    %broadcast_in_dim3A_1013 = vector.shape_cast %and3A_1012 : vector<2000xi32> to vector<1x2000xi32>
    %iota3A_1014 = tpu.iota {dimensions = array<i32: 0>} : vector<16x2000xi32>
    %eq3A_1015 = vector.broadcast %broadcast_in_dim3A_1009 : vector<1x2000xi32> to vector<16x2000xi32>
    %eq3A_1016 = arith.cmpi eq, %iota3A_1014, %eq3A_1015 : vector<16x2000xi32>
    %convert_element_type3A_1017 = arith.extui %eq3A_1016 : vector<16x2000xi1> to vector<16x2000xi32>
    %convert_element_type3A_1018 = arith.sitofp %convert_element_type3A_1017 : vector<16x2000xi32> to vector<16x2000xf32>
    %convert_element_type3A_1019 = arith.truncf %convert_element_type3A_1018 : vector<16x2000xf32> to vector<16x2000xbf16>
    %iota3A_1020 = tpu.iota {dimensions = array<i32: 0>} : vector<32x2000xi32>
    %eq3A_1021 = vector.broadcast %broadcast_in_dim3A_1013 : vector<1x2000xi32> to vector<32x2000xi32>
    %eq3A_1022 = arith.cmpi eq, %iota3A_1020, %eq3A_1021 : vector<32x2000xi32>
    %convert_element_type3A_1023 = arith.extui %eq3A_1022 : vector<32x2000xi1> to vector<32x2000xi32>
    %convert_element_type3A_1024 = arith.sitofp %convert_element_type3A_1023 : vector<32x2000xi32> to vector<32x2000xf32>
    %convert_element_type3A_1025 = arith.truncf %convert_element_type3A_1024 : vector<32x2000xf32> to vector<32x2000xbf16>
    %dot_general3A_1026 = arith.constant dense<0.000000e+00> : vector<16x32xf32>
    %dot_general3A_1027 = tpu.matmul %convert_element_type3A_1019, %convert_element_type3A_1025, %dot_general3A_1026 {dimension_numbers = #tpu.dot_dimension_numbers<[1], [1], [0], [0], [0, 0, 1, 0], [], []>, transpose_lhs_hint = false} : vector<16x2000xbf16>, vector<32x2000xbf16>, vector<16x32xf32> -> vector<16x32xf32>
    %add3A_1028 = arith.addf %add3A_1000, %dot_general3A_1027 : vector<16x32xf32>
    %get3A_1029 = arith.constant 37 : index
    %get3A_1030 = arith.constant 0 : index
    %get3A_1031 = arith.constant 0 : index
    %get3A_1032 = vector.load %arg0[%get3A_1029, %get3A_1030, %get3A_1031] : memref<50x1x2000xi32, #tpu.memory_space<vmem>>, vector<1x1x2000xi32>
    %get3A_1033 = vector.shape_cast %get3A_1032 : vector<1x1x2000xi32> to vector<2000xi32>
    %shift_right_arithmetic3A_1034 = arith.constant 5 : i32
    %shift_right_arithmetic3A_1035 = vector.broadcast %shift_right_arithmetic3A_1034 : i32 to vector<2000xi32>
    %shift_right_arithmetic3A_1036 = arith.shrsi %get3A_1033, %shift_right_arithmetic3A_1035 : vector<2000xi32>
    %broadcast_in_dim3A_1037 = vector.shape_cast %shift_right_arithmetic3A_1036 : vector<2000xi32> to vector<1x2000xi32>
    %and3A_1038 = arith.constant 31 : i32
    %and3A_1039 = vector.broadcast %and3A_1038 : i32 to vector<2000xi32>
    %and3A_1040 = arith.andi %get3A_1033, %and3A_1039 : vector<2000xi32>
    %broadcast_in_dim3A_1041 = vector.shape_cast %and3A_1040 : vector<2000xi32> to vector<1x2000xi32>
    %iota3A_1042 = tpu.iota {dimensions = array<i32: 0>} : vector<16x2000xi32>
    %eq3A_1043 = vector.broadcast %broadcast_in_dim3A_1037 : vector<1x2000xi32> to vector<16x2000xi32>
    %eq3A_1044 = arith.cmpi eq, %iota3A_1042, %eq3A_1043 : vector<16x2000xi32>
    %convert_element_type3A_1045 = arith.extui %eq3A_1044 : vector<16x2000xi1> to vector<16x2000xi32>
    %convert_element_type3A_1046 = arith.sitofp %convert_element_type3A_1045 : vector<16x2000xi32> to vector<16x2000xf32>
    %convert_element_type3A_1047 = arith.truncf %convert_element_type3A_1046 : vector<16x2000xf32> to vector<16x2000xbf16>
    %iota3A_1048 = tpu.iota {dimensions = array<i32: 0>} : vector<32x2000xi32>
    %eq3A_1049 = vector.broadcast %broadcast_in_dim3A_1041 : vector<1x2000xi32> to vector<32x2000xi32>
    %eq3A_1050 = arith.cmpi eq, %iota3A_1048, %eq3A_1049 : vector<32x2000xi32>
    %convert_element_type3A_1051 = arith.extui %eq3A_1050 : vector<32x2000xi1> to vector<32x2000xi32>
    %convert_element_type3A_1052 = arith.sitofp %convert_element_type3A_1051 : vector<32x2000xi32> to vector<32x2000xf32>
    %convert_element_type3A_1053 = arith.truncf %convert_element_type3A_1052 : vector<32x2000xf32> to vector<32x2000xbf16>
    %dot_general3A_1054 = arith.constant dense<0.000000e+00> : vector<16x32xf32>
    %dot_general3A_1055 = tpu.matmul %convert_element_type3A_1047, %convert_element_type3A_1053, %dot_general3A_1054 {dimension_numbers = #tpu.dot_dimension_numbers<[1], [1], [0], [0], [0, 0, 1, 0], [], []>, transpose_lhs_hint = false} : vector<16x2000xbf16>, vector<32x2000xbf16>, vector<16x32xf32> -> vector<16x32xf32>
    %add3A_1056 = arith.addf %add3A_1028, %dot_general3A_1055 : vector<16x32xf32>
    %get3A_1057 = arith.constant 38 : index
    %get3A_1058 = arith.constant 0 : index
    %get3A_1059 = arith.constant 0 : index
    %get3A_1060 = vector.load %arg0[%get3A_1057, %get3A_1058, %get3A_1059] : memref<50x1x2000xi32, #tpu.memory_space<vmem>>, vector<1x1x2000xi32>
    %get3A_1061 = vector.shape_cast %get3A_1060 : vector<1x1x2000xi32> to vector<2000xi32>
    %shift_right_arithmetic3A_1062 = arith.constant 5 : i32
    %shift_right_arithmetic3A_1063 = vector.broadcast %shift_right_arithmetic3A_1062 : i32 to vector<2000xi32>
    %shift_right_arithmetic3A_1064 = arith.shrsi %get3A_1061, %shift_right_arithmetic3A_1063 : vector<2000xi32>
    %broadcast_in_dim3A_1065 = vector.shape_cast %shift_right_arithmetic3A_1064 : vector<2000xi32> to vector<1x2000xi32>
    %and3A_1066 = arith.constant 31 : i32
    %and3A_1067 = vector.broadcast %and3A_1066 : i32 to vector<2000xi32>
    %and3A_1068 = arith.andi %get3A_1061, %and3A_1067 : vector<2000xi32>
    %broadcast_in_dim3A_1069 = vector.shape_cast %and3A_1068 : vector<2000xi32> to vector<1x2000xi32>
    %iota3A_1070 = tpu.iota {dimensions = array<i32: 0>} : vector<16x2000xi32>
    %eq3A_1071 = vector.broadcast %broadcast_in_dim3A_1065 : vector<1x2000xi32> to vector<16x2000xi32>
    %eq3A_1072 = arith.cmpi eq, %iota3A_1070, %eq3A_1071 : vector<16x2000xi32>
    %convert_element_type3A_1073 = arith.extui %eq3A_1072 : vector<16x2000xi1> to vector<16x2000xi32>
    %convert_element_type3A_1074 = arith.sitofp %convert_element_type3A_1073 : vector<16x2000xi32> to vector<16x2000xf32>
    %convert_element_type3A_1075 = arith.truncf %convert_element_type3A_1074 : vector<16x2000xf32> to vector<16x2000xbf16>
    %iota3A_1076 = tpu.iota {dimensions = array<i32: 0>} : vector<32x2000xi32>
    %eq3A_1077 = vector.broadcast %broadcast_in_dim3A_1069 : vector<1x2000xi32> to vector<32x2000xi32>
    %eq3A_1078 = arith.cmpi eq, %iota3A_1076, %eq3A_1077 : vector<32x2000xi32>
    %convert_element_type3A_1079 = arith.extui %eq3A_1078 : vector<32x2000xi1> to vector<32x2000xi32>
    %convert_element_type3A_1080 = arith.sitofp %convert_element_type3A_1079 : vector<32x2000xi32> to vector<32x2000xf32>
    %convert_element_type3A_1081 = arith.truncf %convert_element_type3A_1080 : vector<32x2000xf32> to vector<32x2000xbf16>
    %dot_general3A_1082 = arith.constant dense<0.000000e+00> : vector<16x32xf32>
    %dot_general3A_1083 = tpu.matmul %convert_element_type3A_1075, %convert_element_type3A_1081, %dot_general3A_1082 {dimension_numbers = #tpu.dot_dimension_numbers<[1], [1], [0], [0], [0, 0, 1, 0], [], []>, transpose_lhs_hint = false} : vector<16x2000xbf16>, vector<32x2000xbf16>, vector<16x32xf32> -> vector<16x32xf32>
    %add3A_1084 = arith.addf %add3A_1056, %dot_general3A_1083 : vector<16x32xf32>
    %get3A_1085 = arith.constant 39 : index
    %get3A_1086 = arith.constant 0 : index
    %get3A_1087 = arith.constant 0 : index
    %get3A_1088 = vector.load %arg0[%get3A_1085, %get3A_1086, %get3A_1087] : memref<50x1x2000xi32, #tpu.memory_space<vmem>>, vector<1x1x2000xi32>
    %get3A_1089 = vector.shape_cast %get3A_1088 : vector<1x1x2000xi32> to vector<2000xi32>
    %shift_right_arithmetic3A_1090 = arith.constant 5 : i32
    %shift_right_arithmetic3A_1091 = vector.broadcast %shift_right_arithmetic3A_1090 : i32 to vector<2000xi32>
    %shift_right_arithmetic3A_1092 = arith.shrsi %get3A_1089, %shift_right_arithmetic3A_1091 : vector<2000xi32>
    %broadcast_in_dim3A_1093 = vector.shape_cast %shift_right_arithmetic3A_1092 : vector<2000xi32> to vector<1x2000xi32>
    %and3A_1094 = arith.constant 31 : i32
    %and3A_1095 = vector.broadcast %and3A_1094 : i32 to vector<2000xi32>
    %and3A_1096 = arith.andi %get3A_1089, %and3A_1095 : vector<2000xi32>
    %broadcast_in_dim3A_1097 = vector.shape_cast %and3A_1096 : vector<2000xi32> to vector<1x2000xi32>
    %iota3A_1098 = tpu.iota {dimensions = array<i32: 0>} : vector<16x2000xi32>
    %eq3A_1099 = vector.broadcast %broadcast_in_dim3A_1093 : vector<1x2000xi32> to vector<16x2000xi32>
    %eq3A_1100 = arith.cmpi eq, %iota3A_1098, %eq3A_1099 : vector<16x2000xi32>
    %convert_element_type3A_1101 = arith.extui %eq3A_1100 : vector<16x2000xi1> to vector<16x2000xi32>
    %convert_element_type3A_1102 = arith.sitofp %convert_element_type3A_1101 : vector<16x2000xi32> to vector<16x2000xf32>
    %convert_element_type3A_1103 = arith.truncf %convert_element_type3A_1102 : vector<16x2000xf32> to vector<16x2000xbf16>
    %iota3A_1104 = tpu.iota {dimensions = array<i32: 0>} : vector<32x2000xi32>
    %eq3A_1105 = vector.broadcast %broadcast_in_dim3A_1097 : vector<1x2000xi32> to vector<32x2000xi32>
    %eq3A_1106 = arith.cmpi eq, %iota3A_1104, %eq3A_1105 : vector<32x2000xi32>
    %convert_element_type3A_1107 = arith.extui %eq3A_1106 : vector<32x2000xi1> to vector<32x2000xi32>
    %convert_element_type3A_1108 = arith.sitofp %convert_element_type3A_1107 : vector<32x2000xi32> to vector<32x2000xf32>
    %convert_element_type3A_1109 = arith.truncf %convert_element_type3A_1108 : vector<32x2000xf32> to vector<32x2000xbf16>
    %dot_general3A_1110 = arith.constant dense<0.000000e+00> : vector<16x32xf32>
    %dot_general3A_1111 = tpu.matmul %convert_element_type3A_1103, %convert_element_type3A_1109, %dot_general3A_1110 {dimension_numbers = #tpu.dot_dimension_numbers<[1], [1], [0], [0], [0, 0, 1, 0], [], []>, transpose_lhs_hint = false} : vector<16x2000xbf16>, vector<32x2000xbf16>, vector<16x32xf32> -> vector<16x32xf32>
    %add3A_1112 = arith.addf %add3A_1084, %dot_general3A_1111 : vector<16x32xf32>
    %get3A_1113 = arith.constant 40 : index
    %get3A_1114 = arith.constant 0 : index
    %get3A_1115 = arith.constant 0 : index
    %get3A_1116 = vector.load %arg0[%get3A_1113, %get3A_1114, %get3A_1115] : memref<50x1x2000xi32, #tpu.memory_space<vmem>>, vector<1x1x2000xi32>
    %get3A_1117 = vector.shape_cast %get3A_1116 : vector<1x1x2000xi32> to vector<2000xi32>
    %shift_right_arithmetic3A_1118 = arith.constant 5 : i32
    %shift_right_arithmetic3A_1119 = vector.broadcast %shift_right_arithmetic3A_1118 : i32 to vector<2000xi32>
    %shift_right_arithmetic3A_1120 = arith.shrsi %get3A_1117, %shift_right_arithmetic3A_1119 : vector<2000xi32>
    %broadcast_in_dim3A_1121 = vector.shape_cast %shift_right_arithmetic3A_1120 : vector<2000xi32> to vector<1x2000xi32>
    %and3A_1122 = arith.constant 31 : i32
    %and3A_1123 = vector.broadcast %and3A_1122 : i32 to vector<2000xi32>
    %and3A_1124 = arith.andi %get3A_1117, %and3A_1123 : vector<2000xi32>
    %broadcast_in_dim3A_1125 = vector.shape_cast %and3A_1124 : vector<2000xi32> to vector<1x2000xi32>
    %iota3A_1126 = tpu.iota {dimensions = array<i32: 0>} : vector<16x2000xi32>
    %eq3A_1127 = vector.broadcast %broadcast_in_dim3A_1121 : vector<1x2000xi32> to vector<16x2000xi32>
    %eq3A_1128 = arith.cmpi eq, %iota3A_1126, %eq3A_1127 : vector<16x2000xi32>
    %convert_element_type3A_1129 = arith.extui %eq3A_1128 : vector<16x2000xi1> to vector<16x2000xi32>
    %convert_element_type3A_1130 = arith.sitofp %convert_element_type3A_1129 : vector<16x2000xi32> to vector<16x2000xf32>
    %convert_element_type3A_1131 = arith.truncf %convert_element_type3A_1130 : vector<16x2000xf32> to vector<16x2000xbf16>
    %iota3A_1132 = tpu.iota {dimensions = array<i32: 0>} : vector<32x2000xi32>
    %eq3A_1133 = vector.broadcast %broadcast_in_dim3A_1125 : vector<1x2000xi32> to vector<32x2000xi32>
    %eq3A_1134 = arith.cmpi eq, %iota3A_1132, %eq3A_1133 : vector<32x2000xi32>
    %convert_element_type3A_1135 = arith.extui %eq3A_1134 : vector<32x2000xi1> to vector<32x2000xi32>
    %convert_element_type3A_1136 = arith.sitofp %convert_element_type3A_1135 : vector<32x2000xi32> to vector<32x2000xf32>
    %convert_element_type3A_1137 = arith.truncf %convert_element_type3A_1136 : vector<32x2000xf32> to vector<32x2000xbf16>
    %dot_general3A_1138 = arith.constant dense<0.000000e+00> : vector<16x32xf32>
    %dot_general3A_1139 = tpu.matmul %convert_element_type3A_1131, %convert_element_type3A_1137, %dot_general3A_1138 {dimension_numbers = #tpu.dot_dimension_numbers<[1], [1], [0], [0], [0, 0, 1, 0], [], []>, transpose_lhs_hint = false} : vector<16x2000xbf16>, vector<32x2000xbf16>, vector<16x32xf32> -> vector<16x32xf32>
    %add3A_1140 = arith.addf %add3A_1112, %dot_general3A_1139 : vector<16x32xf32>
    %get3A_1141 = arith.constant 41 : index
    %get3A_1142 = arith.constant 0 : index
    %get3A_1143 = arith.constant 0 : index
    %get3A_1144 = vector.load %arg0[%get3A_1141, %get3A_1142, %get3A_1143] : memref<50x1x2000xi32, #tpu.memory_space<vmem>>, vector<1x1x2000xi32>
    %get3A_1145 = vector.shape_cast %get3A_1144 : vector<1x1x2000xi32> to vector<2000xi32>
    %shift_right_arithmetic3A_1146 = arith.constant 5 : i32
    %shift_right_arithmetic3A_1147 = vector.broadcast %shift_right_arithmetic3A_1146 : i32 to vector<2000xi32>
    %shift_right_arithmetic3A_1148 = arith.shrsi %get3A_1145, %shift_right_arithmetic3A_1147 : vector<2000xi32>
    %broadcast_in_dim3A_1149 = vector.shape_cast %shift_right_arithmetic3A_1148 : vector<2000xi32> to vector<1x2000xi32>
    %and3A_1150 = arith.constant 31 : i32
    %and3A_1151 = vector.broadcast %and3A_1150 : i32 to vector<2000xi32>
    %and3A_1152 = arith.andi %get3A_1145, %and3A_1151 : vector<2000xi32>
    %broadcast_in_dim3A_1153 = vector.shape_cast %and3A_1152 : vector<2000xi32> to vector<1x2000xi32>
    %iota3A_1154 = tpu.iota {dimensions = array<i32: 0>} : vector<16x2000xi32>
    %eq3A_1155 = vector.broadcast %broadcast_in_dim3A_1149 : vector<1x2000xi32> to vector<16x2000xi32>
    %eq3A_1156 = arith.cmpi eq, %iota3A_1154, %eq3A_1155 : vector<16x2000xi32>
    %convert_element_type3A_1157 = arith.extui %eq3A_1156 : vector<16x2000xi1> to vector<16x2000xi32>
    %convert_element_type3A_1158 = arith.sitofp %convert_element_type3A_1157 : vector<16x2000xi32> to vector<16x2000xf32>
    %convert_element_type3A_1159 = arith.truncf %convert_element_type3A_1158 : vector<16x2000xf32> to vector<16x2000xbf16>
    %iota3A_1160 = tpu.iota {dimensions = array<i32: 0>} : vector<32x2000xi32>
    %eq3A_1161 = vector.broadcast %broadcast_in_dim3A_1153 : vector<1x2000xi32> to vector<32x2000xi32>
    %eq3A_1162 = arith.cmpi eq, %iota3A_1160, %eq3A_1161 : vector<32x2000xi32>
    %convert_element_type3A_1163 = arith.extui %eq3A_1162 : vector<32x2000xi1> to vector<32x2000xi32>
    %convert_element_type3A_1164 = arith.sitofp %convert_element_type3A_1163 : vector<32x2000xi32> to vector<32x2000xf32>
    %convert_element_type3A_1165 = arith.truncf %convert_element_type3A_1164 : vector<32x2000xf32> to vector<32x2000xbf16>
    %dot_general3A_1166 = arith.constant dense<0.000000e+00> : vector<16x32xf32>
    %dot_general3A_1167 = tpu.matmul %convert_element_type3A_1159, %convert_element_type3A_1165, %dot_general3A_1166 {dimension_numbers = #tpu.dot_dimension_numbers<[1], [1], [0], [0], [0, 0, 1, 0], [], []>, transpose_lhs_hint = false} : vector<16x2000xbf16>, vector<32x2000xbf16>, vector<16x32xf32> -> vector<16x32xf32>
    %add3A_1168 = arith.addf %add3A_1140, %dot_general3A_1167 : vector<16x32xf32>
    %get3A_1169 = arith.constant 42 : index
    %get3A_1170 = arith.constant 0 : index
    %get3A_1171 = arith.constant 0 : index
    %get3A_1172 = vector.load %arg0[%get3A_1169, %get3A_1170, %get3A_1171] : memref<50x1x2000xi32, #tpu.memory_space<vmem>>, vector<1x1x2000xi32>
    %get3A_1173 = vector.shape_cast %get3A_1172 : vector<1x1x2000xi32> to vector<2000xi32>
    %shift_right_arithmetic3A_1174 = arith.constant 5 : i32
    %shift_right_arithmetic3A_1175 = vector.broadcast %shift_right_arithmetic3A_1174 : i32 to vector<2000xi32>
    %shift_right_arithmetic3A_1176 = arith.shrsi %get3A_1173, %shift_right_arithmetic3A_1175 : vector<2000xi32>
    %broadcast_in_dim3A_1177 = vector.shape_cast %shift_right_arithmetic3A_1176 : vector<2000xi32> to vector<1x2000xi32>
    %and3A_1178 = arith.constant 31 : i32
    %and3A_1179 = vector.broadcast %and3A_1178 : i32 to vector<2000xi32>
    %and3A_1180 = arith.andi %get3A_1173, %and3A_1179 : vector<2000xi32>
    %broadcast_in_dim3A_1181 = vector.shape_cast %and3A_1180 : vector<2000xi32> to vector<1x2000xi32>
    %iota3A_1182 = tpu.iota {dimensions = array<i32: 0>} : vector<16x2000xi32>
    %eq3A_1183 = vector.broadcast %broadcast_in_dim3A_1177 : vector<1x2000xi32> to vector<16x2000xi32>
    %eq3A_1184 = arith.cmpi eq, %iota3A_1182, %eq3A_1183 : vector<16x2000xi32>
    %convert_element_type3A_1185 = arith.extui %eq3A_1184 : vector<16x2000xi1> to vector<16x2000xi32>
    %convert_element_type3A_1186 = arith.sitofp %convert_element_type3A_1185 : vector<16x2000xi32> to vector<16x2000xf32>
    %convert_element_type3A_1187 = arith.truncf %convert_element_type3A_1186 : vector<16x2000xf32> to vector<16x2000xbf16>
    %iota3A_1188 = tpu.iota {dimensions = array<i32: 0>} : vector<32x2000xi32>
    %eq3A_1189 = vector.broadcast %broadcast_in_dim3A_1181 : vector<1x2000xi32> to vector<32x2000xi32>
    %eq3A_1190 = arith.cmpi eq, %iota3A_1188, %eq3A_1189 : vector<32x2000xi32>
    %convert_element_type3A_1191 = arith.extui %eq3A_1190 : vector<32x2000xi1> to vector<32x2000xi32>
    %convert_element_type3A_1192 = arith.sitofp %convert_element_type3A_1191 : vector<32x2000xi32> to vector<32x2000xf32>
    %convert_element_type3A_1193 = arith.truncf %convert_element_type3A_1192 : vector<32x2000xf32> to vector<32x2000xbf16>
    %dot_general3A_1194 = arith.constant dense<0.000000e+00> : vector<16x32xf32>
    %dot_general3A_1195 = tpu.matmul %convert_element_type3A_1187, %convert_element_type3A_1193, %dot_general3A_1194 {dimension_numbers = #tpu.dot_dimension_numbers<[1], [1], [0], [0], [0, 0, 1, 0], [], []>, transpose_lhs_hint = false} : vector<16x2000xbf16>, vector<32x2000xbf16>, vector<16x32xf32> -> vector<16x32xf32>
    %add3A_1196 = arith.addf %add3A_1168, %dot_general3A_1195 : vector<16x32xf32>
    %get3A_1197 = arith.constant 43 : index
    %get3A_1198 = arith.constant 0 : index
    %get3A_1199 = arith.constant 0 : index
    %get3A_1200 = vector.load %arg0[%get3A_1197, %get3A_1198, %get3A_1199] : memref<50x1x2000xi32, #tpu.memory_space<vmem>>, vector<1x1x2000xi32>
    %get3A_1201 = vector.shape_cast %get3A_1200 : vector<1x1x2000xi32> to vector<2000xi32>
    %shift_right_arithmetic3A_1202 = arith.constant 5 : i32
    %shift_right_arithmetic3A_1203 = vector.broadcast %shift_right_arithmetic3A_1202 : i32 to vector<2000xi32>
    %shift_right_arithmetic3A_1204 = arith.shrsi %get3A_1201, %shift_right_arithmetic3A_1203 : vector<2000xi32>
    %broadcast_in_dim3A_1205 = vector.shape_cast %shift_right_arithmetic3A_1204 : vector<2000xi32> to vector<1x2000xi32>
    %and3A_1206 = arith.constant 31 : i32
    %and3A_1207 = vector.broadcast %and3A_1206 : i32 to vector<2000xi32>
    %and3A_1208 = arith.andi %get3A_1201, %and3A_1207 : vector<2000xi32>
    %broadcast_in_dim3A_1209 = vector.shape_cast %and3A_1208 : vector<2000xi32> to vector<1x2000xi32>
    %iota3A_1210 = tpu.iota {dimensions = array<i32: 0>} : vector<16x2000xi32>
    %eq3A_1211 = vector.broadcast %broadcast_in_dim3A_1205 : vector<1x2000xi32> to vector<16x2000xi32>
    %eq3A_1212 = arith.cmpi eq, %iota3A_1210, %eq3A_1211 : vector<16x2000xi32>
    %convert_element_type3A_1213 = arith.extui %eq3A_1212 : vector<16x2000xi1> to vector<16x2000xi32>
    %convert_element_type3A_1214 = arith.sitofp %convert_element_type3A_1213 : vector<16x2000xi32> to vector<16x2000xf32>
    %convert_element_type3A_1215 = arith.truncf %convert_element_type3A_1214 : vector<16x2000xf32> to vector<16x2000xbf16>
    %iota3A_1216 = tpu.iota {dimensions = array<i32: 0>} : vector<32x2000xi32>
    %eq3A_1217 = vector.broadcast %broadcast_in_dim3A_1209 : vector<1x2000xi32> to vector<32x2000xi32>
    %eq3A_1218 = arith.cmpi eq, %iota3A_1216, %eq3A_1217 : vector<32x2000xi32>
    %convert_element_type3A_1219 = arith.extui %eq3A_1218 : vector<32x2000xi1> to vector<32x2000xi32>
    %convert_element_type3A_1220 = arith.sitofp %convert_element_type3A_1219 : vector<32x2000xi32> to vector<32x2000xf32>
    %convert_element_type3A_1221 = arith.truncf %convert_element_type3A_1220 : vector<32x2000xf32> to vector<32x2000xbf16>
    %dot_general3A_1222 = arith.constant dense<0.000000e+00> : vector<16x32xf32>
    %dot_general3A_1223 = tpu.matmul %convert_element_type3A_1215, %convert_element_type3A_1221, %dot_general3A_1222 {dimension_numbers = #tpu.dot_dimension_numbers<[1], [1], [0], [0], [0, 0, 1, 0], [], []>, transpose_lhs_hint = false} : vector<16x2000xbf16>, vector<32x2000xbf16>, vector<16x32xf32> -> vector<16x32xf32>
    %add3A_1224 = arith.addf %add3A_1196, %dot_general3A_1223 : vector<16x32xf32>
    %get3A_1225 = arith.constant 44 : index
    %get3A_1226 = arith.constant 0 : index
    %get3A_1227 = arith.constant 0 : index
    %get3A_1228 = vector.load %arg0[%get3A_1225, %get3A_1226, %get3A_1227] : memref<50x1x2000xi32, #tpu.memory_space<vmem>>, vector<1x1x2000xi32>
    %get3A_1229 = vector.shape_cast %get3A_1228 : vector<1x1x2000xi32> to vector<2000xi32>
    %shift_right_arithmetic3A_1230 = arith.constant 5 : i32
    %shift_right_arithmetic3A_1231 = vector.broadcast %shift_right_arithmetic3A_1230 : i32 to vector<2000xi32>
    %shift_right_arithmetic3A_1232 = arith.shrsi %get3A_1229, %shift_right_arithmetic3A_1231 : vector<2000xi32>
    %broadcast_in_dim3A_1233 = vector.shape_cast %shift_right_arithmetic3A_1232 : vector<2000xi32> to vector<1x2000xi32>
    %and3A_1234 = arith.constant 31 : i32
    %and3A_1235 = vector.broadcast %and3A_1234 : i32 to vector<2000xi32>
    %and3A_1236 = arith.andi %get3A_1229, %and3A_1235 : vector<2000xi32>
    %broadcast_in_dim3A_1237 = vector.shape_cast %and3A_1236 : vector<2000xi32> to vector<1x2000xi32>
    %iota3A_1238 = tpu.iota {dimensions = array<i32: 0>} : vector<16x2000xi32>
    %eq3A_1239 = vector.broadcast %broadcast_in_dim3A_1233 : vector<1x2000xi32> to vector<16x2000xi32>
    %eq3A_1240 = arith.cmpi eq, %iota3A_1238, %eq3A_1239 : vector<16x2000xi32>
    %convert_element_type3A_1241 = arith.extui %eq3A_1240 : vector<16x2000xi1> to vector<16x2000xi32>
    %convert_element_type3A_1242 = arith.sitofp %convert_element_type3A_1241 : vector<16x2000xi32> to vector<16x2000xf32>
    %convert_element_type3A_1243 = arith.truncf %convert_element_type3A_1242 : vector<16x2000xf32> to vector<16x2000xbf16>
    %iota3A_1244 = tpu.iota {dimensions = array<i32: 0>} : vector<32x2000xi32>
    %eq3A_1245 = vector.broadcast %broadcast_in_dim3A_1237 : vector<1x2000xi32> to vector<32x2000xi32>
    %eq3A_1246 = arith.cmpi eq, %iota3A_1244, %eq3A_1245 : vector<32x2000xi32>
    %convert_element_type3A_1247 = arith.extui %eq3A_1246 : vector<32x2000xi1> to vector<32x2000xi32>
    %convert_element_type3A_1248 = arith.sitofp %convert_element_type3A_1247 : vector<32x2000xi32> to vector<32x2000xf32>
    %convert_element_type3A_1249 = arith.truncf %convert_element_type3A_1248 : vector<32x2000xf32> to vector<32x2000xbf16>
    %dot_general3A_1250 = arith.constant dense<0.000000e+00> : vector<16x32xf32>
    %dot_general3A_1251 = tpu.matmul %convert_element_type3A_1243, %convert_element_type3A_1249, %dot_general3A_1250 {dimension_numbers = #tpu.dot_dimension_numbers<[1], [1], [0], [0], [0, 0, 1, 0], [], []>, transpose_lhs_hint = false} : vector<16x2000xbf16>, vector<32x2000xbf16>, vector<16x32xf32> -> vector<16x32xf32>
    %add3A_1252 = arith.addf %add3A_1224, %dot_general3A_1251 : vector<16x32xf32>
    %get3A_1253 = arith.constant 45 : index
    %get3A_1254 = arith.constant 0 : index
    %get3A_1255 = arith.constant 0 : index
    %get3A_1256 = vector.load %arg0[%get3A_1253, %get3A_1254, %get3A_1255] : memref<50x1x2000xi32, #tpu.memory_space<vmem>>, vector<1x1x2000xi32>
    %get3A_1257 = vector.shape_cast %get3A_1256 : vector<1x1x2000xi32> to vector<2000xi32>
    %shift_right_arithmetic3A_1258 = arith.constant 5 : i32
    %shift_right_arithmetic3A_1259 = vector.broadcast %shift_right_arithmetic3A_1258 : i32 to vector<2000xi32>
    %shift_right_arithmetic3A_1260 = arith.shrsi %get3A_1257, %shift_right_arithmetic3A_1259 : vector<2000xi32>
    %broadcast_in_dim3A_1261 = vector.shape_cast %shift_right_arithmetic3A_1260 : vector<2000xi32> to vector<1x2000xi32>
    %and3A_1262 = arith.constant 31 : i32
    %and3A_1263 = vector.broadcast %and3A_1262 : i32 to vector<2000xi32>
    %and3A_1264 = arith.andi %get3A_1257, %and3A_1263 : vector<2000xi32>
    %broadcast_in_dim3A_1265 = vector.shape_cast %and3A_1264 : vector<2000xi32> to vector<1x2000xi32>
    %iota3A_1266 = tpu.iota {dimensions = array<i32: 0>} : vector<16x2000xi32>
    %eq3A_1267 = vector.broadcast %broadcast_in_dim3A_1261 : vector<1x2000xi32> to vector<16x2000xi32>
    %eq3A_1268 = arith.cmpi eq, %iota3A_1266, %eq3A_1267 : vector<16x2000xi32>
    %convert_element_type3A_1269 = arith.extui %eq3A_1268 : vector<16x2000xi1> to vector<16x2000xi32>
    %convert_element_type3A_1270 = arith.sitofp %convert_element_type3A_1269 : vector<16x2000xi32> to vector<16x2000xf32>
    %convert_element_type3A_1271 = arith.truncf %convert_element_type3A_1270 : vector<16x2000xf32> to vector<16x2000xbf16>
    %iota3A_1272 = tpu.iota {dimensions = array<i32: 0>} : vector<32x2000xi32>
    %eq3A_1273 = vector.broadcast %broadcast_in_dim3A_1265 : vector<1x2000xi32> to vector<32x2000xi32>
    %eq3A_1274 = arith.cmpi eq, %iota3A_1272, %eq3A_1273 : vector<32x2000xi32>
    %convert_element_type3A_1275 = arith.extui %eq3A_1274 : vector<32x2000xi1> to vector<32x2000xi32>
    %convert_element_type3A_1276 = arith.sitofp %convert_element_type3A_1275 : vector<32x2000xi32> to vector<32x2000xf32>
    %convert_element_type3A_1277 = arith.truncf %convert_element_type3A_1276 : vector<32x2000xf32> to vector<32x2000xbf16>
    %dot_general3A_1278 = arith.constant dense<0.000000e+00> : vector<16x32xf32>
    %dot_general3A_1279 = tpu.matmul %convert_element_type3A_1271, %convert_element_type3A_1277, %dot_general3A_1278 {dimension_numbers = #tpu.dot_dimension_numbers<[1], [1], [0], [0], [0, 0, 1, 0], [], []>, transpose_lhs_hint = false} : vector<16x2000xbf16>, vector<32x2000xbf16>, vector<16x32xf32> -> vector<16x32xf32>
    %add3A_1280 = arith.addf %add3A_1252, %dot_general3A_1279 : vector<16x32xf32>
    %get3A_1281 = arith.constant 46 : index
    %get3A_1282 = arith.constant 0 : index
    %get3A_1283 = arith.constant 0 : index
    %get3A_1284 = vector.load %arg0[%get3A_1281, %get3A_1282, %get3A_1283] : memref<50x1x2000xi32, #tpu.memory_space<vmem>>, vector<1x1x2000xi32>
    %get3A_1285 = vector.shape_cast %get3A_1284 : vector<1x1x2000xi32> to vector<2000xi32>
    %shift_right_arithmetic3A_1286 = arith.constant 5 : i32
    %shift_right_arithmetic3A_1287 = vector.broadcast %shift_right_arithmetic3A_1286 : i32 to vector<2000xi32>
    %shift_right_arithmetic3A_1288 = arith.shrsi %get3A_1285, %shift_right_arithmetic3A_1287 : vector<2000xi32>
    %broadcast_in_dim3A_1289 = vector.shape_cast %shift_right_arithmetic3A_1288 : vector<2000xi32> to vector<1x2000xi32>
    %and3A_1290 = arith.constant 31 : i32
    %and3A_1291 = vector.broadcast %and3A_1290 : i32 to vector<2000xi32>
    %and3A_1292 = arith.andi %get3A_1285, %and3A_1291 : vector<2000xi32>
    %broadcast_in_dim3A_1293 = vector.shape_cast %and3A_1292 : vector<2000xi32> to vector<1x2000xi32>
    %iota3A_1294 = tpu.iota {dimensions = array<i32: 0>} : vector<16x2000xi32>
    %eq3A_1295 = vector.broadcast %broadcast_in_dim3A_1289 : vector<1x2000xi32> to vector<16x2000xi32>
    %eq3A_1296 = arith.cmpi eq, %iota3A_1294, %eq3A_1295 : vector<16x2000xi32>
    %convert_element_type3A_1297 = arith.extui %eq3A_1296 : vector<16x2000xi1> to vector<16x2000xi32>
    %convert_element_type3A_1298 = arith.sitofp %convert_element_type3A_1297 : vector<16x2000xi32> to vector<16x2000xf32>
    %convert_element_type3A_1299 = arith.truncf %convert_element_type3A_1298 : vector<16x2000xf32> to vector<16x2000xbf16>
    %iota3A_1300 = tpu.iota {dimensions = array<i32: 0>} : vector<32x2000xi32>
    %eq3A_1301 = vector.broadcast %broadcast_in_dim3A_1293 : vector<1x2000xi32> to vector<32x2000xi32>
    %eq3A_1302 = arith.cmpi eq, %iota3A_1300, %eq3A_1301 : vector<32x2000xi32>
    %convert_element_type3A_1303 = arith.extui %eq3A_1302 : vector<32x2000xi1> to vector<32x2000xi32>
    %convert_element_type3A_1304 = arith.sitofp %convert_element_type3A_1303 : vector<32x2000xi32> to vector<32x2000xf32>
    %convert_element_type3A_1305 = arith.truncf %convert_element_type3A_1304 : vector<32x2000xf32> to vector<32x2000xbf16>
    %dot_general3A_1306 = arith.constant dense<0.000000e+00> : vector<16x32xf32>
    %dot_general3A_1307 = tpu.matmul %convert_element_type3A_1299, %convert_element_type3A_1305, %dot_general3A_1306 {dimension_numbers = #tpu.dot_dimension_numbers<[1], [1], [0], [0], [0, 0, 1, 0], [], []>, transpose_lhs_hint = false} : vector<16x2000xbf16>, vector<32x2000xbf16>, vector<16x32xf32> -> vector<16x32xf32>
    %add3A_1308 = arith.addf %add3A_1280, %dot_general3A_1307 : vector<16x32xf32>
    %get3A_1309 = arith.constant 47 : index
    %get3A_1310 = arith.constant 0 : index
    %get3A_1311 = arith.constant 0 : index
    %get3A_1312 = vector.load %arg0[%get3A_1309, %get3A_1310, %get3A_1311] : memref<50x1x2000xi32, #tpu.memory_space<vmem>>, vector<1x1x2000xi32>
    %get3A_1313 = vector.shape_cast %get3A_1312 : vector<1x1x2000xi32> to vector<2000xi32>
    %shift_right_arithmetic3A_1314 = arith.constant 5 : i32
    %shift_right_arithmetic3A_1315 = vector.broadcast %shift_right_arithmetic3A_1314 : i32 to vector<2000xi32>
    %shift_right_arithmetic3A_1316 = arith.shrsi %get3A_1313, %shift_right_arithmetic3A_1315 : vector<2000xi32>
    %broadcast_in_dim3A_1317 = vector.shape_cast %shift_right_arithmetic3A_1316 : vector<2000xi32> to vector<1x2000xi32>
    %and3A_1318 = arith.constant 31 : i32
    %and3A_1319 = vector.broadcast %and3A_1318 : i32 to vector<2000xi32>
    %and3A_1320 = arith.andi %get3A_1313, %and3A_1319 : vector<2000xi32>
    %broadcast_in_dim3A_1321 = vector.shape_cast %and3A_1320 : vector<2000xi32> to vector<1x2000xi32>
    %iota3A_1322 = tpu.iota {dimensions = array<i32: 0>} : vector<16x2000xi32>
    %eq3A_1323 = vector.broadcast %broadcast_in_dim3A_1317 : vector<1x2000xi32> to vector<16x2000xi32>
    %eq3A_1324 = arith.cmpi eq, %iota3A_1322, %eq3A_1323 : vector<16x2000xi32>
    %convert_element_type3A_1325 = arith.extui %eq3A_1324 : vector<16x2000xi1> to vector<16x2000xi32>
    %convert_element_type3A_1326 = arith.sitofp %convert_element_type3A_1325 : vector<16x2000xi32> to vector<16x2000xf32>
    %convert_element_type3A_1327 = arith.truncf %convert_element_type3A_1326 : vector<16x2000xf32> to vector<16x2000xbf16>
    %iota3A_1328 = tpu.iota {dimensions = array<i32: 0>} : vector<32x2000xi32>
    %eq3A_1329 = vector.broadcast %broadcast_in_dim3A_1321 : vector<1x2000xi32> to vector<32x2000xi32>
    %eq3A_1330 = arith.cmpi eq, %iota3A_1328, %eq3A_1329 : vector<32x2000xi32>
    %convert_element_type3A_1331 = arith.extui %eq3A_1330 : vector<32x2000xi1> to vector<32x2000xi32>
    %convert_element_type3A_1332 = arith.sitofp %convert_element_type3A_1331 : vector<32x2000xi32> to vector<32x2000xf32>
    %convert_element_type3A_1333 = arith.truncf %convert_element_type3A_1332 : vector<32x2000xf32> to vector<32x2000xbf16>
    %dot_general3A_1334 = arith.constant dense<0.000000e+00> : vector<16x32xf32>
    %dot_general3A_1335 = tpu.matmul %convert_element_type3A_1327, %convert_element_type3A_1333, %dot_general3A_1334 {dimension_numbers = #tpu.dot_dimension_numbers<[1], [1], [0], [0], [0, 0, 1, 0], [], []>, transpose_lhs_hint = false} : vector<16x2000xbf16>, vector<32x2000xbf16>, vector<16x32xf32> -> vector<16x32xf32>
    %add3A_1336 = arith.addf %add3A_1308, %dot_general3A_1335 : vector<16x32xf32>
    %get3A_1337 = arith.constant 48 : index
    %get3A_1338 = arith.constant 0 : index
    %get3A_1339 = arith.constant 0 : index
    %get3A_1340 = vector.load %arg0[%get3A_1337, %get3A_1338, %get3A_1339] : memref<50x1x2000xi32, #tpu.memory_space<vmem>>, vector<1x1x2000xi32>
    %get3A_1341 = vector.shape_cast %get3A_1340 : vector<1x1x2000xi32> to vector<2000xi32>
    %shift_right_arithmetic3A_1342 = arith.constant 5 : i32
    %shift_right_arithmetic3A_1343 = vector.broadcast %shift_right_arithmetic3A_1342 : i32 to vector<2000xi32>
    %shift_right_arithmetic3A_1344 = arith.shrsi %get3A_1341, %shift_right_arithmetic3A_1343 : vector<2000xi32>
    %broadcast_in_dim3A_1345 = vector.shape_cast %shift_right_arithmetic3A_1344 : vector<2000xi32> to vector<1x2000xi32>
    %and3A_1346 = arith.constant 31 : i32
    %and3A_1347 = vector.broadcast %and3A_1346 : i32 to vector<2000xi32>
    %and3A_1348 = arith.andi %get3A_1341, %and3A_1347 : vector<2000xi32>
    %broadcast_in_dim3A_1349 = vector.shape_cast %and3A_1348 : vector<2000xi32> to vector<1x2000xi32>
    %iota3A_1350 = tpu.iota {dimensions = array<i32: 0>} : vector<16x2000xi32>
    %eq3A_1351 = vector.broadcast %broadcast_in_dim3A_1345 : vector<1x2000xi32> to vector<16x2000xi32>
    %eq3A_1352 = arith.cmpi eq, %iota3A_1350, %eq3A_1351 : vector<16x2000xi32>
    %convert_element_type3A_1353 = arith.extui %eq3A_1352 : vector<16x2000xi1> to vector<16x2000xi32>
    %convert_element_type3A_1354 = arith.sitofp %convert_element_type3A_1353 : vector<16x2000xi32> to vector<16x2000xf32>
    %convert_element_type3A_1355 = arith.truncf %convert_element_type3A_1354 : vector<16x2000xf32> to vector<16x2000xbf16>
    %iota3A_1356 = tpu.iota {dimensions = array<i32: 0>} : vector<32x2000xi32>
    %eq3A_1357 = vector.broadcast %broadcast_in_dim3A_1349 : vector<1x2000xi32> to vector<32x2000xi32>
    %eq3A_1358 = arith.cmpi eq, %iota3A_1356, %eq3A_1357 : vector<32x2000xi32>
    %convert_element_type3A_1359 = arith.extui %eq3A_1358 : vector<32x2000xi1> to vector<32x2000xi32>
    %convert_element_type3A_1360 = arith.sitofp %convert_element_type3A_1359 : vector<32x2000xi32> to vector<32x2000xf32>
    %convert_element_type3A_1361 = arith.truncf %convert_element_type3A_1360 : vector<32x2000xf32> to vector<32x2000xbf16>
    %dot_general3A_1362 = arith.constant dense<0.000000e+00> : vector<16x32xf32>
    %dot_general3A_1363 = tpu.matmul %convert_element_type3A_1355, %convert_element_type3A_1361, %dot_general3A_1362 {dimension_numbers = #tpu.dot_dimension_numbers<[1], [1], [0], [0], [0, 0, 1, 0], [], []>, transpose_lhs_hint = false} : vector<16x2000xbf16>, vector<32x2000xbf16>, vector<16x32xf32> -> vector<16x32xf32>
    %add3A_1364 = arith.addf %add3A_1336, %dot_general3A_1363 : vector<16x32xf32>
    %get3A_1365 = arith.constant 49 : index
    %get3A_1366 = arith.constant 0 : index
    %get3A_1367 = arith.constant 0 : index
    %get3A_1368 = vector.load %arg0[%get3A_1365, %get3A_1366, %get3A_1367] : memref<50x1x2000xi32, #tpu.memory_space<vmem>>, vector<1x1x2000xi32>
    %get3A_1369 = vector.shape_cast %get3A_1368 : vector<1x1x2000xi32> to vector<2000xi32>
    %shift_right_arithmetic3A_1370 = arith.constant 5 : i32
    %shift_right_arithmetic3A_1371 = vector.broadcast %shift_right_arithmetic3A_1370 : i32 to vector<2000xi32>
    %shift_right_arithmetic3A_1372 = arith.shrsi %get3A_1369, %shift_right_arithmetic3A_1371 : vector<2000xi32>
    %broadcast_in_dim3A_1373 = vector.shape_cast %shift_right_arithmetic3A_1372 : vector<2000xi32> to vector<1x2000xi32>
    %and3A_1374 = arith.constant 31 : i32
    %and3A_1375 = vector.broadcast %and3A_1374 : i32 to vector<2000xi32>
    %and3A_1376 = arith.andi %get3A_1369, %and3A_1375 : vector<2000xi32>
    %broadcast_in_dim3A_1377 = vector.shape_cast %and3A_1376 : vector<2000xi32> to vector<1x2000xi32>
    %iota3A_1378 = tpu.iota {dimensions = array<i32: 0>} : vector<16x2000xi32>
    %eq3A_1379 = vector.broadcast %broadcast_in_dim3A_1373 : vector<1x2000xi32> to vector<16x2000xi32>
    %eq3A_1380 = arith.cmpi eq, %iota3A_1378, %eq3A_1379 : vector<16x2000xi32>
    %convert_element_type3A_1381 = arith.extui %eq3A_1380 : vector<16x2000xi1> to vector<16x2000xi32>
    %convert_element_type3A_1382 = arith.sitofp %convert_element_type3A_1381 : vector<16x2000xi32> to vector<16x2000xf32>
    %convert_element_type3A_1383 = arith.truncf %convert_element_type3A_1382 : vector<16x2000xf32> to vector<16x2000xbf16>
    %iota3A_1384 = tpu.iota {dimensions = array<i32: 0>} : vector<32x2000xi32>
    %eq3A_1385 = vector.broadcast %broadcast_in_dim3A_1377 : vector<1x2000xi32> to vector<32x2000xi32>
    %eq3A_1386 = arith.cmpi eq, %iota3A_1384, %eq3A_1385 : vector<32x2000xi32>
    %convert_element_type3A_1387 = arith.extui %eq3A_1386 : vector<32x2000xi1> to vector<32x2000xi32>
    %convert_element_type3A_1388 = arith.sitofp %convert_element_type3A_1387 : vector<32x2000xi32> to vector<32x2000xf32>
    %convert_element_type3A_1389 = arith.truncf %convert_element_type3A_1388 : vector<32x2000xf32> to vector<32x2000xbf16>
    %dot_general3A_1390 = arith.constant dense<0.000000e+00> : vector<16x32xf32>
    %dot_general3A_1391 = tpu.matmul %convert_element_type3A_1383, %convert_element_type3A_1389, %dot_general3A_1390 {dimension_numbers = #tpu.dot_dimension_numbers<[1], [1], [0], [0], [0, 0, 1, 0], [], []>, transpose_lhs_hint = false} : vector<16x2000xbf16>, vector<32x2000xbf16>, vector<16x32xf32> -> vector<16x32xf32>
    %add3A_1392 = arith.addf %add3A_1364, %dot_general3A_1391 : vector<16x32xf32>
    %iota3A_1393 = tpu.iota {dimensions = array<i32: 1>} : vector<512x16xi32>
    %iota3A_1394 = tpu.iota {dimensions = array<i32: 0>} : vector<512x16xi32>
    %shift_right_arithmetic3A_1395 = arith.constant 5 : i32
    %shift_right_arithmetic3A_1396 = vector.broadcast %shift_right_arithmetic3A_1395 : i32 to vector<512x16xi32>
    %shift_right_arithmetic3A_1397 = arith.shrsi %iota3A_1394, %shift_right_arithmetic3A_1396 : vector<512x16xi32>
    %eq3A_1398 = arith.cmpi eq, %iota3A_1393, %shift_right_arithmetic3A_1397 : vector<512x16xi32>
    %convert_element_type3A_1399 = arith.extui %eq3A_1398 : vector<512x16xi1> to vector<512x16xi32>
    %convert_element_type3A_1400 = arith.sitofp %convert_element_type3A_1399 : vector<512x16xi32> to vector<512x16xf32>
    %dot_general3A_1401 = arith.constant dense<0.000000e+00> : vector<512x32xf32>
    %dot_general3A_1402 = tpu.matmul %convert_element_type3A_1400, %add3A_1392, %dot_general3A_1401 {dimension_numbers = #tpu.dot_dimension_numbers<[1], [0], [0], [1], [0, 0, 1, 1], [], []>, transpose_lhs_hint = false} : vector<512x16xf32>, vector<16x32xf32>, vector<512x32xf32> -> vector<512x32xf32>
    %iota3A_1403 = tpu.iota {dimensions = array<i32: 1>} : vector<512x32xi32>
    %iota3A_1404 = tpu.iota {dimensions = array<i32: 0>} : vector<512x32xi32>
    %and3A_1405 = arith.constant 31 : i32
    %and3A_1406 = vector.broadcast %and3A_1405 : i32 to vector<512x32xi32>
    %and3A_1407 = arith.andi %iota3A_1404, %and3A_1406 : vector<512x32xi32>
    %eq3A_1408 = arith.cmpi eq, %iota3A_1403, %and3A_1407 : vector<512x32xi32>
    %jit3A = arith.constant 0.000000e+00 : f32
    %broadcast_in_dim3A_1409 = vector.broadcast %jit3A : f32 to vector<512x32xf32>
    %select_n3A = arith.select %eq3A_1408, %dot_general3A_1402, %broadcast_in_dim3A_1409 : vector<512x32xi1>, vector<512x32xf32>
    %reduce_sum3A = arith.constant dense<0.000000e+00> : vector<512xf32>
    %reduce_sum3A_1410 = vector.multi_reduction <add>, %select_n3A, %reduce_sum3A [1] : vector<512x32xf32> to vector<512xf32>
    %broadcast_in_dim3A_1411 = vector.shape_cast %reduce_sum3A_1410 : vector<512xf32> to vector<512x1xf32>
    %swap3A = arith.constant 0 : index
    %swap3A_1412 = arith.constant 0 : index
    %swap3A_1413 = vector.load %arg1[%swap3A, %swap3A_1412] : memref<512x1xf32, #tpu.memory_space<vmem>>, vector<512x1xf32>
    tpu.vector_store %arg1[%swap3A, %swap3A_1412], %broadcast_in_dim3A_1411 {strides = array<i32>} : memref<512x1xf32, #tpu.memory_space<vmem>>, vector<512x1xf32>,
    return
  }
}

module attributes {stable_mosaic.version = 14 : i64} {
  func.func @body(%arg0: memref<2x512x128xf32, #tpu.memory_space<vmem>>, %arg1: memref<512x128xf32, #tpu.memory_space<vmem>>, %arg2: memref<512x1xf32, #tpu.memory_space<vmem>>, %arg3: memref<10x128xf32, #tpu.memory_space<vmem>>, %arg4: memref<512x10xf32, #tpu.memory_space<vmem>>) attributes {dimension_semantics = [], scalar_prefetch = 0 : i64, scratch_operands = 0 : i64, tpu.core_type = #tpu.core_type<tc>} {
    %get3A = arith.constant 0 : index
    %get3A_0 = arith.constant 0 : index
    %get3A_1 = arith.constant 0 : index
    %get3A_2 = vector.load %arg0[%get3A, %get3A_0, %get3A_1] : memref<2x512x128xf32, #tpu.memory_space<vmem>>, vector<1x512x128xf32>
    %get3A_3 = vector.shape_cast %get3A_2 : vector<1x512x128xf32> to vector<512x128xf32>
    %get3A_4 = arith.constant 1 : index
    %get3A_5 = arith.constant 0 : index
    %get3A_6 = arith.constant 0 : index
    %get3A_7 = vector.load %arg0[%get3A_4, %get3A_5, %get3A_6] : memref<2x512x128xf32, #tpu.memory_space<vmem>>, vector<1x512x128xf32>
    %get3A_8 = vector.shape_cast %get3A_7 : vector<1x512x128xf32> to vector<512x128xf32>
    %add3A = arith.addf %get3A_3, %get3A_8 : vector<512x128xf32>
    %get3A_9 = arith.constant 0 : index
    %get3A_10 = arith.constant 0 : index
    %get3A_11 = vector.load %arg1[%get3A_9, %get3A_10] : memref<512x128xf32, #tpu.memory_space<vmem>>, vector<512x128xf32>
    %add3A_12 = arith.addf %add3A, %get3A_11 : vector<512x128xf32>
    %get3A_13 = arith.constant 0 : index
    %get3A_14 = arith.constant 0 : index
    %get3A_15 = vector.load %arg2[%get3A_13, %get3A_14] : memref<512x1xf32, #tpu.memory_space<vmem>>, vector<512x1xf32>
    %max3A = arith.constant 1.000000e+00 : f32
    %max3A_16 = vector.broadcast %max3A : f32 to vector<512x1xf32>
    %max3A_17 = arith.maximumf %get3A_15, %max3A_16 : vector<512x1xf32>
    %div3A = vector.broadcast %max3A_17 : vector<512x1xf32> to vector<512x128xf32>
    %div3A_18 = arith.divf %add3A_12, %div3A : vector<512x128xf32>
    %get3A_19 = arith.constant 0 : index
    %get3A_20 = arith.constant 0 : index
    %get3A_21 = vector.load %arg3[%get3A_19, %get3A_20] : memref<10x128xf32, #tpu.memory_space<vmem>>, vector<10x128xf32>
    %broadcast_in_dim3A = arith.constant 0.000000e+00 : f32
    %broadcast_in_dim3A_22 = vector.broadcast %broadcast_in_dim3A : f32 to vector<6x128xf32>
    %concatenate3A = tpu.concatenate %get3A_21, %broadcast_in_dim3A_22 in 0 : vector<10x128xf32>, vector<6x128xf32> -> vector<16x128xf32>
    %dot_general3A = arith.constant dense<0.000000e+00> : vector<512x16xf32>
    %dot_general3A_23 = tpu.matmul %div3A_18, %concatenate3A, %dot_general3A {dimension_numbers = #tpu.dot_dimension_numbers<[1], [1], [0], [0], [0, 0, 1, 0], [], []>, transpose_lhs_hint = false} : vector<512x128xf32>, vector<16x128xf32>, vector<512x16xf32> -> vector<512x16xf32>
    %iota3A = tpu.iota {dimensions = array<i32: 1>} : vector<512x16xi32>
    %lt3A = arith.constant 10 : i32
    %lt3A_24 = vector.broadcast %lt3A : i32 to vector<512x16xi32>
    %lt3A_25 = arith.cmpi slt, %iota3A, %lt3A_24 : vector<512x16xi32>
    %jit3A = arith.constant -1.000000e+30 : f32
    %broadcast_in_dim3A_26 = vector.broadcast %jit3A : f32 to vector<512x16xf32>
    %select_n3A = arith.select %lt3A_25, %dot_general3A_23, %broadcast_in_dim3A_26 : vector<512x16xi1>, vector<512x16xf32>
    %reduce_max3A = arith.constant dense<0xFF800000> : vector<512xf32>
    %reduce_max3A_27 = vector.multi_reduction <maximumf>, %select_n3A, %reduce_max3A [1] : vector<512x16xf32> to vector<512xf32>
    %broadcast_in_dim3A_28 = vector.shape_cast %reduce_max3A_27 : vector<512xf32> to vector<512x1xf32>
    %sub3A = vector.broadcast %broadcast_in_dim3A_28 : vector<512x1xf32> to vector<512x16xf32>
    %sub3A_29 = arith.subf %select_n3A, %sub3A : vector<512x16xf32>
    %exp3A = math.exp %sub3A_29 : vector<512x16xf32>
    %jit3A_30 = arith.constant 0.000000e+00 : f32
    %broadcast_in_dim3A_31 = vector.broadcast %jit3A_30 : f32 to vector<512x16xf32>
    %select_n3A_32 = arith.select %lt3A_25, %exp3A, %broadcast_in_dim3A_31 : vector<512x16xi1>, vector<512x16xf32>
    %reduce_sum3A = arith.constant dense<0.000000e+00> : vector<512xf32>
    %reduce_sum3A_33 = vector.multi_reduction <add>, %select_n3A_32, %reduce_sum3A [1] : vector<512x16xf32> to vector<512xf32>
    %broadcast_in_dim3A_34 = vector.shape_cast %reduce_sum3A_33 : vector<512xf32> to vector<512x1xf32>
    %log3A = math.log %broadcast_in_dim3A_34 : vector<512x1xf32>
    %add3A_35 = arith.addf %log3A, %broadcast_in_dim3A_28 : vector<512x1xf32>
    %sub3A_36 = vector.broadcast %add3A_35 : vector<512x1xf32> to vector<512x16xf32>
    %sub3A_37 = arith.subf %select_n3A, %sub3A_36 : vector<512x16xf32>
    %slice3A = vector.extract_strided_slice %sub3A_37 {offsets = [0, 0], sizes = [512, 10], strides = [1, 1]} : vector<512x16xf32> to vector<512x10xf32>
    %swap3A = arith.constant 0 : index
    %swap3A_38 = arith.constant 0 : index
    %swap3A_39 = vector.load %arg4[%swap3A, %swap3A_38] : memref<512x10xf32, #tpu.memory_space<vmem>>, vector<512x10xf32>
    tpu.vector_store %arg4[%swap3A, %swap3A_38], %slice3A {strides = array<i32>} : memref<512x10xf32, #tpu.memory_space<vmem>>, vector<512x10xf32>,
    return
  }
}

</mosaic_0001>

<sc_bundles>
// kernel: kernel.6.cloned.1.call-start
scs
__scs_entry_jumppad:
0x0: {  	(pc) =	sbr.rel $0x88, $3  }
0x1: {  	(tag) =	ssettag $0x0;
	lr =	simm.s32 $0x1  }
0x2: {  	[smem:$0x3F9E] =	sst lr;
	_ =	strace $0xD0000000  }
0x3: {  	_ = 	snop  }
0x4: {  	_ = 	snop  }
0x5: {  	_ = 	snop  }
0x6: {  	_ = 	snop  }
0x7: {  	_ = 	snop  }
__scs_overlays_trampoline_lowered:
0x8: {  	[smem:$0x3FAD] =	sst s0  }
0x9: {  	[smem:$0x3FAE] =	sst s1  }
0xa: {  	[smem:$0x3FAF] =	sst s2  }
0xb: {  	[smem:$0x3FB0] =	sst s3  }
0xc: {  	[smem:$0x3FB1] =	sst s4  }
0xd: {  	[smem:$0x3FB2] =	sst s5  }
0xe: {  	[smem:$0x3FB3] =	sst s6  }
0xf: {  	[smem:$0x3FB4] =	sst s7  }
0x10: {  	[smem:$0x3FB5] =	sst s8  }
0x11: {  	[smem:$0x3FB6] =	sst s9;
	s0 =	simm.s32 @!p0 $0x0  }
0x12: {  	s1 =	sld [smem:$0x3F9C];
	s0 =	simm.s32 @p0 $0x1  }
0x13: {  	[smem:$0x3FB7] =	sst s0;
	s0 =	simm.s32 @!p1 $0x0  }
0x14: {  	s2 =	sld [smem:$0x3F9B];
	s0 =	simm.s32 @p1 $0x1  }
0x15: {  	[smem:$0x3FB8] =	sst s0;
	s0 =	simm.s32 @!p2 $0x0  }
0x16: {  	s3 =	sld [smem:$0x3FDB];
	s0 =	simm.s32 @p2 $0x1  }
0x17: {  	s4 =	simm.s32 $0x1BF5;
	[smem:$0x3FBA] =	sst s0  }
0x18: {  	s0 =	sld [smem:$0x3F9D];
	_ =	swait.ge [sflag:s4], $0x0  }
0x19: {  	s7 =	sld [smem:$0x3F9E]  }
0x1a: {  	s8 =	sadd.s32 $0xFFFFE003, lr  }
0x1b: {  	s9 =	sadd.s32 $0xFFFFFEF7, lr;
	s5 =	simm.s32 $0xFFFFFFFF;
	p2 =	slt.u32 s8, $0xFFFFF086  }
0x1c: {  	p1 =	slt.u32 s9, $0xF7A;
	s5 =	simm.s32 @!p2 $0x0  }
0x1d: {  	s5 =	simm.s32 @p1 $0x1;
	p0 =	seq.s32 s7, s2  }
0x1e: {  	s7 =	smul.u32 @!p0 $0xF7A, s2;
	p2 =	seq.s32 @!p0 s5, $0x0  }
0x1f: {  	s9 =	smul.u32 $0xF7A, s1;
	s8 =	simm.s32 @!p0 $0x1BF5;
	p2 =	por !p2, p0  }
0x20: {  	[sflag:s8] =	ssyncset.s32 @!p0 $0xFFFFF086;
	s6 =	sadd.s32 @!p0 s3, s7;
	s7 =	simm.s32 @!p0 $0x108  }
0x21: {  	s3 =	sadd.s32 s3, s9;
	s6 =	sadd.s32 @!p0 $0x88, s6;
	s7 =	simm.s32 @p2 $0x1082  }
0x22: {  	[simem:s7], [sflag:s8] =	dma.local @!p0 [hbm:s6], $0xF7A  }
0x23: {  	s9 =	sor.u32 $0xD0000000, s2;
	s6 =	simm.s32 $0x108;
	_ =	swait.ge @!p0 [sflag:s8], $0x0  }
0x24: {  	s3 =	sadd.s32 $0x88, s3;
	s6 =	simm.s32 @!p1 $0x1082;
	[sflag:s4] =	ssyncset.s32 $0xFFFFF086  }
0x25: {  	[simem:s6], [sflag:s4] =	dma.local [hbm:s3], $0xF7A  }
0x26: {  	[smem:$0x3F9E] =	sst s1;
	(tag) =	ssettag s2;
	_ =	strace s9  }
0x27: {  	s1 =	sld [smem:$0x3FAE]  }
0x28: {  	s2 =	sld [smem:$0x3FAF]  }
0x29: {  	s4 =	sld [smem:$0x3FB1]  }
0x2a: {  	p0 =	seq.s32 s5, $0x0;
	s5 =	sld [smem:$0x3FB2]  }
0x2b: {  	s6 =	sld [smem:$0x3FB3]  }
0x2c: {  	s7 =	sld [smem:$0x3FB4]  }
0x2d: {  	s3 =	simm.s32 $0x108;
	s8 =	sld [smem:$0x3FB5]  }
0x2e: {  	s3 =	simm.s32 @!p0 $0x1082;
	s9 =	sld [smem:$0x3FB6]  }
0x2f: {  	lr =	sadd.s32 s0, s3;
	s0 =	sld [smem:$0x3FAD]  }
0x30: {  	s3 =	sld [smem:$0x3FB0]  }
0x31: {  	[smem:$0x3FB9] =	sst s10  }
0x32: {  	s10 =	sld [smem:$0x3FB7];
	_ =	sdelay $0x3  }
0x33: {  	p0 =	seq.s32 s10, $0x1;
	s10 =	sld [smem:$0x3FB9];
	_ =	sdelay $0x3  }
0x34: {  	[smem:$0x3FB9] =	sst s10  }
0x35: {  	s10 =	sld [smem:$0x3FB8];
	_ =	sdelay $0x3  }
0x36: {  	p1 =	seq.s32 s10, $0x1;
	s10 =	sld [smem:$0x3FB9];
	_ =	sdelay $0x3  }
0x37: {  	[smem:$0x3FB9] =	sst s10  }
0x38: {  	s10 =	sld [smem:$0x3FBA]  }
0x39: {  	_ = 	snop;
	(pc) =	sbr.ind lr, $3  }
0x3a: {  	_ = 	snop  }
0x3b: {  	_ = 	snop  }
0x3c: {  	p2 =	seq.s32 s10, $0x1;
	s10 =	sld [smem:$0x3FB9]  }
0x3d: {  	_ =	shalt  }
0x3e: {  	_ =	shalt  }
0x3f: {  	_ =	shalt  }
0x40: {  	_ =	shalt  }
0x41: {  	_ =	shalt  }
0x42: {  	_ =	shalt  }
0x43: {  	_ =	shalt  }
0x44: {  	_ =	shalt  }
0x45: {  	_ =	shalt  }
0x46: {  	_ =	shalt  }
0x47: {  	_ =	shalt  }
0x48: {  	_ =	shalt  }
0x49: {  	_ =	shalt  }
0x4a: {  	_ =	shalt  }
0x4b: {  	_ =	shalt  }
0x4c: {  	_ =	shalt  }
0x4d: {  	_ =	shalt  }
0x4e: {  	_ =	shalt  }
0x4f: {  	_ =	shalt  }
0x50: {  	_ =	shalt  }
0x51: {  	_ =	shalt  }
0x52: {  	_ =	shalt  }
0x53: {  	_ =	shalt  }
0x54: {  	_ =	shalt  }
0x55: {  	_ =	shalt  }
0x56: {  	_ =	shalt  }
0x57: {  	_ =	shalt  }
0x58: {  	_ =	shalt  }
0x59: {  	_ =	shalt  }
0x5a: {  	_ =	shalt  }
0x5b: {  	_ =	shalt  }
0x5c: {  	_ =	shalt  }
0x5d: {  	_ =	shalt  }
0x5e: {  	_ =	shalt  }
0x5f: {  	_ =	shalt  }
0x60: {  	_ =	shalt  }
0x61: {  	_ =	shalt  }
0x62: {  	_ =	shalt  }
0x63: {  	_ =	shalt  }
0x64: {  	_ =	shalt  }
0x65: {  	_ =	shalt  }
0x66: {  	_ =	shalt  }
0x67: {  	_ =	shalt  }
0x68: {  	_ =	shalt  }
0x69: {  	_ =	shalt  }
0x6a: {  	_ =	shalt  }
0x6b: {  	_ =	shalt  }
0x6c: {  	_ =	shalt  }
0x6d: {  	_ =	shalt  }
0x6e: {  	_ =	shalt  }
0x6f: {  	_ =	shalt  }
0x70: {  	_ =	shalt  }
0x71: {  	_ =	shalt  }
0x72: {  	_ =	shalt  }
0x73: {  	_ =	shalt  }
0x74: {  	_ =	shalt  }
0x75: {  	_ =	shalt  }
0x76: {  	_ =	shalt  }
0x77: {  	_ =	shalt  }
0x78: {  	_ =	shalt  }
0x79: {  	_ =	shalt  }
0x7a: {  	_ =	shalt  }
0x7b: {  	_ =	shalt  }
0x7c: {  	_ =	shalt  }
0x7d: {  	_ =	shalt  }
0x7e: {  	_ =	shalt  }
0x7f: {  	_ =	shalt  }
0x80: {  	_ =	shalt  }
0x81: {  	_ =	shalt  }
0x82: {  	_ =	shalt  }
0x83: {  	_ =	shalt  }
0x84: {  	_ =	shalt  }
0x85: {  	_ =	shalt  }
0x86: {  	_ =	shalt  }
0x87: {  	_ =	shalt  }
.Lfunc_end0:
.L_simem_size_0:
called_computation_lowered:
.L_overlay_start_0:
0x88: {  	s2 =	sld [smem:$0x3FD9]  }
0x89: {  	s3 =	sld [smem:$0x3FFE];
	_ =	sdelay $0x1  }
0x8a: {  	s1 =	srdreg.scid  }
0x8b: {  	s0 =	sand.u32 $0x1, s1  }
0x8c: {  	s17 =	sshll.u32 s0, $0xA;
	s2 =	sadd.s32 s3, s2  }
0x8d: {  	s2 =	sadd.s32 s2, s17  }
0x8e: {  	[smem:$0x3FC5] =	sst s2  }
0x8f: {  	_ = 	snop  }
0x90: {  	s2 =	sld [smem:$0x3FC9];
	(tm) =	ssettm $0x1  }
0x91: {  	s18 =	sld [smem:$0x3FFB];
	_ =	sdelay $0x3  }
0x92: {  	_ =	strace s18  }
0x93: {  	s3 =	sld [smem:$0x3FFC];
	_ =	sdelay $0x3  }
0x94: {  	_ =	strace s3  }
0x95: {  	s3 =	sld [smem:$0x3FFD];
	_ =	sdelay $0x3  }
0x96: {  	_ =	strace s3  }
0x97: {  	_ =	strace $0x8FFFFFFF  }
0x98: {  	s19 =	sld [smem:$0x3FDB];
	_ =	sdelay $0x1  }
0x99: {  	s4 =	simm.s32 $_scs_section_size  }
0x9a: {  	s5 =	simm.s32 $_size__tile_overlayer_lowered;
	s6 =	simm.s32 $_tile_overlayer_lowered  }
0x9b: {  	s22 =	simm.s32 $0x1BFF;
	s21 =	sshll.u32 s6, $0x1;
	s3 =	sadd.s32 s4, s19  }
0x9c: {  	s7 =	simm.s32 $0x0;
	s20 =	sshll.u32 s5, $0x1;
	s5 =	sadd.s32 s21, s3  }
0x9d: {  	[timem:s7], [sflag:s22] =	dma.local [hbm:s5], s20  }
0x9e: {  	_ =	swait.ge [sflag:s22], s20  }
0x9f: {  	s4 =	ssub.s32 $0x0, s20;
	[sflag:s22] =	ssyncset.done $0x0  }
0xa0: {  	[sflag:s22] =	ssyncadd.s32 s4;
	_ =	sdelay $0x1  }
0xa1: {  	s23 =	simm.s32 $0x1B8B  }
0xa2: {  	_ =	swait.ge [sflag:s23], $0x1  }
0xa3: {  	[sflag:s23] =	ssyncset.done $0x0  }
0xa4: {  	s25 =	simm.s32 $0x1B8E;
	s24 =	sld [smem:$0x3FFE];
	[sflag:s23] =	ssyncadd.s32 $0xFFFFFFFF  }
0xa5: {  	s26 =	simm.s32 $execute0_lowered;
	[smem:$0x3FD2] =	sst s25  }
0xa6: {  	s5 =	sshll.u32 s26, $0x1;
	_ =	strace $0x80000046;
	[dreg:$0x1] =	wrdreg $0xFFFFFFFF  }
0xa7: {  	s28 =	simm.s32 $_size_execute0_lowered;
	s3 =	sadd.s32 s3, s5;
	[dreg:$0x0] =	wrdreg $0x0  }
0xa8: {  	s5 =	sshll.u32 s28, $0x1;
	[dreg:$0x2] =	wrdreg s3  }
0xa9: {  	[dreg:$0x3] =	wrdreg s5  }
0xaa: {  	[dreg:$0x4] =	wrdreg $0xC0  }
0xab: {  	_ =	task [dreg:s7], $0x5FFFF  }
0xac: {  	[dreg:$0x1] =	wrdreg $0xFFFFFFFF  }
0xad: {  	[dreg:$0x0] =	wrdreg $0x60  }
0xae: {  	[dreg:$0x2] =	wrdreg s2  }
0xaf: {  	[dreg:$0x3] =	wrdreg s24  }
0xb0: {  	[dreg:$0x4] =	wrdreg $0x0  }
0xb1: {  	[dreg:$0x5] =	wrdreg $0x9  }
0xb2: {  	_ =	task.clear_ibuf [dreg:s7], $0x6FFFF;
	_ =	strace $0x90000046  }
0xb3: {  	s29 =	simm.s32 $0x9;
	_ =	strace $0x80000048  }
0xb4: {  	_ =	swait.ge [sflag:s29], $0x1  }
0xb5: {  	[sflag:s29] =	ssyncadd.s32 $0xFFFFFFFF  }
0xb6: {  	_ =	strace $0x90000048  }
0xb7: {  	_ =	sfence  }
0xb8: {  	s30 =	sld [smem:$0x0];
	_ =	sdelay $0x2  }
0xb9: {  	s31 =	sshll.u32 s1, $0xD;
	s1 =	sshrl.u32 s1, $0x2  }
0xba: {  	s3 =	sand.u32 $0x4000, s31;
	s1 =	sadd.s32 s1, s30  }
0xbb: {  	s0 =	sor.u32 s3, s0;
	s1 =	sshll.u32 s1, $0x11  }
0xbc: {  	s0 =	sor.u32 s1, s0  }
0xbd: {  	s0 =	sadd.s32 $0x8F2B, s0  }
0xbe: {  	[sflag:s0] =	ssyncadd.remote.s32 $0x1  }
0xbf: {  	_ =	sfence.sel $0xFFFF  }
0xc0: {  	[dreg:$0x0] =	wrdreg $0xFFFFFFFF;
	(pc) =	sbr.abs _section_cstart, $3  }
0xc1: {  	[dreg:$0x1] =	wrdreg $0xFFFFFFFF  }
0xc2: {  	_ =	task.clear_ibuf [dreg:s7], $0x2FFFF;
	_ =	strace $0x9FFFFFFF  }
0xc3: {  	(tm) =	ssettm $0x7FFFFFFF  }
tec
execute0_lowered:
.L_overlay_start_1:
0x0: {  	(tag) =	ssettag $0x1  }
0x1: {  	s4 =	rddreg [dreg:$0x0]  }
0x2: {  	s5 =	rddreg [dreg:$0x1]  }
0x3: {  	s1 =	rddreg [dreg:$0x2]  }
0x4: {  	s3 =	simm.s32 $0x0;
	s0 =	stileid.u32;
	s6 =	srdreg.scid  }
0x5: {  	s28 =	simm.s32 $0x4;
	s29 =	simm.s32 $0x11400;
	[smem:$0x7FF] =	sst s3  }
0x6: {  	s8 =	sadd.s32 $0xA00, s5;
	s9 =	sshll.u32 s0, $0x9;
	s7 =	sand.u32 $0x1, s6  }
0x7: {  	s19 =	sshll.u32 s0, $0x1;
	p0 =	sgt.u32 s0, $0x5;
	_ =	strace $0x80000047  }
0x8: {  	s5 =	sadd.s32 s9, s5;
	s20 =	ssub.s32 $0x2, s7;
	s10 =	sor.u32 s7, s19  }
0x9: {  	s7 =	sshll.u32 s7, $0xD;
	s21 =	sshrl.u32 s20, $0x1;
	s11 =	sshll.u32 s10, $0x5  }
0xa: {  	s12 =	sor.u32 $0x20, s10;
	s13 =	sor.u32 $0x60, s10;
	s15 =	sor.u32 $0x80, s10  }
0xb: {  	s16 =	sor.u32 $0xC0, s10;
	s18 =	sor.u32 $0xE0, s10;
	s5 =	sadd.s32 s7, s5  }
0xc: {  	s7 =	simm.s32 $0x1100;
	s6 =	ssub.s32 s20, s21;
	s22 =	sadd.s32 s8, s11  }
0xd: {  	s23 =	sshll.u32 s12, $0x5;
	s11 =	sor.u32 $0x40, s10;
	s14 =	sshll.u32 s13, $0x5  }
0xe: {  	s30 =	sshll.u32 s15, $0x5;
	s17 =	sshll.u32 s16, $0x5;
	s19 =	sshll.u32 s18, $0x5  }
0xf: {  	s21 =	sor.u32 $0x100, s10;
	s5 =	sadd.s32 $0x4A00, s5;
	[dreg:$0x4] =	wrdreg s22  }
0x10: {  	s24 =	sadd.s32 s8, s23;
	s25 =	sshll.u32 s11, $0x5;
	s26 =	sadd.s32 s8, s14  }
0x11: {  	s31 =	sadd.s32 s8, s30;
	s14 =	sor.u32 $0xA0, s10;
	s17 =	sadd.s32 s8, s17  }
0x12: {  	s20 =	sadd.s32 s8, s19;
	s19 =	sor.u32 $0x120, s10;
	s10 =	smul.u32 $0xC80, s10  }
0x13: {  	s22 =	sshll.u32 s21, $0x5;
	s23 =	smul.u32 $0xC80, s12;
	[dreg:$0x18] =	wrdreg s5  }
0x14: {  	s30 =	smul.u32 $0xC80, s13;
	s5 =	smax.u32 s6, $0x1;
	[dreg:$0x5] =	wrdreg s24  }
0x15: {  	s9 =	sadd.s32 s8, s25;
	[dreg:$0x7] =	wrdreg s26;
	s25 =	smul.u32 $0xC80, s11  }
0x16: {  	s6 =	simm.s32 $0x1000;
	[dreg:$0x8] =	wrdreg s31;
	s12 =	smul.u32 $0xC80, s14  }
0x17: {  	s2 =	sshll.u32 s14, $0x5;
	[dreg:$0xa] =	wrdreg s17;
	s14 =	smul.u32 $0xC80, s16  }
0x18: {  	[dreg:$0xb] =	wrdreg s20;
	s20 =	sshll.u32 s19, $0x5;
	s16 =	smul.u32 $0xC80, s18  }
0x19: {  	s17 =	simm.s32 $0xE200;
	[dreg:$0x6] =	wrdreg s9;
	s9 =	sadd.s32 s8, s2  }
0x1a: {  	s24 =	sadd.s32 s4, s10;
	s26 =	sadd.s32 s4, s23;
	[dreg:$0x9] =	wrdreg s9  }
0x1b: {  	s2 =	smul.u32 $0xC80, s15;
	s11 =	sadd.s32 s4, s30;
	[dreg:$0xe] =	wrdreg s24  }
0x1c: {  	s10 =	simm.s32 $0x1400;
	s30 =	simm.s32 $0x1280;
	[dreg:$0xf] =	wrdreg s26  }
0x1d: {  	s9 =	sadd.s32 s8, s22;
	s8 =	sadd.s32 s8, s20;
	[dreg:$0x11] =	wrdreg s11  }
0x1e: {  	s31 =	sadd.s32 s4, s25;
	s15 =	sadd.s32 s4, s12;
	[dreg:$0x1b] =	wrdreg s30  }
0x1f: {  	s18 =	sadd.s32 s4, s14;
	s20 =	smul.u32 $0xC80, s21;
	[dreg:$0xc] =	wrdreg s9  }
0x20: {  	s21 =	sadd.s32 s4, s16;
	s22 =	smul.u32 $0xC80, s19;
	[dreg:$0xd] =	wrdreg s8  }
0x21: {  	s24 =	sshll.u32 s0, $0xC;
	s11 =	simm.s32 $0x1500;
	[dreg:$0x10] =	wrdreg s31  }
0x22: {  	s12 =	simm.s32 $0x1600;
	s14 =	simm.s32 $0x1800;
	[dreg:$0x13] =	wrdreg s15  }
0x23: {  	s25 =	simm.s32 $0x1080;
	s16 =	simm.s32 $0x7E00;
	[dreg:$0x14] =	wrdreg s18  }
0x24: {  	s26 =	simm.s32 $0x1180;
	s19 =	simm.s32 $0x6;
	[dreg:$0x15] =	wrdreg s21  }
0x25: {  	s13 =	sadd.s32 s4, s2;
	s8 =	simm.s32 $0x1200;
	[dreg:$0x19] =	wrdreg s25  }
0x26: {  	s9 =	simm.s32 $0x1300;
	s15 =	simm.s32 $0x1A00;
	[dreg:$0x1a] =	wrdreg s26  }
0x27: {  	s18 =	simm.s32 $0x14600;
	s31 =	simm.s32 $0x1380;
	[dreg:$0x12] =	wrdreg s13  }
0x28: {  	s21 =	simm.s32 $0x1480;
	s25 =	simm.s32 $0x1880;
	[dreg:$0x1c] =	wrdreg s31  }
0x29: {  	s26 =	simm.s32 $0xB000;
	s23 =	sadd.s32 s4, s20;
	[dreg:$0x1d] =	wrdreg s21  }
0x2a: {  	s4 =	sadd.s32 s4, s22;
	s13 =	simm.s32 $0x1700;
	[smem:$0x7FD] =	sst s25  }
0x2b: {  	s20 =	simm.s32 $0x1;
	s22 =	simm.s32 $0x1580;
	[dreg:$0x16] =	wrdreg s23  }
0x2c: {  	s21 =	simm.s32 $0x2;
	s25 =	simm.s32 $0x3;
	[dreg:$0x17] =	wrdreg s4  }
0x2d: {  	s4 =	sadd.s32 s24, s1;
	[dreg:$0x1e] =	wrdreg s22;
	s23 =	simm.s32 $0x1680  }
0x2e: {  	s22 =	simm.s32 $0x64;
	s24 =	simm.s32 $0x1780;
	[dreg:$0x1f] =	wrdreg s23  }
0x2f: {  	v0 =	vimm.f32 $0.0e+00;
	s23 =	simm.s32 $0x4C00;
	[smem:$0x7FC] =	sst s24;
	s24 =	simm.s32 $0x5  }
.LBB2_1:
0x30: {  	s30 =	rddreg [dreg:$0x4]  }
0x31: {  	[tilespmem:s6], [sflag:$0x1] =	stream.linear.gather [hbm4b:s30+s3], $0x100, $0x38;
	[tilespmem:$0x15600] =	vst v63  }
0x32: {  	s31 =	rddreg [dreg:$0x5]  }
0x33: {  	[tilespmem:s7], [sflag:$0x1] =	stream.linear.gather [hbm4b:s31+s3], $0x100, $0x38;
	[tilespmem:$0x15600] =	vst v63  }
0x34: {  	s2 =	rddreg [dreg:$0x6]  }
0x35: {  	[tilespmem:s8], [sflag:$0x1] =	stream.linear.gather [hbm4b:s2+s3], $0x100, $0x38;
	[tilespmem:$0x15600] =	vst v63  }
0x36: {  	s0 =	rddreg [dreg:$0x7]  }
0x37: {  	[tilespmem:s9], [sflag:$0x1] =	stream.linear.gather [hbm4b:s0+s3], $0x100, $0x38;
	[tilespmem:$0x15600] =	vst v63  }
0x38: {  	s2 =	rddreg [dreg:$0x8]  }
0x39: {  	[tilespmem:s10], [sflag:$0x1] =	stream.linear.gather [hbm4b:s2+s3], $0x100, $0x38;
	[tilespmem:$0x15600] =	vst v63  }
0x3a: {  	s0 =	rddreg [dreg:$0x9]  }
0x3b: {  	[tilespmem:s11], [sflag:$0x1] =	stream.linear.gather [hbm4b:s0+s3], $0x100, $0x38;
	[tilespmem:$0x15600] =	vst v63  }
0x3c: {  	s2 =	rddreg [dreg:$0xa]  }
0x3d: {  	[tilespmem:s12], [sflag:$0x1] =	stream.linear.gather [hbm4b:s2+s3], $0x100, $0x38;
	[tilespmem:$0x15600] =	vst v63  }
0x3e: {  	s0 =	rddreg [dreg:$0xb]  }
0x3f: {  	[tilespmem:s13], [sflag:$0x1] =	stream.linear.gather [hbm4b:s0+s3], $0x100, $0x38;
	[tilespmem:$0x15600] =	vst v63  }
0x40: {  	s2 =	rddreg [dreg:$0xc]  }
0x41: {  	[tilespmem:s14], [sflag:$0x1] =	stream.linear.gather [hbm4b:s2+s3], $0x100, $0x38;
	[tilespmem:$0x15600] =	vst v63  }
0x42: {  	s30 =	simm.s32 @!p0 $0x1900;
	s31 =	simm.s32 @!p0 $0x0;
	s0 =	rddreg [dreg:$0xd]  }
0x43: {  	[tilespmem:s30], [sflag:$0x1] =	stream.linear.gather @!p0 [hbm4b:s0+s31], $0x100, $0x38;
	[tilespmem:$0x15600] =	vst v63  }
0x44: {  	s2 =	rddreg [dreg:$0xe]  }
0x45: {  	[tilespmem:s15], [sflag:$0x2] =	stream.linear.gather [hbm4b:s2+s3], $0x6400, $0x38;
	[tilespmem:$0x15600] =	vst v63  }
0x46: {  	s0 =	rddreg [dreg:$0xf]  }
0x47: {  	[tilespmem:s16], [sflag:$0x3] =	stream.linear.gather [hbm4b:s0+s3], $0x6400, $0x38;
	[tilespmem:$0x15600] =	vst v63  }
0x48: {  	s2 =	rddreg [dreg:$0x10]  }
0x49: {  	[tilespmem:s17], [sflag:$0x4] =	stream.linear.gather [hbm4b:s2+s3], $0x6400, $0x38;
	[tilespmem:$0x15600] =	vst v63  }
0x4a: {  	[tilespmem:$0x14600] =	vst v0  }
0x4b: {  	[tilespmem:$0x14610] =	vst v0  }
0x4c: {  	[tilespmem:$0x14620] =	vst v0  }
0x4d: {  	[tilespmem:$0x14630] =	vst v0  }
0x4e: {  	[tilespmem:$0x14640] =	vst v0  }
0x4f: {  	[tilespmem:$0x14650] =	vst v0  }
0x50: {  	[tilespmem:$0x14660] =	vst v0  }
0x51: {  	[tilespmem:$0x14670] =	vst v0  }
0x52: {  	[tilespmem:$0x14680] =	vst v0  }
0x53: {  	[tilespmem:$0x14690] =	vst v0  }
0x54: {  	[tilespmem:$0x146A0] =	vst v0  }
0x55: {  	[tilespmem:$0x146B0] =	vst v0  }
0x56: {  	[tilespmem:$0x146C0] =	vst v0  }
0x57: {  	[tilespmem:$0x146D0] =	vst v0  }
0x58: {  	[tilespmem:$0x146E0] =	vst v0  }
0x59: {  	[tilespmem:$0x146F0] =	vst v0  }
0x5a: {  	[tilespmem:$0x14700] =	vst v0  }
0x5b: {  	[tilespmem:$0x14710] =	vst v0  }
0x5c: {  	[tilespmem:$0x14720] =	vst v0  }
0x5d: {  	[tilespmem:$0x14730] =	vst v0  }
0x5e: {  	[tilespmem:$0x14740] =	vst v0  }
0x5f: {  	[tilespmem:$0x14750] =	vst v0  }
0x60: {  	[tilespmem:$0x14760] =	vst v0  }
0x61: {  	[tilespmem:$0x14770] =	vst v0  }
0x62: {  	[tilespmem:$0x14780] =	vst v0  }
0x63: {  	[tilespmem:$0x14790] =	vst v0  }
0x64: {  	[tilespmem:$0x147A0] =	vst v0  }
0x65: {  	[tilespmem:$0x147B0] =	vst v0  }
0x66: {  	[tilespmem:$0x147C0] =	vst v0  }
0x67: {  	[tilespmem:$0x147D0] =	vst v0  }
0x68: {  	[tilespmem:$0x147E0] =	vst v0  }
0x69: {  	[tilespmem:$0x147F0] =	vst v0  }
0x6a: {  	[tilespmem:$0x14800] =	vst v0  }
0x6b: {  	[tilespmem:$0x14810] =	vst v0  }
0x6c: {  	[tilespmem:$0x14820] =	vst v0  }
0x6d: {  	[tilespmem:$0x14830] =	vst v0  }
0x6e: {  	[tilespmem:$0x14840] =	vst v0  }
0x6f: {  	[tilespmem:$0x14850] =	vst v0  }
0x70: {  	[tilespmem:$0x14860] =	vst v0  }
0x71: {  	[tilespmem:$0x14870] =	vst v0  }
0x72: {  	[tilespmem:$0x14880] =	vst v0  }
0x73: {  	[tilespmem:$0x14890] =	vst v0  }
0x74: {  	[tilespmem:$0x148A0] =	vst v0  }
0x75: {  	[tilespmem:$0x148B0] =	vst v0  }
0x76: {  	[tilespmem:$0x148C0] =	vst v0  }
0x77: {  	[tilespmem:$0x148D0] =	vst v0  }
0x78: {  	[tilespmem:$0x148E0] =	vst v0  }
0x79: {  	[tilespmem:$0x148F0] =	vst v0  }
0x7a: {  	[tilespmem:$0x14900] =	vst v0  }
0x7b: {  	[tilespmem:$0x14910] =	vst v0  }
0x7c: {  	[tilespmem:$0x14920] =	vst v0  }
0x7d: {  	[tilespmem:$0x14930] =	vst v0  }
0x7e: {  	[tilespmem:$0x14940] =	vst v0  }
0x7f: {  	[tilespmem:$0x14950] =	vst v0  }
0x80: {  	[tilespmem:$0x14960] =	vst v0  }
0x81: {  	[tilespmem:$0x14970] =	vst v0  }
0x82: {  	[tilespmem:$0x14980] =	vst v0  }
0x83: {  	[tilespmem:$0x14990] =	vst v0  }
0x84: {  	[tilespmem:$0x149A0] =	vst v0  }
0x85: {  	[tilespmem:$0x149B0] =	vst v0  }
0x86: {  	[tilespmem:$0x149C0] =	vst v0  }
0x87: {  	[tilespmem:$0x149D0] =	vst v0  }
0x88: {  	[tilespmem:$0x149E0] =	vst v0  }
0x89: {  	[tilespmem:$0x149F0] =	vst v0  }
0x8a: {  	[tilespmem:$0x14A00] =	vst v0  }
0x8b: {  	[tilespmem:$0x14A10] =	vst v0  }
0x8c: {  	[tilespmem:$0x14A20] =	vst v0  }
0x8d: {  	[tilespmem:$0x14A30] =	vst v0  }
0x8e: {  	[tilespmem:$0x14A40] =	vst v0  }
0x8f: {  	[tilespmem:$0x14A50] =	vst v0  }
0x90: {  	[tilespmem:$0x14A60] =	vst v0  }
0x91: {  	[tilespmem:$0x14A70] =	vst v0  }
0x92: {  	[tilespmem:$0x14A80] =	vst v0  }
0x93: {  	[tilespmem:$0x14A90] =	vst v0  }
0x94: {  	[tilespmem:$0x14AA0] =	vst v0  }
0x95: {  	[tilespmem:$0x14AB0] =	vst v0  }
0x96: {  	[tilespmem:$0x14AC0] =	vst v0  }
0x97: {  	[tilespmem:$0x14AD0] =	vst v0  }
0x98: {  	[tilespmem:$0x14AE0] =	vst v0  }
0x99: {  	[tilespmem:$0x14AF0] =	vst v0  }
0x9a: {  	[tilespmem:$0x14B00] =	vst v0  }
0x9b: {  	[tilespmem:$0x14B10] =	vst v0  }
0x9c: {  	[tilespmem:$0x14B20] =	vst v0  }
0x9d: {  	[tilespmem:$0x14B30] =	vst v0  }
0x9e: {  	[tilespmem:$0x14B40] =	vst v0  }
0x9f: {  	[tilespmem:$0x14B50] =	vst v0  }
0xa0: {  	[tilespmem:$0x14B60] =	vst v0  }
0xa1: {  	[tilespmem:$0x14B70] =	vst v0  }
0xa2: {  	[tilespmem:$0x14B80] =	vst v0  }
0xa3: {  	[tilespmem:$0x14B90] =	vst v0  }
0xa4: {  	[tilespmem:$0x14BA0] =	vst v0  }
0xa5: {  	[tilespmem:$0x14BB0] =	vst v0  }
0xa6: {  	[tilespmem:$0x14BC0] =	vst v0  }
0xa7: {  	[tilespmem:$0x14BD0] =	vst v0  }
0xa8: {  	[tilespmem:$0x14BE0] =	vst v0  }
0xa9: {  	[tilespmem:$0x14BF0] =	vst v0  }
0xaa: {  	[tilespmem:$0x14C00] =	vst v0  }
0xab: {  	[tilespmem:$0x14C10] =	vst v0  }
0xac: {  	[tilespmem:$0x14C20] =	vst v0  }
0xad: {  	[tilespmem:$0x14C30] =	vst v0  }
0xae: {  	[tilespmem:$0x14C40] =	vst v0  }
0xaf: {  	[tilespmem:$0x14C50] =	vst v0  }
0xb0: {  	[tilespmem:$0x14C60] =	vst v0  }
0xb1: {  	[tilespmem:$0x14C70] =	vst v0  }
0xb2: {  	[tilespmem:$0x14C80] =	vst v0  }
0xb3: {  	[tilespmem:$0x14C90] =	vst v0  }
0xb4: {  	[tilespmem:$0x14CA0] =	vst v0  }
0xb5: {  	[tilespmem:$0x14CB0] =	vst v0  }
0xb6: {  	[tilespmem:$0x14CC0] =	vst v0  }
0xb7: {  	[tilespmem:$0x14CD0] =	vst v0  }
0xb8: {  	[tilespmem:$0x14CE0] =	vst v0  }
0xb9: {  	[tilespmem:$0x14CF0] =	vst v0  }
0xba: {  	[tilespmem:$0x14D00] =	vst v0  }
0xbb: {  	[tilespmem:$0x14D10] =	vst v0  }
0xbc: {  	[tilespmem:$0x14D20] =	vst v0  }
0xbd: {  	[tilespmem:$0x14D30] =	vst v0  }
0xbe: {  	[tilespmem:$0x14D40] =	vst v0  }
0xbf: {  	[tilespmem:$0x14D50] =	vst v0  }
0xc0: {  	[tilespmem:$0x14D60] =	vst v0  }
0xc1: {  	[tilespmem:$0x14D70] =	vst v0  }
0xc2: {  	[tilespmem:$0x14D80] =	vst v0  }
0xc3: {  	[tilespmem:$0x14D90] =	vst v0  }
0xc4: {  	[tilespmem:$0x14DA0] =	vst v0  }
0xc5: {  	[tilespmem:$0x14DB0] =	vst v0  }
0xc6: {  	[tilespmem:$0x14DC0] =	vst v0  }
0xc7: {  	[tilespmem:$0x14DD0] =	vst v0  }
0xc8: {  	[tilespmem:$0x14DE0] =	vst v0  }
0xc9: {  	[tilespmem:$0x14DF0] =	vst v0  }
0xca: {  	[tilespmem:$0x14E00] =	vst v0  }
0xcb: {  	[tilespmem:$0x14E10] =	vst v0  }
0xcc: {  	[tilespmem:$0x14E20] =	vst v0  }
0xcd: {  	[tilespmem:$0x14E30] =	vst v0  }
0xce: {  	[tilespmem:$0x14E40] =	vst v0  }
0xcf: {  	[tilespmem:$0x14E50] =	vst v0  }
0xd0: {  	[tilespmem:$0x14E60] =	vst v0  }
0xd1: {  	[tilespmem:$0x14E70] =	vst v0  }
0xd2: {  	[tilespmem:$0x14E80] =	vst v0  }
0xd3: {  	[tilespmem:$0x14E90] =	vst v0  }
0xd4: {  	[tilespmem:$0x14EA0] =	vst v0  }
0xd5: {  	[tilespmem:$0x14EB0] =	vst v0  }
0xd6: {  	[tilespmem:$0x14EC0] =	vst v0  }
0xd7: {  	[tilespmem:$0x14ED0] =	vst v0  }
0xd8: {  	[tilespmem:$0x14EE0] =	vst v0  }
0xd9: {  	[tilespmem:$0x14EF0] =	vst v0  }
0xda: {  	[tilespmem:$0x14F00] =	vst v0  }
0xdb: {  	[tilespmem:$0x14F10] =	vst v0  }
0xdc: {  	[tilespmem:$0x14F20] =	vst v0  }
0xdd: {  	[tilespmem:$0x14F30] =	vst v0  }
0xde: {  	[tilespmem:$0x14F40] =	vst v0  }
0xdf: {  	[tilespmem:$0x14F50] =	vst v0  }
0xe0: {  	[tilespmem:$0x14F60] =	vst v0  }
0xe1: {  	[tilespmem:$0x14F70] =	vst v0  }
0xe2: {  	[tilespmem:$0x14F80] =	vst v0  }
0xe3: {  	[tilespmem:$0x14F90] =	vst v0  }
0xe4: {  	[tilespmem:$0x14FA0] =	vst v0  }
0xe5: {  	[tilespmem:$0x14FB0] =	vst v0  }
0xe6: {  	[tilespmem:$0x14FC0] =	vst v0  }
0xe7: {  	[tilespmem:$0x14FD0] =	vst v0  }
0xe8: {  	[tilespmem:$0x14FE0] =	vst v0  }
0xe9: {  	[tilespmem:$0x14FF0] =	vst v0  }
0xea: {  	[tilespmem:$0x15000] =	vst v0  }
0xeb: {  	[tilespmem:$0x15010] =	vst v0  }
0xec: {  	[tilespmem:$0x15020] =	vst v0  }
0xed: {  	[tilespmem:$0x15030] =	vst v0  }
0xee: {  	[tilespmem:$0x15040] =	vst v0  }
0xef: {  	[tilespmem:$0x15050] =	vst v0  }
0xf0: {  	[tilespmem:$0x15060] =	vst v0  }
0xf1: {  	[tilespmem:$0x15070] =	vst v0  }
0xf2: {  	[tilespmem:$0x15080] =	vst v0  }
0xf3: {  	[tilespmem:$0x15090] =	vst v0  }
0xf4: {  	[tilespmem:$0x150A0] =	vst v0  }
0xf5: {  	[tilespmem:$0x150B0] =	vst v0  }
0xf6: {  	[tilespmem:$0x150C0] =	vst v0  }
0xf7: {  	[tilespmem:$0x150D0] =	vst v0  }
0xf8: {  	[tilespmem:$0x150E0] =	vst v0  }
0xf9: {  	[tilespmem:$0x150F0] =	vst v0  }
0xfa: {  	[tilespmem:$0x15100] =	vst v0  }
0xfb: {  	[tilespmem:$0x15110] =	vst v0  }
0xfc: {  	[tilespmem:$0x15120] =	vst v0  }
0xfd: {  	[tilespmem:$0x15130] =	vst v0  }
0xfe: {  	[tilespmem:$0x15140] =	vst v0  }
0xff: {  	[tilespmem:$0x15150] =	vst v0  }
0x100: {  	[tilespmem:$0x15160] =	vst v0  }
0x101: {  	[tilespmem:$0x15170] =	vst v0  }
0x102: {  	[tilespmem:$0x15180] =	vst v0  }
0x103: {  	[tilespmem:$0x15190] =	vst v0  }
0x104: {  	[tilespmem:$0x151A0] =	vst v0  }
0x105: {  	[tilespmem:$0x151B0] =	vst v0  }
0x106: {  	[tilespmem:$0x151C0] =	vst v0  }
0x107: {  	[tilespmem:$0x151D0] =	vst v0  }
0x108: {  	[tilespmem:$0x151E0] =	vst v0  }
0x109: {  	[tilespmem:$0x151F0] =	vst v0  }
0x10a: {  	[tilespmem:$0x15200] =	vst v0  }
0x10b: {  	[tilespmem:$0x15210] =	vst v0  }
0x10c: {  	[tilespmem:$0x15220] =	vst v0  }
0x10d: {  	[tilespmem:$0x15230] =	vst v0  }
0x10e: {  	[tilespmem:$0x15240] =	vst v0  }
0x10f: {  	[tilespmem:$0x15250] =	vst v0  }
0x110: {  	[tilespmem:$0x15260] =	vst v0  }
0x111: {  	[tilespmem:$0x15270] =	vst v0  }
0x112: {  	[tilespmem:$0x15280] =	vst v0  }
0x113: {  	[tilespmem:$0x15290] =	vst v0  }
0x114: {  	[tilespmem:$0x152A0] =	vst v0  }
0x115: {  	[tilespmem:$0x152B0] =	vst v0  }
0x116: {  	[tilespmem:$0x152C0] =	vst v0  }
0x117: {  	[tilespmem:$0x152D0] =	vst v0  }
0x118: {  	[tilespmem:$0x152E0] =	vst v0  }
0x119: {  	[tilespmem:$0x152F0] =	vst v0  }
0x11a: {  	[tilespmem:$0x15300] =	vst v0  }
0x11b: {  	[tilespmem:$0x15310] =	vst v0  }
0x11c: {  	[tilespmem:$0x15320] =	vst v0  }
0x11d: {  	[tilespmem:$0x15330] =	vst v0  }
0x11e: {  	[tilespmem:$0x15340] =	vst v0  }
0x11f: {  	[tilespmem:$0x15350] =	vst v0  }
0x120: {  	[tilespmem:$0x15360] =	vst v0  }
0x121: {  	[tilespmem:$0x15370] =	vst v0  }
0x122: {  	[tilespmem:$0x15380] =	vst v0  }
0x123: {  	[tilespmem:$0x15390] =	vst v0  }
0x124: {  	[tilespmem:$0x153A0] =	vst v0  }
0x125: {  	[tilespmem:$0x153B0] =	vst v0  }
0x126: {  	[tilespmem:$0x153C0] =	vst v0  }
0x127: {  	[tilespmem:$0x153D0] =	vst v0  }
0x128: {  	[tilespmem:$0x153E0] =	vst v0  }
0x129: {  	[tilespmem:$0x153F0] =	vst v0  }
0x12a: {  	[tilespmem:$0x15400] =	vst v0  }
0x12b: {  	[tilespmem:$0x15410] =	vst v0  }
0x12c: {  	[tilespmem:$0x15420] =	vst v0  }
0x12d: {  	[tilespmem:$0x15430] =	vst v0  }
0x12e: {  	[tilespmem:$0x15440] =	vst v0  }
0x12f: {  	[tilespmem:$0x15450] =	vst v0  }
0x130: {  	[tilespmem:$0x15460] =	vst v0  }
0x131: {  	[tilespmem:$0x15470] =	vst v0  }
0x132: {  	[tilespmem:$0x15480] =	vst v0  }
0x133: {  	[tilespmem:$0x15490] =	vst v0  }
0x134: {  	[tilespmem:$0x154A0] =	vst v0  }
0x135: {  	[tilespmem:$0x154B0] =	vst v0  }
0x136: {  	[tilespmem:$0x154C0] =	vst v0  }
0x137: {  	[tilespmem:$0x154D0] =	vst v0  }
0x138: {  	[tilespmem:$0x154E0] =	vst v0  }
0x139: {  	[tilespmem:$0x154F0] =	vst v0  }
0x13a: {  	[tilespmem:$0x15500] =	vst v0  }
0x13b: {  	[tilespmem:$0x15510] =	vst v0  }
0x13c: {  	[tilespmem:$0x15520] =	vst v0  }
0x13d: {  	[tilespmem:$0x15530] =	vst v0  }
0x13e: {  	[tilespmem:$0x15540] =	vst v0  }
0x13f: {  	[tilespmem:$0x15550] =	vst v0  }
0x140: {  	[tilespmem:$0x15560] =	vst v0  }
0x141: {  	[tilespmem:$0x15570] =	vst v0  }
0x142: {  	[tilespmem:$0x15580] =	vst v0  }
0x143: {  	[tilespmem:$0x15590] =	vst v0  }
0x144: {  	[tilespmem:$0x155A0] =	vst v0  }
0x145: {  	[tilespmem:$0x155B0] =	vst v0  }
0x146: {  	[tilespmem:$0x155C0] =	vst v0  }
0x147: {  	[tilespmem:$0x155D0] =	vst v0  }
0x148: {  	[tilespmem:$0x155E0] =	vst v0  }
0x149: {  	[tilespmem:$0x155F0] =	vst v0  }
0x14a: {  	[spmem:s4] =	stream.linear.scatter [tilespmem:s18], [sflag:$0x6], $0x1000, $0x38;
	[tilespmem:$0x15600] =	vst v63  }
0x14b: {  	_ =	swait.ge [sflag:s19], $0x1000  }
0x14c: {  	[sflag:s19] =	ssyncset.done $0x0  }
0x14d: {  	[sflag:s19] =	ssyncadd.s32 $0xFFFFF000  }
0x14e: {  	_ =	swait.ge [sflag:s20], $0x100  }
0x14f: {  	[sflag:s20] =	ssyncset.done $0x0  }
0x150: {  	[sflag:s20] =	ssyncadd.s32 $0xFFFFFF00  }
0x151: {  	_ =	swait.ge [sflag:s20], $0x100  }
0x152: {  	[sflag:s20] =	ssyncset.done $0x0  }
0x153: {  	[sflag:s20] =	ssyncadd.s32 $0xFFFFFF00  }
0x154: {  	_ =	swait.ge [sflag:s20], $0x100  }
0x155: {  	[sflag:s20] =	ssyncset.done $0x0  }
0x156: {  	[sflag:s20] =	ssyncadd.s32 $0xFFFFFF00  }
0x157: {  	_ =	swait.ge [sflag:s20], $0x100  }
0x158: {  	[sflag:s20] =	ssyncset.done $0x0  }
0x159: {  	[sflag:s20] =	ssyncadd.s32 $0xFFFFFF00  }
0x15a: {  	_ =	swait.ge [sflag:s20], $0x100  }
0x15b: {  	[sflag:s20] =	ssyncset.done $0x0  }
0x15c: {  	[sflag:s20] =	ssyncadd.s32 $0xFFFFFF00  }
0x15d: {  	_ =	swait.ge [sflag:s20], $0x100  }
0x15e: {  	[sflag:s20] =	ssyncset.done $0x0  }
0x15f: {  	[sflag:s20] =	ssyncadd.s32 $0xFFFFFF00  }
0x160: {  	_ =	swait.ge [sflag:s20], $0x100  }
0x161: {  	[sflag:s20] =	ssyncset.done $0x0  }
0x162: {  	[sflag:s20] =	ssyncadd.s32 $0xFFFFFF00  }
0x163: {  	_ =	swait.ge [sflag:s20], $0x100  }
0x164: {  	[sflag:s20] =	ssyncset.done $0x0  }
0x165: {  	[sflag:s20] =	ssyncadd.s32 $0xFFFFFF00  }
0x166: {  	_ =	swait.ge [sflag:s20], $0x100  }
0x167: {  	[sflag:s20] =	ssyncset.done $0x0  }
0x168: {  	s0 =	simm.s32 @!p0 $0x1;
	[sflag:s20] =	ssyncadd.s32 $0xFFFFFF00  }
0x169: {  	_ =	swait.ge @!p0 [sflag:s0], $0x100  }
0x16a: {  	[sflag:s0] =	ssyncset.done @!p0 $0x0  }
0x16b: {  	[sflag:s0] =	ssyncadd.s32 @!p0 $0xFFFFFF00  }
0x16c: {  	[bflag:$0x0] =	sbarrier.arrive $0xFFFF  }
0x16d: {  	_ =	swait.ge [sflag:s21], $0x6400  }
0x16e: {  	[sflag:s21] =	ssyncset.done $0x0  }
0x16f: {  	[sflag:s21] =	ssyncadd.s32 $0xFFFF9C00  }
0x170: {  	[spmem:s1] =	stream.indirect.scatter.add.f32 [tilespmem:s15], [sflag:$0x5], $0x80, s6, s22, $0xb8;
	[tilespmem:$0x15600] =	vst v63  }
0x171: {  	s2 =	rddreg [dreg:$0x19]  }
0x172: {  	[spmem:s1] =	stream.indirect.scatter.add.f32 [tilespmem:s23], [sflag:$0x5], $0x80, s2, s22, $0xb8;
	[tilespmem:$0x15600] =	vst v63  }
0x173: {  	_ =	swait.ge [sflag:s24], $0x3200  }
0x174: {  	[sflag:s24] =	ssyncset.done $0x0  }
0x175: {  	[sflag:s24] =	ssyncadd.s32 $0xFFFFCE00  }
0x176: {  	_ =	swait.ge [sflag:s24], $0x3200  }
0x177: {  	[sflag:s24] =	ssyncset.done $0x0  }
0x178: {  	s2 =	rddreg [dreg:$0x11];
	[sflag:s24] =	ssyncadd.s32 $0xFFFFCE00  }
0x179: {  	[tilespmem:s15], [sflag:$0x2] =	stream.linear.gather [hbm4b:s2+s3], $0x6400, $0x38;
	[tilespmem:$0x15600] =	vst v63  }
0x17a: {  	_ =	swait.ge [sflag:s25], $0x6400  }
0x17b: {  	[sflag:s25] =	ssyncset.done $0x0  }
0x17c: {  	[sflag:s25] =	ssyncadd.s32 $0xFFFF9C00  }
0x17d: {  	[spmem:s1] =	stream.indirect.scatter.add.f32 [tilespmem:s16], [sflag:$0x5], $0x80, s7, s22, $0xb8;
	[tilespmem:$0x15600] =	vst v63  }
0x17e: {  	s2 =	rddreg [dreg:$0x1a]  }
0x17f: {  	[spmem:s1] =	stream.indirect.scatter.add.f32 [tilespmem:s26], [sflag:$0x5], $0x80, s2, s22, $0xb8;
	[tilespmem:$0x15600] =	vst v63  }
0x180: {  	_ =	swait.ge [sflag:s24], $0x3200  }
0x181: {  	[sflag:s24] =	ssyncset.done $0x0  }
0x182: {  	[sflag:s24] =	ssyncadd.s32 $0xFFFFCE00  }
0x183: {  	_ =	swait.ge [sflag:s24], $0x3200  }
0x184: {  	[sflag:s24] =	ssyncset.done $0x0  }
0x185: {  	s2 =	rddreg [dreg:$0x12];
	[sflag:s24] =	ssyncadd.s32 $0xFFFFCE00  }
0x186: {  	[tilespmem:s16], [sflag:$0x3] =	stream.linear.gather [hbm4b:s2+s3], $0x6400, $0x38;
	[tilespmem:$0x15600] =	vst v63  }
0x187: {  	_ =	swait.ge [sflag:s28], $0x6400  }
0x188: {  	[sflag:s28] =	ssyncset.done $0x0  }
0x189: {  	[sflag:s28] =	ssyncadd.s32 $0xFFFF9C00  }
0x18a: {  	[spmem:s1] =	stream.indirect.scatter.add.f32 [tilespmem:s17], [sflag:$0x5], $0x80, s8, s22, $0xb8;
	[tilespmem:$0x15600] =	vst v63  }
0x18b: {  	s2 =	rddreg [dreg:$0x1b]  }
0x18c: {  	[spmem:s1] =	stream.indirect.scatter.add.f32 [tilespmem:s29], [sflag:$0x5], $0x80, s2, s22, $0xb8;
	[tilespmem:$0x15600] =	vst v63  }
0x18d: {  	_ =	swait.ge [sflag:s24], $0x3200  }
0x18e: {  	[sflag:s24] =	ssyncset.done $0x0  }
0x18f: {  	[sflag:s24] =	ssyncadd.s32 $0xFFFFCE00  }
0x190: {  	_ =	swait.ge [sflag:s24], $0x3200  }
0x191: {  	[sflag:s24] =	ssyncset.done $0x0  }
0x192: {  	s2 =	rddreg [dreg:$0x13];
	[sflag:s24] =	ssyncadd.s32 $0xFFFFCE00  }
0x193: {  	[tilespmem:s17], [sflag:$0x4] =	stream.linear.gather [hbm4b:s2+s3], $0x6400, $0x38;
	[tilespmem:$0x15600] =	vst v63  }
0x194: {  	_ =	swait.ge [sflag:s21], $0x6400  }
0x195: {  	[sflag:s21] =	ssyncset.done $0x0  }
0x196: {  	[sflag:s21] =	ssyncadd.s32 $0xFFFF9C00  }
0x197: {  	[spmem:s1] =	stream.indirect.scatter.add.f32 [tilespmem:s15], [sflag:$0x5], $0x80, s9, s22, $0xb8;
	[tilespmem:$0x15600] =	vst v63  }
0x198: {  	s2 =	rddreg [dreg:$0x1c]  }
0x199: {  	[spmem:s1] =	stream.indirect.scatter.add.f32 [tilespmem:s23], [sflag:$0x5], $0x80, s2, s22, $0xb8;
	[tilespmem:$0x15600] =	vst v63  }
0x19a: {  	_ =	swait.ge [sflag:s24], $0x3200  }
0x19b: {  	[sflag:s24] =	ssyncset.done $0x0  }
0x19c: {  	[sflag:s24] =	ssyncadd.s32 $0xFFFFCE00  }
0x19d: {  	_ =	swait.ge [sflag:s24], $0x3200  }
0x19e: {  	[sflag:s24] =	ssyncset.done $0x0  }
0x19f: {  	s2 =	rddreg [dreg:$0x14];
	[sflag:s24] =	ssyncadd.s32 $0xFFFFCE00  }
0x1a0: {  	[tilespmem:s15], [sflag:$0x2] =	stream.linear.gather [hbm4b:s2+s3], $0x6400, $0x38;
	[tilespmem:$0x15600] =	vst v63  }
0x1a1: {  	_ =	swait.ge [sflag:s25], $0x6400  }
0x1a2: {  	[sflag:s25] =	ssyncset.done $0x0  }
0x1a3: {  	[sflag:s25] =	ssyncadd.s32 $0xFFFF9C00  }
0x1a4: {  	[spmem:s1] =	stream.indirect.scatter.add.f32 [tilespmem:s16], [sflag:$0x5], $0x80, s10, s22, $0xb8;
	[tilespmem:$0x15600] =	vst v63  }
0x1a5: {  	s2 =	rddreg [dreg:$0x1d]  }
0x1a6: {  	[spmem:s1] =	stream.indirect.scatter.add.f32 [tilespmem:s26], [sflag:$0x5], $0x80, s2, s22, $0xb8;
	[tilespmem:$0x15600] =	vst v63  }
0x1a7: {  	_ =	swait.ge [sflag:s24], $0x3200  }
0x1a8: {  	[sflag:s24] =	ssyncset.done $0x0  }
0x1a9: {  	[sflag:s24] =	ssyncadd.s32 $0xFFFFCE00  }
0x1aa: {  	_ =	swait.ge [sflag:s24], $0x3200  }
0x1ab: {  	[sflag:s24] =	ssyncset.done $0x0  }
0x1ac: {  	s2 =	rddreg [dreg:$0x15];
	[sflag:s24] =	ssyncadd.s32 $0xFFFFCE00  }
0x1ad: {  	[tilespmem:s16], [sflag:$0x3] =	stream.linear.gather [hbm4b:s2+s3], $0x6400, $0x38;
	[tilespmem:$0x15600] =	vst v63  }
0x1ae: {  	_ =	swait.ge [sflag:s28], $0x6400  }
0x1af: {  	[sflag:s28] =	ssyncset.done $0x0  }
0x1b0: {  	[sflag:s28] =	ssyncadd.s32 $0xFFFF9C00  }
0x1b1: {  	[spmem:s1] =	stream.indirect.scatter.add.f32 [tilespmem:s17], [sflag:$0x5], $0x80, s11, s22, $0xb8;
	[tilespmem:$0x15600] =	vst v63  }
0x1b2: {  	s2 =	rddreg [dreg:$0x1e]  }
0x1b3: {  	[spmem:s1] =	stream.indirect.scatter.add.f32 [tilespmem:s29], [sflag:$0x5], $0x80, s2, s22, $0xb8;
	[tilespmem:$0x15600] =	vst v63  }
0x1b4: {  	_ =	swait.ge [sflag:s24], $0x3200  }
0x1b5: {  	[sflag:s24] =	ssyncset.done $0x0  }
0x1b6: {  	[sflag:s24] =	ssyncadd.s32 $0xFFFFCE00  }
0x1b7: {  	_ =	swait.ge [sflag:s24], $0x3200  }
0x1b8: {  	[sflag:s24] =	ssyncset.done $0x0  }
0x1b9: {  	s2 =	rddreg [dreg:$0x16];
	[sflag:s24] =	ssyncadd.s32 $0xFFFFCE00  }
0x1ba: {  	[tilespmem:s17], [sflag:$0x4] =	stream.linear.gather [hbm4b:s2+s3], $0x6400, $0x38;
	[tilespmem:$0x15600] =	vst v63  }
0x1bb: {  	_ =	swait.ge [sflag:s21], $0x6400  }
0x1bc: {  	[sflag:s21] =	ssyncset.done $0x0  }
0x1bd: {  	[sflag:s21] =	ssyncadd.s32 $0xFFFF9C00  }
0x1be: {  	[spmem:s1] =	stream.indirect.scatter.add.f32 [tilespmem:s15], [sflag:$0x5], $0x80, s12, s22, $0xb8;
	[tilespmem:$0x15600] =	vst v63  }
0x1bf: {  	s2 =	rddreg [dreg:$0x1f]  }
0x1c0: {  	[spmem:s1] =	stream.indirect.scatter.add.f32 [tilespmem:s23], [sflag:$0x5], $0x80, s2, s22, $0xb8;
	[tilespmem:$0x15600] =	vst v63  }
0x1c1: {  	_ =	swait.ge [sflag:s24], $0x3200  }
0x1c2: {  	[sflag:s24] =	ssyncset.done $0x0  }
0x1c3: {  	[sflag:s24] =	ssyncadd.s32 $0xFFFFCE00  }
0x1c4: {  	_ =	swait.ge [sflag:s24], $0x3200  }
0x1c5: {  	[sflag:s24] =	ssyncset.done $0x0  }
0x1c6: {  	s2 =	simm.s32 @!p0 $0x1A00;
	s0 =	rddreg [dreg:$0x17];
	[sflag:s24] =	ssyncadd.s32 $0xFFFFCE00  }
0x1c7: {  	[tilespmem:s2], [sflag:$0x2] =	stream.linear.gather @!p0 [hbm4b:s0+s31], $0x6400, $0x38;
	[tilespmem:$0x15600] =	vst v63  }
0x1c8: {  	_ =	swait.ge [sflag:s25], $0x6400  }
0x1c9: {  	[sflag:s25] =	ssyncset.done $0x0  }
0x1ca: {  	s31 =	sld [smem:$0x7FC];
	[sflag:s25] =	ssyncadd.s32 $0xFFFF9C00  }
0x1cb: {  	[spmem:s1] =	stream.indirect.scatter.add.f32 [tilespmem:s16], [sflag:$0x5], $0x80, s13, s22, $0xb8;
	[tilespmem:$0x15600] =	vst v63  }
0x1cc: {  	_ = 	snop  }
0x1cd: {  	[spmem:s1] =	stream.indirect.scatter.add.f32 [tilespmem:s26], [sflag:$0x5], $0x80, s31, s22, $0xb8;
	[tilespmem:$0x15600] =	vst v63  }
0x1ce: {  	_ =	swait.ge [sflag:s24], $0x3200  }
0x1cf: {  	[sflag:s24] =	ssyncset.done $0x0  }
0x1d0: {  	[sflag:s24] =	ssyncadd.s32 $0xFFFFCE00  }
0x1d1: {  	_ =	swait.ge [sflag:s24], $0x3200  }
0x1d2: {  	[sflag:s24] =	ssyncset.done $0x0  }
0x1d3: {  	[sflag:s24] =	ssyncadd.s32 $0xFFFFCE00  }
0x1d4: {  	_ =	swait.ge [sflag:s28], $0x6400  }
0x1d5: {  	[sflag:s28] =	ssyncset.done $0x0  }
0x1d6: {  	s31 =	sld [smem:$0x7FD];
	[sflag:s28] =	ssyncadd.s32 $0xFFFF9C00  }
0x1d7: {  	[spmem:s1] =	stream.indirect.scatter.add.f32 [tilespmem:s17], [sflag:$0x5], $0x80, s14, s22, $0xb8;
	[tilespmem:$0x15600] =	vst v63  }
0x1d8: {  	_ = 	snop  }
0x1d9: {  	[spmem:s1] =	stream.indirect.scatter.add.f32 [tilespmem:s29], [sflag:$0x5], $0x80, s31, s22, $0xb8;
	[tilespmem:$0x15600] =	vst v63  }
0x1da: {  	_ =	swait.ge [sflag:s24], $0x3200  }
0x1db: {  	[sflag:s24] =	ssyncset.done $0x0  }
0x1dc: {  	[sflag:s24] =	ssyncadd.s32 $0xFFFFCE00  }
0x1dd: {  	_ =	swait.ge [sflag:s24], $0x3200  }
0x1de: {  	[sflag:s24] =	ssyncset.done $0x0  }
0x1df: {  	s0 =	simm.s32 @!p0 $0x2;
	[sflag:s24] =	ssyncadd.s32 $0xFFFFCE00  }
0x1e0: {  	_ =	swait.ge @!p0 [sflag:s0], $0x6400  }
0x1e1: {  	[sflag:s0] =	ssyncset.done @!p0 $0x0  }
0x1e2: {  	[sflag:s0] =	ssyncadd.s32 @!p0 $0xFFFF9C00;
	s0 =	simm.s32 @!p0 $0x64  }
0x1e3: {  	[spmem:s1] =	stream.indirect.scatter.add.f32 @!p0 [tilespmem:s2], [sflag:$0x5], $0x80, s30, s0, $0xb8;
	[tilespmem:$0x15600] =	vst v63  }
0x1e4: {  	s2 =	simm.s32 @!p0 $0x1980;
	s30 =	simm.s32 @!p0 $0x4C00  }
0x1e5: {  	[spmem:s1] =	stream.indirect.scatter.add.f32 @!p0 [tilespmem:s30], [sflag:$0x5], $0x80, s2, s0, $0xb8;
	[tilespmem:$0x15600] =	vst v63  }
0x1e6: {  	s0 =	simm.s32 @!p0 $0x5  }
0x1e7: {  	_ =	swait.ge @!p0 [sflag:s0], $0x3200  }
0x1e8: {  	[sflag:s0] =	ssyncset.done @!p0 $0x0  }
0x1e9: {  	[sflag:s0] =	ssyncadd.s32 @!p0 $0xFFFFCE00  }
0x1ea: {  	_ =	swait.ge @!p0 [sflag:s0], $0x3200  }
0x1eb: {  	[sflag:s0] =	ssyncset.done @!p0 $0x0  }
0x1ec: {  	[sflag:s0] =	ssyncadd.s32 @!p0 $0xFFFFCE00  }
0x1ed: {  	[bflag:$0x0] =	sbarrier.arrive $0xFFFF  }
0x1ee: {  	[tilespmem:s18], [sflag:$0x6] =	stream.linear.gather [spmem:s4], $0x1000, $0x38;
	[tilespmem:$0x15600] =	vst v63  }
0x1ef: {  	s5 =	sadd.s32 $0xFFFFFFFF, s5;
	_ =	swait.ge [sflag:s19], $0x1000  }
0x1f0: {  	p1 =	sne.s32 s5, $0x0;
	[sflag:s19] =	ssyncset.done $0x0  }
.Ltmp0:
0x1f1: {  	s31 =	rddreg [dreg:$0x18];
	[sflag:s19] =	ssyncadd.s32 $0xFFFFF000;
	(pc) =	sbr.rel @p1 .LBB2_1-.Ltmp0, $4  }
0x1f2: {  	[hbm4b:s31+s3] =	stream.linear.scatter [tilespmem:s18], [sflag:$0x6], $0x1000, $0x38;
	[tilespmem:$0x15600] =	vst v63  }
0x1f3: {  	_ =	swait.ge [sflag:s19], $0x1000  }
0x1f4: {  	[sflag:s19] =	ssyncset.done $0x0  }
0x1f5: {  	[sflag:s19] =	ssyncadd.s32 $0xFFFFF000  }
0x1f6: {  	_ =	sfence.sel $0x180000  }
0x1f7: {  	[bflag:$0x0] =	sbarrier.arrive $0xFFFF  }
0x1f8: {  	_ =	strace $0x90000047  }
0x1f9: {  	s0 =	stileid.u32;
	[bflag:$0x2] =	sbarrier.arrive $0xFFFF  }
0x1fa: {  	p0 =	sne.s32 s0, $0x0;
	s0 =	rddreg [dreg:$0x3]  }
0x1fb: {  	s0 =	sadd.s32 @!p0 $0x100000, s0  }
0x1fc: {  	[sflag:s0] =	ssyncadd.tile.s32 @!p0 $0x1;
	_ =	shalt  }
.Lfunc_end2:
_tile_overlayer_lowered:
.L_overlay_start_2:
0x1fd: {  	(tag) =	ssettag $0x2  }
0x1fe: {  	s0 =	rddreg [dreg:$0x0];
	s2 =	stileid.u32  }
0x1ff: {  	s1 =	rddreg [dreg:$0x1];
	p0 =	sne.s32 s2, $0x0  }
0x200: {  	s3 =	rddreg [dreg:$0x2];
	[bflag:$0x3] =	sbarrier.arrive $0xFFFF;
	s2 =	simm.s32 @!p0 $0x1C06  }
0x201: {  	[timem:s3], [sflag:s2] =	dma.local @!p0 [hbm:s0], s1  }
0x202: {  	s0 =	simm.s32 @!p0 $0x6  }
0x203: {  	_ =	swait.ge @!p0 [sflag:s0], s1  }
0x204: {  	s1 =	ssub.s32 @!p0 $0x0, s1;
	[sflag:s0] =	ssyncset.done @!p0 $0x0  }
0x205: {  	[sflag:s0] =	ssyncadd.s32 @!p0 s1  }
0x206: {  	[bflag:$0x3] =	sbarrier.arrive $0xFFFF  }
0x207: {  	_ =	shalt  }

</sc_bundles>
